<compile_context>
chip_gen: v7x
topology: tpu7x:2x2x1
jax: 0.10.2.dev20260603
libtpu: 0.0.44.dev20260713+nightly
codegen_flags: <defaults>
</compile_context>

<pallas_src>
import functools

import numpy as np
import jax
import jax.numpy as jnp
from jax import lax
from jax.experimental import pallas as pl
from jax.experimental.pallas import tpu as pltpu
from jax.experimental.pallas import tpu_sc as plsc

BV_H, BV_W = 256, 256
PV_H, PV_W = 256, 512
NB, NC = 4, 64

_K = np.array([[400.0, 0.0, 256.0], [0.0, 400.0, 128.0], [0.0, 0.0, 1.0]],
              np.float32)
_KINV = np.linalg.inv(_K).astype(np.float32)

_NCORES = 2
_NSUB = 16
_NW = _NCORES * _NSUB
LANES = 16

TILES_PER_B = _NW // NB
ROWS_PER_W = BV_H // TILES_PER_B
PIX_PER_W = ROWS_PER_W * BV_W
CHUNK = 128
NCHUNK = PIX_PER_W // CHUNK
BLKS = CHUNK // LANES


def _homography(rx, ry, rz):
    def rot(axis, a):
        c, s = jnp.cos(a), jnp.sin(a)
        o, z = jnp.ones_like(a), jnp.zeros_like(a)
        if axis == 'x':
            rows = [[o, z, z], [z, c, -s], [z, s, c]]
        elif axis == 'y':
            rows = [[c, z, s], [z, o, z], [-s, z, c]]
        else:
            rows = [[c, -s, z], [s, c, z], [z, z, o]]
        return jnp.stack([jnp.stack(r, axis=-1) for r in rows], axis=-2)

    Rm = rot('x', rx) @ rot('y', ry) @ rot('z', rz)
    K = jnp.asarray(_K)
    Kinv = jnp.linalg.inv(K)
    bv_pivot = Kinv @ jnp.array([[BV_W / 2.0], [float(BV_H)], [1.0]], jnp.float32)
    pv_pivot = Kinv @ jnp.array([[PV_W / 2.0], [float(PV_H)], [1.0]], jnp.float32)
    n = jnp.array([[0.0], [0.0], [1.0]], jnp.float32)
    tz = jnp.float32(0.0)
    t = pv_pivot[None] - (1.0 - tz) * (Rm @ bv_pivot[None])
    return (K[None] @ ((1.0 - tz) * Rm + t @ jnp.swapaxes(n, 0, 1)[None])
            @ Kinv[None])


_MESH = plsc.VectorSubcoreMesh(
    core_axis_name="c", subcore_axis_name="s",
    num_cores=_NCORES, num_subcores=_NSUB)


_SCRATCH = (
    pltpu.VMEM((9, LANES), jnp.float32),
    tuple(pltpu.VMEM((CHUNK,), jnp.int32) for _ in range(4)),
    tuple(pltpu.VMEM((CHUNK,), jnp.float32) for _ in range(4)),
    tuple(pltpu.VMEM((CHUNK, NC), jnp.float32) for _ in range(4)),
    pltpu.VMEM((CHUNK, NC), jnp.float32),
    pltpu.SemaphoreType.DMA,
)


def _warp_body(table, hmg, out, hmg_v, idxs, wgts, taps, outb, sem):
    wid = lax.axis_index("s") * _NCORES + lax.axis_index("c")
    b = wid // TILES_PER_B
    row_base = (wid % TILES_PER_B) * ROWS_PER_W
    pix_base = wid * PIX_PER_W

    pltpu.sync_copy(hmg.at[pl.ds(b * LANES, 9)], hmg_v)

    def hv(j):
        return hmg_v[j]

    h00, h01, h02 = hv(0), hv(1), hv(2)
    h10, h11, h12 = hv(3), hv(4), hv(5)
    h20, h21, h22 = hv(6), hv(7), hv(8)

    lane = lax.iota(jnp.int32, LANES)
    lanef = lane.astype(jnp.float32)
    boff = jnp.full((LANES,), b * (PV_H * PV_W), jnp.int32)
    zf = jnp.zeros((LANES,), jnp.float32)

    @pl.loop(0, NCHUNK)
    def _chunk(q):
        h = row_base + q // 2
        wbase = (q % 2) * CHUNK
        hf = jnp.full((LANES,), h, jnp.float32)
        for blk in range(BLKS):
            wf = jnp.full((LANES,), wbase + blk * LANES, jnp.float32) + lanef
            xn = (h00 * wf + h01 * hf) + h02
            yn = (h10 * wf + h11 * hf) + h12
            zn = (h20 * wf + h21 * hf) + h22
            x = xn / zn
            y = yn / zn
            x0 = jnp.clip(x.astype(jnp.int32), 0, PV_W - 2)
            y0 = jnp.clip(y.astype(jnp.int32), 0, PV_H - 2)
            x0f = x0.astype(jnp.float32)
            y0f = y0.astype(jnp.float32)
            fx = x - x0f
            gx = (x0f + 1.0) - x
            fy = y - y0f
            gy = (y0f + 1.0) - y
            valid = (x >= 0.0) & (x < float(PV_W)) & (y >= 0.0) & (y < float(PV_H))
            o00 = (y0 * PV_W + x0) + boff
            sl = pl.ds(blk * LANES, LANES)
            idxs[0][sl] = o00
            idxs[1][sl] = o00 + 1
            idxs[2][sl] = o00 + PV_W
            idxs[3][sl] = o00 + (PV_W + 1)
            wgts[0][sl] = jnp.where(valid, fx * fy, zf)
            wgts[1][sl] = jnp.where(valid, fx * gy, zf)
            wgts[2][sl] = jnp.where(valid, gx * fy, zf)
            wgts[3][sl] = jnp.where(valid, gx * gy, zf)
        descs = [pltpu.async_copy(table.at[idxs[t]], taps[t], sem) for t in range(4)]
        for d in descs:
            d.wait()
        for blk in range(BLKS):
            sl = pl.ds(blk * LANES, LANES)
            w00 = wgts[0][sl]
            w01 = wgts[1][sl]
            w10 = wgts[2][sl]
            w11 = wgts[3][sl]
            pvec = jnp.full((LANES,), blk * LANES, jnp.int32) + lane

            @plsc.parallel_loop(0, NC, unroll=8)
            def _cc(c):
                cvec = (jnp.full((LANES,), c, jnp.int32) + lane) & (NC - 1)
                v = w00 * plsc.load_gather(taps[0], [pvec, cvec])
                v = v + w01 * plsc.load_gather(taps[1], [pvec, cvec])
                v = v + w10 * plsc.load_gather(taps[2], [pvec, cvec])
                v = v + w11 * plsc.load_gather(taps[3], [pvec, cvec])
                plsc.store_scatter(outb, [pvec, cvec], v)

        pltpu.sync_copy(outb, out.at[pl.ds(pix_base + q * CHUNK, CHUNK)])


_warp_sc = pl.kernel(
    _warp_body,
    out_type=jax.ShapeDtypeStruct((NB * BV_H * BV_W, NC), jnp.float32),
    mesh=_MESH,
    compiler_params=pltpu.CompilerParams(
        needs_layout_passes=False, use_tc_tiling_on_sc=False),
    scratch_types=_SCRATCH,
)


def kernel(pv, rx, ry, rz):
    Hm = _homography(rx, ry, rz)
    ui = lax.bitcast_convert_type(Hm, jnp.uint32)
    ui = (ui + jnp.uint32(0x7FFF) + ((ui >> 16) & jnp.uint32(1))) & jnp.uint32(0xFFFF0000)
    Hm = lax.bitcast_convert_type(ui, jnp.float32)
    hmg = jnp.concatenate(
        [jnp.broadcast_to(Hm.reshape(NB, 9, 1), (NB, 9, LANES)),
         jnp.zeros((NB, 7, LANES), jnp.float32)], axis=1).reshape(NB * 16, LANES)
    table = pv.transpose(0, 2, 3, 1).reshape(NB * PV_H * PV_W, NC)
    outf = _warp_sc(table, hmg)
    return outf.reshape(NB, BV_H, BV_W, NC).transpose(0, 3, 1, 2)

# --- scband reference (transcript-rebuilt; emitter-appended) ---
"""Pipeline reference for scband-perspective-transformer-layer-6579889897980 (READ-ONLY COPY).

The authoritative reference and input builder live on the scoring server;
editing this copy changes nothing except your own understanding.
"""

import jax, jax.numpy as jnp
import numpy as np

BV_SIZE = (256, 256)
PV_SIZE = (256, 512)
INTRINSICS = np.array([[400.0, 0.0, 256.0],
                       [0.0, 400.0, 128.0],
                       [0.0, 0.0, 1.0]], dtype=np.float32)
TRANSLATE_Z = 0.0
ROT_ORDER = 'xyz'
B, C = 4, 64


def _axis_rot(axis, a):
    c, s = jnp.cos(a), jnp.sin(a)
    o, z = jnp.ones_like(a), jnp.zeros_like(a)
    if axis == 'x':
        rows = [[o, z, z], [z, c, -s], [z, s, c]]
    elif axis == 'y':
        rows = [[c, z, s], [z, o, z], [-s, z, c]]
    else:
        rows = [[c, -s, z], [s, c, z], [z, z, o]]
    return jnp.stack([jnp.stack(r, axis=-1) for r in rows], axis=-2)


def make_rotation_matrix(rx, ry, rz, order):
    mats = {'x': _axis_rot('x', rx), 'y': _axis_rot('y', ry), 'z': _axis_rot('z', rz)}
    R = mats[order[0]]
    for ax in order[1:]:
        R = R @ mats[ax]
    return R


def _warp(pv, rx, ry, rz):
    Hb, Wb = BV_SIZE
    Bn, Cn, Hp, Wp = pv.shape
    K = jnp.asarray(INTRINSICS)
    Kinv = jnp.linalg.inv(K)
    bv_pivot = Kinv @ jnp.array([[Wb / 2.0], [float(Hb)], [1.0]], dtype=jnp.float32)
    pv_pivot = Kinv @ jnp.array([[Wp / 2.0], [float(Hp)], [1.0]], dtype=jnp.float32)
    n = jnp.array([[0.0], [0.0], [1.0]], dtype=jnp.float32)
    tz = jnp.float32(TRANSLATE_Z)
    R = make_rotation_matrix(rx, ry, rz, ROT_ORDER)  # [B,3,3]
    # constrained homography: scale (1-tz), pivot-aligned plane-induced homography
    t = pv_pivot[None] - (1.0 - tz) * (R @ bv_pivot[None])  # [B,3,1]
    Hmg = K[None] @ ((1.0 - tz) * R + t @ jnp.swapaxes(n, 0, 1)[None]) @ Kinv[None]  # [B,3,3]
    gx, gy = jnp.meshgrid(jnp.arange(Wb, dtype=jnp.float32), jnp.arange(Hb, dtype=jnp.float32))
    grid = jnp.stack([gx, gy, jnp.ones_like(gx)], axis=-1)  # [Hb,Wb,3]
    pvc = jnp.einsum('bij,hwj->bhwi', Hmg, grid)  # [B,Hb,Wb,3]
    x = pvc[..., 0] / pvc[..., 2]
    y = pvc[..., 1] / pvc[..., 2]
    x0 = jnp.clip(x.astype(jnp.int32), 0, Wp - 2)
    y0 = jnp.clip(y.astype(jnp.int32), 0, Hp - 2)
    off00 = y0 * Wp + x0
    off01 = off00 + 1
    off10 = off00 + Wp
    off11 = off10 + 1
    pvf = pv.reshape(Bn, Cn, Hp * Wp)

    def gather(off):
        idx = jnp.broadcast_to(off.reshape(Bn, 1, Hb * Wb), (Bn, Cn, Hb * Wb))
        return jnp.take_along_axis(pvf, idx, axis=-1).reshape(Bn, Cn, Hb, Wb)

    p00, p01, p10, p11 = gather(off00), gather(off01), gather(off10), gather(off11)
    x0f = x0.astype(jnp.float32)
    y0f = y0.astype(jnp.float32)
    fx = (x - x0f)[:, None]          # matches torch's renamed x0 weight
    gxw = ((x0f + 1.0) - x)[:, None]  # torch's x1
    fy = (y - y0f)[:, None]          # torch's y0
    gyw = ((y0f + 1.0) - y)[:, None]  # torch's y1
    bv = fx * fy * p00 + fx * gyw * p01 + gxw * fy * p10 + gxw * gyw * p11
    valid = ((x >= 0) & (x < Wp) & (y >= 0) & (y < Hp))[:, None]
    return jnp.where(valid, bv, 0.0)


def setup_inputs(seed: int = 0):
    key = jax.random.key(seed)
    k1, k2, k3, k4 = jax.random.split(key, 4)
    pv = jax.random.normal(k1, (B, C, PV_SIZE[0], PV_SIZE[1]), dtype=jnp.float32)
    rx = (jax.random.uniform(k2, (B,), dtype=jnp.float32) - 0.5) * 0.2
    ry = (jax.random.uniform(k3, (B,), dtype=jnp.float32) - 0.5) * 0.2
    rz = (jax.random.uniform(k4, (B,), dtype=jnp.float32) - 0.5) * 0.2
    return {"pv": pv, "rx": rx, "ry": ry, "rz": rz}


def reference(pv, rx, ry, rz):
    return _warp(pv, rx, ry, rz)

if __name__ == "__main__":
    import jax
    _d = setup_inputs()
    print(jax.jit(kernel)(*tuple(_d.values())))

</pallas_src>

<mosaic_0001>
#map = affine_map<(d0, d1) -> (0, 0)>
module attributes {stable_mosaic.version = 14 : i64} {
  func.func @_warp_body(%arg0: i32, %arg1: i32, %arg2: memref<524288x64xf32, #tpu.memory_space<hbm>>, %arg3: memref<64x16xf32, #tpu.memory_space<hbm>>, %arg4: memref<262144x64xf32, #tpu.memory_space<hbm>>, %arg5: memref<9x16xf32, #tpu.memory_space<vmem>>, %arg6: memref<128xi32, #tpu.memory_space<vmem>>, %arg7: memref<128xi32, #tpu.memory_space<vmem>>, %arg8: memref<128xi32, #tpu.memory_space<vmem>>, %arg9: memref<128xi32, #tpu.memory_space<vmem>>, %arg10: memref<128xf32, #tpu.memory_space<vmem>>, %arg11: memref<128xf32, #tpu.memory_space<vmem>>, %arg12: memref<128xf32, #tpu.memory_space<vmem>>, %arg13: memref<128xf32, #tpu.memory_space<vmem>>, %arg14: memref<128x64xf32, #tpu.memory_space<vmem>>, %arg15: memref<128x64xf32, #tpu.memory_space<vmem>>, %arg16: memref<128x64xf32, #tpu.memory_space<vmem>>, %arg17: memref<128x64xf32, #tpu.memory_space<vmem>>, %arg18: memref<128x64xf32, #tpu.memory_space<vmem>>, %arg19: memref<!tpu.dma_semaphore, #tpu.memory_space<semaphore_mem>>) attributes {dimension_semantics = [#tpu.dimension_semantics<core_parallel>, #tpu.dimension_semantics<subcore_parallel>], iteration_bounds = array<i64: 2, 16>, scalar_prefetch = 0 : i64, scratch_operands = 15 : i64, tpu.core_type = #tpu.core_type<sc_vector_subcore>, window_params = [{transform_indices = #map}, {transform_indices = #map}, {transform_indices = #map}]} {
    %mul3A = arith.constant 2 : i32
    %mul3A_0 = arith.muli %arg1, %mul3A : i32
    %add3A = arith.addi %mul3A_0, %arg0 : i32
    %jit3A = arith.constant 8 : i32
    %div3A = arith.divsi %add3A, %jit3A : i32
    %sign3A = arith.constant 0 : i32
    %sign3A_1 = arith.cmpi sgt, %add3A, %sign3A : i32
    %sign3A_2 = arith.extui %sign3A_1 : i1 to i32
    %sign3A_3 = arith.constant 0 : i32
    %sign3A_4 = arith.cmpi slt, %add3A, %sign3A_3 : i32
    %sign3A_5 = arith.extui %sign3A_4 : i1 to i32
    %sign3A_6 = arith.subi %sign3A_2, %sign3A_5 : i32
    %sign3A_7 = arith.constant 0 : i32
    %sign3A_8 = arith.cmpi sgt, %jit3A, %sign3A_7 : i32
    %sign3A_9 = arith.extui %sign3A_8 : i1 to i32
    %sign3A_10 = arith.constant 0 : i32
    %sign3A_11 = arith.cmpi slt, %jit3A, %sign3A_10 : i32
    %sign3A_12 = arith.extui %sign3A_11 : i1 to i32
    %sign3A_13 = arith.subi %sign3A_9, %sign3A_12 : i32
    %ne3A = arith.cmpi ne, %sign3A_6, %sign3A_13 : i32
    %rem3A = arith.remsi %add3A, %jit3A : i32
    %ne3A_14 = arith.constant 0 : i32
    %ne3A_15 = arith.cmpi ne, %rem3A, %ne3A_14 : i32
    %and3A = arith.andi %ne3A, %ne3A_15 : i1
    %sub3A = arith.constant 1 : i32
    %sub3A_16 = arith.subi %div3A, %sub3A : i32
    %select_n3A = arith.select %and3A, %sub3A_16, %div3A : i32
    %jit3A_17 = arith.constant 8 : i32
    %eq3A = arith.constant 0 : i32
    %eq3A_18 = arith.cmpi eq, %jit3A_17, %eq3A : i32
    %jit3A_19 = arith.constant 1 : i32
    %select_n3A_20 = arith.select %eq3A_18, %jit3A_19, %jit3A_17 : i32
    %rem3A_21 = arith.remsi %add3A, %select_n3A_20 : i32
    %ne3A_22 = arith.constant 0 : i32
    %ne3A_23 = arith.cmpi ne, %rem3A_21, %ne3A_22 : i32
    %lt3A = arith.constant 0 : i32
    %lt3A_24 = arith.cmpi slt, %rem3A_21, %lt3A : i32
    %lt3A_25 = arith.constant 0 : i32
    %lt3A_26 = arith.cmpi slt, %select_n3A_20, %lt3A_25 : i32
    %ne3A_27 = arith.xori %lt3A_24, %lt3A_26 : i1
    %and3A_28 = arith.andi %ne3A_27, %ne3A_23 : i1
    %add3A_29 = arith.addi %rem3A_21, %select_n3A_20 : i32
    %select_n3A_30 = arith.select %and3A_28, %add3A_29, %rem3A_21 : i32
    %mul3A_31 = arith.constant 32 : i32
    %mul3A_32 = arith.muli %select_n3A_30, %mul3A_31 : i32
    %mul3A_33 = arith.constant 8192 : i32
    %mul3A_34 = arith.muli %add3A, %mul3A_33 : i32
    %mul3A_35 = arith.constant 16 : i32
    %mul3A_36 = arith.muli %select_n3A, %mul3A_35 : i32
    "tpu.region"() ({
      %run_scoped3A = tpu.sem_alloc : memref<!tpu.dma_semaphore, #tpu.memory_space<semaphore_mem>>
      %dma_start3A = arith.constant 0 : i32
      %dma_start3A_80 = tpu.memref_slice %arg3[%mul3A_36, %dma_start3A] : memref<64x16xf32, #tpu.memory_space<hbm>> -> memref<9x16xf32, #tpu.memory_space<hbm>>
      %dma_start3A_81 = arith.constant 0 : i32
      %dma_start3A_82 = tpu.memref_slice %arg3[%mul3A_36, %dma_start3A_81] : memref<64x16xf32, #tpu.memory_space<hbm>> -> memref<9x16xf32, #tpu.memory_space<hbm>>
      tpu.enqueue_dma source(%dma_start3A_82 : memref<9x16xf32, #tpu.memory_space<hbm>>) target(%arg5 : memref<9x16xf32, #tpu.memory_space<vmem>>) target_semaphore(%run_scoped3A : memref<!tpu.dma_semaphore, #tpu.memory_space<semaphore_mem>>)
      %dma_wait3A = arith.constant 0 : i32
      %dma_wait3A_83 = tpu.memref_slice %arg3[%mul3A_36, %dma_wait3A] : memref<64x16xf32, #tpu.memory_space<hbm>> -> memref<9x16xf32, #tpu.memory_space<hbm>>
      %dma_wait3A_84 = arith.constant 0 : i32
      %dma_wait3A_85 = tpu.memref_slice %arg3[%mul3A_36, %dma_wait3A_84] : memref<64x16xf32, #tpu.memory_space<hbm>> -> memref<9x16xf32, #tpu.memory_space<hbm>>
      tpu.wait_dma2 semaphore(%run_scoped3A : memref<!tpu.dma_semaphore, #tpu.memory_space<semaphore_mem>>) src(%dma_wait3A_85 : memref<9x16xf32, #tpu.memory_space<hbm>>) dst(%arg5 : memref<9x16xf32, #tpu.memory_space<vmem>>)
      tpu.yield
    }) : () -> ()
    %get3A = arith.constant 0 : i32
    %get3A_37 = arith.index_cast %get3A : i32 to index
    %get3A_38 = arith.constant 0 : index
    %get3A_39 = tpu.vector_load %arg5[%get3A_37, %get3A_38] {strides = array<i32>} : memref<9x16xf32, #tpu.memory_space<vmem>>, vector<16xf32>,
    %get3A_40 = arith.constant 1 : i32
    %get3A_41 = arith.index_cast %get3A_40 : i32 to index
    %get3A_42 = arith.constant 0 : index
    %get3A_43 = tpu.vector_load %arg5[%get3A_41, %get3A_42] {strides = array<i32>} : memref<9x16xf32, #tpu.memory_space<vmem>>, vector<16xf32>,
    %get3A_44 = arith.constant 2 : i32
    %get3A_45 = arith.index_cast %get3A_44 : i32 to index
    %get3A_46 = arith.constant 0 : index
    %get3A_47 = tpu.vector_load %arg5[%get3A_45, %get3A_46] {strides = array<i32>} : memref<9x16xf32, #tpu.memory_space<vmem>>, vector<16xf32>,
    %get3A_48 = arith.constant 3 : i32
    %get3A_49 = arith.index_cast %get3A_48 : i32 to index
    %get3A_50 = arith.constant 0 : index
    %get3A_51 = tpu.vector_load %arg5[%get3A_49, %get3A_50] {strides = array<i32>} : memref<9x16xf32, #tpu.memory_space<vmem>>, vector<16xf32>,
    %get3A_52 = arith.constant 4 : i32
    %get3A_53 = arith.index_cast %get3A_52 : i32 to index
    %get3A_54 = arith.constant 0 : index
    %get3A_55 = tpu.vector_load %arg5[%get3A_53, %get3A_54] {strides = array<i32>} : memref<9x16xf32, #tpu.memory_space<vmem>>, vector<16xf32>,
    %get3A_56 = arith.constant 5 : i32
    %get3A_57 = arith.index_cast %get3A_56 : i32 to index
    %get3A_58 = arith.constant 0 : index
    %get3A_59 = tpu.vector_load %arg5[%get3A_57, %get3A_58] {strides = array<i32>} : memref<9x16xf32, #tpu.memory_space<vmem>>, vector<16xf32>,
    %get3A_60 = arith.constant 6 : i32
    %get3A_61 = arith.index_cast %get3A_60 : i32 to index
    %get3A_62 = arith.constant 0 : index
    %get3A_63 = tpu.vector_load %arg5[%get3A_61, %get3A_62] {strides = array<i32>} : memref<9x16xf32, #tpu.memory_space<vmem>>, vector<16xf32>,
    %get3A_64 = arith.constant 7 : i32
    %get3A_65 = arith.index_cast %get3A_64 : i32 to index
    %get3A_66 = arith.constant 0 : index
    %get3A_67 = tpu.vector_load %arg5[%get3A_65, %get3A_66] {strides = array<i32>} : memref<9x16xf32, #tpu.memory_space<vmem>>, vector<16xf32>,
    %get3A_68 = arith.constant 8 : i32
    %get3A_69 = arith.index_cast %get3A_68 : i32 to index
    %get3A_70 = arith.constant 0 : index
    %get3A_71 = tpu.vector_load %arg5[%get3A_69, %get3A_70] {strides = array<i32>} : memref<9x16xf32, #tpu.memory_space<vmem>>, vector<16xf32>,
    %iota3A = tpu.iota {dimensions = array<i32: 0>} : vector<16xi32>
    %convert_element_type3A = arith.sitofp %iota3A : vector<16xi32> to vector<16xf32>
    %mul3A_72 = arith.constant 131072 : i32
    %mul3A_73 = arith.muli %select_n3A, %mul3A_72 : i32
    %broadcast_in_dim3A = vector.broadcast %mul3A_73 : i32 to vector<16xi32>
    %broadcast_in_dim3A_74 = arith.constant 0.000000e+00 : f32
    %broadcast_in_dim3A_75 = vector.broadcast %broadcast_in_dim3A_74 : f32 to vector<16xf32>
    %scan3A = arith.constant 0 : i32
    %scan3A_76 = arith.constant 64 : i32
    %scan3A_77 = arith.addi %scan3A, %scan3A_76 : i32
    %scan3A_78 = arith.constant 1 : i32
    scf.for %scan3A_80 = %scan3A to %scan3A_77 step %scan3A_78  : i32 {
      %mul3A_81 = arith.constant 1 : i32
      %mul3A_82 = arith.muli %scan3A_80, %mul3A_81 : i32
      %add3A_83 = arith.constant 0 : i32
      %add3A_84 = arith.addi %add3A_83, %mul3A_82 : i32
      %jit3A_85 = arith.constant 2 : i32
      %div3A_86 = arith.divsi %add3A_84, %jit3A_85 : i32
      %sign3A_87 = arith.constant 0 : i32
      %sign3A_88 = arith.cmpi sgt, %add3A_84, %sign3A_87 : i32
      %sign3A_89 = arith.extui %sign3A_88 : i1 to i32
      %sign3A_90 = arith.constant 0 : i32
      %sign3A_91 = arith.cmpi slt, %add3A_84, %sign3A_90 : i32
      %sign3A_92 = arith.extui %sign3A_91 : i1 to i32
      %sign3A_93 = arith.subi %sign3A_89, %sign3A_92 : i32
      %sign3A_94 = arith.constant 0 : i32
      %sign3A_95 = arith.cmpi sgt, %jit3A_85, %sign3A_94 : i32
      %sign3A_96 = arith.extui %sign3A_95 : i1 to i32
      %sign3A_97 = arith.constant 0 : i32
      %sign3A_98 = arith.cmpi slt, %jit3A_85, %sign3A_97 : i32
      %sign3A_99 = arith.extui %sign3A_98 : i1 to i32
      %sign3A_100 = arith.subi %sign3A_96, %sign3A_99 : i32
      %ne3A_101 = arith.cmpi ne, %sign3A_93, %sign3A_100 : i32
      %rem3A_102 = arith.remsi %add3A_84, %jit3A_85 : i32
      %ne3A_103 = arith.constant 0 : i32
      %ne3A_104 = arith.cmpi ne, %rem3A_102, %ne3A_103 : i32
      %and3A_105 = arith.andi %ne3A_101, %ne3A_104 : i1
      %sub3A_106 = arith.constant 1 : i32
      %sub3A_107 = arith.subi %div3A_86, %sub3A_106 : i32
      %select_n3A_108 = arith.select %and3A_105, %sub3A_107, %div3A_86 : i32
      %add3A_109 = arith.addi %mul3A_32, %select_n3A_108 : i32
      %jit3A_110 = arith.constant 2 : i32
      %eq3A_111 = arith.constant 0 : i32
      %eq3A_112 = arith.cmpi eq, %jit3A_110, %eq3A_111 : i32
      %jit3A_113 = arith.constant 1 : i32
      %select_n3A_114 = arith.select %eq3A_112, %jit3A_113, %jit3A_110 : i32
      %rem3A_115 = arith.remsi %add3A_84, %select_n3A_114 : i32
      %ne3A_116 = arith.constant 0 : i32
      %ne3A_117 = arith.cmpi ne, %rem3A_115, %ne3A_116 : i32
      %lt3A_118 = arith.constant 0 : i32
      %lt3A_119 = arith.cmpi slt, %rem3A_115, %lt3A_118 : i32
      %lt3A_120 = arith.constant 0 : i32
      %lt3A_121 = arith.cmpi slt, %select_n3A_114, %lt3A_120 : i32
      %ne3A_122 = arith.xori %lt3A_119, %lt3A_121 : i1
      %and3A_123 = arith.andi %ne3A_122, %ne3A_117 : i1
      %add3A_124 = arith.addi %rem3A_115, %select_n3A_114 : i32
      %select_n3A_125 = arith.select %and3A_123, %add3A_124, %rem3A_115 : i32
      %mul3A_126 = arith.constant 128 : i32
      %mul3A_127 = arith.muli %select_n3A_125, %mul3A_126 : i32
      %convert_element_type3A_128 = arith.sitofp %add3A_109 : i32 to f32
      %broadcast_in_dim3A_129 = vector.broadcast %convert_element_type3A_128 : f32 to vector<16xf32>
      %add3A_130 = arith.constant 0 : i32
      %add3A_131 = arith.addi %mul3A_127, %add3A_130 : i32
      %convert_element_type3A_132 = arith.sitofp %add3A_131 : i32 to f32
      %broadcast_in_dim3A_133 = vector.broadcast %convert_element_type3A_132 : f32 to vector<16xf32>
      %add3A_134 = arith.addf %broadcast_in_dim3A_133, %convert_element_type3A : vector<16xf32>
      %mul3A_135 = arith.mulf %get3A_39, %add3A_134 : vector<16xf32>
      %mul3A_136 = arith.mulf %get3A_43, %broadcast_in_dim3A_129 : vector<16xf32>
      %add3A_137 = arith.addf %mul3A_135, %mul3A_136 : vector<16xf32>
      %add3A_138 = arith.addf %add3A_137, %get3A_47 : vector<16xf32>
      %mul3A_139 = arith.mulf %get3A_51, %add3A_134 : vector<16xf32>
      %mul3A_140 = arith.mulf %get3A_55, %broadcast_in_dim3A_129 : vector<16xf32>
      %add3A_141 = arith.addf %mul3A_139, %mul3A_140 : vector<16xf32>
      %add3A_142 = arith.addf %add3A_141, %get3A_59 : vector<16xf32>
      %mul3A_143 = arith.mulf %get3A_63, %add3A_134 : vector<16xf32>
      %mul3A_144 = arith.mulf %get3A_67, %broadcast_in_dim3A_129 : vector<16xf32>
      %add3A_145 = arith.addf %mul3A_143, %mul3A_144 : vector<16xf32>
      %add3A_146 = arith.addf %add3A_145, %get3A_71 : vector<16xf32>
      %div3A_147 = arith.divf %add3A_138, %add3A_146 : vector<16xf32>
      %div3A_148 = arith.divf %add3A_142, %add3A_146 : vector<16xf32>
      %convert_element_type3A_149 = arith.fptosi %div3A_147 : vector<16xf32> to vector<16xi32>
      %jit3A_150 = arith.constant 0 : i32
      %jit3A_151 = arith.constant 510 : i32
      %max3A = vector.broadcast %jit3A_150 : i32 to vector<16xi32>
      %max3A_152 = arith.maxsi %max3A, %convert_element_type3A_149 : vector<16xi32>
      %min3A = vector.broadcast %jit3A_151 : i32 to vector<16xi32>
      %min3A_153 = arith.minsi %min3A, %max3A_152 : vector<16xi32>
      %convert_element_type3A_154 = arith.fptosi %div3A_148 : vector<16xf32> to vector<16xi32>
      %jit3A_155 = arith.constant 0 : i32
      %jit3A_156 = arith.constant 254 : i32
      %max3A_157 = vector.broadcast %jit3A_155 : i32 to vector<16xi32>
      %max3A_158 = arith.maxsi %max3A_157, %convert_element_type3A_154 : vector<16xi32>
      %min3A_159 = vector.broadcast %jit3A_156 : i32 to vector<16xi32>
      %min3A_160 = arith.minsi %min3A_159, %max3A_158 : vector<16xi32>
      %convert_element_type3A_161 = arith.sitofp %min3A_153 : vector<16xi32> to vector<16xf32>
      %convert_element_type3A_162 = arith.sitofp %min3A_160 : vector<16xi32> to vector<16xf32>
      %sub3A_163 = arith.subf %div3A_147, %convert_element_type3A_161 : vector<16xf32>
      %add3A_164 = arith.constant 1.000000e+00 : f32
      %add3A_165 = vector.broadcast %add3A_164 : f32 to vector<16xf32>
      %add3A_166 = arith.addf %convert_element_type3A_161, %add3A_165 : vector<16xf32>
      %sub3A_167 = arith.subf %add3A_166, %div3A_147 : vector<16xf32>
      %sub3A_168 = arith.subf %div3A_148, %convert_element_type3A_162 : vector<16xf32>
      %add3A_169 = arith.constant 1.000000e+00 : f32
      %add3A_170 = vector.broadcast %add3A_169 : f32 to vector<16xf32>
      %add3A_171 = arith.addf %convert_element_type3A_162, %add3A_170 : vector<16xf32>
      %sub3A_172 = arith.subf %add3A_171, %div3A_148 : vector<16xf32>
      %ge3A = arith.constant 0.000000e+00 : f32
      %ge3A_173 = vector.broadcast %ge3A : f32 to vector<16xf32>
      %ge3A_174 = arith.cmpf oge, %div3A_147, %ge3A_173 : vector<16xf32>
      %lt3A_175 = arith.constant 5.120000e+02 : f32
      %lt3A_176 = vector.broadcast %lt3A_175 : f32 to vector<16xf32>
      %lt3A_177 = arith.cmpf olt, %div3A_147, %lt3A_176 : vector<16xf32>
      %and3A_178 = arith.andi %ge3A_174, %lt3A_177 : vector<16xi1>
      %ge3A_179 = arith.constant 0.000000e+00 : f32
      %ge3A_180 = vector.broadcast %ge3A_179 : f32 to vector<16xf32>
      %ge3A_181 = arith.cmpf oge, %div3A_148, %ge3A_180 : vector<16xf32>
      %and3A_182 = arith.andi %and3A_178, %ge3A_181 : vector<16xi1>
      %lt3A_183 = arith.constant 2.560000e+02 : f32
      %lt3A_184 = vector.broadcast %lt3A_183 : f32 to vector<16xf32>
      %lt3A_185 = arith.cmpf olt, %div3A_148, %lt3A_184 : vector<16xf32>
      %and3A_186 = arith.andi %and3A_182, %lt3A_185 : vector<16xi1>
      %mul3A_187 = arith.constant 512 : i32
      %mul3A_188 = vector.broadcast %mul3A_187 : i32 to vector<16xi32>
      %mul3A_189 = arith.muli %min3A_160, %mul3A_188 : vector<16xi32>
      %add3A_190 = arith.addi %mul3A_189, %min3A_153 : vector<16xi32>
      %add3A_191 = arith.addi %add3A_190, %broadcast_in_dim3A : vector<16xi32>
      %swap3A = arith.constant 0 : index
      %swap3A_192 = tpu.vector_load %arg6[%swap3A] {strides = array<i32>} : memref<128xi32, #tpu.memory_space<vmem>>, vector<16xi32>,
      tpu.vector_store %arg6[%swap3A], %add3A_191 {strides = array<i32>} : memref<128xi32, #tpu.memory_space<vmem>>, vector<16xi32>,
      %add3A_193 = arith.constant 1 : i32
      %add3A_194 = vector.broadcast %add3A_193 : i32 to vector<16xi32>
      %add3A_195 = arith.addi %add3A_191, %add3A_194 : vector<16xi32>
      %swap3A_196 = arith.constant 0 : index
      %swap3A_197 = tpu.vector_load %arg7[%swap3A_196] {strides = array<i32>} : memref<128xi32, #tpu.memory_space<vmem>>, vector<16xi32>,
      tpu.vector_store %arg7[%swap3A_196], %add3A_195 {strides = array<i32>} : memref<128xi32, #tpu.memory_space<vmem>>, vector<16xi32>,
      %add3A_198 = arith.constant 512 : i32
      %add3A_199 = vector.broadcast %add3A_198 : i32 to vector<16xi32>
      %add3A_200 = arith.addi %add3A_191, %add3A_199 : vector<16xi32>
      %swap3A_201 = arith.constant 0 : index
      %swap3A_202 = tpu.vector_load %arg8[%swap3A_201] {strides = array<i32>} : memref<128xi32, #tpu.memory_space<vmem>>, vector<16xi32>,
      tpu.vector_store %arg8[%swap3A_201], %add3A_200 {strides = array<i32>} : memref<128xi32, #tpu.memory_space<vmem>>, vector<16xi32>,
      %add3A_203 = arith.constant 513 : i32
      %add3A_204 = vector.broadcast %add3A_203 : i32 to vector<16xi32>
      %add3A_205 = arith.addi %add3A_191, %add3A_204 : vector<16xi32>
      %swap3A_206 = arith.constant 0 : index
      %swap3A_207 = tpu.vector_load %arg9[%swap3A_206] {strides = array<i32>} : memref<128xi32, #tpu.memory_space<vmem>>, vector<16xi32>,
      tpu.vector_store %arg9[%swap3A_206], %add3A_205 {strides = array<i32>} : memref<128xi32, #tpu.memory_space<vmem>>, vector<16xi32>,
      %mul3A_208 = arith.mulf %sub3A_163, %sub3A_168 : vector<16xf32>
      %select_n3A_209 = arith.select %and3A_186, %mul3A_208, %broadcast_in_dim3A_75 : vector<16xi1>, vector<16xf32>
      %swap3A_210 = arith.constant 0 : index
      %swap3A_211 = tpu.vector_load %arg10[%swap3A_210] {strides = array<i32>} : memref<128xf32, #tpu.memory_space<vmem>>, vector<16xf32>,
      tpu.vector_store %arg10[%swap3A_210], %select_n3A_209 {strides = array<i32>} : memref<128xf32, #tpu.memory_space<vmem>>, vector<16xf32>,
      %mul3A_212 = arith.mulf %sub3A_163, %sub3A_172 : vector<16xf32>
      %select_n3A_213 = arith.select %and3A_186, %mul3A_212, %broadcast_in_dim3A_75 : vector<16xi1>, vector<16xf32>
      %swap3A_214 = arith.constant 0 : index
      %swap3A_215 = tpu.vector_load %arg11[%swap3A_214] {strides = array<i32>} : memref<128xf32, #tpu.memory_space<vmem>>, vector<16xf32>,
      tpu.vector_store %arg11[%swap3A_214], %select_n3A_213 {strides = array<i32>} : memref<128xf32, #tpu.memory_space<vmem>>, vector<16xf32>,
      %mul3A_216 = arith.mulf %sub3A_167, %sub3A_168 : vector<16xf32>
      %select_n3A_217 = arith.select %and3A_186, %mul3A_216, %broadcast_in_dim3A_75 : vector<16xi1>, vector<16xf32>
      %swap3A_218 = arith.constant 0 : index
      %swap3A_219 = tpu.vector_load %arg12[%swap3A_218] {strides = array<i32>} : memref<128xf32, #tpu.memory_space<vmem>>, vector<16xf32>,
      tpu.vector_store %arg12[%swap3A_218], %select_n3A_217 {strides = array<i32>} : memref<128xf32, #tpu.memory_space<vmem>>, vector<16xf32>,
      %mul3A_220 = arith.mulf %sub3A_167, %sub3A_172 : vector<16xf32>
      %select_n3A_221 = arith.select %and3A_186, %mul3A_220, %broadcast_in_dim3A_75 : vector<16xi1>, vector<16xf32>
      %swap3A_222 = arith.constant 0 : index
      %swap3A_223 = tpu.vector_load %arg13[%swap3A_222] {strides = array<i32>} : memref<128xf32, #tpu.memory_space<vmem>>, vector<16xf32>,
      tpu.vector_store %arg13[%swap3A_222], %select_n3A_221 {strides = array<i32>} : memref<128xf32, #tpu.memory_space<vmem>>, vector<16xf32>,
      %add3A_224 = arith.constant 16 : i32
      %add3A_225 = arith.addi %mul3A_127, %add3A_224 : i32
      %convert_element_type3A_226 = arith.sitofp %add3A_225 : i32 to f32
      %broadcast_in_dim3A_227 = vector.broadcast %convert_element_type3A_226 : f32 to vector<16xf32>
      %add3A_228 = arith.addf %broadcast_in_dim3A_227, %convert_element_type3A : vector<16xf32>
      %mul3A_229 = arith.mulf %get3A_39, %add3A_228 : vector<16xf32>
      %mul3A_230 = arith.mulf %get3A_43, %broadcast_in_dim3A_129 : vector<16xf32>
      %add3A_231 = arith.addf %mul3A_229, %mul3A_230 : vector<16xf32>
      %add3A_232 = arith.addf %add3A_231, %get3A_47 : vector<16xf32>
      %mul3A_233 = arith.mulf %get3A_51, %add3A_228 : vector<16xf32>
      %mul3A_234 = arith.mulf %get3A_55, %broadcast_in_dim3A_129 : vector<16xf32>
      %add3A_235 = arith.addf %mul3A_233, %mul3A_234 : vector<16xf32>
      %add3A_236 = arith.addf %add3A_235, %get3A_59 : vector<16xf32>
      %mul3A_237 = arith.mulf %get3A_63, %add3A_228 : vector<16xf32>
      %mul3A_238 = arith.mulf %get3A_67, %broadcast_in_dim3A_129 : vector<16xf32>
      %add3A_239 = arith.addf %mul3A_237, %mul3A_238 : vector<16xf32>
      %add3A_240 = arith.addf %add3A_239, %get3A_71 : vector<16xf32>
      %div3A_241 = arith.divf %add3A_232, %add3A_240 : vector<16xf32>
      %div3A_242 = arith.divf %add3A_236, %add3A_240 : vector<16xf32>
      %convert_element_type3A_243 = arith.fptosi %div3A_241 : vector<16xf32> to vector<16xi32>
      %jit3A_244 = arith.constant 0 : i32
      %jit3A_245 = arith.constant 510 : i32
      %max3A_246 = vector.broadcast %jit3A_244 : i32 to vector<16xi32>
      %max3A_247 = arith.maxsi %max3A_246, %convert_element_type3A_243 : vector<16xi32>
      %min3A_248 = vector.broadcast %jit3A_245 : i32 to vector<16xi32>
      %min3A_249 = arith.minsi %min3A_248, %max3A_247 : vector<16xi32>
      %convert_element_type3A_250 = arith.fptosi %div3A_242 : vector<16xf32> to vector<16xi32>
      %jit3A_251 = arith.constant 0 : i32
      %jit3A_252 = arith.constant 254 : i32
      %max3A_253 = vector.broadcast %jit3A_251 : i32 to vector<16xi32>
      %max3A_254 = arith.maxsi %max3A_253, %convert_element_type3A_250 : vector<16xi32>
      %min3A_255 = vector.broadcast %jit3A_252 : i32 to vector<16xi32>
      %min3A_256 = arith.minsi %min3A_255, %max3A_254 : vector<16xi32>
      %convert_element_type3A_257 = arith.sitofp %min3A_249 : vector<16xi32> to vector<16xf32>
      %convert_element_type3A_258 = arith.sitofp %min3A_256 : vector<16xi32> to vector<16xf32>
      %sub3A_259 = arith.subf %div3A_241, %convert_element_type3A_257 : vector<16xf32>
      %add3A_260 = arith.constant 1.000000e+00 : f32
      %add3A_261 = vector.broadcast %add3A_260 : f32 to vector<16xf32>
      %add3A_262 = arith.addf %convert_element_type3A_257, %add3A_261 : vector<16xf32>
      %sub3A_263 = arith.subf %add3A_262, %div3A_241 : vector<16xf32>
      %sub3A_264 = arith.subf %div3A_242, %convert_element_type3A_258 : vector<16xf32>
      %add3A_265 = arith.constant 1.000000e+00 : f32
      %add3A_266 = vector.broadcast %add3A_265 : f32 to vector<16xf32>
      %add3A_267 = arith.addf %convert_element_type3A_258, %add3A_266 : vector<16xf32>
      %sub3A_268 = arith.subf %add3A_267, %div3A_242 : vector<16xf32>
      %ge3A_269 = arith.constant 0.000000e+00 : f32
      %ge3A_270 = vector.broadcast %ge3A_269 : f32 to vector<16xf32>
      %ge3A_271 = arith.cmpf oge, %div3A_241, %ge3A_270 : vector<16xf32>
      %lt3A_272 = arith.constant 5.120000e+02 : f32
      %lt3A_273 = vector.broadcast %lt3A_272 : f32 to vector<16xf32>
      %lt3A_274 = arith.cmpf olt, %div3A_241, %lt3A_273 : vector<16xf32>
      %and3A_275 = arith.andi %ge3A_271, %lt3A_274 : vector<16xi1>
      %ge3A_276 = arith.constant 0.000000e+00 : f32
      %ge3A_277 = vector.broadcast %ge3A_276 : f32 to vector<16xf32>
      %ge3A_278 = arith.cmpf oge, %div3A_242, %ge3A_277 : vector<16xf32>
      %and3A_279 = arith.andi %and3A_275, %ge3A_278 : vector<16xi1>
      %lt3A_280 = arith.constant 2.560000e+02 : f32
      %lt3A_281 = vector.broadcast %lt3A_280 : f32 to vector<16xf32>
      %lt3A_282 = arith.cmpf olt, %div3A_242, %lt3A_281 : vector<16xf32>
      %and3A_283 = arith.andi %and3A_279, %lt3A_282 : vector<16xi1>
      %mul3A_284 = arith.constant 512 : i32
      %mul3A_285 = vector.broadcast %mul3A_284 : i32 to vector<16xi32>
      %mul3A_286 = arith.muli %min3A_256, %mul3A_285 : vector<16xi32>
      %add3A_287 = arith.addi %mul3A_286, %min3A_249 : vector<16xi32>
      %add3A_288 = arith.addi %add3A_287, %broadcast_in_dim3A : vector<16xi32>
      %swap3A_289 = arith.constant 16 : index
      %swap3A_290 = tpu.vector_load %arg6[%swap3A_289] {strides = array<i32>} : memref<128xi32, #tpu.memory_space<vmem>>, vector<16xi32>,
      tpu.vector_store %arg6[%swap3A_289], %add3A_288 {strides = array<i32>} : memref<128xi32, #tpu.memory_space<vmem>>, vector<16xi32>,
      %add3A_291 = arith.constant 1 : i32
      %add3A_292 = vector.broadcast %add3A_291 : i32 to vector<16xi32>
      %add3A_293 = arith.addi %add3A_288, %add3A_292 : vector<16xi32>
      %swap3A_294 = arith.constant 16 : index
      %swap3A_295 = tpu.vector_load %arg7[%swap3A_294] {strides = array<i32>} : memref<128xi32, #tpu.memory_space<vmem>>, vector<16xi32>,
      tpu.vector_store %arg7[%swap3A_294], %add3A_293 {strides = array<i32>} : memref<128xi32, #tpu.memory_space<vmem>>, vector<16xi32>,
      %add3A_296 = arith.constant 512 : i32
      %add3A_297 = vector.broadcast %add3A_296 : i32 to vector<16xi32>
      %add3A_298 = arith.addi %add3A_288, %add3A_297 : vector<16xi32>
      %swap3A_299 = arith.constant 16 : index
      %swap3A_300 = tpu.vector_load %arg8[%swap3A_299] {strides = array<i32>} : memref<128xi32, #tpu.memory_space<vmem>>, vector<16xi32>,
      tpu.vector_store %arg8[%swap3A_299], %add3A_298 {strides = array<i32>} : memref<128xi32, #tpu.memory_space<vmem>>, vector<16xi32>,
      %add3A_301 = arith.constant 513 : i32
      %add3A_302 = vector.broadcast %add3A_301 : i32 to vector<16xi32>
      %add3A_303 = arith.addi %add3A_288, %add3A_302 : vector<16xi32>
      %swap3A_304 = arith.constant 16 : index
      %swap3A_305 = tpu.vector_load %arg9[%swap3A_304] {strides = array<i32>} : memref<128xi32, #tpu.memory_space<vmem>>, vector<16xi32>,
      tpu.vector_store %arg9[%swap3A_304], %add3A_303 {strides = array<i32>} : memref<128xi32, #tpu.memory_space<vmem>>, vector<16xi32>,
      %mul3A_306 = arith.mulf %sub3A_259, %sub3A_264 : vector<16xf32>
      %select_n3A_307 = arith.select %and3A_283, %mul3A_306, %broadcast_in_dim3A_75 : vector<16xi1>, vector<16xf32>
      %swap3A_308 = arith.constant 16 : index
      %swap3A_309 = tpu.vector_load %arg10[%swap3A_308] {strides = array<i32>} : memref<128xf32, #tpu.memory_space<vmem>>, vector<16xf32>,
      tpu.vector_store %arg10[%swap3A_308], %select_n3A_307 {strides = array<i32>} : memref<128xf32, #tpu.memory_space<vmem>>, vector<16xf32>,
      %mul3A_310 = arith.mulf %sub3A_259, %sub3A_268 : vector<16xf32>
      %select_n3A_311 = arith.select %and3A_283, %mul3A_310, %broadcast_in_dim3A_75 : vector<16xi1>, vector<16xf32>
      %swap3A_312 = arith.constant 16 : index
      %swap3A_313 = tpu.vector_load %arg11[%swap3A_312] {strides = array<i32>} : memref<128xf32, #tpu.memory_space<vmem>>, vector<16xf32>,
      tpu.vector_store %arg11[%swap3A_312], %select_n3A_311 {strides = array<i32>} : memref<128xf32, #tpu.memory_space<vmem>>, vector<16xf32>,
      %mul3A_314 = arith.mulf %sub3A_263, %sub3A_264 : vector<16xf32>
      %select_n3A_315 = arith.select %and3A_283, %mul3A_314, %broadcast_in_dim3A_75 : vector<16xi1>, vector<16xf32>
      %swap3A_316 = arith.constant 16 : index
      %swap3A_317 = tpu.vector_load %arg12[%swap3A_316] {strides = array<i32>} : memref<128xf32, #tpu.memory_space<vmem>>, vector<16xf32>,
      tpu.vector_store %arg12[%swap3A_316], %select_n3A_315 {strides = array<i32>} : memref<128xf32, #tpu.memory_space<vmem>>, vector<16xf32>,
      %mul3A_318 = arith.mulf %sub3A_263, %sub3A_268 : vector<16xf32>
      %select_n3A_319 = arith.select %and3A_283, %mul3A_318, %broadcast_in_dim3A_75 : vector<16xi1>, vector<16xf32>
      %swap3A_320 = arith.constant 16 : index
      %swap3A_321 = tpu.vector_load %arg13[%swap3A_320] {strides = array<i32>} : memref<128xf32, #tpu.memory_space<vmem>>, vector<16xf32>,
      tpu.vector_store %arg13[%swap3A_320], %select_n3A_319 {strides = array<i32>} : memref<128xf32, #tpu.memory_space<vmem>>, vector<16xf32>,
      %add3A_322 = arith.constant 32 : i32
      %add3A_323 = arith.addi %mul3A_127, %add3A_322 : i32
      %convert_element_type3A_324 = arith.sitofp %add3A_323 : i32 to f32
      %broadcast_in_dim3A_325 = vector.broadcast %convert_element_type3A_324 : f32 to vector<16xf32>
      %add3A_326 = arith.addf %broadcast_in_dim3A_325, %convert_element_type3A : vector<16xf32>
      %mul3A_327 = arith.mulf %get3A_39, %add3A_326 : vector<16xf32>
      %mul3A_328 = arith.mulf %get3A_43, %broadcast_in_dim3A_129 : vector<16xf32>
      %add3A_329 = arith.addf %mul3A_327, %mul3A_328 : vector<16xf32>
      %add3A_330 = arith.addf %add3A_329, %get3A_47 : vector<16xf32>
      %mul3A_331 = arith.mulf %get3A_51, %add3A_326 : vector<16xf32>
      %mul3A_332 = arith.mulf %get3A_55, %broadcast_in_dim3A_129 : vector<16xf32>
      %add3A_333 = arith.addf %mul3A_331, %mul3A_332 : vector<16xf32>
      %add3A_334 = arith.addf %add3A_333, %get3A_59 : vector<16xf32>
      %mul3A_335 = arith.mulf %get3A_63, %add3A_326 : vector<16xf32>
      %mul3A_336 = arith.mulf %get3A_67, %broadcast_in_dim3A_129 : vector<16xf32>
      %add3A_337 = arith.addf %mul3A_335, %mul3A_336 : vector<16xf32>
      %add3A_338 = arith.addf %add3A_337, %get3A_71 : vector<16xf32>
      %div3A_339 = arith.divf %add3A_330, %add3A_338 : vector<16xf32>
      %div3A_340 = arith.divf %add3A_334, %add3A_338 : vector<16xf32>
      %convert_element_type3A_341 = arith.fptosi %div3A_339 : vector<16xf32> to vector<16xi32>
      %jit3A_342 = arith.constant 0 : i32
      %jit3A_343 = arith.constant 510 : i32
      %max3A_344 = vector.broadcast %jit3A_342 : i32 to vector<16xi32>
      %max3A_345 = arith.maxsi %max3A_344, %convert_element_type3A_341 : vector<16xi32>
      %min3A_346 = vector.broadcast %jit3A_343 : i32 to vector<16xi32>
      %min3A_347 = arith.minsi %min3A_346, %max3A_345 : vector<16xi32>
      %convert_element_type3A_348 = arith.fptosi %div3A_340 : vector<16xf32> to vector<16xi32>
      %jit3A_349 = arith.constant 0 : i32
      %jit3A_350 = arith.constant 254 : i32
      %max3A_351 = vector.broadcast %jit3A_349 : i32 to vector<16xi32>
      %max3A_352 = arith.maxsi %max3A_351, %convert_element_type3A_348 : vector<16xi32>
      %min3A_353 = vector.broadcast %jit3A_350 : i32 to vector<16xi32>
      %min3A_354 = arith.minsi %min3A_353, %max3A_352 : vector<16xi32>
      %convert_element_type3A_355 = arith.sitofp %min3A_347 : vector<16xi32> to vector<16xf32>
      %convert_element_type3A_356 = arith.sitofp %min3A_354 : vector<16xi32> to vector<16xf32>
      %sub3A_357 = arith.subf %div3A_339, %convert_element_type3A_355 : vector<16xf32>
      %add3A_358 = arith.constant 1.000000e+00 : f32
      %add3A_359 = vector.broadcast %add3A_358 : f32 to vector<16xf32>
      %add3A_360 = arith.addf %convert_element_type3A_355, %add3A_359 : vector<16xf32>
      %sub3A_361 = arith.subf %add3A_360, %div3A_339 : vector<16xf32>
      %sub3A_362 = arith.subf %div3A_340, %convert_element_type3A_356 : vector<16xf32>
      %add3A_363 = arith.constant 1.000000e+00 : f32
      %add3A_364 = vector.broadcast %add3A_363 : f32 to vector<16xf32>
      %add3A_365 = arith.addf %convert_element_type3A_356, %add3A_364 : vector<16xf32>
      %sub3A_366 = arith.subf %add3A_365, %div3A_340 : vector<16xf32>
      %ge3A_367 = arith.constant 0.000000e+00 : f32
      %ge3A_368 = vector.broadcast %ge3A_367 : f32 to vector<16xf32>
      %ge3A_369 = arith.cmpf oge, %div3A_339, %ge3A_368 : vector<16xf32>
      %lt3A_370 = arith.constant 5.120000e+02 : f32
      %lt3A_371 = vector.broadcast %lt3A_370 : f32 to vector<16xf32>
      %lt3A_372 = arith.cmpf olt, %div3A_339, %lt3A_371 : vector<16xf32>
      %and3A_373 = arith.andi %ge3A_369, %lt3A_372 : vector<16xi1>
      %ge3A_374 = arith.constant 0.000000e+00 : f32
      %ge3A_375 = vector.broadcast %ge3A_374 : f32 to vector<16xf32>
      %ge3A_376 = arith.cmpf oge, %div3A_340, %ge3A_375 : vector<16xf32>
      %and3A_377 = arith.andi %and3A_373, %ge3A_376 : vector<16xi1>
      %lt3A_378 = arith.constant 2.560000e+02 : f32
      %lt3A_379 = vector.broadcast %lt3A_378 : f32 to vector<16xf32>
      %lt3A_380 = arith.cmpf olt, %div3A_340, %lt3A_379 : vector<16xf32>
      %and3A_381 = arith.andi %and3A_377, %lt3A_380 : vector<16xi1>
      %mul3A_382 = arith.constant 512 : i32
      %mul3A_383 = vector.broadcast %mul3A_382 : i32 to vector<16xi32>
      %mul3A_384 = arith.muli %min3A_354, %mul3A_383 : vector<16xi32>
      %add3A_385 = arith.addi %mul3A_384, %min3A_347 : vector<16xi32>
      %add3A_386 = arith.addi %add3A_385, %broadcast_in_dim3A : vector<16xi32>
      %swap3A_387 = arith.constant 32 : index
      %swap3A_388 = tpu.vector_load %arg6[%swap3A_387] {strides = array<i32>} : memref<128xi32, #tpu.memory_space<vmem>>, vector<16xi32>,
      tpu.vector_store %arg6[%swap3A_387], %add3A_386 {strides = array<i32>} : memref<128xi32, #tpu.memory_space<vmem>>, vector<16xi32>,
      %add3A_389 = arith.constant 1 : i32
      %add3A_390 = vector.broadcast %add3A_389 : i32 to vector<16xi32>
      %add3A_391 = arith.addi %add3A_386, %add3A_390 : vector<16xi32>
      %swap3A_392 = arith.constant 32 : index
      %swap3A_393 = tpu.vector_load %arg7[%swap3A_392] {strides = array<i32>} : memref<128xi32, #tpu.memory_space<vmem>>, vector<16xi32>,
      tpu.vector_store %arg7[%swap3A_392], %add3A_391 {strides = array<i32>} : memref<128xi32, #tpu.memory_space<vmem>>, vector<16xi32>,
      %add3A_394 = arith.constant 512 : i32
      %add3A_395 = vector.broadcast %add3A_394 : i32 to vector<16xi32>
      %add3A_396 = arith.addi %add3A_386, %add3A_395 : vector<16xi32>
      %swap3A_397 = arith.constant 32 : index
      %swap3A_398 = tpu.vector_load %arg8[%swap3A_397] {strides = array<i32>} : memref<128xi32, #tpu.memory_space<vmem>>, vector<16xi32>,
      tpu.vector_store %arg8[%swap3A_397], %add3A_396 {strides = array<i32>} : memref<128xi32, #tpu.memory_space<vmem>>, vector<16xi32>,
      %add3A_399 = arith.constant 513 : i32
      %add3A_400 = vector.broadcast %add3A_399 : i32 to vector<16xi32>
      %add3A_401 = arith.addi %add3A_386, %add3A_400 : vector<16xi32>
      %swap3A_402 = arith.constant 32 : index
      %swap3A_403 = tpu.vector_load %arg9[%swap3A_402] {strides = array<i32>} : memref<128xi32, #tpu.memory_space<vmem>>, vector<16xi32>,
      tpu.vector_store %arg9[%swap3A_402], %add3A_401 {strides = array<i32>} : memref<128xi32, #tpu.memory_space<vmem>>, vector<16xi32>,
      %mul3A_404 = arith.mulf %sub3A_357, %sub3A_362 : vector<16xf32>
      %select_n3A_405 = arith.select %and3A_381, %mul3A_404, %broadcast_in_dim3A_75 : vector<16xi1>, vector<16xf32>
      %swap3A_406 = arith.constant 32 : index
      %swap3A_407 = tpu.vector_load %arg10[%swap3A_406] {strides = array<i32>} : memref<128xf32, #tpu.memory_space<vmem>>, vector<16xf32>,
      tpu.vector_store %arg10[%swap3A_406], %select_n3A_405 {strides = array<i32>} : memref<128xf32, #tpu.memory_space<vmem>>, vector<16xf32>,
      %mul3A_408 = arith.mulf %sub3A_357, %sub3A_366 : vector<16xf32>
      %select_n3A_409 = arith.select %and3A_381, %mul3A_408, %broadcast_in_dim3A_75 : vector<16xi1>, vector<16xf32>
      %swap3A_410 = arith.constant 32 : index
      %swap3A_411 = tpu.vector_load %arg11[%swap3A_410] {strides = array<i32>} : memref<128xf32, #tpu.memory_space<vmem>>, vector<16xf32>,
      tpu.vector_store %arg11[%swap3A_410], %select_n3A_409 {strides = array<i32>} : memref<128xf32, #tpu.memory_space<vmem>>, vector<16xf32>,
      %mul3A_412 = arith.mulf %sub3A_361, %sub3A_362 : vector<16xf32>
      %select_n3A_413 = arith.select %and3A_381, %mul3A_412, %broadcast_in_dim3A_75 : vector<16xi1>, vector<16xf32>
      %swap3A_414 = arith.constant 32 : index
      %swap3A_415 = tpu.vector_load %arg12[%swap3A_414] {strides = array<i32>} : memref<128xf32, #tpu.memory_space<vmem>>, vector<16xf32>,
      tpu.vector_store %arg12[%swap3A_414], %select_n3A_413 {strides = array<i32>} : memref<128xf32, #tpu.memory_space<vmem>>, vector<16xf32>,
      %mul3A_416 = arith.mulf %sub3A_361, %sub3A_366 : vector<16xf32>
      %select_n3A_417 = arith.select %and3A_381, %mul3A_416, %broadcast_in_dim3A_75 : vector<16xi1>, vector<16xf32>
      %swap3A_418 = arith.constant 32 : index
      %swap3A_419 = tpu.vector_load %arg13[%swap3A_418] {strides = array<i32>} : memref<128xf32, #tpu.memory_space<vmem>>, vector<16xf32>,
      tpu.vector_store %arg13[%swap3A_418], %select_n3A_417 {strides = array<i32>} : memref<128xf32, #tpu.memory_space<vmem>>, vector<16xf32>,
      %add3A_420 = arith.constant 48 : i32
      %add3A_421 = arith.addi %mul3A_127, %add3A_420 : i32
      %convert_element_type3A_422 = arith.sitofp %add3A_421 : i32 to f32
      %broadcast_in_dim3A_423 = vector.broadcast %convert_element_type3A_422 : f32 to vector<16xf32>
      %add3A_424 = arith.addf %broadcast_in_dim3A_423, %convert_element_type3A : vector<16xf32>
      %mul3A_425 = arith.mulf %get3A_39, %add3A_424 : vector<16xf32>
      %mul3A_426 = arith.mulf %get3A_43, %broadcast_in_dim3A_129 : vector<16xf32>
      %add3A_427 = arith.addf %mul3A_425, %mul3A_426 : vector<16xf32>
      %add3A_428 = arith.addf %add3A_427, %get3A_47 : vector<16xf32>
      %mul3A_429 = arith.mulf %get3A_51, %add3A_424 : vector<16xf32>
      %mul3A_430 = arith.mulf %get3A_55, %broadcast_in_dim3A_129 : vector<16xf32>
      %add3A_431 = arith.addf %mul3A_429, %mul3A_430 : vector<16xf32>
      %add3A_432 = arith.addf %add3A_431, %get3A_59 : vector<16xf32>
      %mul3A_433 = arith.mulf %get3A_63, %add3A_424 : vector<16xf32>
      %mul3A_434 = arith.mulf %get3A_67, %broadcast_in_dim3A_129 : vector<16xf32>
      %add3A_435 = arith.addf %mul3A_433, %mul3A_434 : vector<16xf32>
      %add3A_436 = arith.addf %add3A_435, %get3A_71 : vector<16xf32>
      %div3A_437 = arith.divf %add3A_428, %add3A_436 : vector<16xf32>
      %div3A_438 = arith.divf %add3A_432, %add3A_436 : vector<16xf32>
      %convert_element_type3A_439 = arith.fptosi %div3A_437 : vector<16xf32> to vector<16xi32>
      %jit3A_440 = arith.constant 0 : i32
      %jit3A_441 = arith.constant 510 : i32
      %max3A_442 = vector.broadcast %jit3A_440 : i32 to vector<16xi32>
      %max3A_443 = arith.maxsi %max3A_442, %convert_element_type3A_439 : vector<16xi32>
      %min3A_444 = vector.broadcast %jit3A_441 : i32 to vector<16xi32>
      %min3A_445 = arith.minsi %min3A_444, %max3A_443 : vector<16xi32>
      %convert_element_type3A_446 = arith.fptosi %div3A_438 : vector<16xf32> to vector<16xi32>
      %jit3A_447 = arith.constant 0 : i32
      %jit3A_448 = arith.constant 254 : i32
      %max3A_449 = vector.broadcast %jit3A_447 : i32 to vector<16xi32>
      %max3A_450 = arith.maxsi %max3A_449, %convert_element_type3A_446 : vector<16xi32>
      %min3A_451 = vector.broadcast %jit3A_448 : i32 to vector<16xi32>
      %min3A_452 = arith.minsi %min3A_451, %max3A_450 : vector<16xi32>
      %convert_element_type3A_453 = arith.sitofp %min3A_445 : vector<16xi32> to vector<16xf32>
      %convert_element_type3A_454 = arith.sitofp %min3A_452 : vector<16xi32> to vector<16xf32>
      %sub3A_455 = arith.subf %div3A_437, %convert_element_type3A_453 : vector<16xf32>
      %add3A_456 = arith.constant 1.000000e+00 : f32
      %add3A_457 = vector.broadcast %add3A_456 : f32 to vector<16xf32>
      %add3A_458 = arith.addf %convert_element_type3A_453, %add3A_457 : vector<16xf32>
      %sub3A_459 = arith.subf %add3A_458, %div3A_437 : vector<16xf32>
      %sub3A_460 = arith.subf %div3A_438, %convert_element_type3A_454 : vector<16xf32>
      %add3A_461 = arith.constant 1.000000e+00 : f32
      %add3A_462 = vector.broadcast %add3A_461 : f32 to vector<16xf32>
      %add3A_463 = arith.addf %convert_element_type3A_454, %add3A_462 : vector<16xf32>
      %sub3A_464 = arith.subf %add3A_463, %div3A_438 : vector<16xf32>
      %ge3A_465 = arith.constant 0.000000e+00 : f32
      %ge3A_466 = vector.broadcast %ge3A_465 : f32 to vector<16xf32>
      %ge3A_467 = arith.cmpf oge, %div3A_437, %ge3A_466 : vector<16xf32>
      %lt3A_468 = arith.constant 5.120000e+02 : f32
      %lt3A_469 = vector.broadcast %lt3A_468 : f32 to vector<16xf32>
      %lt3A_470 = arith.cmpf olt, %div3A_437, %lt3A_469 : vector<16xf32>
      %and3A_471 = arith.andi %ge3A_467, %lt3A_470 : vector<16xi1>
      %ge3A_472 = arith.constant 0.000000e+00 : f32
      %ge3A_473 = vector.broadcast %ge3A_472 : f32 to vector<16xf32>
      %ge3A_474 = arith.cmpf oge, %div3A_438, %ge3A_473 : vector<16xf32>
      %and3A_475 = arith.andi %and3A_471, %ge3A_474 : vector<16xi1>
      %lt3A_476 = arith.constant 2.560000e+02 : f32
      %lt3A_477 = vector.broadcast %lt3A_476 : f32 to vector<16xf32>
      %lt3A_478 = arith.cmpf olt, %div3A_438, %lt3A_477 : vector<16xf32>
      %and3A_479 = arith.andi %and3A_475, %lt3A_478 : vector<16xi1>
      %mul3A_480 = arith.constant 512 : i32
      %mul3A_481 = vector.broadcast %mul3A_480 : i32 to vector<16xi32>
      %mul3A_482 = arith.muli %min3A_452, %mul3A_481 : vector<16xi32>
      %add3A_483 = arith.addi %mul3A_482, %min3A_445 : vector<16xi32>
      %add3A_484 = arith.addi %add3A_483, %broadcast_in_dim3A : vector<16xi32>
      %swap3A_485 = arith.constant 48 : index
      %swap3A_486 = tpu.vector_load %arg6[%swap3A_485] {strides = array<i32>} : memref<128xi32, #tpu.memory_space<vmem>>, vector<16xi32>,
      tpu.vector_store %arg6[%swap3A_485], %add3A_484 {strides = array<i32>} : memref<128xi32, #tpu.memory_space<vmem>>, vector<16xi32>,
      %add3A_487 = arith.constant 1 : i32
      %add3A_488 = vector.broadcast %add3A_487 : i32 to vector<16xi32>
      %add3A_489 = arith.addi %add3A_484, %add3A_488 : vector<16xi32>
      %swap3A_490 = arith.constant 48 : index
      %swap3A_491 = tpu.vector_load %arg7[%swap3A_490] {strides = array<i32>} : memref<128xi32, #tpu.memory_space<vmem>>, vector<16xi32>,
      tpu.vector_store %arg7[%swap3A_490], %add3A_489 {strides = array<i32>} : memref<128xi32, #tpu.memory_space<vmem>>, vector<16xi32>,
      %add3A_492 = arith.constant 512 : i32
      %add3A_493 = vector.broadcast %add3A_492 : i32 to vector<16xi32>
      %add3A_494 = arith.addi %add3A_484, %add3A_493 : vector<16xi32>
      %swap3A_495 = arith.constant 48 : index
      %swap3A_496 = tpu.vector_load %arg8[%swap3A_495] {strides = array<i32>} : memref<128xi32, #tpu.memory_space<vmem>>, vector<16xi32>,
      tpu.vector_store %arg8[%swap3A_495], %add3A_494 {strides = array<i32>} : memref<128xi32, #tpu.memory_space<vmem>>, vector<16xi32>,
      %add3A_497 = arith.constant 513 : i32
      %add3A_498 = vector.broadcast %add3A_497 : i32 to vector<16xi32>
      %add3A_499 = arith.addi %add3A_484, %add3A_498 : vector<16xi32>
      %swap3A_500 = arith.constant 48 : index
      %swap3A_501 = tpu.vector_load %arg9[%swap3A_500] {strides = array<i32>} : memref<128xi32, #tpu.memory_space<vmem>>, vector<16xi32>,
      tpu.vector_store %arg9[%swap3A_500], %add3A_499 {strides = array<i32>} : memref<128xi32, #tpu.memory_space<vmem>>, vector<16xi32>,
      %mul3A_502 = arith.mulf %sub3A_455, %sub3A_460 : vector<16xf32>
      %select_n3A_503 = arith.select %and3A_479, %mul3A_502, %broadcast_in_dim3A_75 : vector<16xi1>, vector<16xf32>
      %swap3A_504 = arith.constant 48 : index
      %swap3A_505 = tpu.vector_load %arg10[%swap3A_504] {strides = array<i32>} : memref<128xf32, #tpu.memory_space<vmem>>, vector<16xf32>,
      tpu.vector_store %arg10[%swap3A_504], %select_n3A_503 {strides = array<i32>} : memref<128xf32, #tpu.memory_space<vmem>>, vector<16xf32>,
      %mul3A_506 = arith.mulf %sub3A_455, %sub3A_464 : vector<16xf32>
      %select_n3A_507 = arith.select %and3A_479, %mul3A_506, %broadcast_in_dim3A_75 : vector<16xi1>, vector<16xf32>
      %swap3A_508 = arith.constant 48 : index
      %swap3A_509 = tpu.vector_load %arg11[%swap3A_508] {strides = array<i32>} : memref<128xf32, #tpu.memory_space<vmem>>, vector<16xf32>,
      tpu.vector_store %arg11[%swap3A_508], %select_n3A_507 {strides = array<i32>} : memref<128xf32, #tpu.memory_space<vmem>>, vector<16xf32>,
      %mul3A_510 = arith.mulf %sub3A_459, %sub3A_460 : vector<16xf32>
      %select_n3A_511 = arith.select %and3A_479, %mul3A_510, %broadcast_in_dim3A_75 : vector<16xi1>, vector<16xf32>
      %swap3A_512 = arith.constant 48 : index
      %swap3A_513 = tpu.vector_load %arg12[%swap3A_512] {strides = array<i32>} : memref<128xf32, #tpu.memory_space<vmem>>, vector<16xf32>,
      tpu.vector_store %arg12[%swap3A_512], %select_n3A_511 {strides = array<i32>} : memref<128xf32, #tpu.memory_space<vmem>>, vector<16xf32>,
      %mul3A_514 = arith.mulf %sub3A_459, %sub3A_464 : vector<16xf32>
      %select_n3A_515 = arith.select %and3A_479, %mul3A_514, %broadcast_in_dim3A_75 : vector<16xi1>, vector<16xf32>
      %swap3A_516 = arith.constant 48 : index
      %swap3A_517 = tpu.vector_load %arg13[%swap3A_516] {strides = array<i32>} : memref<128xf32, #tpu.memory_space<vmem>>, vector<16xf32>,
      tpu.vector_store %arg13[%swap3A_516], %select_n3A_515 {strides = array<i32>} : memref<128xf32, #tpu.memory_space<vmem>>, vector<16xf32>,
      %add3A_518 = arith.constant 64 : i32
      %add3A_519 = arith.addi %mul3A_127, %add3A_518 : i32
      %convert_element_type3A_520 = arith.sitofp %add3A_519 : i32 to f32
      %broadcast_in_dim3A_521 = vector.broadcast %convert_element_type3A_520 : f32 to vector<16xf32>
      %add3A_522 = arith.addf %broadcast_in_dim3A_521, %convert_element_type3A : vector<16xf32>
      %mul3A_523 = arith.mulf %get3A_39, %add3A_522 : vector<16xf32>
      %mul3A_524 = arith.mulf %get3A_43, %broadcast_in_dim3A_129 : vector<16xf32>
      %add3A_525 = arith.addf %mul3A_523, %mul3A_524 : vector<16xf32>
      %add3A_526 = arith.addf %add3A_525, %get3A_47 : vector<16xf32>
      %mul3A_527 = arith.mulf %get3A_51, %add3A_522 : vector<16xf32>
      %mul3A_528 = arith.mulf %get3A_55, %broadcast_in_dim3A_129 : vector<16xf32>
      %add3A_529 = arith.addf %mul3A_527, %mul3A_528 : vector<16xf32>
      %add3A_530 = arith.addf %add3A_529, %get3A_59 : vector<16xf32>
      %mul3A_531 = arith.mulf %get3A_63, %add3A_522 : vector<16xf32>
      %mul3A_532 = arith.mulf %get3A_67, %broadcast_in_dim3A_129 : vector<16xf32>
      %add3A_533 = arith.addf %mul3A_531, %mul3A_532 : vector<16xf32>
      %add3A_534 = arith.addf %add3A_533, %get3A_71 : vector<16xf32>
      %div3A_535 = arith.divf %add3A_526, %add3A_534 : vector<16xf32>
      %div3A_536 = arith.divf %add3A_530, %add3A_534 : vector<16xf32>
      %convert_element_type3A_537 = arith.fptosi %div3A_535 : vector<16xf32> to vector<16xi32>
      %jit3A_538 = arith.constant 0 : i32
      %jit3A_539 = arith.constant 510 : i32
      %max3A_540 = vector.broadcast %jit3A_538 : i32 to vector<16xi32>
      %max3A_541 = arith.maxsi %max3A_540, %convert_element_type3A_537 : vector<16xi32>
      %min3A_542 = vector.broadcast %jit3A_539 : i32 to vector<16xi32>
      %min3A_543 = arith.minsi %min3A_542, %max3A_541 : vector<16xi32>
      %convert_element_type3A_544 = arith.fptosi %div3A_536 : vector<16xf32> to vector<16xi32>
      %jit3A_545 = arith.constant 0 : i32
      %jit3A_546 = arith.constant 254 : i32
      %max3A_547 = vector.broadcast %jit3A_545 : i32 to vector<16xi32>
      %max3A_548 = arith.maxsi %max3A_547, %convert_element_type3A_544 : vector<16xi32>
      %min3A_549 = vector.broadcast %jit3A_546 : i32 to vector<16xi32>
      %min3A_550 = arith.minsi %min3A_549, %max3A_548 : vector<16xi32>
      %convert_element_type3A_551 = arith.sitofp %min3A_543 : vector<16xi32> to vector<16xf32>
      %convert_element_type3A_552 = arith.sitofp %min3A_550 : vector<16xi32> to vector<16xf32>
      %sub3A_553 = arith.subf %div3A_535, %convert_element_type3A_551 : vector<16xf32>
      %add3A_554 = arith.constant 1.000000e+00 : f32
      %add3A_555 = vector.broadcast %add3A_554 : f32 to vector<16xf32>
      %add3A_556 = arith.addf %convert_element_type3A_551, %add3A_555 : vector<16xf32>
      %sub3A_557 = arith.subf %add3A_556, %div3A_535 : vector<16xf32>
      %sub3A_558 = arith.subf %div3A_536, %convert_element_type3A_552 : vector<16xf32>
      %add3A_559 = arith.constant 1.000000e+00 : f32
      %add3A_560 = vector.broadcast %add3A_559 : f32 to vector<16xf32>
      %add3A_561 = arith.addf %convert_element_type3A_552, %add3A_560 : vector<16xf32>
      %sub3A_562 = arith.subf %add3A_561, %div3A_536 : vector<16xf32>
      %ge3A_563 = arith.constant 0.000000e+00 : f32
      %ge3A_564 = vector.broadcast %ge3A_563 : f32 to vector<16xf32>
      %ge3A_565 = arith.cmpf oge, %div3A_535, %ge3A_564 : vector<16xf32>
      %lt3A_566 = arith.constant 5.120000e+02 : f32
      %lt3A_567 = vector.broadcast %lt3A_566 : f32 to vector<16xf32>
      %lt3A_568 = arith.cmpf olt, %div3A_535, %lt3A_567 : vector<16xf32>
      %and3A_569 = arith.andi %ge3A_565, %lt3A_568 : vector<16xi1>
      %ge3A_570 = arith.constant 0.000000e+00 : f32
      %ge3A_571 = vector.broadcast %ge3A_570 : f32 to vector<16xf32>
      %ge3A_572 = arith.cmpf oge, %div3A_536, %ge3A_571 : vector<16xf32>
      %and3A_573 = arith.andi %and3A_569, %ge3A_572 : vector<16xi1>
      %lt3A_574 = arith.constant 2.560000e+02 : f32
      %lt3A_575 = vector.broadcast %lt3A_574 : f32 to vector<16xf32>
      %lt3A_576 = arith.cmpf olt, %div3A_536, %lt3A_575 : vector<16xf32>
      %and3A_577 = arith.andi %and3A_573, %lt3A_576 : vector<16xi1>
      %mul3A_578 = arith.constant 512 : i32
      %mul3A_579 = vector.broadcast %mul3A_578 : i32 to vector<16xi32>
      %mul3A_580 = arith.muli %min3A_550, %mul3A_579 : vector<16xi32>
      %add3A_581 = arith.addi %mul3A_580, %min3A_543 : vector<16xi32>
      %add3A_582 = arith.addi %add3A_581, %broadcast_in_dim3A : vector<16xi32>
      %swap3A_583 = arith.constant 64 : index
      %swap3A_584 = tpu.vector_load %arg6[%swap3A_583] {strides = array<i32>} : memref<128xi32, #tpu.memory_space<vmem>>, vector<16xi32>,
      tpu.vector_store %arg6[%swap3A_583], %add3A_582 {strides = array<i32>} : memref<128xi32, #tpu.memory_space<vmem>>, vector<16xi32>,
      %add3A_585 = arith.constant 1 : i32
      %add3A_586 = vector.broadcast %add3A_585 : i32 to vector<16xi32>
      %add3A_587 = arith.addi %add3A_582, %add3A_586 : vector<16xi32>
      %swap3A_588 = arith.constant 64 : index
      %swap3A_589 = tpu.vector_load %arg7[%swap3A_588] {strides = array<i32>} : memref<128xi32, #tpu.memory_space<vmem>>, vector<16xi32>,
      tpu.vector_store %arg7[%swap3A_588], %add3A_587 {strides = array<i32>} : memref<128xi32, #tpu.memory_space<vmem>>, vector<16xi32>,
      %add3A_590 = arith.constant 512 : i32
      %add3A_591 = vector.broadcast %add3A_590 : i32 to vector<16xi32>
      %add3A_592 = arith.addi %add3A_582, %add3A_591 : vector<16xi32>
      %swap3A_593 = arith.constant 64 : index
      %swap3A_594 = tpu.vector_load %arg8[%swap3A_593] {strides = array<i32>} : memref<128xi32, #tpu.memory_space<vmem>>, vector<16xi32>,
      tpu.vector_store %arg8[%swap3A_593], %add3A_592 {strides = array<i32>} : memref<128xi32, #tpu.memory_space<vmem>>, vector<16xi32>,
      %add3A_595 = arith.constant 513 : i32
      %add3A_596 = vector.broadcast %add3A_595 : i32 to vector<16xi32>
      %add3A_597 = arith.addi %add3A_582, %add3A_596 : vector<16xi32>
      %swap3A_598 = arith.constant 64 : index
      %swap3A_599 = tpu.vector_load %arg9[%swap3A_598] {strides = array<i32>} : memref<128xi32, #tpu.memory_space<vmem>>, vector<16xi32>,
      tpu.vector_store %arg9[%swap3A_598], %add3A_597 {strides = array<i32>} : memref<128xi32, #tpu.memory_space<vmem>>, vector<16xi32>,
      %mul3A_600 = arith.mulf %sub3A_553, %sub3A_558 : vector<16xf32>
      %select_n3A_601 = arith.select %and3A_577, %mul3A_600, %broadcast_in_dim3A_75 : vector<16xi1>, vector<16xf32>
      %swap3A_602 = arith.constant 64 : index
      %swap3A_603 = tpu.vector_load %arg10[%swap3A_602] {strides = array<i32>} : memref<128xf32, #tpu.memory_space<vmem>>, vector<16xf32>,
      tpu.vector_store %arg10[%swap3A_602], %select_n3A_601 {strides = array<i32>} : memref<128xf32, #tpu.memory_space<vmem>>, vector<16xf32>,
      %mul3A_604 = arith.mulf %sub3A_553, %sub3A_562 : vector<16xf32>
      %select_n3A_605 = arith.select %and3A_577, %mul3A_604, %broadcast_in_dim3A_75 : vector<16xi1>, vector<16xf32>
      %swap3A_606 = arith.constant 64 : index
      %swap3A_607 = tpu.vector_load %arg11[%swap3A_606] {strides = array<i32>} : memref<128xf32, #tpu.memory_space<vmem>>, vector<16xf32>,
      tpu.vector_store %arg11[%swap3A_606], %select_n3A_605 {strides = array<i32>} : memref<128xf32, #tpu.memory_space<vmem>>, vector<16xf32>,
      %mul3A_608 = arith.mulf %sub3A_557, %sub3A_558 : vector<16xf32>
      %select_n3A_609 = arith.select %and3A_577, %mul3A_608, %broadcast_in_dim3A_75 : vector<16xi1>, vector<16xf32>
      %swap3A_610 = arith.constant 64 : index
      %swap3A_611 = tpu.vector_load %arg12[%swap3A_610] {strides = array<i32>} : memref<128xf32, #tpu.memory_space<vmem>>, vector<16xf32>,
      tpu.vector_store %arg12[%swap3A_610], %select_n3A_609 {strides = array<i32>} : memref<128xf32, #tpu.memory_space<vmem>>, vector<16xf32>,
      %mul3A_612 = arith.mulf %sub3A_557, %sub3A_562 : vector<16xf32>
      %select_n3A_613 = arith.select %and3A_577, %mul3A_612, %broadcast_in_dim3A_75 : vector<16xi1>, vector<16xf32>
      %swap3A_614 = arith.constant 64 : index
      %swap3A_615 = tpu.vector_load %arg13[%swap3A_614] {strides = array<i32>} : memref<128xf32, #tpu.memory_space<vmem>>, vector<16xf32>,
      tpu.vector_store %arg13[%swap3A_614], %select_n3A_613 {strides = array<i32>} : memref<128xf32, #tpu.memory_space<vmem>>, vector<16xf32>,
      %add3A_616 = arith.constant 80 : i32
      %add3A_617 = arith.addi %mul3A_127, %add3A_616 : i32
      %convert_element_type3A_618 = arith.sitofp %add3A_617 : i32 to f32
      %broadcast_in_dim3A_619 = vector.broadcast %convert_element_type3A_618 : f32 to vector<16xf32>
      %add3A_620 = arith.addf %broadcast_in_dim3A_619, %convert_element_type3A : vector<16xf32>
      %mul3A_621 = arith.mulf %get3A_39, %add3A_620 : vector<16xf32>
      %mul3A_622 = arith.mulf %get3A_43, %broadcast_in_dim3A_129 : vector<16xf32>
      %add3A_623 = arith.addf %mul3A_621, %mul3A_622 : vector<16xf32>
      %add3A_624 = arith.addf %add3A_623, %get3A_47 : vector<16xf32>
      %mul3A_625 = arith.mulf %get3A_51, %add3A_620 : vector<16xf32>
      %mul3A_626 = arith.mulf %get3A_55, %broadcast_in_dim3A_129 : vector<16xf32>
      %add3A_627 = arith.addf %mul3A_625, %mul3A_626 : vector<16xf32>
      %add3A_628 = arith.addf %add3A_627, %get3A_59 : vector<16xf32>
      %mul3A_629 = arith.mulf %get3A_63, %add3A_620 : vector<16xf32>
      %mul3A_630 = arith.mulf %get3A_67, %broadcast_in_dim3A_129 : vector<16xf32>
      %add3A_631 = arith.addf %mul3A_629, %mul3A_630 : vector<16xf32>
      %add3A_632 = arith.addf %add3A_631, %get3A_71 : vector<16xf32>
      %div3A_633 = arith.divf %add3A_624, %add3A_632 : vector<16xf32>
      %div3A_634 = arith.divf %add3A_628, %add3A_632 : vector<16xf32>
      %convert_element_type3A_635 = arith.fptosi %div3A_633 : vector<16xf32> to vector<16xi32>
      %jit3A_636 = arith.constant 0 : i32
      %jit3A_637 = arith.constant 510 : i32
      %max3A_638 = vector.broadcast %jit3A_636 : i32 to vector<16xi32>
      %max3A_639 = arith.maxsi %max3A_638, %convert_element_type3A_635 : vector<16xi32>
      %min3A_640 = vector.broadcast %jit3A_637 : i32 to vector<16xi32>
      %min3A_641 = arith.minsi %min3A_640, %max3A_639 : vector<16xi32>
      %convert_element_type3A_642 = arith.fptosi %div3A_634 : vector<16xf32> to vector<16xi32>
      %jit3A_643 = arith.constant 0 : i32
      %jit3A_644 = arith.constant 254 : i32
      %max3A_645 = vector.broadcast %jit3A_643 : i32 to vector<16xi32>
      %max3A_646 = arith.maxsi %max3A_645, %convert_element_type3A_642 : vector<16xi32>
      %min3A_647 = vector.broadcast %jit3A_644 : i32 to vector<16xi32>
      %min3A_648 = arith.minsi %min3A_647, %max3A_646 : vector<16xi32>
      %convert_element_type3A_649 = arith.sitofp %min3A_641 : vector<16xi32> to vector<16xf32>
      %convert_element_type3A_650 = arith.sitofp %min3A_648 : vector<16xi32> to vector<16xf32>
      %sub3A_651 = arith.subf %div3A_633, %convert_element_type3A_649 : vector<16xf32>
      %add3A_652 = arith.constant 1.000000e+00 : f32
      %add3A_653 = vector.broadcast %add3A_652 : f32 to vector<16xf32>
      %add3A_654 = arith.addf %convert_element_type3A_649, %add3A_653 : vector<16xf32>
      %sub3A_655 = arith.subf %add3A_654, %div3A_633 : vector<16xf32>
      %sub3A_656 = arith.subf %div3A_634, %convert_element_type3A_650 : vector<16xf32>
      %add3A_657 = arith.constant 1.000000e+00 : f32
      %add3A_658 = vector.broadcast %add3A_657 : f32 to vector<16xf32>
      %add3A_659 = arith.addf %convert_element_type3A_650, %add3A_658 : vector<16xf32>
      %sub3A_660 = arith.subf %add3A_659, %div3A_634 : vector<16xf32>
      %ge3A_661 = arith.constant 0.000000e+00 : f32
      %ge3A_662 = vector.broadcast %ge3A_661 : f32 to vector<16xf32>
      %ge3A_663 = arith.cmpf oge, %div3A_633, %ge3A_662 : vector<16xf32>
      %lt3A_664 = arith.constant 5.120000e+02 : f32
      %lt3A_665 = vector.broadcast %lt3A_664 : f32 to vector<16xf32>
      %lt3A_666 = arith.cmpf olt, %div3A_633, %lt3A_665 : vector<16xf32>
      %and3A_667 = arith.andi %ge3A_663, %lt3A_666 : vector<16xi1>
      %ge3A_668 = arith.constant 0.000000e+00 : f32
      %ge3A_669 = vector.broadcast %ge3A_668 : f32 to vector<16xf32>
      %ge3A_670 = arith.cmpf oge, %div3A_634, %ge3A_669 : vector<16xf32>
      %and3A_671 = arith.andi %and3A_667, %ge3A_670 : vector<16xi1>
      %lt3A_672 = arith.constant 2.560000e+02 : f32
      %lt3A_673 = vector.broadcast %lt3A_672 : f32 to vector<16xf32>
      %lt3A_674 = arith.cmpf olt, %div3A_634, %lt3A_673 : vector<16xf32>
      %and3A_675 = arith.andi %and3A_671, %lt3A_674 : vector<16xi1>
      %mul3A_676 = arith.constant 512 : i32
      %mul3A_677 = vector.broadcast %mul3A_676 : i32 to vector<16xi32>
      %mul3A_678 = arith.muli %min3A_648, %mul3A_677 : vector<16xi32>
      %add3A_679 = arith.addi %mul3A_678, %min3A_641 : vector<16xi32>
      %add3A_680 = arith.addi %add3A_679, %broadcast_in_dim3A : vector<16xi32>
      %swap3A_681 = arith.constant 80 : index
      %swap3A_682 = tpu.vector_load %arg6[%swap3A_681] {strides = array<i32>} : memref<128xi32, #tpu.memory_space<vmem>>, vector<16xi32>,
      tpu.vector_store %arg6[%swap3A_681], %add3A_680 {strides = array<i32>} : memref<128xi32, #tpu.memory_space<vmem>>, vector<16xi32>,
      %add3A_683 = arith.constant 1 : i32
      %add3A_684 = vector.broadcast %add3A_683 : i32 to vector<16xi32>
      %add3A_685 = arith.addi %add3A_680, %add3A_684 : vector<16xi32>
      %swap3A_686 = arith.constant 80 : index
      %swap3A_687 = tpu.vector_load %arg7[%swap3A_686] {strides = array<i32>} : memref<128xi32, #tpu.memory_space<vmem>>, vector<16xi32>,
      tpu.vector_store %arg7[%swap3A_686], %add3A_685 {strides = array<i32>} : memref<128xi32, #tpu.memory_space<vmem>>, vector<16xi32>,
      %add3A_688 = arith.constant 512 : i32
      %add3A_689 = vector.broadcast %add3A_688 : i32 to vector<16xi32>
      %add3A_690 = arith.addi %add3A_680, %add3A_689 : vector<16xi32>
      %swap3A_691 = arith.constant 80 : index
      %swap3A_692 = tpu.vector_load %arg8[%swap3A_691] {strides = array<i32>} : memref<128xi32, #tpu.memory_space<vmem>>, vector<16xi32>,
      tpu.vector_store %arg8[%swap3A_691], %add3A_690 {strides = array<i32>} : memref<128xi32, #tpu.memory_space<vmem>>, vector<16xi32>,
      %add3A_693 = arith.constant 513 : i32
      %add3A_694 = vector.broadcast %add3A_693 : i32 to vector<16xi32>
      %add3A_695 = arith.addi %add3A_680, %add3A_694 : vector<16xi32>
      %swap3A_696 = arith.constant 80 : index
      %swap3A_697 = tpu.vector_load %arg9[%swap3A_696] {strides = array<i32>} : memref<128xi32, #tpu.memory_space<vmem>>, vector<16xi32>,
      tpu.vector_store %arg9[%swap3A_696], %add3A_695 {strides = array<i32>} : memref<128xi32, #tpu.memory_space<vmem>>, vector<16xi32>,
      %mul3A_698 = arith.mulf %sub3A_651, %sub3A_656 : vector<16xf32>
      %select_n3A_699 = arith.select %and3A_675, %mul3A_698, %broadcast_in_dim3A_75 : vector<16xi1>, vector<16xf32>
      %swap3A_700 = arith.constant 80 : index
      %swap3A_701 = tpu.vector_load %arg10[%swap3A_700] {strides = array<i32>} : memref<128xf32, #tpu.memory_space<vmem>>, vector<16xf32>,
      tpu.vector_store %arg10[%swap3A_700], %select_n3A_699 {strides = array<i32>} : memref<128xf32, #tpu.memory_space<vmem>>, vector<16xf32>,
      %mul3A_702 = arith.mulf %sub3A_651, %sub3A_660 : vector<16xf32>
      %select_n3A_703 = arith.select %and3A_675, %mul3A_702, %broadcast_in_dim3A_75 : vector<16xi1>, vector<16xf32>
      %swap3A_704 = arith.constant 80 : index
      %swap3A_705 = tpu.vector_load %arg11[%swap3A_704] {strides = array<i32>} : memref<128xf32, #tpu.memory_space<vmem>>, vector<16xf32>,
      tpu.vector_store %arg11[%swap3A_704], %select_n3A_703 {strides = array<i32>} : memref<128xf32, #tpu.memory_space<vmem>>, vector<16xf32>,
      %mul3A_706 = arith.mulf %sub3A_655, %sub3A_656 : vector<16xf32>
      %select_n3A_707 = arith.select %and3A_675, %mul3A_706, %broadcast_in_dim3A_75 : vector<16xi1>, vector<16xf32>
      %swap3A_708 = arith.constant 80 : index
      %swap3A_709 = tpu.vector_load %arg12[%swap3A_708] {strides = array<i32>} : memref<128xf32, #tpu.memory_space<vmem>>, vector<16xf32>,
      tpu.vector_store %arg12[%swap3A_708], %select_n3A_707 {strides = array<i32>} : memref<128xf32, #tpu.memory_space<vmem>>, vector<16xf32>,
      %mul3A_710 = arith.mulf %sub3A_655, %sub3A_660 : vector<16xf32>
      %select_n3A_711 = arith.select %and3A_675, %mul3A_710, %broadcast_in_dim3A_75 : vector<16xi1>, vector<16xf32>
      %swap3A_712 = arith.constant 80 : index
      %swap3A_713 = tpu.vector_load %arg13[%swap3A_712] {strides = array<i32>} : memref<128xf32, #tpu.memory_space<vmem>>, vector<16xf32>,
      tpu.vector_store %arg13[%swap3A_712], %select_n3A_711 {strides = array<i32>} : memref<128xf32, #tpu.memory_space<vmem>>, vector<16xf32>,
      %add3A_714 = arith.constant 96 : i32
      %add3A_715 = arith.addi %mul3A_127, %add3A_714 : i32
      %convert_element_type3A_716 = arith.sitofp %add3A_715 : i32 to f32
      %broadcast_in_dim3A_717 = vector.broadcast %convert_element_type3A_716 : f32 to vector<16xf32>
      %add3A_718 = arith.addf %broadcast_in_dim3A_717, %convert_element_type3A : vector<16xf32>
      %mul3A_719 = arith.mulf %get3A_39, %add3A_718 : vector<16xf32>
      %mul3A_720 = arith.mulf %get3A_43, %broadcast_in_dim3A_129 : vector<16xf32>
      %add3A_721 = arith.addf %mul3A_719, %mul3A_720 : vector<16xf32>
      %add3A_722 = arith.addf %add3A_721, %get3A_47 : vector<16xf32>
      %mul3A_723 = arith.mulf %get3A_51, %add3A_718 : vector<16xf32>
      %mul3A_724 = arith.mulf %get3A_55, %broadcast_in_dim3A_129 : vector<16xf32>
      %add3A_725 = arith.addf %mul3A_723, %mul3A_724 : vector<16xf32>
      %add3A_726 = arith.addf %add3A_725, %get3A_59 : vector<16xf32>
      %mul3A_727 = arith.mulf %get3A_63, %add3A_718 : vector<16xf32>
      %mul3A_728 = arith.mulf %get3A_67, %broadcast_in_dim3A_129 : vector<16xf32>
      %add3A_729 = arith.addf %mul3A_727, %mul3A_728 : vector<16xf32>
      %add3A_730 = arith.addf %add3A_729, %get3A_71 : vector<16xf32>
      %div3A_731 = arith.divf %add3A_722, %add3A_730 : vector<16xf32>
      %div3A_732 = arith.divf %add3A_726, %add3A_730 : vector<16xf32>
      %convert_element_type3A_733 = arith.fptosi %div3A_731 : vector<16xf32> to vector<16xi32>
      %jit3A_734 = arith.constant 0 : i32
      %jit3A_735 = arith.constant 510 : i32
      %max3A_736 = vector.broadcast %jit3A_734 : i32 to vector<16xi32>
      %max3A_737 = arith.maxsi %max3A_736, %convert_element_type3A_733 : vector<16xi32>
      %min3A_738 = vector.broadcast %jit3A_735 : i32 to vector<16xi32>
      %min3A_739 = arith.minsi %min3A_738, %max3A_737 : vector<16xi32>
      %convert_element_type3A_740 = arith.fptosi %div3A_732 : vector<16xf32> to vector<16xi32>
      %jit3A_741 = arith.constant 0 : i32
      %jit3A_742 = arith.constant 254 : i32
      %max3A_743 = vector.broadcast %jit3A_741 : i32 to vector<16xi32>
      %max3A_744 = arith.maxsi %max3A_743, %convert_element_type3A_740 : vector<16xi32>
      %min3A_745 = vector.broadcast %jit3A_742 : i32 to vector<16xi32>
      %min3A_746 = arith.minsi %min3A_745, %max3A_744 : vector<16xi32>
      %convert_element_type3A_747 = arith.sitofp %min3A_739 : vector<16xi32> to vector<16xf32>
      %convert_element_type3A_748 = arith.sitofp %min3A_746 : vector<16xi32> to vector<16xf32>
      %sub3A_749 = arith.subf %div3A_731, %convert_element_type3A_747 : vector<16xf32>
      %add3A_750 = arith.constant 1.000000e+00 : f32
      %add3A_751 = vector.broadcast %add3A_750 : f32 to vector<16xf32>
      %add3A_752 = arith.addf %convert_element_type3A_747, %add3A_751 : vector<16xf32>
      %sub3A_753 = arith.subf %add3A_752, %div3A_731 : vector<16xf32>
      %sub3A_754 = arith.subf %div3A_732, %convert_element_type3A_748 : vector<16xf32>
      %add3A_755 = arith.constant 1.000000e+00 : f32
      %add3A_756 = vector.broadcast %add3A_755 : f32 to vector<16xf32>
      %add3A_757 = arith.addf %convert_element_type3A_748, %add3A_756 : vector<16xf32>
      %sub3A_758 = arith.subf %add3A_757, %div3A_732 : vector<16xf32>
      %ge3A_759 = arith.constant 0.000000e+00 : f32
      %ge3A_760 = vector.broadcast %ge3A_759 : f32 to vector<16xf32>
      %ge3A_761 = arith.cmpf oge, %div3A_731, %ge3A_760 : vector<16xf32>
      %lt3A_762 = arith.constant 5.120000e+02 : f32
      %lt3A_763 = vector.broadcast %lt3A_762 : f32 to vector<16xf32>
      %lt3A_764 = arith.cmpf olt, %div3A_731, %lt3A_763 : vector<16xf32>
      %and3A_765 = arith.andi %ge3A_761, %lt3A_764 : vector<16xi1>
      %ge3A_766 = arith.constant 0.000000e+00 : f32
      %ge3A_767 = vector.broadcast %ge3A_766 : f32 to vector<16xf32>
      %ge3A_768 = arith.cmpf oge, %div3A_732, %ge3A_767 : vector<16xf32>
      %and3A_769 = arith.andi %and3A_765, %ge3A_768 : vector<16xi1>
      %lt3A_770 = arith.constant 2.560000e+02 : f32
      %lt3A_771 = vector.broadcast %lt3A_770 : f32 to vector<16xf32>
      %lt3A_772 = arith.cmpf olt, %div3A_732, %lt3A_771 : vector<16xf32>
      %and3A_773 = arith.andi %and3A_769, %lt3A_772 : vector<16xi1>
      %mul3A_774 = arith.constant 512 : i32
      %mul3A_775 = vector.broadcast %mul3A_774 : i32 to vector<16xi32>
      %mul3A_776 = arith.muli %min3A_746, %mul3A_775 : vector<16xi32>
      %add3A_777 = arith.addi %mul3A_776, %min3A_739 : vector<16xi32>
      %add3A_778 = arith.addi %add3A_777, %broadcast_in_dim3A : vector<16xi32>
      %swap3A_779 = arith.constant 96 : index
      %swap3A_780 = tpu.vector_load %arg6[%swap3A_779] {strides = array<i32>} : memref<128xi32, #tpu.memory_space<vmem>>, vector<16xi32>,
      tpu.vector_store %arg6[%swap3A_779], %add3A_778 {strides = array<i32>} : memref<128xi32, #tpu.memory_space<vmem>>, vector<16xi32>,
      %add3A_781 = arith.constant 1 : i32
      %add3A_782 = vector.broadcast %add3A_781 : i32 to vector<16xi32>
      %add3A_783 = arith.addi %add3A_778, %add3A_782 : vector<16xi32>
      %swap3A_784 = arith.constant 96 : index
      %swap3A_785 = tpu.vector_load %arg7[%swap3A_784] {strides = array<i32>} : memref<128xi32, #tpu.memory_space<vmem>>, vector<16xi32>,
      tpu.vector_store %arg7[%swap3A_784], %add3A_783 {strides = array<i32>} : memref<128xi32, #tpu.memory_space<vmem>>, vector<16xi32>,
      %add3A_786 = arith.constant 512 : i32
      %add3A_787 = vector.broadcast %add3A_786 : i32 to vector<16xi32>
      %add3A_788 = arith.addi %add3A_778, %add3A_787 : vector<16xi32>
      %swap3A_789 = arith.constant 96 : index
      %swap3A_790 = tpu.vector_load %arg8[%swap3A_789] {strides = array<i32>} : memref<128xi32, #tpu.memory_space<vmem>>, vector<16xi32>,
      tpu.vector_store %arg8[%swap3A_789], %add3A_788 {strides = array<i32>} : memref<128xi32, #tpu.memory_space<vmem>>, vector<16xi32>,
      %add3A_791 = arith.constant 513 : i32
      %add3A_792 = vector.broadcast %add3A_791 : i32 to vector<16xi32>
      %add3A_793 = arith.addi %add3A_778, %add3A_792 : vector<16xi32>
      %swap3A_794 = arith.constant 96 : index
      %swap3A_795 = tpu.vector_load %arg9[%swap3A_794] {strides = array<i32>} : memref<128xi32, #tpu.memory_space<vmem>>, vector<16xi32>,
      tpu.vector_store %arg9[%swap3A_794], %add3A_793 {strides = array<i32>} : memref<128xi32, #tpu.memory_space<vmem>>, vector<16xi32>,
      %mul3A_796 = arith.mulf %sub3A_749, %sub3A_754 : vector<16xf32>
      %select_n3A_797 = arith.select %and3A_773, %mul3A_796, %broadcast_in_dim3A_75 : vector<16xi1>, vector<16xf32>
      %swap3A_798 = arith.constant 96 : index
      %swap3A_799 = tpu.vector_load %arg10[%swap3A_798] {strides = array<i32>} : memref<128xf32, #tpu.memory_space<vmem>>, vector<16xf32>,
      tpu.vector_store %arg10[%swap3A_798], %select_n3A_797 {strides = array<i32>} : memref<128xf32, #tpu.memory_space<vmem>>, vector<16xf32>,
      %mul3A_800 = arith.mulf %sub3A_749, %sub3A_758 : vector<16xf32>
      %select_n3A_801 = arith.select %and3A_773, %mul3A_800, %broadcast_in_dim3A_75 : vector<16xi1>, vector<16xf32>
      %swap3A_802 = arith.constant 96 : index
      %swap3A_803 = tpu.vector_load %arg11[%swap3A_802] {strides = array<i32>} : memref<128xf32, #tpu.memory_space<vmem>>, vector<16xf32>,
      tpu.vector_store %arg11[%swap3A_802], %select_n3A_801 {strides = array<i32>} : memref<128xf32, #tpu.memory_space<vmem>>, vector<16xf32>,
      %mul3A_804 = arith.mulf %sub3A_753, %sub3A_754 : vector<16xf32>
      %select_n3A_805 = arith.select %and3A_773, %mul3A_804, %broadcast_in_dim3A_75 : vector<16xi1>, vector<16xf32>
      %swap3A_806 = arith.constant 96 : index
      %swap3A_807 = tpu.vector_load %arg12[%swap3A_806] {strides = array<i32>} : memref<128xf32, #tpu.memory_space<vmem>>, vector<16xf32>,
      tpu.vector_store %arg12[%swap3A_806], %select_n3A_805 {strides = array<i32>} : memref<128xf32, #tpu.memory_space<vmem>>, vector<16xf32>,
      %mul3A_808 = arith.mulf %sub3A_753, %sub3A_758 : vector<16xf32>
      %select_n3A_809 = arith.select %and3A_773, %mul3A_808, %broadcast_in_dim3A_75 : vector<16xi1>, vector<16xf32>
      %swap3A_810 = arith.constant 96 : index
      %swap3A_811 = tpu.vector_load %arg13[%swap3A_810] {strides = array<i32>} : memref<128xf32, #tpu.memory_space<vmem>>, vector<16xf32>,
      tpu.vector_store %arg13[%swap3A_810], %select_n3A_809 {strides = array<i32>} : memref<128xf32, #tpu.memory_space<vmem>>, vector<16xf32>,
      %add3A_812 = arith.constant 112 : i32
      %add3A_813 = arith.addi %mul3A_127, %add3A_812 : i32
      %convert_element_type3A_814 = arith.sitofp %add3A_813 : i32 to f32
      %broadcast_in_dim3A_815 = vector.broadcast %convert_element_type3A_814 : f32 to vector<16xf32>
      %add3A_816 = arith.addf %broadcast_in_dim3A_815, %convert_element_type3A : vector<16xf32>
      %mul3A_817 = arith.mulf %get3A_39, %add3A_816 : vector<16xf32>
      %mul3A_818 = arith.mulf %get3A_43, %broadcast_in_dim3A_129 : vector<16xf32>
      %add3A_819 = arith.addf %mul3A_817, %mul3A_818 : vector<16xf32>
      %add3A_820 = arith.addf %add3A_819, %get3A_47 : vector<16xf32>
      %mul3A_821 = arith.mulf %get3A_51, %add3A_816 : vector<16xf32>
      %mul3A_822 = arith.mulf %get3A_55, %broadcast_in_dim3A_129 : vector<16xf32>
      %add3A_823 = arith.addf %mul3A_821, %mul3A_822 : vector<16xf32>
      %add3A_824 = arith.addf %add3A_823, %get3A_59 : vector<16xf32>
      %mul3A_825 = arith.mulf %get3A_63, %add3A_816 : vector<16xf32>
      %mul3A_826 = arith.mulf %get3A_67, %broadcast_in_dim3A_129 : vector<16xf32>
      %add3A_827 = arith.addf %mul3A_825, %mul3A_826 : vector<16xf32>
      %add3A_828 = arith.addf %add3A_827, %get3A_71 : vector<16xf32>
      %div3A_829 = arith.divf %add3A_820, %add3A_828 : vector<16xf32>
      %div3A_830 = arith.divf %add3A_824, %add3A_828 : vector<16xf32>
      %convert_element_type3A_831 = arith.fptosi %div3A_829 : vector<16xf32> to vector<16xi32>
      %jit3A_832 = arith.constant 0 : i32
      %jit3A_833 = arith.constant 510 : i32
      %max3A_834 = vector.broadcast %jit3A_832 : i32 to vector<16xi32>
      %max3A_835 = arith.maxsi %max3A_834, %convert_element_type3A_831 : vector<16xi32>
      %min3A_836 = vector.broadcast %jit3A_833 : i32 to vector<16xi32>
      %min3A_837 = arith.minsi %min3A_836, %max3A_835 : vector<16xi32>
      %convert_element_type3A_838 = arith.fptosi %div3A_830 : vector<16xf32> to vector<16xi32>
      %jit3A_839 = arith.constant 0 : i32
      %jit3A_840 = arith.constant 254 : i32
      %max3A_841 = vector.broadcast %jit3A_839 : i32 to vector<16xi32>
      %max3A_842 = arith.maxsi %max3A_841, %convert_element_type3A_838 : vector<16xi32>
      %min3A_843 = vector.broadcast %jit3A_840 : i32 to vector<16xi32>
      %min3A_844 = arith.minsi %min3A_843, %max3A_842 : vector<16xi32>
      %convert_element_type3A_845 = arith.sitofp %min3A_837 : vector<16xi32> to vector<16xf32>
      %convert_element_type3A_846 = arith.sitofp %min3A_844 : vector<16xi32> to vector<16xf32>
      %sub3A_847 = arith.subf %div3A_829, %convert_element_type3A_845 : vector<16xf32>
      %add3A_848 = arith.constant 1.000000e+00 : f32
      %add3A_849 = vector.broadcast %add3A_848 : f32 to vector<16xf32>
      %add3A_850 = arith.addf %convert_element_type3A_845, %add3A_849 : vector<16xf32>
      %sub3A_851 = arith.subf %add3A_850, %div3A_829 : vector<16xf32>
      %sub3A_852 = arith.subf %div3A_830, %convert_element_type3A_846 : vector<16xf32>
      %add3A_853 = arith.constant 1.000000e+00 : f32
      %add3A_854 = vector.broadcast %add3A_853 : f32 to vector<16xf32>
      %add3A_855 = arith.addf %convert_element_type3A_846, %add3A_854 : vector<16xf32>
      %sub3A_856 = arith.subf %add3A_855, %div3A_830 : vector<16xf32>
      %ge3A_857 = arith.constant 0.000000e+00 : f32
      %ge3A_858 = vector.broadcast %ge3A_857 : f32 to vector<16xf32>
      %ge3A_859 = arith.cmpf oge, %div3A_829, %ge3A_858 : vector<16xf32>
      %lt3A_860 = arith.constant 5.120000e+02 : f32
      %lt3A_861 = vector.broadcast %lt3A_860 : f32 to vector<16xf32>
      %lt3A_862 = arith.cmpf olt, %div3A_829, %lt3A_861 : vector<16xf32>
      %and3A_863 = arith.andi %ge3A_859, %lt3A_862 : vector<16xi1>
      %ge3A_864 = arith.constant 0.000000e+00 : f32
      %ge3A_865 = vector.broadcast %ge3A_864 : f32 to vector<16xf32>
      %ge3A_866 = arith.cmpf oge, %div3A_830, %ge3A_865 : vector<16xf32>
      %and3A_867 = arith.andi %and3A_863, %ge3A_866 : vector<16xi1>
      %lt3A_868 = arith.constant 2.560000e+02 : f32
      %lt3A_869 = vector.broadcast %lt3A_868 : f32 to vector<16xf32>
      %lt3A_870 = arith.cmpf olt, %div3A_830, %lt3A_869 : vector<16xf32>
      %and3A_871 = arith.andi %and3A_867, %lt3A_870 : vector<16xi1>
      %mul3A_872 = arith.constant 512 : i32
      %mul3A_873 = vector.broadcast %mul3A_872 : i32 to vector<16xi32>
      %mul3A_874 = arith.muli %min3A_844, %mul3A_873 : vector<16xi32>
      %add3A_875 = arith.addi %mul3A_874, %min3A_837 : vector<16xi32>
      %add3A_876 = arith.addi %add3A_875, %broadcast_in_dim3A : vector<16xi32>
      %swap3A_877 = arith.constant 112 : index
      %swap3A_878 = tpu.vector_load %arg6[%swap3A_877] {strides = array<i32>} : memref<128xi32, #tpu.memory_space<vmem>>, vector<16xi32>,
      tpu.vector_store %arg6[%swap3A_877], %add3A_876 {strides = array<i32>} : memref<128xi32, #tpu.memory_space<vmem>>, vector<16xi32>,
      %add3A_879 = arith.constant 1 : i32
      %add3A_880 = vector.broadcast %add3A_879 : i32 to vector<16xi32>
      %add3A_881 = arith.addi %add3A_876, %add3A_880 : vector<16xi32>
      %swap3A_882 = arith.constant 112 : index
      %swap3A_883 = tpu.vector_load %arg7[%swap3A_882] {strides = array<i32>} : memref<128xi32, #tpu.memory_space<vmem>>, vector<16xi32>,
      tpu.vector_store %arg7[%swap3A_882], %add3A_881 {strides = array<i32>} : memref<128xi32, #tpu.memory_space<vmem>>, vector<16xi32>,
      %add3A_884 = arith.constant 512 : i32
      %add3A_885 = vector.broadcast %add3A_884 : i32 to vector<16xi32>
      %add3A_886 = arith.addi %add3A_876, %add3A_885 : vector<16xi32>
      %swap3A_887 = arith.constant 112 : index
      %swap3A_888 = tpu.vector_load %arg8[%swap3A_887] {strides = array<i32>} : memref<128xi32, #tpu.memory_space<vmem>>, vector<16xi32>,
      tpu.vector_store %arg8[%swap3A_887], %add3A_886 {strides = array<i32>} : memref<128xi32, #tpu.memory_space<vmem>>, vector<16xi32>,
      %add3A_889 = arith.constant 513 : i32
      %add3A_890 = vector.broadcast %add3A_889 : i32 to vector<16xi32>
      %add3A_891 = arith.addi %add3A_876, %add3A_890 : vector<16xi32>
      %swap3A_892 = arith.constant 112 : index
      %swap3A_893 = tpu.vector_load %arg9[%swap3A_892] {strides = array<i32>} : memref<128xi32, #tpu.memory_space<vmem>>, vector<16xi32>,
      tpu.vector_store %arg9[%swap3A_892], %add3A_891 {strides = array<i32>} : memref<128xi32, #tpu.memory_space<vmem>>, vector<16xi32>,
      %mul3A_894 = arith.mulf %sub3A_847, %sub3A_852 : vector<16xf32>
      %select_n3A_895 = arith.select %and3A_871, %mul3A_894, %broadcast_in_dim3A_75 : vector<16xi1>, vector<16xf32>
      %swap3A_896 = arith.constant 112 : index
      %swap3A_897 = tpu.vector_load %arg10[%swap3A_896] {strides = array<i32>} : memref<128xf32, #tpu.memory_space<vmem>>, vector<16xf32>,
      tpu.vector_store %arg10[%swap3A_896], %select_n3A_895 {strides = array<i32>} : memref<128xf32, #tpu.memory_space<vmem>>, vector<16xf32>,
      %mul3A_898 = arith.mulf %sub3A_847, %sub3A_856 : vector<16xf32>
      %select_n3A_899 = arith.select %and3A_871, %mul3A_898, %broadcast_in_dim3A_75 : vector<16xi1>, vector<16xf32>
      %swap3A_900 = arith.constant 112 : index
      %swap3A_901 = tpu.vector_load %arg11[%swap3A_900] {strides = array<i32>} : memref<128xf32, #tpu.memory_space<vmem>>, vector<16xf32>,
      tpu.vector_store %arg11[%swap3A_900], %select_n3A_899 {strides = array<i32>} : memref<128xf32, #tpu.memory_space<vmem>>, vector<16xf32>,
      %mul3A_902 = arith.mulf %sub3A_851, %sub3A_852 : vector<16xf32>
      %select_n3A_903 = arith.select %and3A_871, %mul3A_902, %broadcast_in_dim3A_75 : vector<16xi1>, vector<16xf32>
      %swap3A_904 = arith.constant 112 : index
      %swap3A_905 = tpu.vector_load %arg12[%swap3A_904] {strides = array<i32>} : memref<128xf32, #tpu.memory_space<vmem>>, vector<16xf32>,
      tpu.vector_store %arg12[%swap3A_904], %select_n3A_903 {strides = array<i32>} : memref<128xf32, #tpu.memory_space<vmem>>, vector<16xf32>,
      %mul3A_906 = arith.mulf %sub3A_851, %sub3A_856 : vector<16xf32>
      %select_n3A_907 = arith.select %and3A_871, %mul3A_906, %broadcast_in_dim3A_75 : vector<16xi1>, vector<16xf32>
      %swap3A_908 = arith.constant 112 : index
      %swap3A_909 = tpu.vector_load %arg13[%swap3A_908] {strides = array<i32>} : memref<128xf32, #tpu.memory_space<vmem>>, vector<16xf32>,
      tpu.vector_store %arg13[%swap3A_908], %select_n3A_907 {strides = array<i32>} : memref<128xf32, #tpu.memory_space<vmem>>, vector<16xf32>,
      %dma_start3A = arith.constant 0 : i32
      %dma_start3A_910 = arith.constant 0 : i32
      %dma_start3A_911 = tpu.memref_slice %arg2[%dma_start3A, %dma_start3A_910] : memref<524288x64xf32, #tpu.memory_space<hbm>> -> memref<524288x64xf32, #tpu.memory_space<hbm>>
      tpu.enqueue_indirect_dma source(%dma_start3A_911 : memref<524288x64xf32, #tpu.memory_space<hbm>>) target(%arg14 : memref<128x64xf32, #tpu.memory_space<vmem>>) offsets(%arg6 : memref<128xi32, #tpu.memory_space<vmem>>) semaphore(%arg19 : memref<!tpu.dma_semaphore, #tpu.memory_space<semaphore_mem>>)
      %dma_start3A_912 = arith.constant 0 : i32
      %dma_start3A_913 = arith.constant 0 : i32
      %dma_start3A_914 = tpu.memref_slice %arg2[%dma_start3A_912, %dma_start3A_913] : memref<524288x64xf32, #tpu.memory_space<hbm>> -> memref<524288x64xf32, #tpu.memory_space<hbm>>
      tpu.enqueue_indirect_dma source(%dma_start3A_914 : memref<524288x64xf32, #tpu.memory_space<hbm>>) target(%arg15 : memref<128x64xf32, #tpu.memory_space<vmem>>) offsets(%arg7 : memref<128xi32, #tpu.memory_space<vmem>>) semaphore(%arg19 : memref<!tpu.dma_semaphore, #tpu.memory_space<semaphore_mem>>)
      %dma_start3A_915 = arith.constant 0 : i32
      %dma_start3A_916 = arith.constant 0 : i32
      %dma_start3A_917 = tpu.memref_slice %arg2[%dma_start3A_915, %dma_start3A_916] : memref<524288x64xf32, #tpu.memory_space<hbm>> -> memref<524288x64xf32, #tpu.memory_space<hbm>>
      tpu.enqueue_indirect_dma source(%dma_start3A_917 : memref<524288x64xf32, #tpu.memory_space<hbm>>) target(%arg16 : memref<128x64xf32, #tpu.memory_space<vmem>>) offsets(%arg8 : memref<128xi32, #tpu.memory_space<vmem>>) semaphore(%arg19 : memref<!tpu.dma_semaphore, #tpu.memory_space<semaphore_mem>>)
      %dma_start3A_918 = arith.constant 0 : i32
      %dma_start3A_919 = arith.constant 0 : i32
      %dma_start3A_920 = tpu.memref_slice %arg2[%dma_start3A_918, %dma_start3A_919] : memref<524288x64xf32, #tpu.memory_space<hbm>> -> memref<524288x64xf32, #tpu.memory_space<hbm>>
      tpu.enqueue_indirect_dma source(%dma_start3A_920 : memref<524288x64xf32, #tpu.memory_space<hbm>>) target(%arg17 : memref<128x64xf32, #tpu.memory_space<vmem>>) offsets(%arg9 : memref<128xi32, #tpu.memory_space<vmem>>) semaphore(%arg19 : memref<!tpu.dma_semaphore, #tpu.memory_space<semaphore_mem>>)
      %dma_wait3A = arith.constant 0 : i32
      %dma_wait3A_921 = arith.constant 0 : i32
      %dma_wait3A_922 = tpu.memref_slice %arg2[%dma_wait3A, %dma_wait3A_921] : memref<524288x64xf32, #tpu.memory_space<hbm>> -> memref<524288x64xf32, #tpu.memory_space<hbm>>
      tpu.wait_indirect_dma semaphore(%arg19 : memref<!tpu.dma_semaphore, #tpu.memory_space<semaphore_mem>>) src(%dma_wait3A_922 : memref<524288x64xf32, #tpu.memory_space<hbm>>) dst(%arg14 : memref<128x64xf32, #tpu.memory_space<vmem>>)
      %dma_wait3A_923 = arith.constant 0 : i32
      %dma_wait3A_924 = arith.constant 0 : i32
      %dma_wait3A_925 = tpu.memref_slice %arg2[%dma_wait3A_923, %dma_wait3A_924] : memref<524288x64xf32, #tpu.memory_space<hbm>> -> memref<524288x64xf32, #tpu.memory_space<hbm>>
      tpu.wait_indirect_dma semaphore(%arg19 : memref<!tpu.dma_semaphore, #tpu.memory_space<semaphore_mem>>) src(%dma_wait3A_925 : memref<524288x64xf32, #tpu.memory_space<hbm>>) dst(%arg15 : memref<128x64xf32, #tpu.memory_space<vmem>>)
      %dma_wait3A_926 = arith.constant 0 : i32
      %dma_wait3A_927 = arith.constant 0 : i32
      %dma_wait3A_928 = tpu.memref_slice %arg2[%dma_wait3A_926, %dma_wait3A_927] : memref<524288x64xf32, #tpu.memory_space<hbm>> -> memref<524288x64xf32, #tpu.memory_space<hbm>>
      tpu.wait_indirect_dma semaphore(%arg19 : memref<!tpu.dma_semaphore, #tpu.memory_space<semaphore_mem>>) src(%dma_wait3A_928 : memref<524288x64xf32, #tpu.memory_space<hbm>>) dst(%arg16 : memref<128x64xf32, #tpu.memory_space<vmem>>)
      %dma_wait3A_929 = arith.constant 0 : i32
      %dma_wait3A_930 = arith.constant 0 : i32
      %dma_wait3A_931 = tpu.memref_slice %arg2[%dma_wait3A_929, %dma_wait3A_930] : memref<524288x64xf32, #tpu.memory_space<hbm>> -> memref<524288x64xf32, #tpu.memory_space<hbm>>
      tpu.wait_indirect_dma semaphore(%arg19 : memref<!tpu.dma_semaphore, #tpu.memory_space<semaphore_mem>>) src(%dma_wait3A_931 : memref<524288x64xf32, #tpu.memory_space<hbm>>) dst(%arg17 : memref<128x64xf32, #tpu.memory_space<vmem>>)
      %get3A_932 = arith.constant 0 : index
      %get3A_933 = tpu.vector_load %arg10[%get3A_932] {strides = array<i32>} : memref<128xf32, #tpu.memory_space<vmem>>, vector<16xf32>,
      %get3A_934 = arith.constant 0 : index
      %get3A_935 = tpu.vector_load %arg11[%get3A_934] {strides = array<i32>} : memref<128xf32, #tpu.memory_space<vmem>>, vector<16xf32>,
      %get3A_936 = arith.constant 0 : index
      %get3A_937 = tpu.vector_load %arg12[%get3A_936] {strides = array<i32>} : memref<128xf32, #tpu.memory_space<vmem>>, vector<16xf32>,
      %get3A_938 = arith.constant 0 : index
      %get3A_939 = tpu.vector_load %arg13[%get3A_938] {strides = array<i32>} : memref<128xf32, #tpu.memory_space<vmem>>, vector<16xf32>,
      %broadcast_in_dim3A_940 = arith.constant 0 : i32
      %broadcast_in_dim3A_941 = vector.broadcast %broadcast_in_dim3A_940 : i32 to vector<16xi32>
      %add3A_942 = arith.addi %broadcast_in_dim3A_941, %iota3A : vector<16xi32>
      %parallel_loop3A = arith.constant 0 : i32
      %parallel_loop3A_943 = arith.constant 64 : i32
      %parallel_loop3A_944 = arith.constant 1 : i32
      scf.for %parallel_loop3A_1046 = %parallel_loop3A to %parallel_loop3A_943 step %parallel_loop3A_944  : i32 {
        %parallel_loop3A_1047 = vector.broadcast %parallel_loop3A_1046 : i32 to vector<16xi32>
        %parallel_loop3A_1048 = arith.addi %parallel_loop3A_1047, %iota3A : vector<16xi32>
        %parallel_loop3A_1049 = arith.constant 63 : i32
        %parallel_loop3A_1050 = vector.broadcast %parallel_loop3A_1049 : i32 to vector<16xi32>
        %parallel_loop3A_1051 = arith.andi %parallel_loop3A_1048, %parallel_loop3A_1050 : vector<16xi32>
        %parallel_loop3A_1052 = tpu.vector_load_idx %arg14[%add3A_942, %parallel_loop3A_1051] : memref<128x64xf32, #tpu.memory_space<vmem>>[vector<16xi32>, vector<16xi32>], vector<16xf32>,
        %parallel_loop3A_1053 = arith.mulf %get3A_933, %parallel_loop3A_1052 : vector<16xf32>
        %parallel_loop3A_1054 = tpu.vector_load_idx %arg15[%add3A_942, %parallel_loop3A_1051] : memref<128x64xf32, #tpu.memory_space<vmem>>[vector<16xi32>, vector<16xi32>], vector<16xf32>,
        %parallel_loop3A_1055 = arith.mulf %get3A_935, %parallel_loop3A_1054 : vector<16xf32>
        %parallel_loop3A_1056 = arith.addf %parallel_loop3A_1053, %parallel_loop3A_1055 : vector<16xf32>
        %parallel_loop3A_1057 = tpu.vector_load_idx %arg16[%add3A_942, %parallel_loop3A_1051] : memref<128x64xf32, #tpu.memory_space<vmem>>[vector<16xi32>, vector<16xi32>], vector<16xf32>,
        %parallel_loop3A_1058 = arith.mulf %get3A_937, %parallel_loop3A_1057 : vector<16xf32>
        %parallel_loop3A_1059 = arith.addf %parallel_loop3A_1056, %parallel_loop3A_1058 : vector<16xf32>
        %parallel_loop3A_1060 = tpu.vector_load_idx %arg17[%add3A_942, %parallel_loop3A_1051] : memref<128x64xf32, #tpu.memory_space<vmem>>[vector<16xi32>, vector<16xi32>], vector<16xf32>,
        %parallel_loop3A_1061 = arith.mulf %get3A_939, %parallel_loop3A_1060 : vector<16xf32>
        %parallel_loop3A_1062 = arith.addf %parallel_loop3A_1059, %parallel_loop3A_1061 : vector<16xf32>
        tpu.vector_store_idx %arg18[%add3A_942, %parallel_loop3A_1051], %parallel_loop3A_1062 : memref<128x64xf32, #tpu.memory_space<vmem>>[vector<16xi32>, vector<16xi32>], vector<16xf32>,
      } {sc.loop_unroll_factor = 8 : i64, sc.parallel_access}
      %get3A_945 = arith.constant 16 : index
      %get3A_946 = tpu.vector_load %arg10[%get3A_945] {strides = array<i32>} : memref<128xf32, #tpu.memory_space<vmem>>, vector<16xf32>,
      %get3A_947 = arith.constant 16 : index
      %get3A_948 = tpu.vector_load %arg11[%get3A_947] {strides = array<i32>} : memref<128xf32, #tpu.memory_space<vmem>>, vector<16xf32>,
      %get3A_949 = arith.constant 16 : index
      %get3A_950 = tpu.vector_load %arg12[%get3A_949] {strides = array<i32>} : memref<128xf32, #tpu.memory_space<vmem>>, vector<16xf32>,
      %get3A_951 = arith.constant 16 : index
      %get3A_952 = tpu.vector_load %arg13[%get3A_951] {strides = array<i32>} : memref<128xf32, #tpu.memory_space<vmem>>, vector<16xf32>,
      %broadcast_in_dim3A_953 = arith.constant 16 : i32
      %broadcast_in_dim3A_954 = vector.broadcast %broadcast_in_dim3A_953 : i32 to vector<16xi32>
      %add3A_955 = arith.addi %broadcast_in_dim3A_954, %iota3A : vector<16xi32>
      %parallel_loop3A_956 = arith.constant 0 : i32
      %parallel_loop3A_957 = arith.constant 64 : i32
      %parallel_loop3A_958 = arith.constant 1 : i32
      scf.for %parallel_loop3A_1046 = %parallel_loop3A_956 to %parallel_loop3A_957 step %parallel_loop3A_958  : i32 {
        %parallel_loop3A_1047 = vector.broadcast %parallel_loop3A_1046 : i32 to vector<16xi32>
        %parallel_loop3A_1048 = arith.addi %parallel_loop3A_1047, %iota3A : vector<16xi32>
        %parallel_loop3A_1049 = arith.constant 63 : i32
        %parallel_loop3A_1050 = vector.broadcast %parallel_loop3A_1049 : i32 to vector<16xi32>
        %parallel_loop3A_1051 = arith.andi %parallel_loop3A_1048, %parallel_loop3A_1050 : vector<16xi32>
        %parallel_loop3A_1052 = tpu.vector_load_idx %arg14[%add3A_955, %parallel_loop3A_1051] : memref<128x64xf32, #tpu.memory_space<vmem>>[vector<16xi32>, vector<16xi32>], vector<16xf32>,
        %parallel_loop3A_1053 = arith.mulf %get3A_946, %parallel_loop3A_1052 : vector<16xf32>
        %parallel_loop3A_1054 = tpu.vector_load_idx %arg15[%add3A_955, %parallel_loop3A_1051] : memref<128x64xf32, #tpu.memory_space<vmem>>[vector<16xi32>, vector<16xi32>], vector<16xf32>,
        %parallel_loop3A_1055 = arith.mulf %get3A_948, %parallel_loop3A_1054 : vector<16xf32>
        %parallel_loop3A_1056 = arith.addf %parallel_loop3A_1053, %parallel_loop3A_1055 : vector<16xf32>
        %parallel_loop3A_1057 = tpu.vector_load_idx %arg16[%add3A_955, %parallel_loop3A_1051] : memref<128x64xf32, #tpu.memory_space<vmem>>[vector<16xi32>, vector<16xi32>], vector<16xf32>,
        %parallel_loop3A_1058 = arith.mulf %get3A_950, %parallel_loop3A_1057 : vector<16xf32>
        %parallel_loop3A_1059 = arith.addf %parallel_loop3A_1056, %parallel_loop3A_1058 : vector<16xf32>
        %parallel_loop3A_1060 = tpu.vector_load_idx %arg17[%add3A_955, %parallel_loop3A_1051] : memref<128x64xf32, #tpu.memory_space<vmem>>[vector<16xi32>, vector<16xi32>], vector<16xf32>,
        %parallel_loop3A_1061 = arith.mulf %get3A_952, %parallel_loop3A_1060 : vector<16xf32>
        %parallel_loop3A_1062 = arith.addf %parallel_loop3A_1059, %parallel_loop3A_1061 : vector<16xf32>
        tpu.vector_store_idx %arg18[%add3A_955, %parallel_loop3A_1051], %parallel_loop3A_1062 : memref<128x64xf32, #tpu.memory_space<vmem>>[vector<16xi32>, vector<16xi32>], vector<16xf32>,
      } {sc.loop_unroll_factor = 8 : i64, sc.parallel_access}
      %get3A_959 = arith.constant 32 : index
      %get3A_960 = tpu.vector_load %arg10[%get3A_959] {strides = array<i32>} : memref<128xf32, #tpu.memory_space<vmem>>, vector<16xf32>,
      %get3A_961 = arith.constant 32 : index
      %get3A_962 = tpu.vector_load %arg11[%get3A_961] {strides = array<i32>} : memref<128xf32, #tpu.memory_space<vmem>>, vector<16xf32>,
      %get3A_963 = arith.constant 32 : index
      %get3A_964 = tpu.vector_load %arg12[%get3A_963] {strides = array<i32>} : memref<128xf32, #tpu.memory_space<vmem>>, vector<16xf32>,
      %get3A_965 = arith.constant 32 : index
      %get3A_966 = tpu.vector_load %arg13[%get3A_965] {strides = array<i32>} : memref<128xf32, #tpu.memory_space<vmem>>, vector<16xf32>,
      %broadcast_in_dim3A_967 = arith.constant 32 : i32
      %broadcast_in_dim3A_968 = vector.broadcast %broadcast_in_dim3A_967 : i32 to vector<16xi32>
      %add3A_969 = arith.addi %broadcast_in_dim3A_968, %iota3A : vector<16xi32>
      %parallel_loop3A_970 = arith.constant 0 : i32
      %parallel_loop3A_971 = arith.constant 64 : i32
      %parallel_loop3A_972 = arith.constant 1 : i32
      scf.for %parallel_loop3A_1046 = %parallel_loop3A_970 to %parallel_loop3A_971 step %parallel_loop3A_972  : i32 {
        %parallel_loop3A_1047 = vector.broadcast %parallel_loop3A_1046 : i32 to vector<16xi32>
        %parallel_loop3A_1048 = arith.addi %parallel_loop3A_1047, %iota3A : vector<16xi32>
        %parallel_loop3A_1049 = arith.constant 63 : i32
        %parallel_loop3A_1050 = vector.broadcast %parallel_loop3A_1049 : i32 to vector<16xi32>
        %parallel_loop3A_1051 = arith.andi %parallel_loop3A_1048, %parallel_loop3A_1050 : vector<16xi32>
        %parallel_loop3A_1052 = tpu.vector_load_idx %arg14[%add3A_969, %parallel_loop3A_1051] : memref<128x64xf32, #tpu.memory_space<vmem>>[vector<16xi32>, vector<16xi32>], vector<16xf32>,
        %parallel_loop3A_1053 = arith.mulf %get3A_960, %parallel_loop3A_1052 : vector<16xf32>
        %parallel_loop3A_1054 = tpu.vector_load_idx %arg15[%add3A_969, %parallel_loop3A_1051] : memref<128x64xf32, #tpu.memory_space<vmem>>[vector<16xi32>, vector<16xi32>], vector<16xf32>,
        %parallel_loop3A_1055 = arith.mulf %get3A_962, %parallel_loop3A_1054 : vector<16xf32>
        %parallel_loop3A_1056 = arith.addf %parallel_loop3A_1053, %parallel_loop3A_1055 : vector<16xf32>
        %parallel_loop3A_1057 = tpu.vector_load_idx %arg16[%add3A_969, %parallel_loop3A_1051] : memref<128x64xf32, #tpu.memory_space<vmem>>[vector<16xi32>, vector<16xi32>], vector<16xf32>,
        %parallel_loop3A_1058 = arith.mulf %get3A_964, %parallel_loop3A_1057 : vector<16xf32>
        %parallel_loop3A_1059 = arith.addf %parallel_loop3A_1056, %parallel_loop3A_1058 : vector<16xf32>
        %parallel_loop3A_1060 = tpu.vector_load_idx %arg17[%add3A_969, %parallel_loop3A_1051] : memref<128x64xf32, #tpu.memory_space<vmem>>[vector<16xi32>, vector<16xi32>], vector<16xf32>,
        %parallel_loop3A_1061 = arith.mulf %get3A_966, %parallel_loop3A_1060 : vector<16xf32>
        %parallel_loop3A_1062 = arith.addf %parallel_loop3A_1059, %parallel_loop3A_1061 : vector<16xf32>
        tpu.vector_store_idx %arg18[%add3A_969, %parallel_loop3A_1051], %parallel_loop3A_1062 : memref<128x64xf32, #tpu.memory_space<vmem>>[vector<16xi32>, vector<16xi32>], vector<16xf32>,
      } {sc.loop_unroll_factor = 8 : i64, sc.parallel_access}
      %get3A_973 = arith.constant 48 : index
      %get3A_974 = tpu.vector_load %arg10[%get3A_973] {strides = array<i32>} : memref<128xf32, #tpu.memory_space<vmem>>, vector<16xf32>,
      %get3A_975 = arith.constant 48 : index
      %get3A_976 = tpu.vector_load %arg11[%get3A_975] {strides = array<i32>} : memref<128xf32, #tpu.memory_space<vmem>>, vector<16xf32>,
      %get3A_977 = arith.constant 48 : index
      %get3A_978 = tpu.vector_load %arg12[%get3A_977] {strides = array<i32>} : memref<128xf32, #tpu.memory_space<vmem>>, vector<16xf32>,
      %get3A_979 = arith.constant 48 : index
      %get3A_980 = tpu.vector_load %arg13[%get3A_979] {strides = array<i32>} : memref<128xf32, #tpu.memory_space<vmem>>, vector<16xf32>,
      %broadcast_in_dim3A_981 = arith.constant 48 : i32
      %broadcast_in_dim3A_982 = vector.broadcast %broadcast_in_dim3A_981 : i32 to vector<16xi32>
      %add3A_983 = arith.addi %broadcast_in_dim3A_982, %iota3A : vector<16xi32>
      %parallel_loop3A_984 = arith.constant 0 : i32
      %parallel_loop3A_985 = arith.constant 64 : i32
      %parallel_loop3A_986 = arith.constant 1 : i32
      scf.for %parallel_loop3A_1046 = %parallel_loop3A_984 to %parallel_loop3A_985 step %parallel_loop3A_986  : i32 {
        %parallel_loop3A_1047 = vector.broadcast %parallel_loop3A_1046 : i32 to vector<16xi32>
        %parallel_loop3A_1048 = arith.addi %parallel_loop3A_1047, %iota3A : vector<16xi32>
        %parallel_loop3A_1049 = arith.constant 63 : i32
        %parallel_loop3A_1050 = vector.broadcast %parallel_loop3A_1049 : i32 to vector<16xi32>
        %parallel_loop3A_1051 = arith.andi %parallel_loop3A_1048, %parallel_loop3A_1050 : vector<16xi32>
        %parallel_loop3A_1052 = tpu.vector_load_idx %arg14[%add3A_983, %parallel_loop3A_1051] : memref<128x64xf32, #tpu.memory_space<vmem>>[vector<16xi32>, vector<16xi32>], vector<16xf32>,
        %parallel_loop3A_1053 = arith.mulf %get3A_974, %parallel_loop3A_1052 : vector<16xf32>
        %parallel_loop3A_1054 = tpu.vector_load_idx %arg15[%add3A_983, %parallel_loop3A_1051] : memref<128x64xf32, #tpu.memory_space<vmem>>[vector<16xi32>, vector<16xi32>], vector<16xf32>,
        %parallel_loop3A_1055 = arith.mulf %get3A_976, %parallel_loop3A_1054 : vector<16xf32>
        %parallel_loop3A_1056 = arith.addf %parallel_loop3A_1053, %parallel_loop3A_1055 : vector<16xf32>
        %parallel_loop3A_1057 = tpu.vector_load_idx %arg16[%add3A_983, %parallel_loop3A_1051] : memref<128x64xf32, #tpu.memory_space<vmem>>[vector<16xi32>, vector<16xi32>], vector<16xf32>,
        %parallel_loop3A_1058 = arith.mulf %get3A_978, %parallel_loop3A_1057 : vector<16xf32>
        %parallel_loop3A_1059 = arith.addf %parallel_loop3A_1056, %parallel_loop3A_1058 : vector<16xf32>
        %parallel_loop3A_1060 = tpu.vector_load_idx %arg17[%add3A_983, %parallel_loop3A_1051] : memref<128x64xf32, #tpu.memory_space<vmem>>[vector<16xi32>, vector<16xi32>], vector<16xf32>,
        %parallel_loop3A_1061 = arith.mulf %get3A_980, %parallel_loop3A_1060 : vector<16xf32>
        %parallel_loop3A_1062 = arith.addf %parallel_loop3A_1059, %parallel_loop3A_1061 : vector<16xf32>
        tpu.vector_store_idx %arg18[%add3A_983, %parallel_loop3A_1051], %parallel_loop3A_1062 : memref<128x64xf32, #tpu.memory_space<vmem>>[vector<16xi32>, vector<16xi32>], vector<16xf32>,
      } {sc.loop_unroll_factor = 8 : i64, sc.parallel_access}
      %get3A_987 = arith.constant 64 : index
      %get3A_988 = tpu.vector_load %arg10[%get3A_987] {strides = array<i32>} : memref<128xf32, #tpu.memory_space<vmem>>, vector<16xf32>,
      %get3A_989 = arith.constant 64 : index
      %get3A_990 = tpu.vector_load %arg11[%get3A_989] {strides = array<i32>} : memref<128xf32, #tpu.memory_space<vmem>>, vector<16xf32>,
      %get3A_991 = arith.constant 64 : index
      %get3A_992 = tpu.vector_load %arg12[%get3A_991] {strides = array<i32>} : memref<128xf32, #tpu.memory_space<vmem>>, vector<16xf32>,
      %get3A_993 = arith.constant 64 : index
      %get3A_994 = tpu.vector_load %arg13[%get3A_993] {strides = array<i32>} : memref<128xf32, #tpu.memory_space<vmem>>, vector<16xf32>,
      %broadcast_in_dim3A_995 = arith.constant 64 : i32
      %broadcast_in_dim3A_996 = vector.broadcast %broadcast_in_dim3A_995 : i32 to vector<16xi32>
      %add3A_997 = arith.addi %broadcast_in_dim3A_996, %iota3A : vector<16xi32>
      %parallel_loop3A_998 = arith.constant 0 : i32
      %parallel_loop3A_999 = arith.constant 64 : i32
      %parallel_loop3A_1000 = arith.constant 1 : i32
      scf.for %parallel_loop3A_1046 = %parallel_loop3A_998 to %parallel_loop3A_999 step %parallel_loop3A_1000  : i32 {
        %parallel_loop3A_1047 = vector.broadcast %parallel_loop3A_1046 : i32 to vector<16xi32>
        %parallel_loop3A_1048 = arith.addi %parallel_loop3A_1047, %iota3A : vector<16xi32>
        %parallel_loop3A_1049 = arith.constant 63 : i32
        %parallel_loop3A_1050 = vector.broadcast %parallel_loop3A_1049 : i32 to vector<16xi32>
        %parallel_loop3A_1051 = arith.andi %parallel_loop3A_1048, %parallel_loop3A_1050 : vector<16xi32>
        %parallel_loop3A_1052 = tpu.vector_load_idx %arg14[%add3A_997, %parallel_loop3A_1051] : memref<128x64xf32, #tpu.memory_space<vmem>>[vector<16xi32>, vector<16xi32>], vector<16xf32>,
        %parallel_loop3A_1053 = arith.mulf %get3A_988, %parallel_loop3A_1052 : vector<16xf32>
        %parallel_loop3A_1054 = tpu.vector_load_idx %arg15[%add3A_997, %parallel_loop3A_1051] : memref<128x64xf32, #tpu.memory_space<vmem>>[vector<16xi32>, vector<16xi32>], vector<16xf32>,
        %parallel_loop3A_1055 = arith.mulf %get3A_990, %parallel_loop3A_1054 : vector<16xf32>
        %parallel_loop3A_1056 = arith.addf %parallel_loop3A_1053, %parallel_loop3A_1055 : vector<16xf32>
        %parallel_loop3A_1057 = tpu.vector_load_idx %arg16[%add3A_997, %parallel_loop3A_1051] : memref<128x64xf32, #tpu.memory_space<vmem>>[vector<16xi32>, vector<16xi32>], vector<16xf32>,
        %parallel_loop3A_1058 = arith.mulf %get3A_992, %parallel_loop3A_1057 : vector<16xf32>
        %parallel_loop3A_1059 = arith.addf %parallel_loop3A_1056, %parallel_loop3A_1058 : vector<16xf32>
        %parallel_loop3A_1060 = tpu.vector_load_idx %arg17[%add3A_997, %parallel_loop3A_1051] : memref<128x64xf32, #tpu.memory_space<vmem>>[vector<16xi32>, vector<16xi32>], vector<16xf32>,
        %parallel_loop3A_1061 = arith.mulf %get3A_994, %parallel_loop3A_1060 : vector<16xf32>
        %parallel_loop3A_1062 = arith.addf %parallel_loop3A_1059, %parallel_loop3A_1061 : vector<16xf32>
        tpu.vector_store_idx %arg18[%add3A_997, %parallel_loop3A_1051], %parallel_loop3A_1062 : memref<128x64xf32, #tpu.memory_space<vmem>>[vector<16xi32>, vector<16xi32>], vector<16xf32>,
      } {sc.loop_unroll_factor = 8 : i64, sc.parallel_access}
      %get3A_1001 = arith.constant 80 : index
      %get3A_1002 = tpu.vector_load %arg10[%get3A_1001] {strides = array<i32>} : memref<128xf32, #tpu.memory_space<vmem>>, vector<16xf32>,
      %get3A_1003 = arith.constant 80 : index
      %get3A_1004 = tpu.vector_load %arg11[%get3A_1003] {strides = array<i32>} : memref<128xf32, #tpu.memory_space<vmem>>, vector<16xf32>,
      %get3A_1005 = arith.constant 80 : index
      %get3A_1006 = tpu.vector_load %arg12[%get3A_1005] {strides = array<i32>} : memref<128xf32, #tpu.memory_space<vmem>>, vector<16xf32>,
      %get3A_1007 = arith.constant 80 : index
      %get3A_1008 = tpu.vector_load %arg13[%get3A_1007] {strides = array<i32>} : memref<128xf32, #tpu.memory_space<vmem>>, vector<16xf32>,
      %broadcast_in_dim3A_1009 = arith.constant 80 : i32
      %broadcast_in_dim3A_1010 = vector.broadcast %broadcast_in_dim3A_1009 : i32 to vector<16xi32>
      %add3A_1011 = arith.addi %broadcast_in_dim3A_1010, %iota3A : vector<16xi32>
      %parallel_loop3A_1012 = arith.constant 0 : i32
      %parallel_loop3A_1013 = arith.constant 64 : i32
      %parallel_loop3A_1014 = arith.constant 1 : i32
      scf.for %parallel_loop3A_1046 = %parallel_loop3A_1012 to %parallel_loop3A_1013 step %parallel_loop3A_1014  : i32 {
        %parallel_loop3A_1047 = vector.broadcast %parallel_loop3A_1046 : i32 to vector<16xi32>
        %parallel_loop3A_1048 = arith.addi %parallel_loop3A_1047, %iota3A : vector<16xi32>
        %parallel_loop3A_1049 = arith.constant 63 : i32
        %parallel_loop3A_1050 = vector.broadcast %parallel_loop3A_1049 : i32 to vector<16xi32>
        %parallel_loop3A_1051 = arith.andi %parallel_loop3A_1048, %parallel_loop3A_1050 : vector<16xi32>
        %parallel_loop3A_1052 = tpu.vector_load_idx %arg14[%add3A_1011, %parallel_loop3A_1051] : memref<128x64xf32, #tpu.memory_space<vmem>>[vector<16xi32>, vector<16xi32>], vector<16xf32>,
        %parallel_loop3A_1053 = arith.mulf %get3A_1002, %parallel_loop3A_1052 : vector<16xf32>
        %parallel_loop3A_1054 = tpu.vector_load_idx %arg15[%add3A_1011, %parallel_loop3A_1051] : memref<128x64xf32, #tpu.memory_space<vmem>>[vector<16xi32>, vector<16xi32>], vector<16xf32>,
        %parallel_loop3A_1055 = arith.mulf %get3A_1004, %parallel_loop3A_1054 : vector<16xf32>
        %parallel_loop3A_1056 = arith.addf %parallel_loop3A_1053, %parallel_loop3A_1055 : vector<16xf32>
        %parallel_loop3A_1057 = tpu.vector_load_idx %arg16[%add3A_1011, %parallel_loop3A_1051] : memref<128x64xf32, #tpu.memory_space<vmem>>[vector<16xi32>, vector<16xi32>], vector<16xf32>,
        %parallel_loop3A_1058 = arith.mulf %get3A_1006, %parallel_loop3A_1057 : vector<16xf32>
        %parallel_loop3A_1059 = arith.addf %parallel_loop3A_1056, %parallel_loop3A_1058 : vector<16xf32>
        %parallel_loop3A_1060 = tpu.vector_load_idx %arg17[%add3A_1011, %parallel_loop3A_1051] : memref<128x64xf32, #tpu.memory_space<vmem>>[vector<16xi32>, vector<16xi32>], vector<16xf32>,
        %parallel_loop3A_1061 = arith.mulf %get3A_1008, %parallel_loop3A_1060 : vector<16xf32>
        %parallel_loop3A_1062 = arith.addf %parallel_loop3A_1059, %parallel_loop3A_1061 : vector<16xf32>
        tpu.vector_store_idx %arg18[%add3A_1011, %parallel_loop3A_1051], %parallel_loop3A_1062 : memref<128x64xf32, #tpu.memory_space<vmem>>[vector<16xi32>, vector<16xi32>], vector<16xf32>,
      } {sc.loop_unroll_factor = 8 : i64, sc.parallel_access}
      %get3A_1015 = arith.constant 96 : index
      %get3A_1016 = tpu.vector_load %arg10[%get3A_1015] {strides = array<i32>} : memref<128xf32, #tpu.memory_space<vmem>>, vector<16xf32>,
      %get3A_1017 = arith.constant 96 : index
      %get3A_1018 = tpu.vector_load %arg11[%get3A_1017] {strides = array<i32>} : memref<128xf32, #tpu.memory_space<vmem>>, vector<16xf32>,
      %get3A_1019 = arith.constant 96 : index
      %get3A_1020 = tpu.vector_load %arg12[%get3A_1019] {strides = array<i32>} : memref<128xf32, #tpu.memory_space<vmem>>, vector<16xf32>,
      %get3A_1021 = arith.constant 96 : index
      %get3A_1022 = tpu.vector_load %arg13[%get3A_1021] {strides = array<i32>} : memref<128xf32, #tpu.memory_space<vmem>>, vector<16xf32>,
      %broadcast_in_dim3A_1023 = arith.constant 96 : i32
      %broadcast_in_dim3A_1024 = vector.broadcast %broadcast_in_dim3A_1023 : i32 to vector<16xi32>
      %add3A_1025 = arith.addi %broadcast_in_dim3A_1024, %iota3A : vector<16xi32>
      %parallel_loop3A_1026 = arith.constant 0 : i32
      %parallel_loop3A_1027 = arith.constant 64 : i32
      %parallel_loop3A_1028 = arith.constant 1 : i32
      scf.for %parallel_loop3A_1046 = %parallel_loop3A_1026 to %parallel_loop3A_1027 step %parallel_loop3A_1028  : i32 {
        %parallel_loop3A_1047 = vector.broadcast %parallel_loop3A_1046 : i32 to vector<16xi32>
        %parallel_loop3A_1048 = arith.addi %parallel_loop3A_1047, %iota3A : vector<16xi32>
        %parallel_loop3A_1049 = arith.constant 63 : i32
        %parallel_loop3A_1050 = vector.broadcast %parallel_loop3A_1049 : i32 to vector<16xi32>
        %parallel_loop3A_1051 = arith.andi %parallel_loop3A_1048, %parallel_loop3A_1050 : vector<16xi32>
        %parallel_loop3A_1052 = tpu.vector_load_idx %arg14[%add3A_1025, %parallel_loop3A_1051] : memref<128x64xf32, #tpu.memory_space<vmem>>[vector<16xi32>, vector<16xi32>], vector<16xf32>,
        %parallel_loop3A_1053 = arith.mulf %get3A_1016, %parallel_loop3A_1052 : vector<16xf32>
        %parallel_loop3A_1054 = tpu.vector_load_idx %arg15[%add3A_1025, %parallel_loop3A_1051] : memref<128x64xf32, #tpu.memory_space<vmem>>[vector<16xi32>, vector<16xi32>], vector<16xf32>,
        %parallel_loop3A_1055 = arith.mulf %get3A_1018, %parallel_loop3A_1054 : vector<16xf32>
        %parallel_loop3A_1056 = arith.addf %parallel_loop3A_1053, %parallel_loop3A_1055 : vector<16xf32>
        %parallel_loop3A_1057 = tpu.vector_load_idx %arg16[%add3A_1025, %parallel_loop3A_1051] : memref<128x64xf32, #tpu.memory_space<vmem>>[vector<16xi32>, vector<16xi32>], vector<16xf32>,
        %parallel_loop3A_1058 = arith.mulf %get3A_1020, %parallel_loop3A_1057 : vector<16xf32>
        %parallel_loop3A_1059 = arith.addf %parallel_loop3A_1056, %parallel_loop3A_1058 : vector<16xf32>
        %parallel_loop3A_1060 = tpu.vector_load_idx %arg17[%add3A_1025, %parallel_loop3A_1051] : memref<128x64xf32, #tpu.memory_space<vmem>>[vector<16xi32>, vector<16xi32>], vector<16xf32>,
        %parallel_loop3A_1061 = arith.mulf %get3A_1022, %parallel_loop3A_1060 : vector<16xf32>
        %parallel_loop3A_1062 = arith.addf %parallel_loop3A_1059, %parallel_loop3A_1061 : vector<16xf32>
        tpu.vector_store_idx %arg18[%add3A_1025, %parallel_loop3A_1051], %parallel_loop3A_1062 : memref<128x64xf32, #tpu.memory_space<vmem>>[vector<16xi32>, vector<16xi32>], vector<16xf32>,
      } {sc.loop_unroll_factor = 8 : i64, sc.parallel_access}
      %get3A_1029 = arith.constant 112 : index
      %get3A_1030 = tpu.vector_load %arg10[%get3A_1029] {strides = array<i32>} : memref<128xf32, #tpu.memory_space<vmem>>, vector<16xf32>,
      %get3A_1031 = arith.constant 112 : index
      %get3A_1032 = tpu.vector_load %arg11[%get3A_1031] {strides = array<i32>} : memref<128xf32, #tpu.memory_space<vmem>>, vector<16xf32>,
      %get3A_1033 = arith.constant 112 : index
      %get3A_1034 = tpu.vector_load %arg12[%get3A_1033] {strides = array<i32>} : memref<128xf32, #tpu.memory_space<vmem>>, vector<16xf32>,
      %get3A_1035 = arith.constant 112 : index
      %get3A_1036 = tpu.vector_load %arg13[%get3A_1035] {strides = array<i32>} : memref<128xf32, #tpu.memory_space<vmem>>, vector<16xf32>,
      %broadcast_in_dim3A_1037 = arith.constant 112 : i32
      %broadcast_in_dim3A_1038 = vector.broadcast %broadcast_in_dim3A_1037 : i32 to vector<16xi32>
      %add3A_1039 = arith.addi %broadcast_in_dim3A_1038, %iota3A : vector<16xi32>
      %parallel_loop3A_1040 = arith.constant 0 : i32
      %parallel_loop3A_1041 = arith.constant 64 : i32
      %parallel_loop3A_1042 = arith.constant 1 : i32
      scf.for %parallel_loop3A_1046 = %parallel_loop3A_1040 to %parallel_loop3A_1041 step %parallel_loop3A_1042  : i32 {
        %parallel_loop3A_1047 = vector.broadcast %parallel_loop3A_1046 : i32 to vector<16xi32>
        %parallel_loop3A_1048 = arith.addi %parallel_loop3A_1047, %iota3A : vector<16xi32>
        %parallel_loop3A_1049 = arith.constant 63 : i32
        %parallel_loop3A_1050 = vector.broadcast %parallel_loop3A_1049 : i32 to vector<16xi32>
        %parallel_loop3A_1051 = arith.andi %parallel_loop3A_1048, %parallel_loop3A_1050 : vector<16xi32>
        %parallel_loop3A_1052 = tpu.vector_load_idx %arg14[%add3A_1039, %parallel_loop3A_1051] : memref<128x64xf32, #tpu.memory_space<vmem>>[vector<16xi32>, vector<16xi32>], vector<16xf32>,
        %parallel_loop3A_1053 = arith.mulf %get3A_1030, %parallel_loop3A_1052 : vector<16xf32>
        %parallel_loop3A_1054 = tpu.vector_load_idx %arg15[%add3A_1039, %parallel_loop3A_1051] : memref<128x64xf32, #tpu.memory_space<vmem>>[vector<16xi32>, vector<16xi32>], vector<16xf32>,
        %parallel_loop3A_1055 = arith.mulf %get3A_1032, %parallel_loop3A_1054 : vector<16xf32>
        %parallel_loop3A_1056 = arith.addf %parallel_loop3A_1053, %parallel_loop3A_1055 : vector<16xf32>
        %parallel_loop3A_1057 = tpu.vector_load_idx %arg16[%add3A_1039, %parallel_loop3A_1051] : memref<128x64xf32, #tpu.memory_space<vmem>>[vector<16xi32>, vector<16xi32>], vector<16xf32>,
        %parallel_loop3A_1058 = arith.mulf %get3A_1034, %parallel_loop3A_1057 : vector<16xf32>
        %parallel_loop3A_1059 = arith.addf %parallel_loop3A_1056, %parallel_loop3A_1058 : vector<16xf32>
        %parallel_loop3A_1060 = tpu.vector_load_idx %arg17[%add3A_1039, %parallel_loop3A_1051] : memref<128x64xf32, #tpu.memory_space<vmem>>[vector<16xi32>, vector<16xi32>], vector<16xf32>,
        %parallel_loop3A_1061 = arith.mulf %get3A_1036, %parallel_loop3A_1060 : vector<16xf32>
        %parallel_loop3A_1062 = arith.addf %parallel_loop3A_1059, %parallel_loop3A_1061 : vector<16xf32>
        tpu.vector_store_idx %arg18[%add3A_1039, %parallel_loop3A_1051], %parallel_loop3A_1062 : memref<128x64xf32, #tpu.memory_space<vmem>>[vector<16xi32>, vector<16xi32>], vector<16xf32>,
      } {sc.loop_unroll_factor = 8 : i64, sc.parallel_access}
      %mul3A_1043 = arith.constant 128 : i32
      %mul3A_1044 = arith.muli %add3A_84, %mul3A_1043 : i32
      %add3A_1045 = arith.addi %mul3A_34, %mul3A_1044 : i32
      "tpu.region"() ({
        %run_scoped3A = tpu.sem_alloc : memref<!tpu.dma_semaphore, #tpu.memory_space<semaphore_mem>>
        %dma_start3A_1046 = arith.constant 0 : i32
        %dma_start3A_1047 = tpu.memref_slice %arg4[%add3A_1045, %dma_start3A_1046] : memref<262144x64xf32, #tpu.memory_space<hbm>> -> memref<128x64xf32, #tpu.memory_space<hbm>>
        %dma_start3A_1048 = arith.constant 0 : i32
        %dma_start3A_1049 = tpu.memref_slice %arg4[%add3A_1045, %dma_start3A_1048] : memref<262144x64xf32, #tpu.memory_space<hbm>> -> memref<128x64xf32, #tpu.memory_space<hbm>>
        tpu.enqueue_dma source(%arg18 : memref<128x64xf32, #tpu.memory_space<vmem>>) target(%dma_start3A_1049 : memref<128x64xf32, #tpu.memory_space<hbm>>) target_semaphore(%run_scoped3A : memref<!tpu.dma_semaphore, #tpu.memory_space<semaphore_mem>>)
        %dma_wait3A_1050 = arith.constant 0 : i32
        %dma_wait3A_1051 = tpu.memref_slice %arg4[%add3A_1045, %dma_wait3A_1050] : memref<262144x64xf32, #tpu.memory_space<hbm>> -> memref<128x64xf32, #tpu.memory_space<hbm>>
        %dma_wait3A_1052 = arith.constant 0 : i32
        %dma_wait3A_1053 = tpu.memref_slice %arg4[%add3A_1045, %dma_wait3A_1052] : memref<262144x64xf32, #tpu.memory_space<hbm>> -> memref<128x64xf32, #tpu.memory_space<hbm>>
        tpu.wait_dma2 semaphore(%run_scoped3A : memref<!tpu.dma_semaphore, #tpu.memory_space<semaphore_mem>>) src(%arg18 : memref<128x64xf32, #tpu.memory_space<vmem>>) dst(%dma_wait3A_1053 : memref<128x64xf32, #tpu.memory_space<hbm>>)
        tpu.yield
      }) : () -> ()
    }
    %scan3A_79 = arith.constant 64 : i32
    return
  }
}

</mosaic_0001>

<sc_bundles>
// kernel: kernel.3.cloned.1.call-start
scs
__scs_entry_jumppad:
0x0: {  	(pc) =	sbr.rel $0x88, $3  }
0x1: {  	(tag) =	ssettag $0x0;
	lr =	simm.s32 $0x1  }
0x2: {  	[smem:$0x3F9D] =	sst lr;
	_ =	strace $0xD0000000  }
0x3: {  	_ = 	snop  }
0x4: {  	_ = 	snop  }
0x5: {  	_ = 	snop  }
0x6: {  	_ = 	snop  }
0x7: {  	_ = 	snop  }
__scs_overlays_trampoline_lowered:
0x8: {  	[smem:$0x3FAC] =	sst s0  }
0x9: {  	[smem:$0x3FAD] =	sst s1  }
0xa: {  	[smem:$0x3FAE] =	sst s2  }
0xb: {  	[smem:$0x3FAF] =	sst s3  }
0xc: {  	[smem:$0x3FB0] =	sst s4  }
0xd: {  	[smem:$0x3FB1] =	sst s5  }
0xe: {  	[smem:$0x3FB2] =	sst s6  }
0xf: {  	[smem:$0x3FB3] =	sst s7  }
0x10: {  	[smem:$0x3FB4] =	sst s8  }
0x11: {  	[smem:$0x3FB5] =	sst s9;
	s0 =	simm.s32 @!p0 $0x0  }
0x12: {  	s1 =	sld [smem:$0x3F9B];
	s0 =	simm.s32 @p0 $0x1  }
0x13: {  	[smem:$0x3FB6] =	sst s0;
	s0 =	simm.s32 @!p1 $0x0  }
0x14: {  	s2 =	sld [smem:$0x3F9A];
	s0 =	simm.s32 @p1 $0x1  }
0x15: {  	[smem:$0x3FB7] =	sst s0;
	s0 =	simm.s32 @!p2 $0x0  }
0x16: {  	s3 =	sld [smem:$0x3FDB];
	s0 =	simm.s32 @p2 $0x1  }
0x17: {  	s4 =	simm.s32 $0x1BF5;
	[smem:$0x3FB9] =	sst s0  }
0x18: {  	s0 =	sld [smem:$0x3F9C];
	_ =	swait.ge [sflag:s4], $0x0  }
0x19: {  	s7 =	sld [smem:$0x3F9D]  }
0x1a: {  	s8 =	sadd.s32 $0xFFFFE003, lr  }
0x1b: {  	s9 =	sadd.s32 $0xFFFFFEF7, lr;
	s5 =	simm.s32 $0xFFFFFFFF;
	p2 =	slt.u32 s8, $0xFFFFF086  }
0x1c: {  	p1 =	slt.u32 s9, $0xF7A;
	s5 =	simm.s32 @!p2 $0x0  }
0x1d: {  	s5 =	simm.s32 @p1 $0x1;
	p0 =	seq.s32 s7, s2  }
0x1e: {  	s7 =	smul.u32 @!p0 $0xF7A, s2;
	p2 =	seq.s32 @!p0 s5, $0x0  }
0x1f: {  	s9 =	smul.u32 $0xF7A, s1;
	s8 =	simm.s32 @!p0 $0x1BF5;
	p2 =	por !p2, p0  }
0x20: {  	[sflag:s8] =	ssyncset.s32 @!p0 $0xFFFFF086;
	s6 =	sadd.s32 @!p0 s3, s7;
	s7 =	simm.s32 @!p0 $0x108  }
0x21: {  	s3 =	sadd.s32 s3, s9;
	s6 =	sadd.s32 @!p0 $0x88, s6;
	s7 =	simm.s32 @p2 $0x1082  }
0x22: {  	[simem:s7], [sflag:s8] =	dma.local @!p0 [hbm:s6], $0xF7A  }
0x23: {  	s9 =	sor.u32 $0xD0000000, s2;
	s6 =	simm.s32 $0x108;
	_ =	swait.ge @!p0 [sflag:s8], $0x0  }
0x24: {  	s3 =	sadd.s32 $0x88, s3;
	s6 =	simm.s32 @!p1 $0x1082;
	[sflag:s4] =	ssyncset.s32 $0xFFFFF086  }
0x25: {  	[simem:s6], [sflag:s4] =	dma.local [hbm:s3], $0xF7A  }
0x26: {  	[smem:$0x3F9D] =	sst s1;
	(tag) =	ssettag s2;
	_ =	strace s9  }
0x27: {  	s1 =	sld [smem:$0x3FAD]  }
0x28: {  	s2 =	sld [smem:$0x3FAE]  }
0x29: {  	s4 =	sld [smem:$0x3FB0]  }
0x2a: {  	p0 =	seq.s32 s5, $0x0;
	s5 =	sld [smem:$0x3FB1]  }
0x2b: {  	s6 =	sld [smem:$0x3FB2]  }
0x2c: {  	s7 =	sld [smem:$0x3FB3]  }
0x2d: {  	s3 =	simm.s32 $0x108;
	s8 =	sld [smem:$0x3FB4]  }
0x2e: {  	s3 =	simm.s32 @!p0 $0x1082;
	s9 =	sld [smem:$0x3FB5]  }
0x2f: {  	lr =	sadd.s32 s0, s3;
	s0 =	sld [smem:$0x3FAC]  }
0x30: {  	s3 =	sld [smem:$0x3FAF]  }
0x31: {  	[smem:$0x3FB8] =	sst s10  }
0x32: {  	s10 =	sld [smem:$0x3FB6];
	_ =	sdelay $0x3  }
0x33: {  	p0 =	seq.s32 s10, $0x1;
	s10 =	sld [smem:$0x3FB8];
	_ =	sdelay $0x3  }
0x34: {  	[smem:$0x3FB8] =	sst s10  }
0x35: {  	s10 =	sld [smem:$0x3FB7];
	_ =	sdelay $0x3  }
0x36: {  	p1 =	seq.s32 s10, $0x1;
	s10 =	sld [smem:$0x3FB8];
	_ =	sdelay $0x3  }
0x37: {  	[smem:$0x3FB8] =	sst s10  }
0x38: {  	s10 =	sld [smem:$0x3FB9]  }
0x39: {  	_ = 	snop;
	(pc) =	sbr.ind lr, $3  }
0x3a: {  	_ = 	snop  }
0x3b: {  	_ = 	snop  }
0x3c: {  	p2 =	seq.s32 s10, $0x1;
	s10 =	sld [smem:$0x3FB8]  }
0x3d: {  	_ =	shalt  }
0x3e: {  	_ =	shalt  }
0x3f: {  	_ =	shalt  }
0x40: {  	_ =	shalt  }
0x41: {  	_ =	shalt  }
0x42: {  	_ =	shalt  }
0x43: {  	_ =	shalt  }
0x44: {  	_ =	shalt  }
0x45: {  	_ =	shalt  }
0x46: {  	_ =	shalt  }
0x47: {  	_ =	shalt  }
0x48: {  	_ =	shalt  }
0x49: {  	_ =	shalt  }
0x4a: {  	_ =	shalt  }
0x4b: {  	_ =	shalt  }
0x4c: {  	_ =	shalt  }
0x4d: {  	_ =	shalt  }
0x4e: {  	_ =	shalt  }
0x4f: {  	_ =	shalt  }
0x50: {  	_ =	shalt  }
0x51: {  	_ =	shalt  }
0x52: {  	_ =	shalt  }
0x53: {  	_ =	shalt  }
0x54: {  	_ =	shalt  }
0x55: {  	_ =	shalt  }
0x56: {  	_ =	shalt  }
0x57: {  	_ =	shalt  }
0x58: {  	_ =	shalt  }
0x59: {  	_ =	shalt  }
0x5a: {  	_ =	shalt  }
0x5b: {  	_ =	shalt  }
0x5c: {  	_ =	shalt  }
0x5d: {  	_ =	shalt  }
0x5e: {  	_ =	shalt  }
0x5f: {  	_ =	shalt  }
0x60: {  	_ =	shalt  }
0x61: {  	_ =	shalt  }
0x62: {  	_ =	shalt  }
0x63: {  	_ =	shalt  }
0x64: {  	_ =	shalt  }
0x65: {  	_ =	shalt  }
0x66: {  	_ =	shalt  }
0x67: {  	_ =	shalt  }
0x68: {  	_ =	shalt  }
0x69: {  	_ =	shalt  }
0x6a: {  	_ =	shalt  }
0x6b: {  	_ =	shalt  }
0x6c: {  	_ =	shalt  }
0x6d: {  	_ =	shalt  }
0x6e: {  	_ =	shalt  }
0x6f: {  	_ =	shalt  }
0x70: {  	_ =	shalt  }
0x71: {  	_ =	shalt  }
0x72: {  	_ =	shalt  }
0x73: {  	_ =	shalt  }
0x74: {  	_ =	shalt  }
0x75: {  	_ =	shalt  }
0x76: {  	_ =	shalt  }
0x77: {  	_ =	shalt  }
0x78: {  	_ =	shalt  }
0x79: {  	_ =	shalt  }
0x7a: {  	_ =	shalt  }
0x7b: {  	_ =	shalt  }
0x7c: {  	_ =	shalt  }
0x7d: {  	_ =	shalt  }
0x7e: {  	_ =	shalt  }
0x7f: {  	_ =	shalt  }
0x80: {  	_ =	shalt  }
0x81: {  	_ =	shalt  }
0x82: {  	_ =	shalt  }
0x83: {  	_ =	shalt  }
0x84: {  	_ =	shalt  }
0x85: {  	_ =	shalt  }
0x86: {  	_ =	shalt  }
0x87: {  	_ =	shalt  }
.Lfunc_end0:
.L_simem_size_0:
called_computation.2_lowered:
.L_overlay_start_0:
0x88: {  	s2 =	sld [smem:$0x3FD9]  }
0x89: {  	s3 =	sld [smem:$0x3FFE];
	_ =	sdelay $0x1  }
0x8a: {  	s1 =	srdreg.scid  }
0x8b: {  	s0 =	sand.u32 $0x1, s1  }
0x8c: {  	s17 =	sshll.u32 s0, $0xA;
	s2 =	sadd.s32 s3, s2  }
0x8d: {  	s2 =	sadd.s32 s2, s17  }
0x8e: {  	[smem:$0x3FC4] =	sst s2  }
0x8f: {  	_ = 	snop  }
0x90: {  	s2 =	sld [smem:$0x3FD0];
	(tm) =	ssettm $0x1  }
0x91: {  	s18 =	sld [smem:$0x3FFB];
	_ =	sdelay $0x3  }
0x92: {  	_ =	strace s18  }
0x93: {  	s3 =	sld [smem:$0x3FFC];
	_ =	sdelay $0x3  }
0x94: {  	_ =	strace s3  }
0x95: {  	s3 =	sld [smem:$0x3FFD];
	_ =	sdelay $0x3  }
0x96: {  	_ =	strace s3  }
0x97: {  	_ =	strace $0x8FFFFFFF  }
0x98: {  	s19 =	sld [smem:$0x3FDB];
	_ =	sdelay $0x1  }
0x99: {  	s4 =	simm.s32 $_scs_section_size  }
0x9a: {  	s5 =	simm.s32 $_size__tile_overlayer_lowered;
	s6 =	simm.s32 $_tile_overlayer_lowered  }
0x9b: {  	s22 =	simm.s32 $0x1BFF;
	s21 =	sshll.u32 s6, $0x1;
	s3 =	sadd.s32 s4, s19  }
0x9c: {  	s7 =	simm.s32 $0x0;
	s20 =	sshll.u32 s5, $0x1;
	s5 =	sadd.s32 s21, s3  }
0x9d: {  	[timem:s7], [sflag:s22] =	dma.local [hbm:s5], s20  }
0x9e: {  	_ =	swait.ge [sflag:s22], s20  }
0x9f: {  	s4 =	ssub.s32 $0x0, s20;
	[sflag:s22] =	ssyncset.done $0x0  }
0xa0: {  	[sflag:s22] =	ssyncadd.s32 s4;
	_ =	sdelay $0x1  }
0xa1: {  	s23 =	simm.s32 $0x1B8B  }
0xa2: {  	_ =	swait.ge [sflag:s23], $0x1  }
0xa3: {  	[sflag:s23] =	ssyncset.done $0x0  }
0xa4: {  	s25 =	simm.s32 $0x1B8E;
	s24 =	sld [smem:$0x3FFE];
	[sflag:s23] =	ssyncadd.s32 $0xFFFFFFFF  }
0xa5: {  	s26 =	simm.s32 $execute0_lowered;
	[smem:$0x3FD2] =	sst s25  }
0xa6: {  	s5 =	sshll.u32 s26, $0x1;
	_ =	strace $0x80000049;
	[dreg:$0x1] =	wrdreg $0xFFFFFFFF  }
0xa7: {  	s28 =	simm.s32 $_size_execute0_lowered;
	s3 =	sadd.s32 s3, s5;
	[dreg:$0x0] =	wrdreg $0x0  }
0xa8: {  	s5 =	sshll.u32 s28, $0x1;
	[dreg:$0x2] =	wrdreg s3  }
0xa9: {  	[dreg:$0x3] =	wrdreg s5  }
0xaa: {  	[dreg:$0x4] =	wrdreg $0xC0  }
0xab: {  	_ =	task [dreg:s7], $0x5FFFF  }
0xac: {  	[dreg:$0x1] =	wrdreg $0xFFFFFFFF  }
0xad: {  	[dreg:$0x0] =	wrdreg $0x60  }
0xae: {  	[dreg:$0x2] =	wrdreg s24  }
0xaf: {  	[dreg:$0x3] =	wrdreg s2  }
0xb0: {  	[dreg:$0x4] =	wrdreg $0x9  }
0xb1: {  	_ =	task.clear_ibuf [dreg:s7], $0x5FFFF;
	_ =	strace $0x90000049  }
0xb2: {  	s29 =	simm.s32 $0x9;
	_ =	strace $0x8000004B  }
0xb3: {  	_ =	swait.ge [sflag:s29], $0x1  }
0xb4: {  	[sflag:s29] =	ssyncadd.s32 $0xFFFFFFFF  }
0xb5: {  	_ =	strace $0x9000004B  }
0xb6: {  	_ =	sfence  }
0xb7: {  	s30 =	sld [smem:$0x0];
	_ =	sdelay $0x2  }
0xb8: {  	s31 =	sshll.u32 s1, $0xD;
	s1 =	sshrl.u32 s1, $0x2  }
0xb9: {  	s3 =	sand.u32 $0x4000, s31;
	s1 =	sadd.s32 s1, s30  }
0xba: {  	s0 =	sor.u32 s3, s0;
	s1 =	sshll.u32 s1, $0x11  }
0xbb: {  	s0 =	sor.u32 s1, s0  }
0xbc: {  	s0 =	sadd.s32 $0x8F2B, s0  }
0xbd: {  	[sflag:s0] =	ssyncadd.remote.s32 $0x1  }
0xbe: {  	_ =	sfence.sel $0xFFFF  }
0xbf: {  	[dreg:$0x0] =	wrdreg $0xFFFFFFFF;
	(pc) =	sbr.abs _section_cstart, $3  }
0xc0: {  	[dreg:$0x1] =	wrdreg $0xFFFFFFFF  }
0xc1: {  	_ =	task.clear_ibuf [dreg:s7], $0x2FFFF;
	_ =	strace $0x9FFFFFFF  }
0xc2: {  	(tm) =	ssettm $0x7FFFFFFF  }
0xc3: {  	_ =	shalt  }
tec
execute0_lowered:
.L_overlay_start_1:
0x0: {  	(tag) =	ssettag $0x1  }
0x1: {  	v0 =	vimm.f32 $1.500000000e+01;
	vm14 =	vcmask $0x300  }
0x2: {  	vm13 =	vcmask $0x704;
	vm12 =	vcmask $0xB08;
	vm11 =	vcmask $0xF0C  }
0x3: {  	vm10 =	vcmask $0x1310;
	vm9 =	vcmask $0x1714;
	vm8 =	vcmask $0x1B18  }
0x4: {  	vm7 =	vcmask $0x1F1C;
	v2 =	vimm.s32 $0xC3824100;
	v3 =	vimm.s32 $0x7C7  }
0x5: {  	vm1 =	vcmask $0x2320;
	vm0 =	vcmask $0x2724;
	vm2 =	vcmask $0xF00  }
0x6: {  	vm15 =	vcmask $0x2B28;
	vm3 =	vcmask $0x2F2C;
	vm4 =	vcmask $0x3330  }
0x7: {  	vm5 =	vcmask $0x3734;
	vm6 =	vcmask $0x3B38;
	v6 =	vimm.s32 $0xFC7  }
0x8: {  	v7 =	vimm.s32 $0x13C7;
	v8 =	vimm.s32 $0x17C7;
	v9 =	vimm.s32 $0x1BC7  }
0x9: {  	v10 =	vimm.s32 $0x1FC7;
	v0 =	vsel vm14, $0x0, v0;
	v2 =	vunpack.c.0.s8.s32 v2  }
0xa: {  	v3 =	vsel vm14, $0x400, v3;
	v6 =	vsel vm14, $0xC00, v6;
	v7 =	vsel vm14, $0x1000, v7  }
0xb: {  	v8 =	vsel vm14, $0x1400, v8;
	v9 =	vsel vm14, $0x1800, v9;
	v10 =	vsel vm14, $0x1C00, v10  }
0xc: {  	v0 =	vsel vm13, $0x3F800000, v0;
	v3 =	vsel vm13, $0x441, v3;
	v6 =	vsel vm13, $0xC41, v6  }
0xd: {  	v7 =	vsel vm13, $0x1041, v7;
	v8 =	vsel vm13, $0x1441, v8;
	v9 =	vsel vm13, $0x1841, v9  }
0xe: {  	v10 =	vsel vm13, $0x1C41, v10;
	v0 =	vsel vm12, $0x40000000, v0;
	v2 =	vand.u32 $0xFF, v2  }
0xf: {  	v3 =	vsel vm12, $0x482, v3;
	v6 =	vsel vm12, $0xC82, v6;
	v7 =	vsel vm12, $0x1082, v7  }
0x10: {  	v8 =	vsel vm12, $0x1482, v8;
	v9 =	vsel vm12, $0x1882, v9;
	v10 =	vsel vm12, $0x1C82, v10  }
0x11: {  	v0 =	vsel vm11, $0x40400000, v0;
	v2 =	vnsel vm2, $0x3C7, v2;
	v3 =	vsel vm11, $0x4C3, v3  }
0x12: {  	v6 =	vsel vm11, $0xCC3, v6;
	v7 =	vsel vm11, $0x10C3, v7;
	v8 =	vsel vm11, $0x14C3, v8  }
0x13: {  	s0 =	stileid.u32;
	v9 =	vsel vm11, $0x18C3, v9;
	v10 =	vsel vm11, $0x1CC3, v10;
	v0 =	vsel vm10, $0x40800000, v0  }
0x14: {  	s4 =	sshrl.u32 s0, $0x2;
	v2 =	vsel vm10, $0x104, v2;
	v3 =	vsel vm10, $0x504, v3;
	v6 =	vsel vm10, $0xD04, v6  }
0x15: {  	s1 =	sshll.u32 s4, $0x11;
	v7 =	vsel vm10, $0x1104, v7;
	v8 =	vsel vm10, $0x1504, v8;
	v9 =	vsel vm10, $0x1904, v9  }
0x16: {  	v10 =	vsel vm10, $0x1D04, v10;
	v1 =	vsel vm9, $0x40A00000, v0;
	v0 =	vmov s1  }
0x17: {  	v2 =	vsel vm9, $0x145, v2;
	v3 =	vsel vm9, $0x545, v3;
	v6 =	vsel vm9, $0xD45, v6  }
0x18: {  	v7 =	vsel vm9, $0x1145, v7;
	v8 =	vsel vm9, $0x1545, v8;
	v9 =	vsel vm9, $0x1945, v9  }
0x19: {  	v10 =	vsel vm9, $0x1D45, v10;
	v1 =	vsel vm8, $0x40C00000, v1;
	v2 =	vsel vm8, $0x186, v2  }
0x1a: {  	v3 =	vsel vm8, $0x586, v3;
	v6 =	vsel vm8, $0xD86, v6;
	v7 =	vsel vm8, $0x1186, v7  }
0x1b: {  	v8 =	vsel vm8, $0x1586, v8;
	v9 =	vsel vm8, $0x1986, v9;
	v10 =	vsel vm8, $0x1D86, v10  }
0x1c: {  	v1 =	vsel vm7, $0x40E00000, v1;
	v2 =	vsel vm7, $0x1C7, v2;
	v3 =	vsel vm7, $0x5C7, v3  }
0x1d: {  	v6 =	vsel vm7, $0xDC7, v6;
	v7 =	vsel vm7, $0x11C7, v7;
	v8 =	vsel vm7, $0x15C7, v8  }
0x1e: {  	v9 =	vsel vm7, $0x19C7, v9;
	v10 =	vsel vm7, $0x1DC7, v10;
	v1 =	vsel vm1, $0x41000000, v1  }
0x1f: {  	v2 =	vsel vm1, $0x200, v2;
	v3 =	vsel vm1, $0x600, v3;
	v6 =	vsel vm1, $0xE00, v6  }
0x20: {  	v7 =	vsel vm1, $0x1200, v7;
	v8 =	vsel vm1, $0x1600, v8;
	v9 =	vsel vm1, $0x1A00, v9  }
0x21: {  	v10 =	vsel vm1, $0x1E00, v10;
	v1 =	vsel vm0, $0x41100000, v1;
	v2 =	vsel vm0, $0x241, v2  }
0x22: {  	v3 =	vsel vm0, $0x641, v3;
	v6 =	vsel vm0, $0xE41, v6;
	v7 =	vsel vm0, $0x1241, v7  }
0x23: {  	v8 =	vsel vm0, $0x1641, v8;
	v2 =	vsel vm15, $0x282, v2;
	v3 =	vsel vm15, $0x682, v3  }
0x24: {  	v9 =	vsel vm0, $0x1A41, v9;
	v2 =	vsel vm3, $0x2C3, v2;
	v3 =	vsel vm3, $0x6C3, v3  }
0x25: {  	v10 =	vsel vm0, $0x1E41, v10;
	v2 =	vsel vm4, $0x304, v2;
	v3 =	vsel vm4, $0x704, v3  }
0x26: {  	v1 =	vsel vm15, $0x41200000, v1;
	v4 =	vsel vm5, $0x345, v2;
	v5 =	vsel vm5, $0x745, v3  }
0x27: {  	v3 =	vsel vm6, $0x386, v4;
	v4 =	vsel vm6, $0x786, v5;
	v5 =	vimm.s32 $0xBC7  }
0x28: {  	v6 =	vsel vm15, $0xE82, v6;
	v7 =	vsel vm15, $0x1282, v7;
	v5 =	vsel vm14, $0x800, v5  }
0x29: {  	v8 =	vsel vm15, $0x1682, v8;
	v9 =	vsel vm15, $0x1A82, v9;
	v5 =	vsel vm13, $0x841, v5  }
0x2a: {  	s5 =	rddreg [dreg:$0x0];
	v10 =	vsel vm15, $0x1E82, v10;
	v1 =	vsel vm3, $0x41300000, v1;
	v5 =	vsel vm12, $0x882, v5  }
0x2b: {  	s6 =	rddreg [dreg:$0x1];
	v6 =	vsel vm3, $0xEC3, v6;
	v7 =	vsel vm3, $0x12C3, v7;
	v5 =	vsel vm11, $0x8C3, v5  }
0x2c: {  	s2 =	simm.s32 $0x0;
	s3 =	srdreg.scid;
	s11 =	simm.s32 $0x490;
	v8 =	vsel vm3, $0x16C3, v8;
	v9 =	vsel vm3, $0x1AC3, v9;
	v5 =	vsel vm10, $0x904, v5  }
0x2d: {  	s12 =	simm.s32 $0x110;
	s13 =	simm.s32 $0x2490;
	s14 =	simm.s32 $0x190;
	v10 =	vsel vm3, $0x1EC3, v10;
	v1 =	vsel vm4, $0x41400000, v1;
	v5 =	vsel vm9, $0x945, v5  }
0x2e: {  	s15 =	simm.s32 $0x4490;
	s16 =	simm.s32 $0x210;
	s17 =	simm.s32 $0x6490;
	v6 =	vsel vm4, $0xF04, v6;
	v7 =	vsel vm4, $0x1304, v7;
	v5 =	vsel vm8, $0x986, v5  }
0x2f: {  	s18 =	simm.s32 $0x1;
	s19 =	simm.s32 $0x8490;
	s20 =	simm.s32 $0x0;
	v8 =	vsel vm4, $0x1704, v8;
	v9 =	vsel vm4, $0x1B04, v9;
	v5 =	vsel vm7, $0x9C7, v5  }
0x30: {  	[smem:$0x7FF] =	sst s2;
	s7 =	sand.u32 $0x1, s3;
	s3 =	sadd.s32 $0x802E00, s5;
	v10 =	vsel vm4, $0x1F04, v10;
	v1 =	vsel vm5, $0x41500000, v1;
	v5 =	vsel vm1, $0xA00, v5  }
0x31: {  	s9 =	sshll.u32 s0, $0x1;
	s8 =	ssub.s32 $0x2, s7;
	s4 =	sshll.u32 s4, $0x5;
	v2 =	vlaneseq.u32;
	v6 =	vsel vm5, $0xF45, v6;
	v5 =	vsel vm0, $0xA41, v5  }
0x32: {  	s7 =	sor.u32 s7, s9;
	s9 =	simm.s32 $0x80;
	s10 =	sshrl.u32 s8, $0x1;
	v7 =	vsel vm5, $0x1345, v7;
	v8 =	vsel vm5, $0x1745, v8;
	v5 =	vsel vm15, $0xA82, v5  }
0x33: {  	s5 =	sadd.s32 s4, s5;
	s31 =	sshll.u32 s7, $0x5;
	s7 =	sshll.u32 s7, $0x10;
	v9 =	vsel vm5, $0x1B45, v9;
	v10 =	vsel vm5, $0x1F45, v10;
	v5 =	vsel vm3, $0xAC3, v5  }
0x34: {  	s8 =	ssub.s32 s8, s10;
	s4 =	sand.u32 $0xE0, s31;
	s5 =	sadd.s32 $0x802C00, s5;
	v1 =	vsel vm6, $0x41600000, v1;
	v6 =	vsel vm6, $0xF86, v6;
	v5 =	vsel vm4, $0xB04, v5  }
0x35: {  	s6 =	sadd.s32 s6, s7;
	s10 =	simm.s32 $0x90;
	s7 =	smax.u32 s8, $0x1;
	v7 =	vsel vm6, $0x1386, v7;
	v8 =	vsel vm6, $0x1786, v8;
	v5 =	vsel vm5, $0xB45, v5  }
0x36: {  	s8 =	simm.s32 $0x2;
	s1 =	rddreg [dreg:$0x2];
	_ =	strace $0x8000004A;
	v9 =	vsel vm6, $0x1B86, v9;
	v10 =	vsel vm6, $0x1F86, v10;
	v5 =	vsel vm6, $0xB86, v5  }
.LBB2_1:
0x37: {  	[tilespmem:s2], [sflag:$0x2] =	stream.linear.gather [hbm4b:s5+s2], $0x90, $0x38;
	[tilespmem:$0xA490] =	vst v63  }
0x38: {  	_ =	swait.ge [sflag:s8], $0x90  }
0x39: {  	[sflag:s8] =	ssyncset.done $0x0  }
0x3a: {  	[sflag:s8] =	ssyncadd.s32 $0xFFFFFF70  }
0x3b: {  	v11 =	vld [tilespmem:$0x0]  }
0x3c: {  	v12 =	vld [tilespmem:$0x10]  }
0x3d: {  	v13 =	vld [tilespmem:$0x20]  }
0x3e: {  	v14 =	vld [tilespmem:$0x30]  }
0x3f: {  	v15 =	vld [tilespmem:$0x40]  }
0x40: {  	v16 =	vld [tilespmem:$0x50]  }
0x41: {  	v17 =	vld [tilespmem:$0x60]  }
0x42: {  	v18 =	vld [tilespmem:$0x70]  }
0x43: {  	s21 =	simm.s32 $0x0;
	v19 =	vld [tilespmem:$0x80]  }
.LBB2_2:
0x44: {  	s22 =	sshll.u32 s21, $0x7  }
0x45: {  	s22 =	sand.u32 $0x80, s22  }
0x46: {  	s23 =	sshrl.u32 s21, $0x1;
	s24 =	scvt.s32.f32 s22  }
0x47: {  	s23 =	sor.u32 s4, s23  }
0x48: {  	s23 =	scvt.s32.f32 s23;
	v20 =	vadd.f32 s24, v1;
	_ =	sdelay $0x1  }
0x49: {  	v22 =	vmul.f32 s23, v18;
	v21 =	vmul.f32 v20, v17;
	_ =	sdelay $0x1  }
0x4a: {  	v21 =	vadd.f32 v21, v22;
	_ =	sdelay $0x1  }
0x4b: {  	v21 =	vadd.f32 v21, v19;
	_ =	sdelay $0x1  }
0x4c: {  	(erf) = vrcp.f32 v21;
	_ =	sdelay $0x3  }
0x4d: {  	v23 =	vmul.f32 v20, v11;
	v21 =	vmul.f32 s23, v12  }
0x4e: {  	v24 =	vmul.f32 v20, v14;
	v20 =	vmul.f32 s23, v15  }
0x4f: {  	s25 =	sor.u32 $0x10, s22;
	v23 =	vadd.f32 v23, v21  }
0x50: {  	v24 =	vadd.f32 v24, v20;
	s23 =	scvt.s32.f32 s25  }
0x51: {  	v23 =	vadd.f32 v23, v13  }
0x52: {  	s26 =	sor.u32 $0x20, s22;
	v24 =	vadd.f32 v24, v16;
	v26 =	vadd.f32 s23, v1;
	v25 =	vpop (erf)  }
0x53: {  	s23 =	scvt.s32.f32 s26;
	v23 =	vmul.f32 v25, v23  }
0x54: {  	v24 =	vmul.f32 v25, v24;
	v25 =	vmul.f32 v26, v17  }
0x55: {  	v32 =	vmul.f32 v26, v11;
	v34 =	vadd.f32 s23, v1;
	v27 =	vtrunc.f32 v23  }
0x56: {  	v28 =	vtrunc.f32 v24;
	v25 =	vadd.f32 v25, v22;
	v27 =	vcvt.f32.s32 v27  }
0x57: {  	v35 =	vmul.f32 v34, v17;
	v28 =	vcvt.f32.s32 v28  }
0x58: {  	v53 =	vmul.f32 v34, v11;
	v25 =	vadd.f32 v25, v19;
	vm0 =	vgt.s32 v27, $0x0  }
0x59: {  	s28 =	sor.u32 $0x30, s22;
	v34 =	vmul.f32 v34, v14;
	vm7 =	vgt.s32 v28, $0x0;
	v27 =	vnsel vm0, $0x0, v27  }
0x5a: {  	s23 =	scvt.s32.f32 s28;
	v28 =	vnsel vm7, $0x0, v28;
	(erf) = vrcp.f32 v25;
	v27 =	vmin.u32 v27, $0x1FE  }
0x5b: {  	v54 =	vadd.f32 v34, v20;
	v25 =	vmin.u32 v28, $0xFE;
	v28 =	vcvt.s32.f32 v27  }
0x5c: {  	v42 =	vadd.f32 s23, v1;
	v26 =	vmul.f32 v26, v14;
	v29 =	vcvt.s32.f32 v25  }
0x5d: {  	v34 =	vadd.f32 v54, v16;
	vm8 =	vge.f32 v23, $0.0e+00;
	v30 =	vadd.f32 $1.000000000e+00, v28  }
0x5e: {  	vm1 =	vge.f32 v24, $0.0e+00;
	v31 =	vsub.f32 v23, v28;
	v28 =	vadd.f32 $1.000000000e+00, v29  }
0x5f: {  	vm2 =	vlt.f32 v23, $5.120000000e+02;
	vm9 =	vlt.f32 v24, $2.560000000e+02;
	vm0 =	vmand vm8, vm1  }
0x60: {  	vm0 =	vmand vm0, vm2;
	v33 =	vsub.f32 v28, v24;
	v28 =	vadd.f32 v32, v21  }
0x61: {  	v25 =	vshll.u32 v25, $0x9;
	v29 =	vsub.f32 v24, v29;
	v24 =	vadd.f32 v26, v20  }
0x62: {  	vm0 =	vmand vm9, vm0;
	v30 =	vsub.f32 v30, v23;
	v23 =	vadd.f32 v28, v13  }
0x63: {  	v48 =	vmul.f32 v29, v31;
	v24 =	vadd.f32 v24, v16;
	v31 =	vmul.f32 v33, v31;
	v26 =	vpop (erf)  }
0x64: {  	v33 =	vmul.f32 v33, v30;
	v47 =	vmul.f32 v26, v23;
	v23 =	vor.u32 v27, v25  }
0x65: {  	v36 =	vmul.f32 v26, v24;
	v26 =	vadd.f32 v35, v22;
	v28 =	vor.u32 v0, v23  }
0x66: {  	v23 =	vtrunc.f32 v47;
	v27 =	vadd.s32 $0x1, v28;
	v25 =	vadd.s32 $0x200, v28  }
0x67: {  	v37 =	vtrunc.f32 v36;
	v38 =	vadd.f32 v26, v19;
	v24 =	vcvt.f32.s32 v23  }
0x68: {  	v26 =	vnsel vm0, $0x0, v48;
	vm12 =	vge.f32 v47, $0.0e+00;
	vm13 =	vge.f32 v36, $0.0e+00  }
0x69: {  	vm14 =	vlt.f32 v47, $5.120000000e+02;
	v37 =	vcvt.f32.s32 v37;
	vm10 =	vgt.s32 v24, $0x0  }
0x6a: {  	vm15 =	vlt.f32 v36, $2.560000000e+02;
	v23 =	vadd.s32 $0x201, v28;
	v24 =	vnsel vm10, $0x0, v24  }
0x6b: {  	vm11 =	vgt.s32 v37, $0x0;
	v49 =	vmin.u32 v24, $0x1FE;
	v24 =	vmul.f32 v30, v29  }
0x6c: {  	(erf) = vrcp.f32 v38;
	v29 =	vnsel vm11, $0x0, v37;
	v30 =	vnsel vm0, $0x0, v31  }
0x6d: {  	v39 =	vcvt.s32.f32 v49;
	v31 =	vmin.u32 v29, $0xFE;
	v29 =	vnsel vm0, $0x0, v24  }
0x6e: {  	v24 =	vnsel vm0, $0x0, v33;
	v51 =	vcvt.s32.f32 v31;
	vm0 =	vmand vm12, vm13  }
0x6f: {  	v31 =	vshll.u32 v31, $0x9;
	v50 =	vadd.f32 $1.000000000e+00, v39;
	v52 =	vsub.f32 v47, v39  }
0x70: {  	v39 =	vadd.f32 v53, v21;
	vm0 =	vmand vm0, vm14;
	v31 =	vor.u32 v49, v31  }
0x71: {  	v53 =	vmul.f32 v42, v11;
	v40 =	vsub.f32 v36, v51;
	v33 =	vadd.f32 $1.000000000e+00, v51  }
0x72: {  	v32 =	vor.u32 v0, v31;
	v31 =	vmul.f32 v42, v17;
	vm0 =	vmand vm15, vm0  }
0x73: {  	v42 =	vmul.f32 v42, v14;
	v37 =	vsub.f32 v50, v47;
	v55 =	vadd.f32 v39, v13  }
0x74: {  	v54 =	vadd.f32 v53, v21;
	v41 =	vsub.f32 v33, v36;
	v33 =	vadd.s32 $0x1, v32  }
0x75: {  	v56 =	vpop (erf);
	v44 =	vadd.f32 v31, v22;
	v31 =	vadd.s32 $0x201, v32;
	v45 =	vmul.f32 v40, v52  }
0x76: {  	v43 =	vmul.f32 v56, v55;
	v39 =	vmul.f32 v56, v34;
	v34 =	vadd.s32 $0x200, v32  }
0x77: {  	v40 =	vmul.f32 v37, v40;
	v55 =	vadd.f32 v42, v20;
	v44 =	vadd.f32 v44, v19  }
0x78: {  	v46 =	vmul.f32 v41, v52;
	v38 =	vnsel vm0, $0x0, v45;
	v37 =	vmul.f32 v41, v37  }
0x79: {  	v41 =	vadd.f32 v54, v13;
	v57 =	vtrunc.f32 v43;
	v59 =	vtrunc.f32 v39  }
0x7a: {  	vm6 =	vge.f32 v43, $0.0e+00;
	v58 =	vcvt.f32.s32 v57;
	v36 =	vcvt.f32.s32 v59  }
0x7b: {  	vm7 =	vlt.f32 v43, $5.120000000e+02;
	vm8 =	vge.f32 v39, $0.0e+00;
	vm9 =	vlt.f32 v39, $2.560000000e+02  }
0x7c: {  	(erf) = vrcp.f32 v44;
	vm4 =	vgt.s32 v58, $0x0;
	vm5 =	vgt.s32 v36, $0x0  }
0x7d: {  	v37 =	vnsel vm0, $0x0, v37;
	v35 =	vnsel vm4, $0x0, v58;
	v60 =	vnsel vm5, $0x0, v36  }
0x7e: {  	v36 =	vnsel vm0, $0x0, v46;
	v47 =	vmin.u32 v35, $0x1FE;
	v61 =	vmin.u32 v60, $0xFE  }
0x7f: {  	s29 =	sor.u32 $0x40, s22;
	v35 =	vnsel vm0, $0x0, v40;
	vm0 =	vmand vm6, vm8;
	v48 =	vcvt.s32.f32 v47  }
0x80: {  	s23 =	scvt.s32.f32 s29;
	v62 =	vcvt.s32.f32 v61;
	vm0 =	vmand vm0, vm7;
	v57 =	vshll.u32 v61, $0x9  }
0x81: {  	v42 =	vor.u32 v47, v57;
	v63 =	vadd.f32 $1.000000000e+00, v48;
	v46 =	vsub.f32 v43, v48  }
0x82: {  	v52 =	vadd.f32 $1.000000000e+00, v62;
	v48 =	vadd.f32 s23, v1;
	v44 =	vor.u32 v0, v42  }
0x83: {  	vm0 =	vmand vm9, vm0;
	v40 =	vsub.f32 v39, v62;
	v42 =	vadd.s32 $0x1, v44  }
0x84: {  	v49 =	vsub.f32 v63, v43;
	v50 =	vsub.f32 v52, v39;
	v58 =	vmul.f32 v48, v17  }
0x85: {  	v56 =	vpop (erf);
	v39 =	vadd.f32 v55, v16;
	v63 =	vmul.f32 v40, v46;
	v55 =	vmul.f32 v48, v11  }
0x86: {  	v48 =	vmul.f32 v48, v14;
	v51 =	vmul.f32 v56, v41;
	v41 =	vadd.s32 $0x200, v44  }
0x87: {  	v60 =	vadd.f32 v58, v22;
	v52 =	vmul.f32 v56, v39;
	v39 =	vadd.s32 $0x201, v44  }
0x88: {  	v46 =	vmul.f32 v50, v46;
	v40 =	vmul.f32 v49, v40;
	v45 =	vnsel vm0, $0x0, v63  }
0x89: {  	v49 =	vmul.f32 v50, v49;
	v55 =	vadd.f32 v55, v21;
	v48 =	vadd.f32 v48, v20  }
0x8a: {  	v59 =	vtrunc.f32 v51;
	vm12 =	vge.f32 v51, $0.0e+00;
	vm13 =	vlt.f32 v51, $5.120000000e+02  }
0x8b: {  	v61 =	vcvt.f32.s32 v59;
	v62 =	vadd.f32 v60, v19;
	v53 =	vtrunc.f32 v52  }
0x8c: {  	v40 =	vnsel vm0, $0x0, v40;
	v55 =	vadd.f32 v55, v13;
	v53 =	vcvt.f32.s32 v53  }
0x8d: {  	vm14 =	vge.f32 v52, $0.0e+00;
	vm10 =	vgt.s32 v61, $0x0;
	(erf) = vrcp.f32 v62  }
0x8e: {  	v48 =	vadd.f32 v48, v16;
	v43 =	vnsel vm10, $0x0, v61;
	vm11 =	vgt.s32 v53, $0x0  }
0x8f: {  	vm15 =	vlt.f32 v52, $2.560000000e+02;
	v54 =	vmin.u32 v43, $0x1FE;
	v58 =	vnsel vm11, $0x0, v53  }
0x90: {  	s30 =	sor.u32 $0x50, s22;
	v43 =	vnsel vm0, $0x0, v46;
	v57 =	vcvt.s32.f32 v54;
	v53 =	vmin.u32 v58, $0xFE  }
0x91: {  	s23 =	scvt.s32.f32 s30;
	v46 =	vnsel vm0, $0x0, v49;
	vm0 =	vmand vm12, vm14;
	v60 =	vcvt.s32.f32 v53  }
0x92: {  	s31 =	sor.u32 $0x60, s22;
	vm0 =	vmand vm0, vm13;
	v59 =	vadd.f32 $1.000000000e+00, v57;
	v47 =	vsub.f32 v51, v57  }
0x93: {  	v63 =	vshll.u32 v53, $0x9;
	v57 =	vadd.f32 s23, v1;
	s23 =	scvt.s32.f32 s31;
	v50 =	vadd.f32 $1.000000000e+00, v60  }
0x94: {  	vm0 =	vmand vm15, vm0;
	v49 =	vsub.f32 v52, v60;
	v56 =	vsub.f32 v59, v51  }
0x95: {  	[tilespmem:$0x390] =	vst v29;
	v58 =	vmul.f32 v57, v17;
	v29 =	vadd.f32 s23, v1;
	v50 =	vsub.f32 v50, v52  }
0x96: {  	v52 =	vor.u32 v54, v63;
	v63 =	vmul.f32 v57, v11;
	v57 =	vmul.f32 v57, v14;
	v61 =	vpop (erf)  }
0x97: {  	[tilespmem:$0x90] =	vst v28;
	v59 =	vadd.f32 v58, v22;
	v55 =	vmul.f32 v61, v55;
	v48 =	vmul.f32 v61, v48  }
0x98: {  	[tilespmem:$0x410] =	vst v24;
	v52 =	vor.u32 v0, v52;
	v61 =	vmul.f32 v49, v47;
	v47 =	vmul.f32 v50, v47  }
0x99: {  	[tilespmem:$0x1A0] =	vst v34;
	v49 =	vmul.f32 v56, v49;
	v28 =	vmul.f32 v50, v56;
	v24 =	vadd.s32 $0x1, v52  }
0x9a: {  	[tilespmem:$0x320] =	vst v36;
	v34 =	vadd.s32 $0x200, v52;
	v36 =	vadd.s32 $0x201, v52;
	v53 =	vadd.f32 v59, v19  }
0x9b: {  	v62 =	vtrunc.f32 v55;
	v60 =	vtrunc.f32 v48;
	v58 =	vnsel vm0, $0x0, v61  }
0x9c: {  	[tilespmem:$0x190] =	vst v25;
	v47 =	vnsel vm0, $0x0, v47;
	v25 =	vnsel vm0, $0x0, v49;
	v51 =	vcvt.f32.s32 v62  }
0x9d: {  	[tilespmem:$0x210] =	vst v23;
	v23 =	vnsel vm0, $0x0, v28;
	vm6 =	vge.f32 v55, $0.0e+00;
	v54 =	vcvt.f32.s32 v60  }
0x9e: {  	vm7 =	vge.f32 v48, $0.0e+00;
	(erf) = vrcp.f32 v53;
	vm4 =	vgt.s32 v51, $0x0  }
0x9f: {  	vm8 =	vlt.f32 v55, $5.120000000e+02;
	vm5 =	vgt.s32 v54, $0x0;
	v51 =	vnsel vm4, $0x0, v51  }
0xa0: {  	vm0 =	vmand vm6, vm7;
	v62 =	vnsel vm5, $0x0, v54;
	v51 =	vmin.u32 v51, $0x1FE  }
0xa1: {  	v53 =	vmin.u32 v62, $0xFE;
	v62 =	vadd.f32 v57, v20;
	v54 =	vcvt.s32.f32 v51  }
0xa2: {  	[tilespmem:$0x110] =	vst v27;
	vm9 =	vlt.f32 v48, $2.560000000e+02;
	vm0 =	vmand vm0, vm8;
	v59 =	vcvt.s32.f32 v53  }
0xa3: {  	[tilespmem:$0x310] =	vst v30;
	vm0 =	vmand vm9, vm0;
	v30 =	vadd.f32 v62, v16;
	v60 =	vadd.f32 $1.000000000e+00, v54  }
0xa4: {  	[tilespmem:$0x290] =	vst v26;
	v56 =	vshll.u32 v53, $0x9;
	v50 =	vsub.f32 v55, v54;
	v61 =	vadd.f32 $1.000000000e+00, v59  }
0xa5: {  	[tilespmem:$0xA0] =	vst v32;
	v32 =	vor.u32 v51, v56;
	v49 =	vsub.f32 v48, v59;
	v54 =	vadd.f32 v63, v21  }
0xa6: {  	[tilespmem:$0x220] =	vst v31;
	v59 =	vmul.f32 v29, v17;
	v31 =	vor.u32 v0, v32;
	v27 =	vsub.f32 v60, v55  }
0xa7: {  	[tilespmem:$0x3A0] =	vst v35;
	v35 =	vadd.s32 $0x200, v31;
	v28 =	vsub.f32 v61, v48;
	v26 =	vadd.f32 v54, v13;
	v63 =	vpop (erf)  }
0xa8: {  	v62 =	vadd.f32 v59, v22;
	v55 =	vmul.f32 v49, v50;
	v30 =	vmul.f32 v63, v30  }
0xa9: {  	[tilespmem:$0x120] =	vst v33;
	v33 =	vadd.s32 $0x201, v31;
	v26 =	vmul.f32 v63, v26;
	v50 =	vmul.f32 v28, v50  }
0xaa: {  	v53 =	vadd.f32 v62, v19;
	v56 =	vmul.f32 v27, v49;
	v27 =	vmul.f32 v28, v27  }
0xab: {  	[tilespmem:$0x420] =	vst v37;
	v37 =	vnsel vm0, $0x0, v55;
	v62 =	vmul.f32 v29, v11;
	v29 =	vmul.f32 v29, v14  }
0xac: {  	s22 =	sor.u32 $0x70, s22;
	v61 =	vtrunc.f32 v30;
	vm13 =	vge.f32 v30, $0.0e+00;
	v57 =	vtrunc.f32 v26  }
0xad: {  	s22 =	scvt.s32.f32 s22;
	[tilespmem:$0x130] =	vst v42;
	vm15 =	vlt.f32 v30, $2.560000000e+02;
	v48 =	vcvt.f32.s32 v61;
	(erf) = vrcp.f32 v53  }
0xae: {  	[tilespmem:$0x1B0] =	vst v41;
	v42 =	vnsel vm0, $0x0, v50;
	v41 =	vnsel vm0, $0x0, v56;
	v27 =	vnsel vm0, $0x0, v27  }
0xaf: {  	[tilespmem:$0x2A0] =	vst v38;
	vm12 =	vge.f32 v26, $0.0e+00;
	v51 =	vadd.f32 v62, v21;
	v53 =	vadd.f32 s22, v1  }
0xb0: {  	[tilespmem:$0xB0] =	vst v44;
	vm14 =	vlt.f32 v26, $5.120000000e+02;
	v29 =	vadd.f32 v29, v20;
	vm0 =	vmand vm12, vm13  }
0xb1: {  	[tilespmem:$0x230] =	vst v39;
	v60 =	vcvt.f32.s32 v57;
	vm11 =	vgt.s32 v48, $0x0;
	vm0 =	vmand vm0, vm14  }
0xb2: {  	[tilespmem:$0x430] =	vst v46;
	v55 =	vmul.f32 v53, v17;
	v29 =	vadd.f32 v29, v16;
	v46 =	vmul.f32 v53, v14  }
0xb3: {  	[tilespmem:$0x2B0] =	vst v45;
	vm10 =	vgt.s32 v60, $0x0;
	v54 =	vnsel vm11, $0x0, v48;
	v48 =	vadd.s32 $0x1, v31  }
0xb4: {  	[tilespmem:$0x3B0] =	vst v40;
	vm0 =	vmand vm15, vm0;
	v63 =	vnsel vm10, $0x0, v60;
	v38 =	vmin.u32 v54, $0xFE  }
0xb5: {  	[tilespmem:$0x330] =	vst v43;
	v22 =	vadd.f32 v55, v22;
	v20 =	vadd.f32 v46, v20;
	v32 =	vmin.u32 v63, $0x1FE  }
0xb6: {  	[tilespmem:$0x140] =	vst v24;
	v59 =	vcvt.s32.f32 v38;
	v24 =	vshll.u32 v38, $0x9;
	v57 =	vcvt.s32.f32 v32  }
0xb7: {  	[tilespmem:$0xC0] =	vst v52;
	v24 =	vor.u32 v32, v24;
	v22 =	vadd.f32 v22, v19;
	v20 =	vadd.f32 v20, v16  }
0xb8: {  	[tilespmem:$0x1C0] =	vst v34;
	v61 =	vadd.f32 $1.000000000e+00, v59;
	v63 =	vsub.f32 v30, v59;
	v24 =	vor.u32 v0, v24  }
0xb9: {  	[tilespmem:$0x240] =	vst v36;
	v28 =	vadd.f32 $1.000000000e+00, v57;
	v60 =	vsub.f32 v26, v57;
	v56 =	vadd.s32 $0x1, v24  }
0xba: {  	[tilespmem:$0x2C0] =	vst v58;
	v50 =	vsub.f32 v61, v30;
	v54 =	vpop (erf);
	(erf) = vrcp.f32 v22;
	v61 =	vmul.f32 v53, v11  }
0xbb: {  	[tilespmem:$0x340] =	vst v47;
	v28 =	vsub.f32 v28, v26;
	v26 =	vadd.f32 v51, v13;
	v29 =	vmul.f32 v54, v29  }
0xbc: {  	[tilespmem:$0xD0] =	vst v31;
	v57 =	vadd.s32 $0x200, v24;
	v58 =	vmul.f32 v63, v60;
	v31 =	vmul.f32 v50, v60  }
0xbd: {  	[tilespmem:$0x3C0] =	vst v25;
	v22 =	vadd.s32 $0x201, v24;
	v26 =	vmul.f32 v54, v26;
	v25 =	vtrunc.f32 v29  }
0xbe: {  	[tilespmem:$0x440] =	vst v23;
	v21 =	vadd.f32 v61, v21;
	v59 =	vmul.f32 v28, v63;
	v28 =	vmul.f32 v50, v28  }
0xbf: {  	[tilespmem:$0x1D0] =	vst v35;
	vm7 =	vge.f32 v29, $0.0e+00;
	vm9 =	vlt.f32 v29, $2.560000000e+02;
	v25 =	vcvt.f32.s32 v25  }
0xc0: {  	[tilespmem:$0x250] =	vst v33;
	v31 =	vnsel vm0, $0x0, v31;
	v21 =	vadd.f32 v21, v13;
	v30 =	vtrunc.f32 v26  }
0xc1: {  	[tilespmem:$0x2D0] =	vst v37;
	v62 =	vnsel vm0, $0x0, v59;
	v30 =	vcvt.f32.s32 v30;
	vm5 =	vgt.s32 v25, $0x0  }
0xc2: {  	[tilespmem:$0x350] =	vst v42;
	v28 =	vnsel vm0, $0x0, v28;
	vm6 =	vge.f32 v26, $0.0e+00;
	v25 =	vnsel vm5, $0x0, v25  }
0xc3: {  	[tilespmem:$0x3D0] =	vst v41;
	vm8 =	vlt.f32 v26, $5.120000000e+02;
	vm4 =	vgt.s32 v30, $0x0;
	v25 =	vmin.u32 v25, $0xFE  }
0xc4: {  	[tilespmem:$0x450] =	vst v27;
	v23 =	vnsel vm4, $0x0, v30;
	v30 =	vnsel vm0, $0x0, v58;
	v44 =	vcvt.s32.f32 v25  }
0xc5: {  	[tilespmem:$0x150] =	vst v48;
	v27 =	vpop (erf);
	vm0 =	vmand vm6, vm7;
	v25 =	vshll.u32 v25, $0x9;
	v23 =	vmin.u32 v23, $0x1FE  }
0xc6: {  	[tilespmem:$0xE0] =	vst v24;
	v21 =	vmul.f32 v27, v21;
	vm0 =	vmand vm0, vm8;
	v60 =	vcvt.s32.f32 v23  }
0xc7: {  	[tilespmem:$0x160] =	vst v56;
	v20 =	vmul.f32 v27, v20;
	v47 =	vsub.f32 v29, v44;
	v24 =	vadd.f32 $1.000000000e+00, v44  }
0xc8: {  	[tilespmem:$0x260] =	vst v22;
	v22 =	vor.u32 v23, v25;
	vm0 =	vmand vm9, vm0;
	v63 =	vadd.f32 $1.000000000e+00, v60  }
0xc9: {  	[tilespmem:$0x1E0] =	vst v57;
	v22 =	vor.u32 v0, v22;
	vm12 =	vge.f32 v21, $0.0e+00;
	vm13 =	vge.f32 v20, $0.0e+00  }
0xca: {  	[tilespmem:$0x360] =	vst v31;
	v45 =	vsub.f32 v26, v60;
	v36 =	vsub.f32 v63, v26;
	v26 =	vtrunc.f32 v21  }
0xcb: {  	[tilespmem:$0x3E0] =	vst v62;
	vm14 =	vlt.f32 v21, $5.120000000e+02;
	v24 =	vsub.f32 v24, v29;
	v23 =	vcvt.f32.s32 v26  }
0xcc: {  	[tilespmem:$0x460] =	vst v28;
	v25 =	vadd.s32 $0x1, v22;
	v28 =	vadd.s32 $0x200, v22;
	v26 =	vtrunc.f32 v20  }
0xcd: {  	[tilespmem:$0x2E0] =	vst v30;
	v27 =	vmul.f32 v47, v45;
	v26 =	vcvt.f32.s32 v26;
	vm10 =	vgt.s32 v23, $0x0  }
0xce: {  	v29 =	vadd.s32 $0x201, v22;
	[tilespmem:$0x170] =	vst v25;
	v25 =	vmul.f32 v24, v45;
	v23 =	vnsel vm10, $0x0, v23  }
0xcf: {  	[tilespmem:$0xF0] =	vst v22;
	v22 =	vnsel vm0, $0x0, v27;
	vm11 =	vgt.s32 v26, $0x0;
	v23 =	vmin.u32 v23, $0x1FE  }
0xd0: {  	[tilespmem:$0x1F0] =	vst v28;
	v30 =	vmul.f32 v36, v47;
	v26 =	vnsel vm11, $0x0, v26;
	v27 =	vcvt.s32.f32 v23  }
0xd1: {  	[tilespmem:$0x270] =	vst v29;
	v24 =	vmul.f32 v24, v36;
	v25 =	vnsel vm0, $0x0, v25;
	v26 =	vmin.u32 v26, $0xFE  }
0xd2: {  	[tilespmem:$0x2F0] =	vst v22;
	v29 =	vnsel vm0, $0x0, v30;
	v30 =	vcvt.s32.f32 v26;
	v28 =	vadd.f32 $1.000000000e+00, v27  }
0xd3: {  	[tilespmem:$0x370] =	vst v25;
	v22 =	vnsel vm0, $0x0, v24;
	v26 =	vshll.u32 v26, $0x9;
	v24 =	vsub.f32 v21, v27  }
0xd4: {  	[tilespmem:$0x3F0] =	vst v29;
	v23 =	vor.u32 v23, v26;
	v27 =	vsub.f32 v28, v21;
	v28 =	vadd.f32 $1.000000000e+00, v30  }
0xd5: {  	vm15 =	vlt.f32 v20, $2.560000000e+02;
	[tilespmem:$0x470] =	vst v22;
	v25 =	vsub.f32 v20, v30;
	v21 =	vor.u32 v0, v23  }
0xd6: {  	vm0 =	vmand vm12, vm13;
	[tilespmem:$0x100] =	vst v21;
	v23 =	vadd.s32 $0x1, v21;
	v22 =	vsub.f32 v28, v20  }
0xd7: {  	vm0 =	vmand vm0, vm14;
	[tilespmem:$0x180] =	vst v23;
	v20 =	vadd.s32 $0x200, v21;
	v23 =	vmul.f32 v25, v24  }
0xd8: {  	vm0 =	vmand vm15, vm0;
	[tilespmem:$0x200] =	vst v20;
	v20 =	vadd.s32 $0x201, v21;
	v21 =	vmul.f32 v22, v24  }
0xd9: {  	[tilespmem:$0x280] =	vst v20;
	v20 =	vnsel vm0, $0x0, v23;
	v23 =	vmul.f32 v27, v25  }
0xda: {  	[tilespmem:$0x300] =	vst v20;
	v20 =	vnsel vm0, $0x0, v21;
	v21 =	vmul.f32 v22, v27  }
0xdb: {  	[tilespmem:$0x380] =	vst v20;
	v20 =	vnsel vm0, $0x0, v23  }
0xdc: {  	[tilespmem:$0x400] =	vst v20;
	v20 =	vnsel vm0, $0x0, v21  }
0xdd: {  	[tilespmem:$0x480] =	vst v20  }
0xde: {  	[tilespmem:s11], [sflag:$0x1] =	stream.indirect.gather [hbm4b:s3+s9], $0x40, s10, s9, $0xb8;
	[tilespmem:$0xA490] =	vst v63  }
0xdf: {  	_ = 	snop  }
0xe0: {  	[tilespmem:s13], [sflag:$0x1] =	stream.indirect.gather [hbm4b:s3+s9], $0x40, s12, s9, $0xb8;
	[tilespmem:$0xA490] =	vst v63  }
0xe1: {  	_ = 	snop  }
0xe2: {  	[tilespmem:s15], [sflag:$0x1] =	stream.indirect.gather [hbm4b:s3+s9], $0x40, s14, s9, $0xb8;
	[tilespmem:$0xA490] =	vst v63  }
0xe3: {  	_ = 	snop  }
0xe4: {  	[tilespmem:s17], [sflag:$0x1] =	stream.indirect.gather [hbm4b:s3+s9], $0x40, s16, s9, $0xb8;
	[tilespmem:$0xA490] =	vst v63  }
0xe5: {  	_ =	swait.ge [sflag:s18], $0x2000  }
0xe6: {  	[sflag:s18] =	ssyncset.done $0x0  }
0xe7: {  	[sflag:s18] =	ssyncadd.s32 $0xFFFFE000  }
0xe8: {  	_ =	swait.ge [sflag:s18], $0x2000  }
0xe9: {  	[sflag:s18] =	ssyncset.done $0x0  }
0xea: {  	[sflag:s18] =	ssyncadd.s32 $0xFFFFE000  }
0xeb: {  	_ =	swait.ge [sflag:s18], $0x2000  }
0xec: {  	[sflag:s18] =	ssyncset.done $0x0  }
0xed: {  	s23 =	simm.s32 $0x0;
	[sflag:s18] =	ssyncadd.s32 $0xFFFFE000  }
0xee: {  	v20 =	vadd.s32 s23, v2;
	_ =	swait.ge [sflag:s18], $0x2000  }
0xef: {  	v20 =	vand.u32 $0x38, v20;
	[sflag:s18] =	ssyncset.done $0x0  }
0xf0: {  	v34 =	vor.u32 v3, v20;
	[sflag:s18] =	ssyncadd.s32 $0xFFFFE000  }
0xf1: {  	s24 =	simm.s32 $0x7;
	v23 =	vld [tilespmem:$0x290]  }
0xf2: {  	v21 =	vadd.s32 s24, v2;
	v20 =	vmul.u32 $0x40, v2;
	v24 =	vld [tilespmem:$0x310]  }
0xf3: {  	s25 =	simm.s32 $0x1;
	v25 =	vand.u32 $0x3F, v21;
	v22 =	vld [tilespmem:$0x390]  }
0xf4: {  	v26 =	vadd.s32 s25, v2;
	v37 =	vor.u32 v20, v25;
	v21 =	vld [tilespmem:$0x410]  }
0xf5: {  	v25 =	vand.u32 $0x3F, v26;
	v31 =	vld.idx.msk [tilespmem:v34+s17+$0x0], $0xffff  }
0xf6: {  	v29 =	vor.u32 v20, v25;
	v48 =	vld.idx.msk [tilespmem:v34+s15+$0x0], $0xffff  }
0xf7: {  	s26 =	simm.s32 $0x2;
	v27 =	vld.idx.msk [tilespmem:v34+s11+$0x0], $0xffff  }
0xf8: {  	s28 =	simm.s32 $0x3;
	v25 =	vadd.s32 s26, v2;
	v49 =	vld.idx.msk [tilespmem:v34+s13+$0x0], $0xffff  }
0xf9: {  	s29 =	simm.s32 $0x4;
	v26 =	vadd.s32 s28, v2;
	v25 =	vand.u32 $0x3F, v25;
	v50 =	vld.idx.msk [tilespmem:v37+s11+$0x0], $0xffff  }
0xfa: {  	v30 =	vor.u32 v20, v25;
	v25 =	vand.u32 $0x3F, v26;
	v26 =	vadd.s32 s29, v2;
	v51 =	vld.idx.msk [tilespmem:v37+s13+$0x0], $0xffff  }
0xfb: {  	s30 =	simm.s32 $0x5;
	v28 =	vor.u32 v20, v25;
	v25 =	vand.u32 $0x3F, v26;
	v52 =	vld.idx.msk [tilespmem:v29+s11+$0x0], $0xffff  }
0xfc: {  	v26 =	vadd.s32 s30, v2;
	v25 =	vor.u32 v20, v25;
	v53 =	vld.idx.msk [tilespmem:v37+s15+$0x0], $0xffff  }
0xfd: {  	v26 =	vand.u32 $0x3F, v26;
	v54 =	vld.idx.msk [tilespmem:v29+s13+$0x0], $0xffff  }
0xfe: {  	v26 =	vor.u32 v20, v26;
	v55 =	vld.idx.msk [tilespmem:v37+s17+$0x0], $0xffff  }
0xff: {  	v57 =	vld.idx.msk [tilespmem:v30+s11+$0x0], $0xffff  }
0x100: {  	v59 =	vld.idx.msk [tilespmem:v30+s13+$0x0], $0xffff  }
0x101: {  	s31 =	simm.s32 $0x6;
	v63 =	vld.idx.msk [tilespmem:v25+s11+$0x0], $0xffff;
	v58 =	vmul.f32 v27, v23;
	v33 =	vmul.f32 v49, v24  }
0x102: {  	v56 =	vadd.s32 s31, v2;
	s28 =	simm.s32 $0xC;
	v38 =	vmul.f32 v52, v23;
	v62 =	vmul.f32 v53, v22;
	v53 =	vld.idx.msk [tilespmem:v25+s13+$0x0], $0xffff  }
0x103: {  	s26 =	simm.s32 $0xB;
	v42 =	vadd.s32 s28, v2;
	v52 =	vmul.f32 v54, v24;
	v54 =	vmul.f32 v55, v21;
	v55 =	vld.idx.msk [tilespmem:v26+s11+$0x0], $0xffff  }
0x104: {  	v40 =	vadd.s32 s26, v2;
	v35 =	vmul.f32 v50, v23;
	v32 =	vmul.f32 v48, v22;
	v48 =	vld.idx.msk [tilespmem:v29+s15+$0x0], $0xffff  }
0x105: {  	s23 =	simm.s32 $0x8;
	v27 =	vand.u32 $0x3F, v56;
	v36 =	vmul.f32 v51, v24;
	v31 =	vmul.f32 v31, v21;
	v50 =	vld.idx.msk [tilespmem:v30+s15+$0x0], $0xffff  }
0x106: {  	s25 =	simm.s32 $0xA;
	v56 =	vadd.s32 s23, v2;
	v51 =	vld.idx.msk [tilespmem:v28+s15+$0x0], $0xffff;
	v27 =	vor.u32 v20, v27;
	v33 =	vadd.f32 v33, v58  }
0x107: {  	v60 =	vld.idx.msk [tilespmem:v28+s11+$0x0], $0xffff;
	v39 =	vmul.f32 v63, v23;
	v49 =	vadd.s32 s25, v2;
	v35 =	vadd.f32 v36, v35  }
0x108: {  	v61 =	vld.idx.msk [tilespmem:v28+s13+$0x0], $0xffff;
	v49 =	vand.u32 $0x3F, v49;
	v47 =	vadd.f32 v52, v38;
	v32 =	vadd.f32 v32, v33  }
0x109: {  	s29 =	simm.s32 $0xD;
	v44 =	vld.idx.msk [tilespmem:v30+s17+$0x0], $0xffff;
	v35 =	vadd.f32 v62, v35;
	v62 =	vmul.f32 v53, v24;
	v63 =	vmul.f32 v55, v23  }
0x10a: {  	v38 =	vld.idx.msk [tilespmem:v26+s13+$0x0], $0xffff;
	v53 =	vadd.s32 s29, v2;
	v48 =	vmul.f32 v48, v22;
	v52 =	vmul.f32 v50, v22  }
0x10b: {  	v51 =	vmul.f32 v51, v22;
	v46 =	vadd.f32 v31, v32;
	v31 =	vmul.f32 v57, v23;
	v58 =	vld.idx.msk [tilespmem:v27+s11+$0x0], $0xffff  }
0x10c: {  	s24 =	simm.s32 $0x9;
	v57 =	vmul.f32 v59, v24;
	v45 =	vadd.f32 v54, v35;
	v32 =	vand.u32 $0x38, v56;
	v43 =	vld.idx.msk [tilespmem:v27+s13+$0x0], $0xffff  }
0x10d: {  	s30 =	simm.s32 $0xE;
	v59 =	vmul.f32 v60, v23;
	v60 =	vmul.f32 v61, v24;
	v61 =	vadd.s32 s24, v2;
	v54 =	vld.idx.msk [tilespmem:v25+s15+$0x0], $0xffff  }
0x10e: {  	v36 =	vld.idx.msk [tilespmem:v27+s15+$0x0], $0xffff;
	v41 =	vand.u32 $0x3F, v61;
	v61 =	vadd.s32 s30, v2;
	v33 =	vadd.f32 v57, v31  }
0x10f: {  	v31 =	vor.u32 v3, v32;
	v32 =	vadd.f32 v60, v59;
	v60 =	vmul.f32 v38, v24;
	v38 =	vld.idx.msk [tilespmem:v26+s15+$0x0], $0xffff  }
0x110: {  	v48 =	vadd.f32 v48, v47;
	[tilespmem:v34+s19+$0x0] =	vst.idx.msk $0xffff, v46;
	v34 =	vadd.f32 v62, v39;
	v46 =	vand.u32 $0x3F, v40  }
0x111: {  	v47 =	vld.idx.msk [tilespmem:v28+s17+$0x0], $0xffff;
	v35 =	vadd.f32 v60, v63;
	v62 =	vmul.f32 v58, v23;
	v63 =	vmul.f32 v43, v24  }
0x112: {  	s31 =	simm.s32 $0xF;
	[tilespmem:v37+s19+$0x0] =	vst.idx.msk $0xffff, v45;
	v45 =	vand.u32 $0x3F, v42;
	v40 =	vand.u32 $0x3F, v53;
	v42 =	vand.u32 $0x3F, v61;
	v39 =	vld.idx.msk [tilespmem:v25+s17+$0x0], $0xffff  }
0x113: {  	s22 =	simm.s32 $0x10;
	v53 =	vadd.s32 s31, v2;
	v43 =	vld.idx.msk [tilespmem:v29+s17+$0x0], $0xffff;
	v50 =	vmul.f32 v54, v22;
	v37 =	vadd.f32 v63, v62  }
.LBB2_3:
0x114: {  	p0 =	slt.u32 s22, $0x38;
	v53 =	vand.u32 $0x3F, v53;
	v33 =	vadd.f32 v52, v33;
	v38 =	vmul.f32 v38, v22;
	v52 =	vld.idx.msk [tilespmem:v26+s17+$0x0], $0xffff  }
0x115: {  	v41 =	vor.u32 v20, v41;
	v49 =	vor.u32 v20, v49;
	v53 =	vor.u32 v20, v53;
	v54 =	vld.idx.msk [tilespmem:v27+s17+$0x0], $0xffff  }
0x116: {  	v46 =	vor.u32 v20, v46;
	v45 =	vor.u32 v20, v45;
	v40 =	vor.u32 v20, v40;
	v55 =	vld.idx.msk [tilespmem:v31+s17+$0x0], $0xffff  }
0x117: {  	v42 =	vor.u32 v20, v42;
	v32 =	vadd.f32 v51, v32;
	v36 =	vmul.f32 v36, v22;
	v56 =	vld.idx.msk [tilespmem:v31+s15+$0x0], $0xffff  }
0x118: {  	v43 =	vmul.f32 v43, v21;
	v34 =	vadd.f32 v50, v34;
	v35 =	vadd.f32 v38, v35;
	v51 =	vld.idx.msk [tilespmem:v31+s11+$0x0], $0xffff  }
0x119: {  	v44 =	vmul.f32 v44, v21;
	v36 =	vadd.f32 v36, v37;
	v47 =	vmul.f32 v47, v21;
	v38 =	vld.idx.msk [tilespmem:v31+s13+$0x0], $0xffff  }
0x11a: {  	v43 =	vadd.f32 v43, v48;
	v39 =	vmul.f32 v39, v21;
	v48 =	vmul.f32 v52, v21;
	v37 =	vld.idx.msk [tilespmem:v53+s11+$0x0], $0xffff  }
0x11b: {  	v33 =	vadd.f32 v44, v33;
	v32 =	vadd.f32 v47, v32;
	v44 =	vmul.f32 v54, v21;
	v50 =	vld.idx.msk [tilespmem:v53+s13+$0x0], $0xffff  }
0x11c: {  	v34 =	vadd.f32 v39, v34;
	v35 =	vadd.f32 v48, v35;
	v47 =	vld.idx.msk [tilespmem:v41+s11+$0x0], $0xffff;
	[tilespmem:v29+s19+$0x0] =	vst.idx.msk $0xffff, v43  }
0x11d: {  	v29 =	vmov v41;
	v39 =	vld.idx.msk [tilespmem:v53+s15+$0x0], $0xffff;
	[tilespmem:v30+s19+$0x0] =	vst.idx.msk $0xffff, v33;
	v33 =	vadd.f32 v44, v36;
	v30 =	vmov v49  }
0x11e: {  	v36 =	vld.idx.msk [tilespmem:v41+s13+$0x0], $0xffff;
	[tilespmem:v28+s19+$0x0] =	vst.idx.msk $0xffff, v32;
	v28 =	vmov v46  }
0x11f: {  	v32 =	vld.idx.msk [tilespmem:v53+s17+$0x0], $0xffff;
	[tilespmem:v25+s19+$0x0] =	vst.idx.msk $0xffff, v34;
	v25 =	vmov v45  }
0x120: {  	v38 =	vmul.f32 v38, v24;
	v34 =	vmul.f32 v51, v23;
	v41 =	vld.idx.msk [tilespmem:v49+s11+$0x0], $0xffff;
	[tilespmem:v26+s19+$0x0] =	vst.idx.msk $0xffff, v35  }
0x121: {  	v48 =	vmul.f32 v37, v23;
	v37 =	vmul.f32 v50, v24;
	v35 =	vld.idx.msk [tilespmem:v49+s13+$0x0], $0xffff;
	[tilespmem:v27+s19+$0x0] =	vst.idx.msk $0xffff, v33  }
0x122: {  	v33 =	vadd.f32 v38, v34;
	v34 =	vmul.f32 v56, v22;
	v38 =	vmul.f32 v47, v23;
	v43 =	vld.idx.msk [tilespmem:v46+s11+$0x0], $0xffff  }
0x123: {  	v26 =	vmovc v40;
	v27 =	vmov v42;
	v37 =	vadd.f32 v37, v48;
	v39 =	vmul.f32 v39, v22;
	v44 =	vld.idx.msk [tilespmem:v46+s13+$0x0], $0xffff  }
0x124: {  	v33 =	vadd.f32 v34, v33;
	v34 =	vmul.f32 v55, v21;
	v36 =	vmul.f32 v36, v24;
	v42 =	vld.idx.msk [tilespmem:v45+s11+$0x0], $0xffff  }
0x125: {  	v37 =	vadd.f32 v39, v37;
	v32 =	vmul.f32 v32, v21;
	v45 =	vld.idx.msk [tilespmem:v45+s13+$0x0], $0xffff  }
0x126: {  	v33 =	vadd.f32 v34, v33;
	v39 =	vadd.f32 v36, v38;
	v34 =	vmul.f32 v41, v23;
	v36 =	vld.idx.msk [tilespmem:v40+s11+$0x0], $0xffff  }
0x127: {  	v38 =	vadd.s32 s22, v2;
	v35 =	vmul.f32 v35, v24;
	v32 =	vadd.f32 v32, v37;
	v40 =	vld.idx.msk [tilespmem:v40+s13+$0x0], $0xffff  }
0x128: {  	v37 =	vand.u32 $0x38, v38;
	v38 =	vmul.f32 v43, v23;
	[tilespmem:v31+s19+$0x0] =	vst.idx.msk $0xffff, v33;
	v43 =	vld.idx.msk [tilespmem:v27+s11+$0x0], $0xffff  }
0x129: {  	s23 =	sadd.s32 $0x1, s22;
	v33 =	vadd.f32 v35, v34;
	v34 =	vmul.f32 v44, v24;
	v44 =	vld.idx.msk [tilespmem:v27+s13+$0x0], $0xffff;
	[tilespmem:v53+s19+$0x0] =	vst.idx.msk $0xffff, v32  }
0x12a: {  	v31 =	vor.u32 v3, v37;
	v35 =	vadd.s32 s23, v2;
	s23 =	sadd.s32 $0x2, s22;
	v41 =	vmul.f32 v42, v23;
	v37 =	vld.idx.msk [tilespmem:v29+s15+$0x0], $0xffff  }
0x12b: {  	s24 =	sadd.s32 $0x4, s22;
	v42 =	vadd.s32 s23, v2;
	s23 =	sadd.s32 $0x3, s22;
	v32 =	vadd.f32 v34, v38;
	v34 =	vmul.f32 v45, v24;
	v47 =	vld.idx.msk [tilespmem:v30+s15+$0x0], $0xffff  }
0x12c: {  	v48 =	vadd.s32 s24, v2;
	v45 =	vadd.s32 s23, v2;
	s23 =	sadd.s32 $0x5, s22;
	v36 =	vmul.f32 v36, v23;
	v50 =	vld.idx.msk [tilespmem:v28+s15+$0x0], $0xffff  }
0x12d: {  	v51 =	vadd.s32 s23, v2;
	s23 =	sadd.s32 $0x6, s22;
	v34 =	vadd.f32 v34, v41;
	v40 =	vmul.f32 v40, v24;
	v54 =	vld.idx.msk [tilespmem:v25+s15+$0x0], $0xffff  }
0x12e: {  	v41 =	vand.u32 $0x3F, v35;
	v53 =	vadd.s32 s23, v2;
	v55 =	vmul.f32 v43, v23;
	v38 =	vld.idx.msk [tilespmem:v26+s15+$0x0], $0xffff  }
.Ltmp0:
0x12f: {  	v49 =	vand.u32 $0x3F, v42;
	v35 =	vadd.f32 v40, v36;
	v42 =	vmul.f32 v44, v24;
	v36 =	vld.idx.msk [tilespmem:v27+s15+$0x0], $0xffff;
	(pc) =	sbr.rel @p0 .LBB2_3-.Ltmp0, $4  }
0x130: {  	v46 =	vand.u32 $0x3F, v45;
	v45 =	vand.u32 $0x3F, v48;
	v48 =	vmul.f32 v37, v22;
	v43 =	vld.idx.msk [tilespmem:v29+s17+$0x0], $0xffff  }
0x131: {  	v40 =	vand.u32 $0x3F, v51;
	v52 =	vmul.f32 v47, v22;
	v37 =	vadd.f32 v42, v55;
	v44 =	vld.idx.msk [tilespmem:v30+s17+$0x0], $0xffff  }
0x132: {  	s23 =	sadd.s32 $0x7, s22;
	v42 =	vand.u32 $0x3F, v53;
	v48 =	vadd.f32 v48, v39;
	v51 =	vmul.f32 v50, v22;
	v47 =	vld.idx.msk [tilespmem:v28+s17+$0x0], $0xffff  }
0x133: {  	s22 =	sadd.s32 $0x8, s22;
	v53 =	vadd.s32 s23, v2;
	v50 =	vmul.f32 v54, v22;
	v39 =	vld.idx.msk [tilespmem:v25+s17+$0x0], $0xffff  }
0x134: {  	_ =	sdelay $0x3  }
0x135: {  	v54 =	vld.idx.msk [tilespmem:v26+s17+$0x0], $0xffff  }
0x136: {  	v55 =	vld.idx.msk [tilespmem:v27+s17+$0x0], $0xffff;
	v41 =	vor.u32 v20, v41  }
0x137: {  	v56 =	vld.idx.msk [tilespmem:v31+s17+$0x0], $0xffff  }
0x138: {  	v57 =	vld.idx.msk [tilespmem:v31+s15+$0x0], $0xffff;
	v49 =	vor.u32 v20, v49  }
0x139: {  	v53 =	vand.u32 $0x3F, v53;
	v58 =	vld.idx.msk [tilespmem:v31+s11+$0x0], $0xffff;
	v46 =	vor.u32 v20, v46;
	v43 =	vmul.f32 v43, v21  }
0x13a: {  	v59 =	vld.idx.msk [tilespmem:v31+s13+$0x0], $0xffff;
	v53 =	vor.u32 v20, v53  }
0x13b: {  	v43 =	vadd.f32 v43, v48;
	v62 =	vld.idx.msk [tilespmem:v41+s11+$0x0], $0xffff  }
0x13c: {  	v48 =	vld.idx.msk [tilespmem:v41+s13+$0x0], $0xffff  }
0x13d: {  	[tilespmem:v29+s19+$0x0] =	vst.idx.msk $0xffff, v43;
	v43 =	vld.idx.msk [tilespmem:v49+s11+$0x0], $0xffff  }
0x13e: {  	v33 =	vadd.f32 v52, v33;
	v44 =	vmul.f32 v44, v21;
	v29 =	vadd.f32 v51, v32;
	v32 =	vld.idx.msk [tilespmem:v46+s11+$0x0], $0xffff  }
0x13f: {  	v60 =	vld.idx.msk [tilespmem:v53+s11+$0x0], $0xffff  }
0x140: {  	v45 =	vor.u32 v20, v45;
	v33 =	vadd.f32 v44, v33;
	v61 =	vld.idx.msk [tilespmem:v53+s13+$0x0], $0xffff  }
0x141: {  	v38 =	vmul.f32 v38, v22;
	v51 =	vmul.f32 v47, v21;
	v52 =	vld.idx.msk [tilespmem:v53+s15+$0x0], $0xffff  }
0x142: {  	v36 =	vmul.f32 v36, v22;
	v44 =	vld.idx.msk [tilespmem:v53+s17+$0x0], $0xffff;
	[tilespmem:v30+s19+$0x0] =	vst.idx.msk $0xffff, v33;
	v30 =	vor.u32 v20, v40  }
0x143: {  	v34 =	vadd.f32 v50, v34;
	v39 =	vmul.f32 v39, v21;
	v33 =	vld.idx.msk [tilespmem:v49+s13+$0x0], $0xffff;
	v29 =	vadd.f32 v51, v29  }
0x144: {  	v36 =	vadd.f32 v36, v37;
	v55 =	vmul.f32 v55, v21;
	v40 =	vor.u32 v20, v42;
	v42 =	vld.idx.msk [tilespmem:v46+s13+$0x0], $0xffff  }
0x145: {  	v34 =	vadd.f32 v39, v34;
	[tilespmem:v28+s19+$0x0] =	vst.idx.msk $0xffff, v29;
	v28 =	vadd.f32 v38, v35;
	v35 =	vld.idx.msk [tilespmem:v45+s11+$0x0], $0xffff  }
0x146: {  	v29 =	vmul.f32 v54, v21;
	v38 =	vld.idx.msk [tilespmem:v45+s13+$0x0], $0xffff  }
0x147: {  	v63 =	vmul.f32 v59, v24;
	v36 =	vadd.f32 v55, v36;
	[tilespmem:v25+s19+$0x0] =	vst.idx.msk $0xffff, v34;
	v47 =	vld.idx.msk [tilespmem:v30+s11+$0x0], $0xffff  }
0x148: {  	v48 =	vmul.f32 v48, v24;
	v28 =	vadd.f32 v29, v28;
	v29 =	vmul.f32 v58, v23;
	v51 =	vld.idx.msk [tilespmem:v30+s13+$0x0], $0xffff  }
0x149: {  	[tilespmem:v27+s19+$0x0] =	vst.idx.msk $0xffff, v36;
	v54 =	vmul.f32 v60, v23;
	v55 =	vmul.f32 v61, v24;
	v34 =	vld.idx.msk [tilespmem:v40+s11+$0x0], $0xffff  }
0x14a: {  	v58 =	vmul.f32 v52, v22;
	v60 =	vld.idx.msk [tilespmem:v41+s15+$0x0], $0xffff;
	v25 =	vadd.f32 v63, v29;
	v29 =	vmul.f32 v57, v22  }
0x14b: {  	v59 =	vld.idx.msk [tilespmem:v40+s13+$0x0], $0xffff;
	v33 =	vmul.f32 v33, v24;
	v57 =	vmul.f32 v62, v23;
	v37 =	vadd.f32 v55, v54  }
0x14c: {  	v61 =	vld.idx.msk [tilespmem:v49+s15+$0x0], $0xffff;
	[tilespmem:v26+s19+$0x0] =	vst.idx.msk $0xffff, v28;
	v25 =	vadd.f32 v29, v25;
	v29 =	vmul.f32 v56, v21  }
0x14d: {  	v50 =	vld.idx.msk [tilespmem:v40+s15+$0x0], $0xffff;
	v28 =	vmul.f32 v44, v21;
	v62 =	vmul.f32 v43, v23;
	v26 =	vadd.f32 v58, v37  }
0x14e: {  	v63 =	vld.idx.msk [tilespmem:v30+s15+$0x0], $0xffff;
	v35 =	vmul.f32 v35, v23;
	v27 =	vadd.f32 v48, v57;
	v25 =	vadd.f32 v29, v25  }
0x14f: {  	v48 =	vmul.f32 v38, v24;
	v57 =	vmul.f32 v60, v22;
	v29 =	vld.idx.msk [tilespmem:v46+s15+$0x0], $0xffff;
	v26 =	vadd.f32 v28, v26  }
0x150: {  	v55 =	vld.idx.msk [tilespmem:v41+s17+$0x0], $0xffff;
	[tilespmem:v31+s19+$0x0] =	vst.idx.msk $0xffff, v25;
	v25 =	vmul.f32 v32, v23;
	v31 =	vmul.f32 v42, v24  }
0x151: {  	v28 =	vld.idx.msk [tilespmem:v45+s15+$0x0], $0xffff;
	[tilespmem:v53+s19+$0x0] =	vst.idx.msk $0xffff, v26;
	v26 =	vmul.f32 v47, v23;
	v53 =	vmul.f32 v51, v24  }
0x152: {  	v33 =	vadd.f32 v33, v62;
	v23 =	vmul.f32 v34, v23;
	v24 =	vmul.f32 v59, v24;
	v59 =	vld.idx.msk [tilespmem:v46+s17+$0x0], $0xffff  }
0x153: {  	v58 =	vmul.f32 v61, v22;
	v56 =	vadd.f32 v48, v35;
	v25 =	vadd.f32 v31, v25;
	v31 =	vld.idx.msk [tilespmem:v49+s17+$0x0], $0xffff  }
0x154: {  	v27 =	vadd.f32 v57, v27;
	v23 =	vadd.f32 v24, v23;
	v24 =	vmul.f32 v29, v22;
	v29 =	vld.idx.msk [tilespmem:v45+s17+$0x0], $0xffff  }
0x155: {  	v60 =	vld.idx.msk [tilespmem:v30+s17+$0x0], $0xffff;
	v33 =	vadd.f32 v58, v33;
	v32 =	vmul.f32 v63, v22;
	v26 =	vadd.f32 v53, v26  }
0x156: {  	v61 =	vld.idx.msk [tilespmem:v40+s17+$0x0], $0xffff;
	v28 =	vmul.f32 v28, v22;
	v24 =	vadd.f32 v24, v25;
	v25 =	vmul.f32 v55, v21  }
0x157: {  	v22 =	vmul.f32 v50, v22;
	v26 =	vadd.f32 v32, v26;
	v62 =	vmul.f32 v59, v21  }
0x158: {  	v28 =	vadd.f32 v28, v56;
	v31 =	vmul.f32 v31, v21;
	v25 =	vadd.f32 v25, v27  }
0x159: {  	v22 =	vadd.f32 v22, v23;
	v24 =	vadd.f32 v62, v24;
	v23 =	vmul.f32 v29, v21  }
0x15a: {  	v29 =	vmul.f32 v60, v21;
	v27 =	vadd.f32 v31, v33;
	[tilespmem:v41+s19+$0x0] =	vst.idx.msk $0xffff, v25  }
0x15b: {  	v21 =	vmul.f32 v61, v21;
	[tilespmem:v46+s19+$0x0] =	vst.idx.msk $0xffff, v24;
	v23 =	vadd.f32 v23, v28  }
0x15c: {  	s22 =	simm.s32 $0x0;
	v25 =	vadd.f32 v29, v26;
	[tilespmem:v49+s19+$0x0] =	vst.idx.msk $0xffff, v27  }
0x15d: {  	v21 =	vadd.f32 v21, v22;
	v22 =	vadd.s32 s22, v2;
	[tilespmem:v45+s19+$0x0] =	vst.idx.msk $0xffff, v23  }
0x15e: {  	v22 =	vand.u32 $0x38, v22;
	[tilespmem:v30+s19+$0x0] =	vst.idx.msk $0xffff, v25  }
0x15f: {  	[tilespmem:v40+s19+$0x0] =	vst.idx.msk $0xffff, v21;
	v35 =	vor.u32 v4, v22  }
0x160: {  	s25 =	simm.s32 $0x7;
	v23 =	vld [tilespmem:$0x2A0]  }
0x161: {  	v21 =	vadd.s32 s25, v2;
	v24 =	vld [tilespmem:$0x320]  }
0x162: {  	v26 =	vor.u32 $0x400, v20;
	v22 =	vld [tilespmem:$0x3A0];
	v25 =	vand.u32 $0x3F, v21  }
0x163: {  	v21 =	vld [tilespmem:$0x420];
	v37 =	vor.u32 v26, v25  }
0x164: {  	s26 =	simm.s32 $0x1;
	v63 =	vld.idx.msk [tilespmem:v35+s17+$0x0], $0xffff  }
0x165: {  	v27 =	vadd.s32 s26, v2;
	v30 =	vld.idx.msk [tilespmem:v35+s15+$0x0], $0xffff  }
0x166: {  	s28 =	simm.s32 $0x2;
	v25 =	vand.u32 $0x3F, v27;
	v29 =	vld.idx.msk [tilespmem:v35+s11+$0x0], $0xffff  }
0x167: {  	v31 =	vor.u32 v26, v25;
	v25 =	vadd.s32 s28, v2;
	v48 =	vld.idx.msk [tilespmem:v35+s13+$0x0], $0xffff  }
0x168: {  	s29 =	simm.s32 $0x3;
	v25 =	vand.u32 $0x3F, v25;
	v49 =	vld.idx.msk [tilespmem:v37+s11+$0x0], $0xffff  }
0x169: {  	v28 =	vadd.s32 s29, v2;
	v27 =	vor.u32 v26, v25;
	v50 =	vld.idx.msk [tilespmem:v37+s13+$0x0], $0xffff  }
0x16a: {  	s30 =	simm.s32 $0x4;
	v25 =	vand.u32 $0x3F, v28;
	v52 =	vld.idx.msk [tilespmem:v37+s15+$0x0], $0xffff  }
0x16b: {  	v28 =	vadd.s32 s30, v2;
	v25 =	vor.u32 v26, v25;
	v55 =	vld.idx.msk [tilespmem:v37+s17+$0x0], $0xffff  }
0x16c: {  	v28 =	vand.u32 $0x3F, v28;
	v51 =	vld.idx.msk [tilespmem:v31+s11+$0x0], $0xffff  }
0x16d: {  	s23 =	simm.s32 $0x6;
	v28 =	vor.u32 v26, v28;
	v40 =	vld.idx.msk [tilespmem:v31+s13+$0x0], $0xffff  }
0x16e: {  	s31 =	simm.s32 $0x5;
	v54 =	vadd.s32 s23, v2;
	v45 =	vld.idx.msk [tilespmem:v27+s11+$0x0], $0xffff  }
0x16f: {  	v42 =	vand.u32 $0x3F, v54;
	v53 =	vadd.s32 s31, v2;
	s29 =	simm.s32 $0xD;
	v57 =	vld.idx.msk [tilespmem:v27+s13+$0x0], $0xffff  }
0x170: {  	v41 =	vand.u32 $0x3F, v53;
	v53 =	vadd.s32 s29, v2;
	v56 =	vmul.f32 v29, v23;
	v46 =	vld.idx.msk [tilespmem:v25+s11+$0x0], $0xffff  }
0x171: {  	s25 =	simm.s32 $0xA;
	v33 =	vmul.f32 v48, v24;
	v29 =	vor.u32 v26, v41;
	v58 =	vmul.f32 v30, v22;
	v59 =	vld.idx.msk [tilespmem:v25+s13+$0x0], $0xffff  }
0x172: {  	v30 =	vor.u32 v26, v42;
	v32 =	vmul.f32 v63, v21;
	v48 =	vadd.s32 s25, v2;
	v39 =	vld.idx.msk [tilespmem:v28+s11+$0x0], $0xffff  }
0x173: {  	s23 =	simm.s32 $0x8;
	v34 =	vmul.f32 v49, v23;
	v36 =	vmul.f32 v50, v24;
	v33 =	vadd.f32 v33, v56;
	v61 =	vld.idx.msk [tilespmem:v28+s13+$0x0], $0xffff  }
0x174: {  	v60 =	vmul.f32 v52, v22;
	v62 =	vmul.f32 v55, v21;
	v56 =	vadd.s32 s23, v2;
	v49 =	vld.idx.msk [tilespmem:v31+s15+$0x0], $0xffff  }
0x175: {  	v50 =	vld.idx.msk [tilespmem:v27+s15+$0x0], $0xffff;
	v38 =	vmul.f32 v51, v23;
	v40 =	vmul.f32 v40, v24;
	v34 =	vadd.f32 v36, v34  }
0x176: {  	v51 =	vld.idx.msk [tilespmem:v25+s15+$0x0], $0xffff;
	v33 =	vadd.f32 v58, v33;
	v55 =	vmul.f32 v45, v23;
	v41 =	vmul.f32 v57, v24  }
0x177: {  	v63 =	vld.idx.msk [tilespmem:v29+s11+$0x0], $0xffff;
	v40 =	vadd.f32 v40, v38;
	v45 =	vand.u32 $0x3F, v48;
	v34 =	vadd.f32 v60, v34  }
0x178: {  	s24 =	simm.s32 $0x9;
	s30 =	simm.s32 $0xE;
	v57 =	vld.idx.msk [tilespmem:v29+s13+$0x0], $0xffff;
	v43 =	vadd.f32 v32, v33;
	v33 =	vand.u32 $0x38, v56;
	v58 =	vmul.f32 v46, v23  }
0x179: {  	v36 =	vld.idx.msk [tilespmem:v30+s11+$0x0], $0xffff;
	v59 =	vmul.f32 v59, v24;
	v60 =	vadd.s32 s24, v2;
	v56 =	vadd.s32 s30, v2  }
0x17a: {  	s26 =	simm.s32 $0xB;
	v46 =	vld.idx.msk [tilespmem:v30+s13+$0x0], $0xffff;
	v52 =	vadd.f32 v41, v55;
	v32 =	vor.u32 v4, v33;
	v39 =	vmul.f32 v39, v23  }
0x17b: {  	s28 =	simm.s32 $0xC;
	v54 =	vld.idx.msk [tilespmem:v28+s15+$0x0], $0xffff;
	v61 =	vmul.f32 v61, v24;
	v41 =	vadd.s32 s26, v2;
	v42 =	vand.u32 $0x3F, v60  }
0x17c: {  	v44 =	vld.idx.msk [tilespmem:v28+s17+$0x0], $0xffff;
	v38 =	vadd.f32 v62, v34;
	v33 =	vadd.f32 v59, v58;
	v62 =	vadd.s32 s28, v2  }
0x17d: {  	[tilespmem:v35+s19+$0x0] =	vst.idx.msk $0xffff, v43;
	v51 =	vmul.f32 v51, v22;
	v43 =	vand.u32 $0x3F, v62;
	v62 =	vmul.f32 v49, v22  }
0x17e: {  	v34 =	vadd.f32 v61, v39;
	v39 =	vld.idx.msk [tilespmem:v29+s15+$0x0], $0xffff;
	v47 =	vmul.f32 v63, v23;
	v63 =	vmul.f32 v57, v24  }
0x17f: {  	v48 =	vand.u32 $0x3F, v41;
	v41 =	vld.idx.msk [tilespmem:v25+s17+$0x0], $0xffff;
	v60 =	vmul.f32 v36, v23;
	v61 =	vmul.f32 v46, v24  }
0x180: {  	s31 =	simm.s32 $0xF;
	v36 =	vld.idx.msk [tilespmem:v30+s15+$0x0], $0xffff;
	v46 =	vand.u32 $0x3F, v53;
	v35 =	vadd.f32 v63, v47;
	v63 =	vmul.f32 v50, v22  }
0x181: {  	[tilespmem:v37+s19+$0x0] =	vst.idx.msk $0xffff, v38;
	v38 =	vld.idx.msk [tilespmem:v27+s17+$0x0], $0xffff;
	v49 =	vadd.f32 v62, v40;
	v53 =	vadd.s32 s31, v2;
	v50 =	vand.u32 $0x3F, v56  }
0x182: {  	s22 =	simm.s32 $0x10;
	v47 =	vld.idx.msk [tilespmem:v31+s17+$0x0], $0xffff;
	v37 =	vadd.f32 v61, v60;
	v40 =	vadd.f32 v63, v52;
	v52 =	vmul.f32 v54, v22  }
.LBB2_5:
0x183: {  	p0 =	slt.u32 s22, $0x38;
	v53 =	vand.u32 $0x3F, v53;
	v39 =	vmul.f32 v39, v22;
	v54 =	vld.idx.msk [tilespmem:v29+s17+$0x0], $0xffff  }
0x184: {  	v42 =	vor.u32 v26, v42;
	v45 =	vor.u32 v26, v45;
	v53 =	vor.u32 v26, v53;
	v55 =	vld.idx.msk [tilespmem:v30+s17+$0x0], $0xffff  }
0x185: {  	v48 =	vor.u32 v26, v48;
	v43 =	vor.u32 v26, v43;
	v46 =	vor.u32 v26, v46;
	v56 =	vld.idx.msk [tilespmem:v32+s17+$0x0], $0xffff  }
0x186: {  	v50 =	vor.u32 v26, v50;
	v33 =	vadd.f32 v51, v33;
	v36 =	vmul.f32 v36, v22;
	v57 =	vld.idx.msk [tilespmem:v32+s15+$0x0], $0xffff  }
0x187: {  	v47 =	vmul.f32 v47, v21;
	v34 =	vadd.f32 v52, v34;
	v35 =	vadd.f32 v39, v35;
	v51 =	vld.idx.msk [tilespmem:v32+s11+$0x0], $0xffff  }
0x188: {  	v38 =	vmul.f32 v38, v21;
	v36 =	vadd.f32 v36, v37;
	v41 =	vmul.f32 v41, v21;
	v39 =	vld.idx.msk [tilespmem:v32+s13+$0x0], $0xffff  }
0x189: {  	v47 =	vadd.f32 v47, v49;
	v44 =	vmul.f32 v44, v21;
	v49 =	vmul.f32 v54, v21;
	v37 =	vld.idx.msk [tilespmem:v53+s11+$0x0], $0xffff  }
0x18a: {  	v38 =	vadd.f32 v38, v40;
	v33 =	vadd.f32 v41, v33;
	v40 =	vmul.f32 v55, v21;
	v52 =	vld.idx.msk [tilespmem:v53+s13+$0x0], $0xffff  }
0x18b: {  	v34 =	vadd.f32 v44, v34;
	v35 =	vadd.f32 v49, v35;
	v41 =	vld.idx.msk [tilespmem:v42+s11+$0x0], $0xffff;
	[tilespmem:v31+s19+$0x0] =	vst.idx.msk $0xffff, v47  }
0x18c: {  	v36 =	vadd.f32 v40, v36;
	v31 =	vmov v42;
	v44 =	vld.idx.msk [tilespmem:v53+s15+$0x0], $0xffff;
	[tilespmem:v27+s19+$0x0] =	vst.idx.msk $0xffff, v38;
	v27 =	vmov v45  }
0x18d: {  	v38 =	vld.idx.msk [tilespmem:v42+s13+$0x0], $0xffff;
	[tilespmem:v25+s19+$0x0] =	vst.idx.msk $0xffff, v33;
	v25 =	vmov v48  }
0x18e: {  	v33 =	vld.idx.msk [tilespmem:v53+s17+$0x0], $0xffff;
	[tilespmem:v28+s19+$0x0] =	vst.idx.msk $0xffff, v34;
	v28 =	vmov v43  }
0x18f: {  	v39 =	vmul.f32 v39, v24;
	v34 =	vmul.f32 v51, v23;
	v40 =	vld.idx.msk [tilespmem:v45+s11+$0x0], $0xffff;
	[tilespmem:v29+s19+$0x0] =	vst.idx.msk $0xffff, v35  }
0x190: {  	v35 =	vld.idx.msk [tilespmem:v45+s13+$0x0], $0xffff;
	v45 =	vmul.f32 v37, v23;
	v37 =	vmul.f32 v52, v24;
	[tilespmem:v30+s19+$0x0] =	vst.idx.msk $0xffff, v36  }
0x191: {  	v34 =	vadd.f32 v39, v34;
	v36 =	vmul.f32 v57, v22;
	v39 =	vmul.f32 v41, v23;
	v41 =	vld.idx.msk [tilespmem:v48+s11+$0x0], $0xffff  }
0x192: {  	v29 =	vmovc v46;
	v30 =	vmov v50;
	v43 =	vmul.f32 v44, v22;
	v42 =	vld.idx.msk [tilespmem:v48+s13+$0x0], $0xffff;
	v37 =	vadd.f32 v37, v45  }
0x193: {  	v34 =	vadd.f32 v36, v34;
	v36 =	vmul.f32 v56, v21;
	v38 =	vmul.f32 v38, v24;
	v44 =	vld.idx.msk [tilespmem:v28+s11+$0x0], $0xffff  }
0x194: {  	v33 =	vmul.f32 v33, v21;
	v45 =	vld.idx.msk [tilespmem:v28+s13+$0x0], $0xffff;
	v37 =	vadd.f32 v43, v37  }
0x195: {  	v34 =	vadd.f32 v36, v34;
	v49 =	vadd.f32 v38, v39;
	v36 =	vmul.f32 v40, v23;
	v38 =	vld.idx.msk [tilespmem:v46+s11+$0x0], $0xffff  }
0x196: {  	v39 =	vadd.s32 s22, v2;
	v35 =	vmul.f32 v35, v24;
	v40 =	vld.idx.msk [tilespmem:v46+s13+$0x0], $0xffff;
	v33 =	vadd.f32 v33, v37  }
0x197: {  	v37 =	vand.u32 $0x38, v39;
	[tilespmem:v32+s19+$0x0] =	vst.idx.msk $0xffff, v34;
	v34 =	vmul.f32 v41, v23;
	v41 =	vld.idx.msk [tilespmem:v50+s11+$0x0], $0xffff  }
0x198: {  	s23 =	sadd.s32 $0x1, s22;
	v52 =	vadd.f32 v35, v36;
	v35 =	vmul.f32 v42, v24;
	v36 =	vld.idx.msk [tilespmem:v50+s13+$0x0], $0xffff;
	[tilespmem:v53+s19+$0x0] =	vst.idx.msk $0xffff, v33  }
0x199: {  	v32 =	vor.u32 v4, v37;
	v37 =	vadd.s32 s23, v2;
	s23 =	sadd.s32 $0x2, s22;
	v39 =	vmul.f32 v44, v23;
	v46 =	vld.idx.msk [tilespmem:v31+s15+$0x0], $0xffff  }
0x19a: {  	s24 =	sadd.s32 $0x4, s22;
	v43 =	vadd.s32 s23, v2;
	s23 =	sadd.s32 $0x3, s22;
	v33 =	vadd.f32 v35, v34;
	v34 =	vmul.f32 v45, v24;
	v44 =	vld.idx.msk [tilespmem:v27+s15+$0x0], $0xffff  }
0x19b: {  	v50 =	vadd.s32 s24, v2;
	v47 =	vadd.s32 s23, v2;
	s23 =	sadd.s32 $0x5, s22;
	v35 =	vmul.f32 v38, v23;
	v51 =	vld.idx.msk [tilespmem:v25+s15+$0x0], $0xffff  }
0x19c: {  	v38 =	vadd.s32 s23, v2;
	s23 =	sadd.s32 $0x6, s22;
	v34 =	vadd.f32 v34, v39;
	v40 =	vmul.f32 v40, v24;
	v54 =	vld.idx.msk [tilespmem:v28+s15+$0x0], $0xffff  }
0x19d: {  	v42 =	vand.u32 $0x3F, v37;
	v53 =	vadd.s32 s23, v2;
	v37 =	vmul.f32 v41, v23;
	v39 =	vld.idx.msk [tilespmem:v29+s15+$0x0], $0xffff  }
.Ltmp1:
0x19e: {  	v45 =	vand.u32 $0x3F, v43;
	v35 =	vadd.f32 v40, v35;
	v40 =	vmul.f32 v36, v24;
	v36 =	vld.idx.msk [tilespmem:v30+s15+$0x0], $0xffff;
	(pc) =	sbr.rel @p0 .LBB2_5-.Ltmp1, $4  }
0x19f: {  	v43 =	vand.u32 $0x3F, v50;
	v48 =	vand.u32 $0x3F, v47;
	v41 =	vmul.f32 v46, v22;
	v47 =	vld.idx.msk [tilespmem:v31+s17+$0x0], $0xffff  }
0x1a0: {  	v46 =	vand.u32 $0x3F, v38;
	v44 =	vmul.f32 v44, v22;
	v37 =	vadd.f32 v40, v37;
	v38 =	vld.idx.msk [tilespmem:v27+s17+$0x0], $0xffff  }
0x1a1: {  	s23 =	sadd.s32 $0x7, s22;
	v50 =	vand.u32 $0x3F, v53;
	v49 =	vadd.f32 v41, v49;
	v51 =	vmul.f32 v51, v22;
	v41 =	vld.idx.msk [tilespmem:v25+s17+$0x0], $0xffff  }
0x1a2: {  	s22 =	sadd.s32 $0x8, s22;
	v53 =	vadd.s32 s23, v2;
	v40 =	vadd.f32 v44, v52;
	v52 =	vmul.f32 v54, v22;
	v44 =	vld.idx.msk [tilespmem:v28+s17+$0x0], $0xffff  }
0x1a3: {  	_ =	sdelay $0x3  }
0x1a4: {  	v54 =	vld.idx.msk [tilespmem:v29+s17+$0x0], $0xffff  }
0x1a5: {  	v55 =	vld.idx.msk [tilespmem:v30+s17+$0x0], $0xffff;
	v42 =	vor.u32 v26, v42  }
0x1a6: {  	v56 =	vld.idx.msk [tilespmem:v32+s17+$0x0], $0xffff  }
0x1a7: {  	v57 =	vld.idx.msk [tilespmem:v32+s15+$0x0], $0xffff;
	v45 =	vor.u32 v26, v45  }
0x1a8: {  	v58 =	vld.idx.msk [tilespmem:v32+s11+$0x0], $0xffff;
	v47 =	vmul.f32 v47, v21  }
0x1a9: {  	v59 =	vld.idx.msk [tilespmem:v32+s13+$0x0], $0xffff;
	v48 =	vor.u32 v26, v48  }
0x1aa: {  	v47 =	vadd.f32 v47, v49;
	v62 =	vld.idx.msk [tilespmem:v42+s11+$0x0], $0xffff  }
0x1ab: {  	v53 =	vand.u32 $0x3F, v53;
	v46 =	vor.u32 v26, v46;
	v63 =	vld.idx.msk [tilespmem:v42+s13+$0x0], $0xffff  }
0x1ac: {  	v39 =	vmul.f32 v39, v22;
	v53 =	vor.u32 v26, v53;
	[tilespmem:v31+s19+$0x0] =	vst.idx.msk $0xffff, v47;
	v47 =	vld.idx.msk [tilespmem:v45+s11+$0x0], $0xffff  }
0x1ad: {  	v38 =	vmul.f32 v38, v21;
	v31 =	vor.u32 v26, v43;
	v26 =	vor.u32 v26, v50;
	v50 =	vld.idx.msk [tilespmem:v45+s13+$0x0], $0xffff  }
0x1ae: {  	v35 =	vadd.f32 v39, v35;
	v39 =	vmul.f32 v41, v21;
	v41 =	vld.idx.msk [tilespmem:v48+s11+$0x0], $0xffff  }
0x1af: {  	v38 =	vadd.f32 v38, v40;
	v40 =	vld.idx.msk [tilespmem:v48+s13+$0x0], $0xffff  }
0x1b0: {  	v33 =	vadd.f32 v51, v33;
	v51 =	vld.idx.msk [tilespmem:v46+s13+$0x0], $0xffff  }
0x1b1: {  	v36 =	vmul.f32 v36, v22;
	v60 =	vld.idx.msk [tilespmem:v53+s11+$0x0], $0xffff  }
0x1b2: {  	v34 =	vadd.f32 v52, v34;
	v44 =	vmul.f32 v44, v21;
	v61 =	vld.idx.msk [tilespmem:v53+s13+$0x0], $0xffff  }
0x1b3: {  	v36 =	vadd.f32 v36, v37;
	v55 =	vmul.f32 v55, v21;
	v58 =	vmul.f32 v58, v23;
	v49 =	vld.idx.msk [tilespmem:v53+s15+$0x0], $0xffff  }
0x1b4: {  	v59 =	vmul.f32 v59, v24;
	v43 =	vld.idx.msk [tilespmem:v53+s17+$0x0], $0xffff;
	[tilespmem:v27+s19+$0x0] =	vst.idx.msk $0xffff, v38;
	v27 =	vadd.f32 v44, v34  }
0x1b5: {  	v54 =	vmul.f32 v54, v21;
	v44 =	vld.idx.msk [tilespmem:v46+s11+$0x0], $0xffff;
	v36 =	vadd.f32 v55, v36  }
0x1b6: {  	[tilespmem:v28+s19+$0x0] =	vst.idx.msk $0xffff, v27;
	v27 =	vadd.f32 v59, v58;
	v28 =	vmul.f32 v57, v22;
	v58 =	vld.idx.msk [tilespmem:v42+s15+$0x0], $0xffff  }
0x1b7: {  	v33 =	vadd.f32 v39, v33;
	v34 =	vadd.f32 v54, v35;
	v59 =	vld.idx.msk [tilespmem:v45+s15+$0x0], $0xffff  }
0x1b8: {  	[tilespmem:v30+s19+$0x0] =	vst.idx.msk $0xffff, v36;
	v30 =	vld.idx.msk [tilespmem:v48+s15+$0x0], $0xffff;
	v27 =	vadd.f32 v28, v27;
	v28 =	vmul.f32 v56, v21  }
0x1b9: {  	[tilespmem:v25+s19+$0x0] =	vst.idx.msk $0xffff, v33;
	v39 =	vld.idx.msk [tilespmem:v31+s11+$0x0], $0xffff;
	v25 =	vmul.f32 v60, v23;
	v60 =	vmul.f32 v61, v24  }
0x1ba: {  	[tilespmem:v29+s19+$0x0] =	vst.idx.msk $0xffff, v34;
	v35 =	vld.idx.msk [tilespmem:v31+s13+$0x0], $0xffff;
	v57 =	vmul.f32 v63, v24;
	v61 =	vmul.f32 v62, v23  }
0x1bb: {  	v52 =	vmul.f32 v51, v24;
	v62 =	vmul.f32 v49, v22;
	v49 =	vld.idx.msk [tilespmem:v26+s13+$0x0], $0xffff;
	v25 =	vadd.f32 v60, v25  }
0x1bc: {  	v37 =	vld.idx.msk [tilespmem:v26+s11+$0x0], $0xffff;
	v29 =	vmul.f32 v43, v21;
	v27 =	vadd.f32 v28, v27;
	v28 =	vadd.f32 v57, v61  }
0x1bd: {  	v63 =	vld.idx.msk [tilespmem:v46+s15+$0x0], $0xffff;
	v60 =	vmul.f32 v47, v23;
	v61 =	vmul.f32 v50, v24;
	v25 =	vadd.f32 v62, v25  }
0x1be: {  	v50 =	vld.idx.msk [tilespmem:v26+s15+$0x0], $0xffff;
	v56 =	vmul.f32 v58, v22;
	[tilespmem:v32+s19+$0x0] =	vst.idx.msk $0xffff, v27;
	v27 =	vmul.f32 v41, v23  }
0x1bf: {  	v57 =	vld.idx.msk [tilespmem:v48+s17+$0x0], $0xffff;
	v62 =	vmul.f32 v40, v24;
	v47 =	vmul.f32 v39, v23;
	v25 =	vadd.f32 v29, v25  }
0x1c0: {  	v34 =	vadd.f32 v61, v60;
	v35 =	vmul.f32 v35, v24;
	v24 =	vmul.f32 v49, v24;
	v29 =	vld.idx.msk [tilespmem:v31+s15+$0x0], $0xffff  }
0x1c1: {  	[tilespmem:v53+s19+$0x0] =	vst.idx.msk $0xffff, v25;
	v25 =	vmul.f32 v44, v23;
	v53 =	vld.idx.msk [tilespmem:v42+s17+$0x0], $0xffff;
	v23 =	vmul.f32 v37, v23  }
0x1c2: {  	v55 =	vld.idx.msk [tilespmem:v45+s17+$0x0], $0xffff;
	v33 =	vmul.f32 v59, v22;
	v28 =	vadd.f32 v56, v28;
	v27 =	vadd.f32 v62, v27  }
0x1c3: {  	v35 =	vadd.f32 v35, v47;
	v23 =	vadd.f32 v24, v23;
	v24 =	vmul.f32 v30, v22;
	v30 =	vld.idx.msk [tilespmem:v31+s17+$0x0], $0xffff  }
0x1c4: {  	v58 =	vld.idx.msk [tilespmem:v46+s17+$0x0], $0xffff;
	v59 =	vmul.f32 v63, v22;
	v33 =	vadd.f32 v33, v34;
	v25 =	vadd.f32 v52, v25  }
0x1c5: {  	v60 =	vld.idx.msk [tilespmem:v26+s17+$0x0], $0xffff;
	v61 =	vmul.f32 v57, v21;
	v29 =	vmul.f32 v29, v22;
	v24 =	vadd.f32 v24, v27  }
0x1c6: {  	v22 =	vmul.f32 v50, v22;
	v25 =	vadd.f32 v59, v25;
	v27 =	vmul.f32 v53, v21  }
0x1c7: {  	v32 =	vmul.f32 v55, v21;
	v29 =	vadd.f32 v29, v35;
	v24 =	vadd.f32 v61, v24  }
0x1c8: {  	v22 =	vadd.f32 v22, v23;
	v27 =	vadd.f32 v27, v28;
	v23 =	vmul.f32 v30, v21  }
0x1c9: {  	v28 =	vadd.f32 v32, v33;
	v30 =	vmul.f32 v58, v21;
	[tilespmem:v48+s19+$0x0] =	vst.idx.msk $0xffff, v24  }
0x1ca: {  	v21 =	vmul.f32 v60, v21;
	[tilespmem:v42+s19+$0x0] =	vst.idx.msk $0xffff, v27;
	v23 =	vadd.f32 v23, v29  }
0x1cb: {  	s22 =	simm.s32 $0x0;
	[tilespmem:v45+s19+$0x0] =	vst.idx.msk $0xffff, v28;
	v25 =	vadd.f32 v30, v25  }
0x1cc: {  	v21 =	vadd.f32 v21, v22;
	v22 =	vadd.s32 s22, v2;
	[tilespmem:v31+s19+$0x0] =	vst.idx.msk $0xffff, v23  }
0x1cd: {  	v22 =	vand.u32 $0x38, v22;
	[tilespmem:v46+s19+$0x0] =	vst.idx.msk $0xffff, v25  }
0x1ce: {  	[tilespmem:v26+s19+$0x0] =	vst.idx.msk $0xffff, v21;
	v35 =	vor.u32 v5, v22  }
0x1cf: {  	s25 =	simm.s32 $0x7;
	v23 =	vld [tilespmem:$0x2B0]  }
0x1d0: {  	v21 =	vadd.s32 s25, v2;
	v24 =	vld [tilespmem:$0x330]  }
0x1d1: {  	v26 =	vor.u32 $0x800, v20;
	v22 =	vld [tilespmem:$0x3B0];
	v25 =	vand.u32 $0x3F, v21  }
0x1d2: {  	v21 =	vld [tilespmem:$0x430];
	v37 =	vor.u32 v26, v25  }
0x1d3: {  	s26 =	simm.s32 $0x1;
	v62 =	vld.idx.msk [tilespmem:v35+s17+$0x0], $0xffff  }
0x1d4: {  	v27 =	vadd.s32 s26, v2;
	v30 =	vld.idx.msk [tilespmem:v35+s15+$0x0], $0xffff  }
0x1d5: {  	s28 =	simm.s32 $0x2;
	v25 =	vand.u32 $0x3F, v27;
	v29 =	vld.idx.msk [tilespmem:v35+s11+$0x0], $0xffff  }
0x1d6: {  	v31 =	vor.u32 v26, v25;
	v25 =	vadd.s32 s28, v2;
	v63 =	vld.idx.msk [tilespmem:v35+s13+$0x0], $0xffff  }
0x1d7: {  	s29 =	simm.s32 $0x3;
	v25 =	vand.u32 $0x3F, v25;
	v48 =	vld.idx.msk [tilespmem:v37+s11+$0x0], $0xffff  }
0x1d8: {  	v28 =	vadd.s32 s29, v2;
	v27 =	vor.u32 v26, v25;
	v49 =	vld.idx.msk [tilespmem:v37+s13+$0x0], $0xffff  }
0x1d9: {  	s30 =	simm.s32 $0x4;
	v25 =	vand.u32 $0x3F, v28;
	v51 =	vld.idx.msk [tilespmem:v37+s15+$0x0], $0xffff  }
0x1da: {  	v28 =	vadd.s32 s30, v2;
	v25 =	vor.u32 v26, v25;
	v55 =	vld.idx.msk [tilespmem:v37+s17+$0x0], $0xffff  }
0x1db: {  	v28 =	vand.u32 $0x3F, v28;
	v50 =	vld.idx.msk [tilespmem:v31+s11+$0x0], $0xffff  }
0x1dc: {  	s31 =	simm.s32 $0x5;
	v28 =	vor.u32 v26, v28;
	v52 =	vld.idx.msk [tilespmem:v31+s13+$0x0], $0xffff  }
0x1dd: {  	s23 =	simm.s32 $0x6;
	v53 =	vadd.s32 s31, v2;
	v45 =	vld.idx.msk [tilespmem:v27+s11+$0x0], $0xffff  }
0x1de: {  	v54 =	vadd.s32 s23, v2;
	v41 =	vand.u32 $0x3F, v53;
	s29 =	simm.s32 $0xD;
	v57 =	vld.idx.msk [tilespmem:v27+s13+$0x0], $0xffff  }
0x1df: {  	v42 =	vand.u32 $0x3F, v54;
	v53 =	vadd.s32 s29, v2;
	v56 =	vmul.f32 v29, v23;
	v46 =	vld.idx.msk [tilespmem:v25+s11+$0x0], $0xffff  }
0x1e0: {  	v33 =	vmul.f32 v63, v24;
	v29 =	vor.u32 v26, v41;
	v58 =	vmul.f32 v30, v22;
	v59 =	vld.idx.msk [tilespmem:v25+s13+$0x0], $0xffff  }
0x1e1: {  	v30 =	vor.u32 v26, v42;
	v32 =	vmul.f32 v62, v21;
	v34 =	vmul.f32 v48, v23;
	v39 =	vld.idx.msk [tilespmem:v28+s11+$0x0], $0xffff  }
0x1e2: {  	s23 =	simm.s32 $0x8;
	s25 =	simm.s32 $0xA;
	v36 =	vmul.f32 v49, v24;
	v33 =	vadd.f32 v33, v56;
	v60 =	vmul.f32 v51, v22;
	v61 =	vld.idx.msk [tilespmem:v28+s13+$0x0], $0xffff  }
0x1e3: {  	v62 =	vmul.f32 v55, v21;
	v56 =	vadd.s32 s23, v2;
	v49 =	vld.idx.msk [tilespmem:v31+s15+$0x0], $0xffff;
	v48 =	vadd.s32 s25, v2  }
0x1e4: {  	v51 =	vld.idx.msk [tilespmem:v25+s15+$0x0], $0xffff;
	v38 =	vmul.f32 v50, v23;
	v40 =	vmul.f32 v52, v24;
	v34 =	vadd.f32 v36, v34  }
0x1e5: {  	v54 =	vld.idx.msk [tilespmem:v28+s15+$0x0], $0xffff;
	v33 =	vadd.f32 v58, v33;
	v55 =	vmul.f32 v45, v23;
	v41 =	vmul.f32 v57, v24  }
0x1e6: {  	v63 =	vld.idx.msk [tilespmem:v29+s11+$0x0], $0xffff;
	v40 =	vadd.f32 v40, v38;
	v45 =	vand.u32 $0x3F, v48;
	v34 =	vadd.f32 v60, v34  }
0x1e7: {  	s24 =	simm.s32 $0x9;
	s30 =	simm.s32 $0xE;
	v57 =	vld.idx.msk [tilespmem:v29+s13+$0x0], $0xffff;
	v43 =	vadd.f32 v32, v33;
	v33 =	vand.u32 $0x38, v56;
	v58 =	vmul.f32 v46, v23  }
0x1e8: {  	v36 =	vld.idx.msk [tilespmem:v30+s11+$0x0], $0xffff;
	v59 =	vmul.f32 v59, v24;
	v60 =	vadd.s32 s24, v2;
	v56 =	vadd.s32 s30, v2  }
0x1e9: {  	s26 =	simm.s32 $0xB;
	v46 =	vld.idx.msk [tilespmem:v30+s13+$0x0], $0xffff;
	v52 =	vadd.f32 v41, v55;
	v32 =	vor.u32 v5, v33;
	v39 =	vmul.f32 v39, v23  }
0x1ea: {  	s28 =	simm.s32 $0xC;
	v50 =	vld.idx.msk [tilespmem:v27+s15+$0x0], $0xffff;
	v61 =	vmul.f32 v61, v24;
	v41 =	vadd.s32 s26, v2;
	v42 =	vand.u32 $0x3F, v60  }
0x1eb: {  	v44 =	vld.idx.msk [tilespmem:v28+s17+$0x0], $0xffff;
	v51 =	vmul.f32 v51, v22;
	v38 =	vadd.f32 v62, v34;
	v62 =	vadd.s32 s28, v2  }
0x1ec: {  	v33 =	vadd.f32 v59, v58;
	[tilespmem:v35+s19+$0x0] =	vst.idx.msk $0xffff, v43;
	v43 =	vand.u32 $0x3F, v62;
	v62 =	vmul.f32 v49, v22  }
0x1ed: {  	v34 =	vadd.f32 v61, v39;
	v39 =	vld.idx.msk [tilespmem:v29+s15+$0x0], $0xffff;
	v47 =	vmul.f32 v63, v23;
	v63 =	vmul.f32 v57, v24  }
0x1ee: {  	v48 =	vand.u32 $0x3F, v41;
	v41 =	vld.idx.msk [tilespmem:v25+s17+$0x0], $0xffff;
	v60 =	vmul.f32 v36, v23;
	v61 =	vmul.f32 v46, v24  }
0x1ef: {  	s31 =	simm.s32 $0xF;
	v36 =	vld.idx.msk [tilespmem:v30+s15+$0x0], $0xffff;
	v46 =	vand.u32 $0x3F, v53;
	v35 =	vadd.f32 v63, v47;
	v63 =	vmul.f32 v50, v22  }
0x1f0: {  	[tilespmem:v37+s19+$0x0] =	vst.idx.msk $0xffff, v38;
	v38 =	vld.idx.msk [tilespmem:v27+s17+$0x0], $0xffff;
	v49 =	vadd.f32 v62, v40;
	v53 =	vadd.s32 s31, v2;
	v50 =	vand.u32 $0x3F, v56  }
0x1f1: {  	s22 =	simm.s32 $0x10;
	v47 =	vld.idx.msk [tilespmem:v31+s17+$0x0], $0xffff;
	v37 =	vadd.f32 v61, v60;
	v40 =	vadd.f32 v63, v52;
	v52 =	vmul.f32 v54, v22  }
.LBB2_7:
0x1f2: {  	p0 =	slt.u32 s22, $0x38;
	v53 =	vand.u32 $0x3F, v53;
	v39 =	vmul.f32 v39, v22;
	v54 =	vld.idx.msk [tilespmem:v29+s17+$0x0], $0xffff  }
0x1f3: {  	v42 =	vor.u32 v26, v42;
	v45 =	vor.u32 v26, v45;
	v53 =	vor.u32 v26, v53;
	v55 =	vld.idx.msk [tilespmem:v30+s17+$0x0], $0xffff  }
0x1f4: {  	v48 =	vor.u32 v26, v48;
	v43 =	vor.u32 v26, v43;
	v46 =	vor.u32 v26, v46;
	v56 =	vld.idx.msk [tilespmem:v32+s17+$0x0], $0xffff  }
0x1f5: {  	v50 =	vor.u32 v26, v50;
	v33 =	vadd.f32 v51, v33;
	v36 =	vmul.f32 v36, v22;
	v57 =	vld.idx.msk [tilespmem:v32+s15+$0x0], $0xffff  }
0x1f6: {  	v47 =	vmul.f32 v47, v21;
	v34 =	vadd.f32 v52, v34;
	v35 =	vadd.f32 v39, v35;
	v51 =	vld.idx.msk [tilespmem:v32+s11+$0x0], $0xffff  }
0x1f7: {  	v38 =	vmul.f32 v38, v21;
	v36 =	vadd.f32 v36, v37;
	v41 =	vmul.f32 v41, v21;
	v39 =	vld.idx.msk [tilespmem:v32+s13+$0x0], $0xffff  }
0x1f8: {  	v47 =	vadd.f32 v47, v49;
	v44 =	vmul.f32 v44, v21;
	v49 =	vmul.f32 v54, v21;
	v37 =	vld.idx.msk [tilespmem:v53+s11+$0x0], $0xffff  }
0x1f9: {  	v38 =	vadd.f32 v38, v40;
	v33 =	vadd.f32 v41, v33;
	v40 =	vmul.f32 v55, v21;
	v52 =	vld.idx.msk [tilespmem:v53+s13+$0x0], $0xffff  }
0x1fa: {  	v34 =	vadd.f32 v44, v34;
	v35 =	vadd.f32 v49, v35;
	v41 =	vld.idx.msk [tilespmem:v42+s11+$0x0], $0xffff;
	[tilespmem:v31+s19+$0x0] =	vst.idx.msk $0xffff, v47  }
0x1fb: {  	v36 =	vadd.f32 v40, v36;
	v31 =	vmov v42;
	v44 =	vld.idx.msk [tilespmem:v53+s15+$0x0], $0xffff;
	[tilespmem:v27+s19+$0x0] =	vst.idx.msk $0xffff, v38;
	v27 =	vmov v45  }
0x1fc: {  	v38 =	vld.idx.msk [tilespmem:v42+s13+$0x0], $0xffff;
	[tilespmem:v25+s19+$0x0] =	vst.idx.msk $0xffff, v33;
	v25 =	vmov v48  }
0x1fd: {  	v33 =	vld.idx.msk [tilespmem:v53+s17+$0x0], $0xffff;
	[tilespmem:v28+s19+$0x0] =	vst.idx.msk $0xffff, v34;
	v28 =	vmov v43  }
0x1fe: {  	v39 =	vmul.f32 v39, v24;
	v34 =	vmul.f32 v51, v23;
	v40 =	vld.idx.msk [tilespmem:v45+s11+$0x0], $0xffff;
	[tilespmem:v29+s19+$0x0] =	vst.idx.msk $0xffff, v35  }
0x1ff: {  	v35 =	vld.idx.msk [tilespmem:v45+s13+$0x0], $0xffff;
	v45 =	vmul.f32 v37, v23;
	v37 =	vmul.f32 v52, v24;
	[tilespmem:v30+s19+$0x0] =	vst.idx.msk $0xffff, v36  }
0x200: {  	v34 =	vadd.f32 v39, v34;
	v36 =	vmul.f32 v57, v22;
	v39 =	vmul.f32 v41, v23;
	v41 =	vld.idx.msk [tilespmem:v48+s11+$0x0], $0xffff  }
0x201: {  	v29 =	vmovc v46;
	v30 =	vmov v50;
	v43 =	vmul.f32 v44, v22;
	v42 =	vld.idx.msk [tilespmem:v48+s13+$0x0], $0xffff;
	v37 =	vadd.f32 v37, v45  }
0x202: {  	v34 =	vadd.f32 v36, v34;
	v36 =	vmul.f32 v56, v21;
	v38 =	vmul.f32 v38, v24;
	v44 =	vld.idx.msk [tilespmem:v28+s11+$0x0], $0xffff  }
0x203: {  	v33 =	vmul.f32 v33, v21;
	v45 =	vld.idx.msk [tilespmem:v28+s13+$0x0], $0xffff;
	v37 =	vadd.f32 v43, v37  }
0x204: {  	v34 =	vadd.f32 v36, v34;
	v49 =	vadd.f32 v38, v39;
	v36 =	vmul.f32 v40, v23;
	v38 =	vld.idx.msk [tilespmem:v46+s11+$0x0], $0xffff  }
0x205: {  	v39 =	vadd.s32 s22, v2;
	v35 =	vmul.f32 v35, v24;
	v40 =	vld.idx.msk [tilespmem:v46+s13+$0x0], $0xffff;
	v33 =	vadd.f32 v33, v37  }
0x206: {  	v37 =	vand.u32 $0x38, v39;
	[tilespmem:v32+s19+$0x0] =	vst.idx.msk $0xffff, v34;
	v34 =	vmul.f32 v41, v23;
	v41 =	vld.idx.msk [tilespmem:v50+s11+$0x0], $0xffff  }
0x207: {  	s23 =	sadd.s32 $0x1, s22;
	v52 =	vadd.f32 v35, v36;
	v35 =	vmul.f32 v42, v24;
	v36 =	vld.idx.msk [tilespmem:v50+s13+$0x0], $0xffff;
	[tilespmem:v53+s19+$0x0] =	vst.idx.msk $0xffff, v33  }
0x208: {  	v32 =	vor.u32 v5, v37;
	v37 =	vadd.s32 s23, v2;
	s23 =	sadd.s32 $0x2, s22;
	v39 =	vmul.f32 v44, v23;
	v46 =	vld.idx.msk [tilespmem:v31+s15+$0x0], $0xffff  }
0x209: {  	s24 =	sadd.s32 $0x4, s22;
	v43 =	vadd.s32 s23, v2;
	s23 =	sadd.s32 $0x3, s22;
	v33 =	vadd.f32 v35, v34;
	v34 =	vmul.f32 v45, v24;
	v44 =	vld.idx.msk [tilespmem:v27+s15+$0x0], $0xffff  }
0x20a: {  	v50 =	vadd.s32 s24, v2;
	v47 =	vadd.s32 s23, v2;
	s23 =	sadd.s32 $0x5, s22;
	v35 =	vmul.f32 v38, v23;
	v51 =	vld.idx.msk [tilespmem:v25+s15+$0x0], $0xffff  }
0x20b: {  	v38 =	vadd.s32 s23, v2;
	s23 =	sadd.s32 $0x6, s22;
	v34 =	vadd.f32 v34, v39;
	v40 =	vmul.f32 v40, v24;
	v54 =	vld.idx.msk [tilespmem:v28+s15+$0x0], $0xffff  }
0x20c: {  	v42 =	vand.u32 $0x3F, v37;
	v53 =	vadd.s32 s23, v2;
	v37 =	vmul.f32 v41, v23;
	v39 =	vld.idx.msk [tilespmem:v29+s15+$0x0], $0xffff  }
.Ltmp2:
0x20d: {  	v45 =	vand.u32 $0x3F, v43;
	v35 =	vadd.f32 v40, v35;
	v40 =	vmul.f32 v36, v24;
	v36 =	vld.idx.msk [tilespmem:v30+s15+$0x0], $0xffff;
	(pc) =	sbr.rel @p0 .LBB2_7-.Ltmp2, $4  }
0x20e: {  	v43 =	vand.u32 $0x3F, v50;
	v48 =	vand.u32 $0x3F, v47;
	v41 =	vmul.f32 v46, v22;
	v47 =	vld.idx.msk [tilespmem:v31+s17+$0x0], $0xffff  }
0x20f: {  	v46 =	vand.u32 $0x3F, v38;
	v44 =	vmul.f32 v44, v22;
	v37 =	vadd.f32 v40, v37;
	v38 =	vld.idx.msk [tilespmem:v27+s17+$0x0], $0xffff  }
0x210: {  	s23 =	sadd.s32 $0x7, s22;
	v50 =	vand.u32 $0x3F, v53;
	v49 =	vadd.f32 v41, v49;
	v51 =	vmul.f32 v51, v22;
	v41 =	vld.idx.msk [tilespmem:v25+s17+$0x0], $0xffff  }
0x211: {  	s22 =	sadd.s32 $0x8, s22;
	v53 =	vadd.s32 s23, v2;
	v40 =	vadd.f32 v44, v52;
	v52 =	vmul.f32 v54, v22;
	v44 =	vld.idx.msk [tilespmem:v28+s17+$0x0], $0xffff  }
0x212: {  	_ =	sdelay $0x3  }
0x213: {  	v54 =	vld.idx.msk [tilespmem:v29+s17+$0x0], $0xffff  }
0x214: {  	v55 =	vld.idx.msk [tilespmem:v30+s17+$0x0], $0xffff;
	v42 =	vor.u32 v26, v42  }
0x215: {  	v56 =	vld.idx.msk [tilespmem:v32+s17+$0x0], $0xffff  }
0x216: {  	v57 =	vld.idx.msk [tilespmem:v32+s15+$0x0], $0xffff;
	v45 =	vor.u32 v26, v45  }
0x217: {  	v58 =	vld.idx.msk [tilespmem:v32+s11+$0x0], $0xffff;
	v47 =	vmul.f32 v47, v21  }
0x218: {  	v59 =	vld.idx.msk [tilespmem:v32+s13+$0x0], $0xffff;
	v48 =	vor.u32 v26, v48  }
0x219: {  	v47 =	vadd.f32 v47, v49;
	v62 =	vld.idx.msk [tilespmem:v42+s11+$0x0], $0xffff  }
0x21a: {  	v53 =	vand.u32 $0x3F, v53;
	v46 =	vor.u32 v26, v46;
	v63 =	vld.idx.msk [tilespmem:v42+s13+$0x0], $0xffff  }
0x21b: {  	v39 =	vmul.f32 v39, v22;
	v53 =	vor.u32 v26, v53;
	[tilespmem:v31+s19+$0x0] =	vst.idx.msk $0xffff, v47;
	v47 =	vld.idx.msk [tilespmem:v45+s11+$0x0], $0xffff  }
0x21c: {  	v38 =	vmul.f32 v38, v21;
	v31 =	vor.u32 v26, v43;
	v26 =	vor.u32 v26, v50;
	v50 =	vld.idx.msk [tilespmem:v45+s13+$0x0], $0xffff  }
0x21d: {  	v35 =	vadd.f32 v39, v35;
	v39 =	vmul.f32 v41, v21;
	v41 =	vld.idx.msk [tilespmem:v48+s11+$0x0], $0xffff  }
0x21e: {  	v38 =	vadd.f32 v38, v40;
	v40 =	vld.idx.msk [tilespmem:v48+s13+$0x0], $0xffff  }
0x21f: {  	v33 =	vadd.f32 v51, v33;
	v51 =	vld.idx.msk [tilespmem:v46+s13+$0x0], $0xffff  }
0x220: {  	v36 =	vmul.f32 v36, v22;
	v60 =	vld.idx.msk [tilespmem:v53+s11+$0x0], $0xffff  }
0x221: {  	v34 =	vadd.f32 v52, v34;
	v44 =	vmul.f32 v44, v21;
	v61 =	vld.idx.msk [tilespmem:v53+s13+$0x0], $0xffff  }
0x222: {  	v36 =	vadd.f32 v36, v37;
	v55 =	vmul.f32 v55, v21;
	v58 =	vmul.f32 v58, v23;
	v49 =	vld.idx.msk [tilespmem:v53+s15+$0x0], $0xffff  }
0x223: {  	v59 =	vmul.f32 v59, v24;
	v43 =	vld.idx.msk [tilespmem:v53+s17+$0x0], $0xffff;
	[tilespmem:v27+s19+$0x0] =	vst.idx.msk $0xffff, v38;
	v27 =	vadd.f32 v44, v34  }
0x224: {  	v54 =	vmul.f32 v54, v21;
	v44 =	vld.idx.msk [tilespmem:v46+s11+$0x0], $0xffff;
	v36 =	vadd.f32 v55, v36  }
0x225: {  	[tilespmem:v28+s19+$0x0] =	vst.idx.msk $0xffff, v27;
	v27 =	vadd.f32 v59, v58;
	v28 =	vmul.f32 v57, v22;
	v58 =	vld.idx.msk [tilespmem:v42+s15+$0x0], $0xffff  }
0x226: {  	v33 =	vadd.f32 v39, v33;
	v34 =	vadd.f32 v54, v35;
	v59 =	vld.idx.msk [tilespmem:v45+s15+$0x0], $0xffff  }
0x227: {  	[tilespmem:v30+s19+$0x0] =	vst.idx.msk $0xffff, v36;
	v30 =	vld.idx.msk [tilespmem:v48+s15+$0x0], $0xffff;
	v27 =	vadd.f32 v28, v27;
	v28 =	vmul.f32 v56, v21  }
0x228: {  	[tilespmem:v25+s19+$0x0] =	vst.idx.msk $0xffff, v33;
	v39 =	vld.idx.msk [tilespmem:v31+s11+$0x0], $0xffff;
	v25 =	vmul.f32 v60, v23;
	v60 =	vmul.f32 v61, v24  }
0x229: {  	[tilespmem:v29+s19+$0x0] =	vst.idx.msk $0xffff, v34;
	v35 =	vld.idx.msk [tilespmem:v31+s13+$0x0], $0xffff;
	v57 =	vmul.f32 v63, v24;
	v61 =	vmul.f32 v62, v23  }
0x22a: {  	v52 =	vmul.f32 v51, v24;
	v62 =	vmul.f32 v49, v22;
	v49 =	vld.idx.msk [tilespmem:v26+s13+$0x0], $0xffff;
	v25 =	vadd.f32 v60, v25  }
0x22b: {  	v37 =	vld.idx.msk [tilespmem:v26+s11+$0x0], $0xffff;
	v29 =	vmul.f32 v43, v21;
	v27 =	vadd.f32 v28, v27;
	v28 =	vadd.f32 v57, v61  }
0x22c: {  	v63 =	vld.idx.msk [tilespmem:v46+s15+$0x0], $0xffff;
	v60 =	vmul.f32 v47, v23;
	v61 =	vmul.f32 v50, v24;
	v25 =	vadd.f32 v62, v25  }
0x22d: {  	v50 =	vld.idx.msk [tilespmem:v26+s15+$0x0], $0xffff;
	v56 =	vmul.f32 v58, v22;
	[tilespmem:v32+s19+$0x0] =	vst.idx.msk $0xffff, v27;
	v27 =	vmul.f32 v41, v23  }
0x22e: {  	v57 =	vld.idx.msk [tilespmem:v48+s17+$0x0], $0xffff;
	v62 =	vmul.f32 v40, v24;
	v47 =	vmul.f32 v39, v23;
	v25 =	vadd.f32 v29, v25  }
0x22f: {  	v34 =	vadd.f32 v61, v60;
	v35 =	vmul.f32 v35, v24;
	v24 =	vmul.f32 v49, v24;
	v29 =	vld.idx.msk [tilespmem:v31+s15+$0x0], $0xffff  }
0x230: {  	[tilespmem:v53+s19+$0x0] =	vst.idx.msk $0xffff, v25;
	v25 =	vmul.f32 v44, v23;
	v53 =	vld.idx.msk [tilespmem:v42+s17+$0x0], $0xffff;
	v23 =	vmul.f32 v37, v23  }
0x231: {  	v55 =	vld.idx.msk [tilespmem:v45+s17+$0x0], $0xffff;
	v33 =	vmul.f32 v59, v22;
	v28 =	vadd.f32 v56, v28;
	v27 =	vadd.f32 v62, v27  }
0x232: {  	v35 =	vadd.f32 v35, v47;
	v23 =	vadd.f32 v24, v23;
	v24 =	vmul.f32 v30, v22;
	v30 =	vld.idx.msk [tilespmem:v31+s17+$0x0], $0xffff  }
0x233: {  	v58 =	vld.idx.msk [tilespmem:v46+s17+$0x0], $0xffff;
	v59 =	vmul.f32 v63, v22;
	v33 =	vadd.f32 v33, v34;
	v25 =	vadd.f32 v52, v25  }
0x234: {  	v60 =	vld.idx.msk [tilespmem:v26+s17+$0x0], $0xffff;
	v61 =	vmul.f32 v57, v21;
	v29 =	vmul.f32 v29, v22;
	v24 =	vadd.f32 v24, v27  }
0x235: {  	v22 =	vmul.f32 v50, v22;
	v25 =	vadd.f32 v59, v25;
	v27 =	vmul.f32 v53, v21  }
0x236: {  	v32 =	vmul.f32 v55, v21;
	v29 =	vadd.f32 v29, v35;
	v24 =	vadd.f32 v61, v24  }
0x237: {  	v22 =	vadd.f32 v22, v23;
	v27 =	vadd.f32 v27, v28;
	v23 =	vmul.f32 v30, v21  }
0x238: {  	v28 =	vadd.f32 v32, v33;
	v30 =	vmul.f32 v58, v21;
	[tilespmem:v48+s19+$0x0] =	vst.idx.msk $0xffff, v24  }
0x239: {  	v21 =	vmul.f32 v60, v21;
	[tilespmem:v42+s19+$0x0] =	vst.idx.msk $0xffff, v27;
	v23 =	vadd.f32 v23, v29  }
0x23a: {  	s22 =	simm.s32 $0x0;
	[tilespmem:v45+s19+$0x0] =	vst.idx.msk $0xffff, v28;
	v25 =	vadd.f32 v30, v25  }
0x23b: {  	v21 =	vadd.f32 v21, v22;
	v22 =	vadd.s32 s22, v2;
	[tilespmem:v31+s19+$0x0] =	vst.idx.msk $0xffff, v23  }
0x23c: {  	v22 =	vand.u32 $0x38, v22;
	[tilespmem:v46+s19+$0x0] =	vst.idx.msk $0xffff, v25  }
0x23d: {  	[tilespmem:v26+s19+$0x0] =	vst.idx.msk $0xffff, v21;
	v35 =	vor.u32 v6, v22  }
0x23e: {  	s25 =	simm.s32 $0x7;
	v23 =	vld [tilespmem:$0x2C0]  }
0x23f: {  	v21 =	vadd.s32 s25, v2;
	v24 =	vld [tilespmem:$0x340]  }
0x240: {  	v26 =	vor.u32 $0xC00, v20;
	v22 =	vld [tilespmem:$0x3C0];
	v25 =	vand.u32 $0x3F, v21  }
0x241: {  	v21 =	vld [tilespmem:$0x440];
	v37 =	vor.u32 v26, v25  }
0x242: {  	s26 =	simm.s32 $0x1;
	v62 =	vld.idx.msk [tilespmem:v35+s17+$0x0], $0xffff  }
0x243: {  	v27 =	vadd.s32 s26, v2;
	v30 =	vld.idx.msk [tilespmem:v35+s15+$0x0], $0xffff  }
0x244: {  	s28 =	simm.s32 $0x2;
	v25 =	vand.u32 $0x3F, v27;
	v29 =	vld.idx.msk [tilespmem:v35+s11+$0x0], $0xffff  }
0x245: {  	v31 =	vor.u32 v26, v25;
	v25 =	vadd.s32 s28, v2;
	v63 =	vld.idx.msk [tilespmem:v35+s13+$0x0], $0xffff  }
0x246: {  	s29 =	simm.s32 $0x3;
	v25 =	vand.u32 $0x3F, v25;
	v48 =	vld.idx.msk [tilespmem:v37+s11+$0x0], $0xffff  }
0x247: {  	v28 =	vadd.s32 s29, v2;
	v27 =	vor.u32 v26, v25;
	v49 =	vld.idx.msk [tilespmem:v37+s13+$0x0], $0xffff  }
0x248: {  	s30 =	simm.s32 $0x4;
	v25 =	vand.u32 $0x3F, v28;
	v51 =	vld.idx.msk [tilespmem:v37+s15+$0x0], $0xffff  }
0x249: {  	v28 =	vadd.s32 s30, v2;
	v25 =	vor.u32 v26, v25;
	v55 =	vld.idx.msk [tilespmem:v37+s17+$0x0], $0xffff  }
0x24a: {  	v28 =	vand.u32 $0x3F, v28;
	v50 =	vld.idx.msk [tilespmem:v31+s11+$0x0], $0xffff  }
0x24b: {  	s31 =	simm.s32 $0x5;
	v28 =	vor.u32 v26, v28;
	v52 =	vld.idx.msk [tilespmem:v31+s13+$0x0], $0xffff  }
0x24c: {  	s23 =	simm.s32 $0x6;
	v53 =	vadd.s32 s31, v2;
	v45 =	vld.idx.msk [tilespmem:v27+s11+$0x0], $0xffff  }
0x24d: {  	v54 =	vadd.s32 s23, v2;
	v41 =	vand.u32 $0x3F, v53;
	s29 =	simm.s32 $0xD;
	v57 =	vld.idx.msk [tilespmem:v27+s13+$0x0], $0xffff  }
0x24e: {  	v42 =	vand.u32 $0x3F, v54;
	v53 =	vadd.s32 s29, v2;
	v56 =	vmul.f32 v29, v23;
	v46 =	vld.idx.msk [tilespmem:v25+s11+$0x0], $0xffff  }
0x24f: {  	v33 =	vmul.f32 v63, v24;
	v29 =	vor.u32 v26, v41;
	v58 =	vmul.f32 v30, v22;
	v59 =	vld.idx.msk [tilespmem:v25+s13+$0x0], $0xffff  }
0x250: {  	v30 =	vor.u32 v26, v42;
	v32 =	vmul.f32 v62, v21;
	v34 =	vmul.f32 v48, v23;
	v39 =	vld.idx.msk [tilespmem:v28+s11+$0x0], $0xffff  }
0x251: {  	s23 =	simm.s32 $0x8;
	s25 =	simm.s32 $0xA;
	v36 =	vmul.f32 v49, v24;
	v33 =	vadd.f32 v33, v56;
	v60 =	vmul.f32 v51, v22;
	v61 =	vld.idx.msk [tilespmem:v28+s13+$0x0], $0xffff  }
0x252: {  	v62 =	vmul.f32 v55, v21;
	v56 =	vadd.s32 s23, v2;
	v49 =	vld.idx.msk [tilespmem:v31+s15+$0x0], $0xffff;
	v48 =	vadd.s32 s25, v2  }
0x253: {  	v51 =	vld.idx.msk [tilespmem:v25+s15+$0x0], $0xffff;
	v38 =	vmul.f32 v50, v23;
	v40 =	vmul.f32 v52, v24;
	v34 =	vadd.f32 v36, v34  }
0x254: {  	v54 =	vld.idx.msk [tilespmem:v28+s15+$0x0], $0xffff;
	v33 =	vadd.f32 v58, v33;
	v55 =	vmul.f32 v45, v23;
	v41 =	vmul.f32 v57, v24  }
0x255: {  	v63 =	vld.idx.msk [tilespmem:v29+s11+$0x0], $0xffff;
	v40 =	vadd.f32 v40, v38;
	v45 =	vand.u32 $0x3F, v48;
	v34 =	vadd.f32 v60, v34  }
0x256: {  	s24 =	simm.s32 $0x9;
	s30 =	simm.s32 $0xE;
	v57 =	vld.idx.msk [tilespmem:v29+s13+$0x0], $0xffff;
	v43 =	vadd.f32 v32, v33;
	v33 =	vand.u32 $0x38, v56;
	v58 =	vmul.f32 v46, v23  }
0x257: {  	v36 =	vld.idx.msk [tilespmem:v30+s11+$0x0], $0xffff;
	v59 =	vmul.f32 v59, v24;
	v60 =	vadd.s32 s24, v2;
	v56 =	vadd.s32 s30, v2  }
0x258: {  	s26 =	simm.s32 $0xB;
	v46 =	vld.idx.msk [tilespmem:v30+s13+$0x0], $0xffff;
	v52 =	vadd.f32 v41, v55;
	v32 =	vor.u32 v6, v33;
	v39 =	vmul.f32 v39, v23  }
0x259: {  	s28 =	simm.s32 $0xC;
	v50 =	vld.idx.msk [tilespmem:v27+s15+$0x0], $0xffff;
	v61 =	vmul.f32 v61, v24;
	v41 =	vadd.s32 s26, v2;
	v42 =	vand.u32 $0x3F, v60  }
0x25a: {  	v44 =	vld.idx.msk [tilespmem:v28+s17+$0x0], $0xffff;
	v51 =	vmul.f32 v51, v22;
	v38 =	vadd.f32 v62, v34;
	v62 =	vadd.s32 s28, v2  }
0x25b: {  	v33 =	vadd.f32 v59, v58;
	[tilespmem:v35+s19+$0x0] =	vst.idx.msk $0xffff, v43;
	v43 =	vand.u32 $0x3F, v62;
	v62 =	vmul.f32 v49, v22  }
0x25c: {  	v34 =	vadd.f32 v61, v39;
	v39 =	vld.idx.msk [tilespmem:v29+s15+$0x0], $0xffff;
	v47 =	vmul.f32 v63, v23;
	v63 =	vmul.f32 v57, v24  }
0x25d: {  	v48 =	vand.u32 $0x3F, v41;
	v41 =	vld.idx.msk [tilespmem:v25+s17+$0x0], $0xffff;
	v60 =	vmul.f32 v36, v23;
	v61 =	vmul.f32 v46, v24  }
0x25e: {  	s31 =	simm.s32 $0xF;
	v36 =	vld.idx.msk [tilespmem:v30+s15+$0x0], $0xffff;
	v46 =	vand.u32 $0x3F, v53;
	v35 =	vadd.f32 v63, v47;
	v63 =	vmul.f32 v50, v22  }
0x25f: {  	[tilespmem:v37+s19+$0x0] =	vst.idx.msk $0xffff, v38;
	v38 =	vld.idx.msk [tilespmem:v27+s17+$0x0], $0xffff;
	v49 =	vadd.f32 v62, v40;
	v53 =	vadd.s32 s31, v2;
	v50 =	vand.u32 $0x3F, v56  }
0x260: {  	s22 =	simm.s32 $0x10;
	v47 =	vld.idx.msk [tilespmem:v31+s17+$0x0], $0xffff;
	v37 =	vadd.f32 v61, v60;
	v40 =	vadd.f32 v63, v52;
	v52 =	vmul.f32 v54, v22  }
.LBB2_9:
0x261: {  	p0 =	slt.u32 s22, $0x38;
	v53 =	vand.u32 $0x3F, v53;
	v39 =	vmul.f32 v39, v22;
	v54 =	vld.idx.msk [tilespmem:v29+s17+$0x0], $0xffff  }
0x262: {  	v42 =	vor.u32 v26, v42;
	v45 =	vor.u32 v26, v45;
	v53 =	vor.u32 v26, v53;
	v55 =	vld.idx.msk [tilespmem:v30+s17+$0x0], $0xffff  }
0x263: {  	v48 =	vor.u32 v26, v48;
	v43 =	vor.u32 v26, v43;
	v46 =	vor.u32 v26, v46;
	v56 =	vld.idx.msk [tilespmem:v32+s17+$0x0], $0xffff  }
0x264: {  	v50 =	vor.u32 v26, v50;
	v33 =	vadd.f32 v51, v33;
	v36 =	vmul.f32 v36, v22;
	v57 =	vld.idx.msk [tilespmem:v32+s15+$0x0], $0xffff  }
0x265: {  	v47 =	vmul.f32 v47, v21;
	v34 =	vadd.f32 v52, v34;
	v35 =	vadd.f32 v39, v35;
	v51 =	vld.idx.msk [tilespmem:v32+s11+$0x0], $0xffff  }
0x266: {  	v38 =	vmul.f32 v38, v21;
	v36 =	vadd.f32 v36, v37;
	v41 =	vmul.f32 v41, v21;
	v39 =	vld.idx.msk [tilespmem:v32+s13+$0x0], $0xffff  }
0x267: {  	v47 =	vadd.f32 v47, v49;
	v44 =	vmul.f32 v44, v21;
	v49 =	vmul.f32 v54, v21;
	v37 =	vld.idx.msk [tilespmem:v53+s11+$0x0], $0xffff  }
0x268: {  	v38 =	vadd.f32 v38, v40;
	v33 =	vadd.f32 v41, v33;
	v40 =	vmul.f32 v55, v21;
	v52 =	vld.idx.msk [tilespmem:v53+s13+$0x0], $0xffff  }
0x269: {  	v34 =	vadd.f32 v44, v34;
	v35 =	vadd.f32 v49, v35;
	v41 =	vld.idx.msk [tilespmem:v42+s11+$0x0], $0xffff;
	[tilespmem:v31+s19+$0x0] =	vst.idx.msk $0xffff, v47  }
0x26a: {  	v36 =	vadd.f32 v40, v36;
	v31 =	vmov v42;
	v44 =	vld.idx.msk [tilespmem:v53+s15+$0x0], $0xffff;
	[tilespmem:v27+s19+$0x0] =	vst.idx.msk $0xffff, v38;
	v27 =	vmov v45  }
0x26b: {  	v38 =	vld.idx.msk [tilespmem:v42+s13+$0x0], $0xffff;
	[tilespmem:v25+s19+$0x0] =	vst.idx.msk $0xffff, v33;
	v25 =	vmov v48  }
0x26c: {  	v33 =	vld.idx.msk [tilespmem:v53+s17+$0x0], $0xffff;
	[tilespmem:v28+s19+$0x0] =	vst.idx.msk $0xffff, v34;
	v28 =	vmov v43  }
0x26d: {  	v39 =	vmul.f32 v39, v24;
	v34 =	vmul.f32 v51, v23;
	v40 =	vld.idx.msk [tilespmem:v45+s11+$0x0], $0xffff;
	[tilespmem:v29+s19+$0x0] =	vst.idx.msk $0xffff, v35  }
0x26e: {  	v35 =	vld.idx.msk [tilespmem:v45+s13+$0x0], $0xffff;
	v45 =	vmul.f32 v37, v23;
	v37 =	vmul.f32 v52, v24;
	[tilespmem:v30+s19+$0x0] =	vst.idx.msk $0xffff, v36  }
0x26f: {  	v34 =	vadd.f32 v39, v34;
	v36 =	vmul.f32 v57, v22;
	v39 =	vmul.f32 v41, v23;
	v41 =	vld.idx.msk [tilespmem:v48+s11+$0x0], $0xffff  }
0x270: {  	v29 =	vmovc v46;
	v30 =	vmov v50;
	v43 =	vmul.f32 v44, v22;
	v42 =	vld.idx.msk [tilespmem:v48+s13+$0x0], $0xffff;
	v37 =	vadd.f32 v37, v45  }
0x271: {  	v34 =	vadd.f32 v36, v34;
	v36 =	vmul.f32 v56, v21;
	v38 =	vmul.f32 v38, v24;
	v44 =	vld.idx.msk [tilespmem:v28+s11+$0x0], $0xffff  }
0x272: {  	v33 =	vmul.f32 v33, v21;
	v45 =	vld.idx.msk [tilespmem:v28+s13+$0x0], $0xffff;
	v37 =	vadd.f32 v43, v37  }
0x273: {  	v34 =	vadd.f32 v36, v34;
	v49 =	vadd.f32 v38, v39;
	v36 =	vmul.f32 v40, v23;
	v38 =	vld.idx.msk [tilespmem:v46+s11+$0x0], $0xffff  }
0x274: {  	v39 =	vadd.s32 s22, v2;
	v35 =	vmul.f32 v35, v24;
	v40 =	vld.idx.msk [tilespmem:v46+s13+$0x0], $0xffff;
	v33 =	vadd.f32 v33, v37  }
0x275: {  	v37 =	vand.u32 $0x38, v39;
	[tilespmem:v32+s19+$0x0] =	vst.idx.msk $0xffff, v34;
	v34 =	vmul.f32 v41, v23;
	v41 =	vld.idx.msk [tilespmem:v50+s11+$0x0], $0xffff  }
0x276: {  	s23 =	sadd.s32 $0x1, s22;
	v52 =	vadd.f32 v35, v36;
	v35 =	vmul.f32 v42, v24;
	v36 =	vld.idx.msk [tilespmem:v50+s13+$0x0], $0xffff;
	[tilespmem:v53+s19+$0x0] =	vst.idx.msk $0xffff, v33  }
0x277: {  	v32 =	vor.u32 v6, v37;
	v37 =	vadd.s32 s23, v2;
	s23 =	sadd.s32 $0x2, s22;
	v39 =	vmul.f32 v44, v23;
	v46 =	vld.idx.msk [tilespmem:v31+s15+$0x0], $0xffff  }
0x278: {  	s24 =	sadd.s32 $0x4, s22;
	v43 =	vadd.s32 s23, v2;
	s23 =	sadd.s32 $0x3, s22;
	v33 =	vadd.f32 v35, v34;
	v34 =	vmul.f32 v45, v24;
	v44 =	vld.idx.msk [tilespmem:v27+s15+$0x0], $0xffff  }
0x279: {  	v50 =	vadd.s32 s24, v2;
	v47 =	vadd.s32 s23, v2;
	s23 =	sadd.s32 $0x5, s22;
	v35 =	vmul.f32 v38, v23;
	v51 =	vld.idx.msk [tilespmem:v25+s15+$0x0], $0xffff  }
0x27a: {  	v38 =	vadd.s32 s23, v2;
	s23 =	sadd.s32 $0x6, s22;
	v34 =	vadd.f32 v34, v39;
	v40 =	vmul.f32 v40, v24;
	v54 =	vld.idx.msk [tilespmem:v28+s15+$0x0], $0xffff  }
0x27b: {  	v42 =	vand.u32 $0x3F, v37;
	v53 =	vadd.s32 s23, v2;
	v37 =	vmul.f32 v41, v23;
	v39 =	vld.idx.msk [tilespmem:v29+s15+$0x0], $0xffff  }
.Ltmp3:
0x27c: {  	v45 =	vand.u32 $0x3F, v43;
	v35 =	vadd.f32 v40, v35;
	v40 =	vmul.f32 v36, v24;
	v36 =	vld.idx.msk [tilespmem:v30+s15+$0x0], $0xffff;
	(pc) =	sbr.rel @p0 .LBB2_9-.Ltmp3, $4  }
0x27d: {  	v43 =	vand.u32 $0x3F, v50;
	v48 =	vand.u32 $0x3F, v47;
	v41 =	vmul.f32 v46, v22;
	v47 =	vld.idx.msk [tilespmem:v31+s17+$0x0], $0xffff  }
0x27e: {  	v46 =	vand.u32 $0x3F, v38;
	v44 =	vmul.f32 v44, v22;
	v37 =	vadd.f32 v40, v37;
	v38 =	vld.idx.msk [tilespmem:v27+s17+$0x0], $0xffff  }
0x27f: {  	s23 =	sadd.s32 $0x7, s22;
	v50 =	vand.u32 $0x3F, v53;
	v49 =	vadd.f32 v41, v49;
	v51 =	vmul.f32 v51, v22;
	v41 =	vld.idx.msk [tilespmem:v25+s17+$0x0], $0xffff  }
0x280: {  	s22 =	sadd.s32 $0x8, s22;
	v53 =	vadd.s32 s23, v2;
	v40 =	vadd.f32 v44, v52;
	v52 =	vmul.f32 v54, v22;
	v44 =	vld.idx.msk [tilespmem:v28+s17+$0x0], $0xffff  }
0x281: {  	_ =	sdelay $0x3  }
0x282: {  	v54 =	vld.idx.msk [tilespmem:v29+s17+$0x0], $0xffff  }
0x283: {  	v55 =	vld.idx.msk [tilespmem:v30+s17+$0x0], $0xffff;
	v42 =	vor.u32 v26, v42  }
0x284: {  	v56 =	vld.idx.msk [tilespmem:v32+s17+$0x0], $0xffff  }
0x285: {  	v57 =	vld.idx.msk [tilespmem:v32+s15+$0x0], $0xffff;
	v45 =	vor.u32 v26, v45  }
0x286: {  	v58 =	vld.idx.msk [tilespmem:v32+s11+$0x0], $0xffff;
	v47 =	vmul.f32 v47, v21  }
0x287: {  	v59 =	vld.idx.msk [tilespmem:v32+s13+$0x0], $0xffff;
	v48 =	vor.u32 v26, v48  }
0x288: {  	v47 =	vadd.f32 v47, v49;
	v62 =	vld.idx.msk [tilespmem:v42+s11+$0x0], $0xffff  }
0x289: {  	v53 =	vand.u32 $0x3F, v53;
	v46 =	vor.u32 v26, v46;
	v63 =	vld.idx.msk [tilespmem:v42+s13+$0x0], $0xffff  }
0x28a: {  	v39 =	vmul.f32 v39, v22;
	v53 =	vor.u32 v26, v53;
	[tilespmem:v31+s19+$0x0] =	vst.idx.msk $0xffff, v47;
	v47 =	vld.idx.msk [tilespmem:v45+s11+$0x0], $0xffff  }
0x28b: {  	v38 =	vmul.f32 v38, v21;
	v31 =	vor.u32 v26, v43;
	v26 =	vor.u32 v26, v50;
	v50 =	vld.idx.msk [tilespmem:v45+s13+$0x0], $0xffff  }
0x28c: {  	v35 =	vadd.f32 v39, v35;
	v39 =	vmul.f32 v41, v21;
	v41 =	vld.idx.msk [tilespmem:v48+s11+$0x0], $0xffff  }
0x28d: {  	v38 =	vadd.f32 v38, v40;
	v40 =	vld.idx.msk [tilespmem:v48+s13+$0x0], $0xffff  }
0x28e: {  	v33 =	vadd.f32 v51, v33;
	v51 =	vld.idx.msk [tilespmem:v46+s13+$0x0], $0xffff  }
0x28f: {  	v36 =	vmul.f32 v36, v22;
	v60 =	vld.idx.msk [tilespmem:v53+s11+$0x0], $0xffff  }
0x290: {  	v34 =	vadd.f32 v52, v34;
	v44 =	vmul.f32 v44, v21;
	v61 =	vld.idx.msk [tilespmem:v53+s13+$0x0], $0xffff  }
0x291: {  	v36 =	vadd.f32 v36, v37;
	v55 =	vmul.f32 v55, v21;
	v58 =	vmul.f32 v58, v23;
	v49 =	vld.idx.msk [tilespmem:v53+s15+$0x0], $0xffff  }
0x292: {  	v59 =	vmul.f32 v59, v24;
	v43 =	vld.idx.msk [tilespmem:v53+s17+$0x0], $0xffff;
	[tilespmem:v27+s19+$0x0] =	vst.idx.msk $0xffff, v38;
	v27 =	vadd.f32 v44, v34  }
0x293: {  	v54 =	vmul.f32 v54, v21;
	v44 =	vld.idx.msk [tilespmem:v46+s11+$0x0], $0xffff;
	v36 =	vadd.f32 v55, v36  }
0x294: {  	[tilespmem:v28+s19+$0x0] =	vst.idx.msk $0xffff, v27;
	v27 =	vadd.f32 v59, v58;
	v28 =	vmul.f32 v57, v22;
	v58 =	vld.idx.msk [tilespmem:v42+s15+$0x0], $0xffff  }
0x295: {  	v33 =	vadd.f32 v39, v33;
	v34 =	vadd.f32 v54, v35;
	v59 =	vld.idx.msk [tilespmem:v45+s15+$0x0], $0xffff  }
0x296: {  	[tilespmem:v30+s19+$0x0] =	vst.idx.msk $0xffff, v36;
	v30 =	vld.idx.msk [tilespmem:v48+s15+$0x0], $0xffff;
	v27 =	vadd.f32 v28, v27;
	v28 =	vmul.f32 v56, v21  }
0x297: {  	[tilespmem:v25+s19+$0x0] =	vst.idx.msk $0xffff, v33;
	v39 =	vld.idx.msk [tilespmem:v31+s11+$0x0], $0xffff;
	v25 =	vmul.f32 v60, v23;
	v60 =	vmul.f32 v61, v24  }
0x298: {  	[tilespmem:v29+s19+$0x0] =	vst.idx.msk $0xffff, v34;
	v35 =	vld.idx.msk [tilespmem:v31+s13+$0x0], $0xffff;
	v57 =	vmul.f32 v63, v24;
	v61 =	vmul.f32 v62, v23  }
0x299: {  	v52 =	vmul.f32 v51, v24;
	v62 =	vmul.f32 v49, v22;
	v49 =	vld.idx.msk [tilespmem:v26+s13+$0x0], $0xffff;
	v25 =	vadd.f32 v60, v25  }
0x29a: {  	v37 =	vld.idx.msk [tilespmem:v26+s11+$0x0], $0xffff;
	v29 =	vmul.f32 v43, v21;
	v27 =	vadd.f32 v28, v27;
	v28 =	vadd.f32 v57, v61  }
0x29b: {  	v63 =	vld.idx.msk [tilespmem:v46+s15+$0x0], $0xffff;
	v60 =	vmul.f32 v47, v23;
	v61 =	vmul.f32 v50, v24;
	v25 =	vadd.f32 v62, v25  }
0x29c: {  	v50 =	vld.idx.msk [tilespmem:v26+s15+$0x0], $0xffff;
	v56 =	vmul.f32 v58, v22;
	[tilespmem:v32+s19+$0x0] =	vst.idx.msk $0xffff, v27;
	v27 =	vmul.f32 v41, v23  }
0x29d: {  	v57 =	vld.idx.msk [tilespmem:v48+s17+$0x0], $0xffff;
	v62 =	vmul.f32 v40, v24;
	v47 =	vmul.f32 v39, v23;
	v25 =	vadd.f32 v29, v25  }
0x29e: {  	v34 =	vadd.f32 v61, v60;
	v35 =	vmul.f32 v35, v24;
	v24 =	vmul.f32 v49, v24;
	v29 =	vld.idx.msk [tilespmem:v31+s15+$0x0], $0xffff  }
0x29f: {  	[tilespmem:v53+s19+$0x0] =	vst.idx.msk $0xffff, v25;
	v25 =	vmul.f32 v44, v23;
	v53 =	vld.idx.msk [tilespmem:v42+s17+$0x0], $0xffff;
	v23 =	vmul.f32 v37, v23  }
0x2a0: {  	v55 =	vld.idx.msk [tilespmem:v45+s17+$0x0], $0xffff;
	v33 =	vmul.f32 v59, v22;
	v28 =	vadd.f32 v56, v28;
	v27 =	vadd.f32 v62, v27  }
0x2a1: {  	v35 =	vadd.f32 v35, v47;
	v23 =	vadd.f32 v24, v23;
	v24 =	vmul.f32 v30, v22;
	v30 =	vld.idx.msk [tilespmem:v31+s17+$0x0], $0xffff  }
0x2a2: {  	v58 =	vld.idx.msk [tilespmem:v46+s17+$0x0], $0xffff;
	v59 =	vmul.f32 v63, v22;
	v33 =	vadd.f32 v33, v34;
	v25 =	vadd.f32 v52, v25  }
0x2a3: {  	v60 =	vld.idx.msk [tilespmem:v26+s17+$0x0], $0xffff;
	v61 =	vmul.f32 v57, v21;
	v29 =	vmul.f32 v29, v22;
	v24 =	vadd.f32 v24, v27  }
0x2a4: {  	v22 =	vmul.f32 v50, v22;
	v25 =	vadd.f32 v59, v25;
	v27 =	vmul.f32 v53, v21  }
0x2a5: {  	v32 =	vmul.f32 v55, v21;
	v29 =	vadd.f32 v29, v35;
	v24 =	vadd.f32 v61, v24  }
0x2a6: {  	v22 =	vadd.f32 v22, v23;
	v27 =	vadd.f32 v27, v28;
	v23 =	vmul.f32 v30, v21  }
0x2a7: {  	v28 =	vadd.f32 v32, v33;
	v30 =	vmul.f32 v58, v21;
	[tilespmem:v48+s19+$0x0] =	vst.idx.msk $0xffff, v24  }
0x2a8: {  	v21 =	vmul.f32 v60, v21;
	[tilespmem:v42+s19+$0x0] =	vst.idx.msk $0xffff, v27;
	v23 =	vadd.f32 v23, v29  }
0x2a9: {  	s22 =	simm.s32 $0x0;
	[tilespmem:v45+s19+$0x0] =	vst.idx.msk $0xffff, v28;
	v25 =	vadd.f32 v30, v25  }
0x2aa: {  	v21 =	vadd.f32 v21, v22;
	v22 =	vadd.s32 s22, v2;
	[tilespmem:v31+s19+$0x0] =	vst.idx.msk $0xffff, v23  }
0x2ab: {  	v22 =	vand.u32 $0x38, v22;
	[tilespmem:v46+s19+$0x0] =	vst.idx.msk $0xffff, v25  }
0x2ac: {  	[tilespmem:v26+s19+$0x0] =	vst.idx.msk $0xffff, v21;
	v35 =	vor.u32 v7, v22  }
0x2ad: {  	s25 =	simm.s32 $0x7;
	v23 =	vld [tilespmem:$0x2D0]  }
0x2ae: {  	v21 =	vadd.s32 s25, v2;
	v24 =	vld [tilespmem:$0x350]  }
0x2af: {  	v26 =	vor.u32 $0x1000, v20;
	v22 =	vld [tilespmem:$0x3D0];
	v25 =	vand.u32 $0x3F, v21  }
0x2b0: {  	v21 =	vld [tilespmem:$0x450];
	v37 =	vor.u32 v26, v25  }
0x2b1: {  	s26 =	simm.s32 $0x1;
	v62 =	vld.idx.msk [tilespmem:v35+s17+$0x0], $0xffff  }
0x2b2: {  	v27 =	vadd.s32 s26, v2;
	v30 =	vld.idx.msk [tilespmem:v35+s15+$0x0], $0xffff  }
0x2b3: {  	s28 =	simm.s32 $0x2;
	v25 =	vand.u32 $0x3F, v27;
	v29 =	vld.idx.msk [tilespmem:v35+s11+$0x0], $0xffff  }
0x2b4: {  	v31 =	vor.u32 v26, v25;
	v25 =	vadd.s32 s28, v2;
	v63 =	vld.idx.msk [tilespmem:v35+s13+$0x0], $0xffff  }
0x2b5: {  	s29 =	simm.s32 $0x3;
	v25 =	vand.u32 $0x3F, v25;
	v48 =	vld.idx.msk [tilespmem:v37+s11+$0x0], $0xffff  }
0x2b6: {  	v28 =	vadd.s32 s29, v2;
	v27 =	vor.u32 v26, v25;
	v49 =	vld.idx.msk [tilespmem:v37+s13+$0x0], $0xffff  }
0x2b7: {  	s30 =	simm.s32 $0x4;
	v25 =	vand.u32 $0x3F, v28;
	v51 =	vld.idx.msk [tilespmem:v37+s15+$0x0], $0xffff  }
0x2b8: {  	v28 =	vadd.s32 s30, v2;
	v25 =	vor.u32 v26, v25;
	v55 =	vld.idx.msk [tilespmem:v37+s17+$0x0], $0xffff  }
0x2b9: {  	v28 =	vand.u32 $0x3F, v28;
	v50 =	vld.idx.msk [tilespmem:v31+s11+$0x0], $0xffff  }
0x2ba: {  	s31 =	simm.s32 $0x5;
	v28 =	vor.u32 v26, v28;
	v52 =	vld.idx.msk [tilespmem:v31+s13+$0x0], $0xffff  }
0x2bb: {  	s23 =	simm.s32 $0x6;
	v53 =	vadd.s32 s31, v2;
	v45 =	vld.idx.msk [tilespmem:v27+s11+$0x0], $0xffff  }
0x2bc: {  	v54 =	vadd.s32 s23, v2;
	v41 =	vand.u32 $0x3F, v53;
	s29 =	simm.s32 $0xD;
	v57 =	vld.idx.msk [tilespmem:v27+s13+$0x0], $0xffff  }
0x2bd: {  	v42 =	vand.u32 $0x3F, v54;
	v53 =	vadd.s32 s29, v2;
	v56 =	vmul.f32 v29, v23;
	v46 =	vld.idx.msk [tilespmem:v25+s11+$0x0], $0xffff  }
0x2be: {  	v33 =	vmul.f32 v63, v24;
	v29 =	vor.u32 v26, v41;
	v58 =	vmul.f32 v30, v22;
	v59 =	vld.idx.msk [tilespmem:v25+s13+$0x0], $0xffff  }
0x2bf: {  	v30 =	vor.u32 v26, v42;
	v32 =	vmul.f32 v62, v21;
	v34 =	vmul.f32 v48, v23;
	v39 =	vld.idx.msk [tilespmem:v28+s11+$0x0], $0xffff  }
0x2c0: {  	s23 =	simm.s32 $0x8;
	s25 =	simm.s32 $0xA;
	v36 =	vmul.f32 v49, v24;
	v33 =	vadd.f32 v33, v56;
	v60 =	vmul.f32 v51, v22;
	v61 =	vld.idx.msk [tilespmem:v28+s13+$0x0], $0xffff  }
0x2c1: {  	v62 =	vmul.f32 v55, v21;
	v56 =	vadd.s32 s23, v2;
	v49 =	vld.idx.msk [tilespmem:v31+s15+$0x0], $0xffff;
	v48 =	vadd.s32 s25, v2  }
0x2c2: {  	v51 =	vld.idx.msk [tilespmem:v25+s15+$0x0], $0xffff;
	v38 =	vmul.f32 v50, v23;
	v40 =	vmul.f32 v52, v24;
	v34 =	vadd.f32 v36, v34  }
0x2c3: {  	v54 =	vld.idx.msk [tilespmem:v28+s15+$0x0], $0xffff;
	v33 =	vadd.f32 v58, v33;
	v55 =	vmul.f32 v45, v23;
	v41 =	vmul.f32 v57, v24  }
0x2c4: {  	v63 =	vld.idx.msk [tilespmem:v29+s11+$0x0], $0xffff;
	v40 =	vadd.f32 v40, v38;
	v45 =	vand.u32 $0x3F, v48;
	v34 =	vadd.f32 v60, v34  }
0x2c5: {  	s24 =	simm.s32 $0x9;
	s30 =	simm.s32 $0xE;
	v57 =	vld.idx.msk [tilespmem:v29+s13+$0x0], $0xffff;
	v43 =	vadd.f32 v32, v33;
	v33 =	vand.u32 $0x38, v56;
	v58 =	vmul.f32 v46, v23  }
0x2c6: {  	v36 =	vld.idx.msk [tilespmem:v30+s11+$0x0], $0xffff;
	v59 =	vmul.f32 v59, v24;
	v60 =	vadd.s32 s24, v2;
	v56 =	vadd.s32 s30, v2  }
0x2c7: {  	s26 =	simm.s32 $0xB;
	v46 =	vld.idx.msk [tilespmem:v30+s13+$0x0], $0xffff;
	v52 =	vadd.f32 v41, v55;
	v32 =	vor.u32 v7, v33;
	v39 =	vmul.f32 v39, v23  }
0x2c8: {  	s28 =	simm.s32 $0xC;
	v50 =	vld.idx.msk [tilespmem:v27+s15+$0x0], $0xffff;
	v61 =	vmul.f32 v61, v24;
	v41 =	vadd.s32 s26, v2;
	v42 =	vand.u32 $0x3F, v60  }
0x2c9: {  	v44 =	vld.idx.msk [tilespmem:v28+s17+$0x0], $0xffff;
	v51 =	vmul.f32 v51, v22;
	v38 =	vadd.f32 v62, v34;
	v62 =	vadd.s32 s28, v2  }
0x2ca: {  	v33 =	vadd.f32 v59, v58;
	[tilespmem:v35+s19+$0x0] =	vst.idx.msk $0xffff, v43;
	v43 =	vand.u32 $0x3F, v62;
	v62 =	vmul.f32 v49, v22  }
0x2cb: {  	v34 =	vadd.f32 v61, v39;
	v39 =	vld.idx.msk [tilespmem:v29+s15+$0x0], $0xffff;
	v47 =	vmul.f32 v63, v23;
	v63 =	vmul.f32 v57, v24  }
0x2cc: {  	v48 =	vand.u32 $0x3F, v41;
	v41 =	vld.idx.msk [tilespmem:v25+s17+$0x0], $0xffff;
	v60 =	vmul.f32 v36, v23;
	v61 =	vmul.f32 v46, v24  }
0x2cd: {  	s31 =	simm.s32 $0xF;
	v36 =	vld.idx.msk [tilespmem:v30+s15+$0x0], $0xffff;
	v46 =	vand.u32 $0x3F, v53;
	v35 =	vadd.f32 v63, v47;
	v63 =	vmul.f32 v50, v22  }
0x2ce: {  	[tilespmem:v37+s19+$0x0] =	vst.idx.msk $0xffff, v38;
	v38 =	vld.idx.msk [tilespmem:v27+s17+$0x0], $0xffff;
	v49 =	vadd.f32 v62, v40;
	v53 =	vadd.s32 s31, v2;
	v50 =	vand.u32 $0x3F, v56  }
0x2cf: {  	s22 =	simm.s32 $0x10;
	v47 =	vld.idx.msk [tilespmem:v31+s17+$0x0], $0xffff;
	v37 =	vadd.f32 v61, v60;
	v40 =	vadd.f32 v63, v52;
	v52 =	vmul.f32 v54, v22  }
.LBB2_11:
0x2d0: {  	p0 =	slt.u32 s22, $0x38;
	v53 =	vand.u32 $0x3F, v53;
	v39 =	vmul.f32 v39, v22;
	v54 =	vld.idx.msk [tilespmem:v29+s17+$0x0], $0xffff  }
0x2d1: {  	v42 =	vor.u32 v26, v42;
	v45 =	vor.u32 v26, v45;
	v53 =	vor.u32 v26, v53;
	v55 =	vld.idx.msk [tilespmem:v30+s17+$0x0], $0xffff  }
0x2d2: {  	v48 =	vor.u32 v26, v48;
	v43 =	vor.u32 v26, v43;
	v46 =	vor.u32 v26, v46;
	v56 =	vld.idx.msk [tilespmem:v32+s17+$0x0], $0xffff  }
0x2d3: {  	v50 =	vor.u32 v26, v50;
	v33 =	vadd.f32 v51, v33;
	v36 =	vmul.f32 v36, v22;
	v57 =	vld.idx.msk [tilespmem:v32+s15+$0x0], $0xffff  }
0x2d4: {  	v47 =	vmul.f32 v47, v21;
	v34 =	vadd.f32 v52, v34;
	v35 =	vadd.f32 v39, v35;
	v51 =	vld.idx.msk [tilespmem:v32+s11+$0x0], $0xffff  }
0x2d5: {  	v38 =	vmul.f32 v38, v21;
	v36 =	vadd.f32 v36, v37;
	v41 =	vmul.f32 v41, v21;
	v39 =	vld.idx.msk [tilespmem:v32+s13+$0x0], $0xffff  }
0x2d6: {  	v47 =	vadd.f32 v47, v49;
	v44 =	vmul.f32 v44, v21;
	v49 =	vmul.f32 v54, v21;
	v37 =	vld.idx.msk [tilespmem:v53+s11+$0x0], $0xffff  }
0x2d7: {  	v38 =	vadd.f32 v38, v40;
	v33 =	vadd.f32 v41, v33;
	v40 =	vmul.f32 v55, v21;
	v52 =	vld.idx.msk [tilespmem:v53+s13+$0x0], $0xffff  }
0x2d8: {  	v34 =	vadd.f32 v44, v34;
	v35 =	vadd.f32 v49, v35;
	v41 =	vld.idx.msk [tilespmem:v42+s11+$0x0], $0xffff;
	[tilespmem:v31+s19+$0x0] =	vst.idx.msk $0xffff, v47  }
0x2d9: {  	v36 =	vadd.f32 v40, v36;
	v31 =	vmov v42;
	v44 =	vld.idx.msk [tilespmem:v53+s15+$0x0], $0xffff;
	[tilespmem:v27+s19+$0x0] =	vst.idx.msk $0xffff, v38;
	v27 =	vmov v45  }
0x2da: {  	v38 =	vld.idx.msk [tilespmem:v42+s13+$0x0], $0xffff;
	[tilespmem:v25+s19+$0x0] =	vst.idx.msk $0xffff, v33;
	v25 =	vmov v48  }
0x2db: {  	v33 =	vld.idx.msk [tilespmem:v53+s17+$0x0], $0xffff;
	[tilespmem:v28+s19+$0x0] =	vst.idx.msk $0xffff, v34;
	v28 =	vmov v43  }
0x2dc: {  	v39 =	vmul.f32 v39, v24;
	v34 =	vmul.f32 v51, v23;
	v40 =	vld.idx.msk [tilespmem:v45+s11+$0x0], $0xffff;
	[tilespmem:v29+s19+$0x0] =	vst.idx.msk $0xffff, v35  }
0x2dd: {  	v35 =	vld.idx.msk [tilespmem:v45+s13+$0x0], $0xffff;
	v45 =	vmul.f32 v37, v23;
	v37 =	vmul.f32 v52, v24;
	[tilespmem:v30+s19+$0x0] =	vst.idx.msk $0xffff, v36  }
0x2de: {  	v34 =	vadd.f32 v39, v34;
	v36 =	vmul.f32 v57, v22;
	v39 =	vmul.f32 v41, v23;
	v41 =	vld.idx.msk [tilespmem:v48+s11+$0x0], $0xffff  }
0x2df: {  	v29 =	vmovc v46;
	v30 =	vmov v50;
	v43 =	vmul.f32 v44, v22;
	v42 =	vld.idx.msk [tilespmem:v48+s13+$0x0], $0xffff;
	v37 =	vadd.f32 v37, v45  }
0x2e0: {  	v34 =	vadd.f32 v36, v34;
	v36 =	vmul.f32 v56, v21;
	v38 =	vmul.f32 v38, v24;
	v44 =	vld.idx.msk [tilespmem:v28+s11+$0x0], $0xffff  }
0x2e1: {  	v33 =	vmul.f32 v33, v21;
	v45 =	vld.idx.msk [tilespmem:v28+s13+$0x0], $0xffff;
	v37 =	vadd.f32 v43, v37  }
0x2e2: {  	v34 =	vadd.f32 v36, v34;
	v49 =	vadd.f32 v38, v39;
	v36 =	vmul.f32 v40, v23;
	v38 =	vld.idx.msk [tilespmem:v46+s11+$0x0], $0xffff  }
0x2e3: {  	v39 =	vadd.s32 s22, v2;
	v35 =	vmul.f32 v35, v24;
	v40 =	vld.idx.msk [tilespmem:v46+s13+$0x0], $0xffff;
	v33 =	vadd.f32 v33, v37  }
0x2e4: {  	v37 =	vand.u32 $0x38, v39;
	[tilespmem:v32+s19+$0x0] =	vst.idx.msk $0xffff, v34;
	v34 =	vmul.f32 v41, v23;
	v41 =	vld.idx.msk [tilespmem:v50+s11+$0x0], $0xffff  }
0x2e5: {  	s23 =	sadd.s32 $0x1, s22;
	v52 =	vadd.f32 v35, v36;
	v35 =	vmul.f32 v42, v24;
	v36 =	vld.idx.msk [tilespmem:v50+s13+$0x0], $0xffff;
	[tilespmem:v53+s19+$0x0] =	vst.idx.msk $0xffff, v33  }
0x2e6: {  	v32 =	vor.u32 v7, v37;
	v37 =	vadd.s32 s23, v2;
	s23 =	sadd.s32 $0x2, s22;
	v39 =	vmul.f32 v44, v23;
	v46 =	vld.idx.msk [tilespmem:v31+s15+$0x0], $0xffff  }
0x2e7: {  	s24 =	sadd.s32 $0x4, s22;
	v43 =	vadd.s32 s23, v2;
	s23 =	sadd.s32 $0x3, s22;
	v33 =	vadd.f32 v35, v34;
	v34 =	vmul.f32 v45, v24;
	v44 =	vld.idx.msk [tilespmem:v27+s15+$0x0], $0xffff  }
0x2e8: {  	v50 =	vadd.s32 s24, v2;
	v47 =	vadd.s32 s23, v2;
	s23 =	sadd.s32 $0x5, s22;
	v35 =	vmul.f32 v38, v23;
	v51 =	vld.idx.msk [tilespmem:v25+s15+$0x0], $0xffff  }
0x2e9: {  	v38 =	vadd.s32 s23, v2;
	s23 =	sadd.s32 $0x6, s22;
	v34 =	vadd.f32 v34, v39;
	v40 =	vmul.f32 v40, v24;
	v54 =	vld.idx.msk [tilespmem:v28+s15+$0x0], $0xffff  }
0x2ea: {  	v42 =	vand.u32 $0x3F, v37;
	v53 =	vadd.s32 s23, v2;
	v37 =	vmul.f32 v41, v23;
	v39 =	vld.idx.msk [tilespmem:v29+s15+$0x0], $0xffff  }
.Ltmp4:
0x2eb: {  	v45 =	vand.u32 $0x3F, v43;
	v35 =	vadd.f32 v40, v35;
	v40 =	vmul.f32 v36, v24;
	v36 =	vld.idx.msk [tilespmem:v30+s15+$0x0], $0xffff;
	(pc) =	sbr.rel @p0 .LBB2_11-.Ltmp4, $4  }
0x2ec: {  	v43 =	vand.u32 $0x3F, v50;
	v48 =	vand.u32 $0x3F, v47;
	v41 =	vmul.f32 v46, v22;
	v47 =	vld.idx.msk [tilespmem:v31+s17+$0x0], $0xffff  }
0x2ed: {  	v46 =	vand.u32 $0x3F, v38;
	v44 =	vmul.f32 v44, v22;
	v37 =	vadd.f32 v40, v37;
	v38 =	vld.idx.msk [tilespmem:v27+s17+$0x0], $0xffff  }
0x2ee: {  	s23 =	sadd.s32 $0x7, s22;
	v50 =	vand.u32 $0x3F, v53;
	v49 =	vadd.f32 v41, v49;
	v51 =	vmul.f32 v51, v22;
	v41 =	vld.idx.msk [tilespmem:v25+s17+$0x0], $0xffff  }
0x2ef: {  	s22 =	sadd.s32 $0x8, s22;
	v53 =	vadd.s32 s23, v2;
	v40 =	vadd.f32 v44, v52;
	v52 =	vmul.f32 v54, v22;
	v44 =	vld.idx.msk [tilespmem:v28+s17+$0x0], $0xffff  }
0x2f0: {  	_ =	sdelay $0x3  }
0x2f1: {  	v54 =	vld.idx.msk [tilespmem:v29+s17+$0x0], $0xffff  }
0x2f2: {  	v55 =	vld.idx.msk [tilespmem:v30+s17+$0x0], $0xffff;
	v42 =	vor.u32 v26, v42  }
0x2f3: {  	v56 =	vld.idx.msk [tilespmem:v32+s17+$0x0], $0xffff  }
0x2f4: {  	v57 =	vld.idx.msk [tilespmem:v32+s15+$0x0], $0xffff;
	v45 =	vor.u32 v26, v45  }
0x2f5: {  	v58 =	vld.idx.msk [tilespmem:v32+s11+$0x0], $0xffff;
	v47 =	vmul.f32 v47, v21  }
0x2f6: {  	v59 =	vld.idx.msk [tilespmem:v32+s13+$0x0], $0xffff;
	v48 =	vor.u32 v26, v48  }
0x2f7: {  	v47 =	vadd.f32 v47, v49;
	v62 =	vld.idx.msk [tilespmem:v42+s11+$0x0], $0xffff  }
0x2f8: {  	v53 =	vand.u32 $0x3F, v53;
	v46 =	vor.u32 v26, v46;
	v63 =	vld.idx.msk [tilespmem:v42+s13+$0x0], $0xffff  }
0x2f9: {  	v39 =	vmul.f32 v39, v22;
	v53 =	vor.u32 v26, v53;
	[tilespmem:v31+s19+$0x0] =	vst.idx.msk $0xffff, v47;
	v47 =	vld.idx.msk [tilespmem:v45+s11+$0x0], $0xffff  }
0x2fa: {  	v38 =	vmul.f32 v38, v21;
	v31 =	vor.u32 v26, v43;
	v26 =	vor.u32 v26, v50;
	v50 =	vld.idx.msk [tilespmem:v45+s13+$0x0], $0xffff  }
0x2fb: {  	v35 =	vadd.f32 v39, v35;
	v39 =	vmul.f32 v41, v21;
	v41 =	vld.idx.msk [tilespmem:v48+s11+$0x0], $0xffff  }
0x2fc: {  	v38 =	vadd.f32 v38, v40;
	v40 =	vld.idx.msk [tilespmem:v48+s13+$0x0], $0xffff  }
0x2fd: {  	v33 =	vadd.f32 v51, v33;
	v51 =	vld.idx.msk [tilespmem:v46+s13+$0x0], $0xffff  }
0x2fe: {  	v36 =	vmul.f32 v36, v22;
	v60 =	vld.idx.msk [tilespmem:v53+s11+$0x0], $0xffff  }
0x2ff: {  	v34 =	vadd.f32 v52, v34;
	v44 =	vmul.f32 v44, v21;
	v61 =	vld.idx.msk [tilespmem:v53+s13+$0x0], $0xffff  }
0x300: {  	v36 =	vadd.f32 v36, v37;
	v55 =	vmul.f32 v55, v21;
	v58 =	vmul.f32 v58, v23;
	v49 =	vld.idx.msk [tilespmem:v53+s15+$0x0], $0xffff  }
0x301: {  	v59 =	vmul.f32 v59, v24;
	v43 =	vld.idx.msk [tilespmem:v53+s17+$0x0], $0xffff;
	[tilespmem:v27+s19+$0x0] =	vst.idx.msk $0xffff, v38;
	v27 =	vadd.f32 v44, v34  }
0x302: {  	v54 =	vmul.f32 v54, v21;
	v44 =	vld.idx.msk [tilespmem:v46+s11+$0x0], $0xffff;
	v36 =	vadd.f32 v55, v36  }
0x303: {  	[tilespmem:v28+s19+$0x0] =	vst.idx.msk $0xffff, v27;
	v27 =	vadd.f32 v59, v58;
	v28 =	vmul.f32 v57, v22;
	v58 =	vld.idx.msk [tilespmem:v42+s15+$0x0], $0xffff  }
0x304: {  	v33 =	vadd.f32 v39, v33;
	v34 =	vadd.f32 v54, v35;
	v59 =	vld.idx.msk [tilespmem:v45+s15+$0x0], $0xffff  }
0x305: {  	[tilespmem:v30+s19+$0x0] =	vst.idx.msk $0xffff, v36;
	v30 =	vld.idx.msk [tilespmem:v48+s15+$0x0], $0xffff;
	v27 =	vadd.f32 v28, v27;
	v28 =	vmul.f32 v56, v21  }
0x306: {  	[tilespmem:v25+s19+$0x0] =	vst.idx.msk $0xffff, v33;
	v39 =	vld.idx.msk [tilespmem:v31+s11+$0x0], $0xffff;
	v25 =	vmul.f32 v60, v23;
	v60 =	vmul.f32 v61, v24  }
0x307: {  	[tilespmem:v29+s19+$0x0] =	vst.idx.msk $0xffff, v34;
	v35 =	vld.idx.msk [tilespmem:v31+s13+$0x0], $0xffff;
	v57 =	vmul.f32 v63, v24;
	v61 =	vmul.f32 v62, v23  }
0x308: {  	v52 =	vmul.f32 v51, v24;
	v62 =	vmul.f32 v49, v22;
	v49 =	vld.idx.msk [tilespmem:v26+s13+$0x0], $0xffff;
	v25 =	vadd.f32 v60, v25  }
0x309: {  	v37 =	vld.idx.msk [tilespmem:v26+s11+$0x0], $0xffff;
	v29 =	vmul.f32 v43, v21;
	v27 =	vadd.f32 v28, v27;
	v28 =	vadd.f32 v57, v61  }
0x30a: {  	v63 =	vld.idx.msk [tilespmem:v46+s15+$0x0], $0xffff;
	v60 =	vmul.f32 v47, v23;
	v61 =	vmul.f32 v50, v24;
	v25 =	vadd.f32 v62, v25  }
0x30b: {  	v50 =	vld.idx.msk [tilespmem:v26+s15+$0x0], $0xffff;
	v56 =	vmul.f32 v58, v22;
	[tilespmem:v32+s19+$0x0] =	vst.idx.msk $0xffff, v27;
	v27 =	vmul.f32 v41, v23  }
0x30c: {  	v57 =	vld.idx.msk [tilespmem:v48+s17+$0x0], $0xffff;
	v62 =	vmul.f32 v40, v24;
	v47 =	vmul.f32 v39, v23;
	v25 =	vadd.f32 v29, v25  }
0x30d: {  	v34 =	vadd.f32 v61, v60;
	v35 =	vmul.f32 v35, v24;
	v24 =	vmul.f32 v49, v24;
	v29 =	vld.idx.msk [tilespmem:v31+s15+$0x0], $0xffff  }
0x30e: {  	[tilespmem:v53+s19+$0x0] =	vst.idx.msk $0xffff, v25;
	v25 =	vmul.f32 v44, v23;
	v53 =	vld.idx.msk [tilespmem:v42+s17+$0x0], $0xffff;
	v23 =	vmul.f32 v37, v23  }
0x30f: {  	v55 =	vld.idx.msk [tilespmem:v45+s17+$0x0], $0xffff;
	v33 =	vmul.f32 v59, v22;
	v28 =	vadd.f32 v56, v28;
	v27 =	vadd.f32 v62, v27  }
0x310: {  	v35 =	vadd.f32 v35, v47;
	v23 =	vadd.f32 v24, v23;
	v24 =	vmul.f32 v30, v22;
	v30 =	vld.idx.msk [tilespmem:v31+s17+$0x0], $0xffff  }
0x311: {  	v58 =	vld.idx.msk [tilespmem:v46+s17+$0x0], $0xffff;
	v59 =	vmul.f32 v63, v22;
	v33 =	vadd.f32 v33, v34;
	v25 =	vadd.f32 v52, v25  }
0x312: {  	v60 =	vld.idx.msk [tilespmem:v26+s17+$0x0], $0xffff;
	v61 =	vmul.f32 v57, v21;
	v29 =	vmul.f32 v29, v22;
	v24 =	vadd.f32 v24, v27  }
0x313: {  	v22 =	vmul.f32 v50, v22;
	v25 =	vadd.f32 v59, v25;
	v27 =	vmul.f32 v53, v21  }
0x314: {  	v32 =	vmul.f32 v55, v21;
	v29 =	vadd.f32 v29, v35;
	v24 =	vadd.f32 v61, v24  }
0x315: {  	v22 =	vadd.f32 v22, v23;
	v27 =	vadd.f32 v27, v28;
	v23 =	vmul.f32 v30, v21  }
0x316: {  	v28 =	vadd.f32 v32, v33;
	v30 =	vmul.f32 v58, v21;
	[tilespmem:v48+s19+$0x0] =	vst.idx.msk $0xffff, v24  }
0x317: {  	v21 =	vmul.f32 v60, v21;
	[tilespmem:v42+s19+$0x0] =	vst.idx.msk $0xffff, v27;
	v23 =	vadd.f32 v23, v29  }
0x318: {  	s22 =	simm.s32 $0x0;
	[tilespmem:v45+s19+$0x0] =	vst.idx.msk $0xffff, v28;
	v25 =	vadd.f32 v30, v25  }
0x319: {  	v21 =	vadd.f32 v21, v22;
	v22 =	vadd.s32 s22, v2;
	[tilespmem:v31+s19+$0x0] =	vst.idx.msk $0xffff, v23  }
0x31a: {  	v22 =	vand.u32 $0x38, v22;
	[tilespmem:v46+s19+$0x0] =	vst.idx.msk $0xffff, v25  }
0x31b: {  	[tilespmem:v26+s19+$0x0] =	vst.idx.msk $0xffff, v21;
	v35 =	vor.u32 v8, v22  }
0x31c: {  	s25 =	simm.s32 $0x7;
	v23 =	vld [tilespmem:$0x2E0]  }
0x31d: {  	v21 =	vadd.s32 s25, v2;
	v24 =	vld [tilespmem:$0x360]  }
0x31e: {  	v26 =	vor.u32 $0x1400, v20;
	v22 =	vld [tilespmem:$0x3E0];
	v25 =	vand.u32 $0x3F, v21  }
0x31f: {  	v21 =	vld [tilespmem:$0x460];
	v37 =	vor.u32 v26, v25  }
0x320: {  	s26 =	simm.s32 $0x1;
	v62 =	vld.idx.msk [tilespmem:v35+s17+$0x0], $0xffff  }
0x321: {  	v27 =	vadd.s32 s26, v2;
	v30 =	vld.idx.msk [tilespmem:v35+s15+$0x0], $0xffff  }
0x322: {  	s28 =	simm.s32 $0x2;
	v25 =	vand.u32 $0x3F, v27;
	v29 =	vld.idx.msk [tilespmem:v35+s11+$0x0], $0xffff  }
0x323: {  	v31 =	vor.u32 v26, v25;
	v25 =	vadd.s32 s28, v2;
	v63 =	vld.idx.msk [tilespmem:v35+s13+$0x0], $0xffff  }
0x324: {  	s29 =	simm.s32 $0x3;
	v25 =	vand.u32 $0x3F, v25;
	v48 =	vld.idx.msk [tilespmem:v37+s11+$0x0], $0xffff  }
0x325: {  	v28 =	vadd.s32 s29, v2;
	v27 =	vor.u32 v26, v25;
	v49 =	vld.idx.msk [tilespmem:v37+s13+$0x0], $0xffff  }
0x326: {  	s30 =	simm.s32 $0x4;
	v25 =	vand.u32 $0x3F, v28;
	v51 =	vld.idx.msk [tilespmem:v37+s15+$0x0], $0xffff  }
0x327: {  	v28 =	vadd.s32 s30, v2;
	v25 =	vor.u32 v26, v25;
	v55 =	vld.idx.msk [tilespmem:v37+s17+$0x0], $0xffff  }
0x328: {  	v28 =	vand.u32 $0x3F, v28;
	v50 =	vld.idx.msk [tilespmem:v31+s11+$0x0], $0xffff  }
0x329: {  	s31 =	simm.s32 $0x5;
	v28 =	vor.u32 v26, v28;
	v52 =	vld.idx.msk [tilespmem:v31+s13+$0x0], $0xffff  }
0x32a: {  	s23 =	simm.s32 $0x6;
	v53 =	vadd.s32 s31, v2;
	v45 =	vld.idx.msk [tilespmem:v27+s11+$0x0], $0xffff  }
0x32b: {  	v54 =	vadd.s32 s23, v2;
	v41 =	vand.u32 $0x3F, v53;
	s29 =	simm.s32 $0xD;
	v57 =	vld.idx.msk [tilespmem:v27+s13+$0x0], $0xffff  }
0x32c: {  	v42 =	vand.u32 $0x3F, v54;
	v53 =	vadd.s32 s29, v2;
	v56 =	vmul.f32 v29, v23;
	v46 =	vld.idx.msk [tilespmem:v25+s11+$0x0], $0xffff  }
0x32d: {  	v33 =	vmul.f32 v63, v24;
	v29 =	vor.u32 v26, v41;
	v58 =	vmul.f32 v30, v22;
	v59 =	vld.idx.msk [tilespmem:v25+s13+$0x0], $0xffff  }
0x32e: {  	v30 =	vor.u32 v26, v42;
	v32 =	vmul.f32 v62, v21;
	v34 =	vmul.f32 v48, v23;
	v39 =	vld.idx.msk [tilespmem:v28+s11+$0x0], $0xffff  }
0x32f: {  	s23 =	simm.s32 $0x8;
	s25 =	simm.s32 $0xA;
	v36 =	vmul.f32 v49, v24;
	v33 =	vadd.f32 v33, v56;
	v60 =	vmul.f32 v51, v22;
	v61 =	vld.idx.msk [tilespmem:v28+s13+$0x0], $0xffff  }
0x330: {  	v62 =	vmul.f32 v55, v21;
	v56 =	vadd.s32 s23, v2;
	v49 =	vld.idx.msk [tilespmem:v31+s15+$0x0], $0xffff;
	v48 =	vadd.s32 s25, v2  }
0x331: {  	v51 =	vld.idx.msk [tilespmem:v25+s15+$0x0], $0xffff;
	v38 =	vmul.f32 v50, v23;
	v40 =	vmul.f32 v52, v24;
	v34 =	vadd.f32 v36, v34  }
0x332: {  	v54 =	vld.idx.msk [tilespmem:v28+s15+$0x0], $0xffff;
	v33 =	vadd.f32 v58, v33;
	v55 =	vmul.f32 v45, v23;
	v41 =	vmul.f32 v57, v24  }
0x333: {  	v63 =	vld.idx.msk [tilespmem:v29+s11+$0x0], $0xffff;
	v40 =	vadd.f32 v40, v38;
	v45 =	vand.u32 $0x3F, v48;
	v34 =	vadd.f32 v60, v34  }
0x334: {  	s24 =	simm.s32 $0x9;
	s30 =	simm.s32 $0xE;
	v57 =	vld.idx.msk [tilespmem:v29+s13+$0x0], $0xffff;
	v43 =	vadd.f32 v32, v33;
	v33 =	vand.u32 $0x38, v56;
	v58 =	vmul.f32 v46, v23  }
0x335: {  	v36 =	vld.idx.msk [tilespmem:v30+s11+$0x0], $0xffff;
	v59 =	vmul.f32 v59, v24;
	v60 =	vadd.s32 s24, v2;
	v56 =	vadd.s32 s30, v2  }
0x336: {  	s26 =	simm.s32 $0xB;
	v46 =	vld.idx.msk [tilespmem:v30+s13+$0x0], $0xffff;
	v52 =	vadd.f32 v41, v55;
	v32 =	vor.u32 v8, v33;
	v39 =	vmul.f32 v39, v23  }
0x337: {  	s28 =	simm.s32 $0xC;
	v50 =	vld.idx.msk [tilespmem:v27+s15+$0x0], $0xffff;
	v61 =	vmul.f32 v61, v24;
	v41 =	vadd.s32 s26, v2;
	v42 =	vand.u32 $0x3F, v60  }
0x338: {  	v44 =	vld.idx.msk [tilespmem:v28+s17+$0x0], $0xffff;
	v51 =	vmul.f32 v51, v22;
	v38 =	vadd.f32 v62, v34;
	v62 =	vadd.s32 s28, v2  }
0x339: {  	v33 =	vadd.f32 v59, v58;
	[tilespmem:v35+s19+$0x0] =	vst.idx.msk $0xffff, v43;
	v43 =	vand.u32 $0x3F, v62;
	v62 =	vmul.f32 v49, v22  }
0x33a: {  	v34 =	vadd.f32 v61, v39;
	v39 =	vld.idx.msk [tilespmem:v29+s15+$0x0], $0xffff;
	v47 =	vmul.f32 v63, v23;
	v63 =	vmul.f32 v57, v24  }
0x33b: {  	v48 =	vand.u32 $0x3F, v41;
	v41 =	vld.idx.msk [tilespmem:v25+s17+$0x0], $0xffff;
	v60 =	vmul.f32 v36, v23;
	v61 =	vmul.f32 v46, v24  }
0x33c: {  	s31 =	simm.s32 $0xF;
	v36 =	vld.idx.msk [tilespmem:v30+s15+$0x0], $0xffff;
	v46 =	vand.u32 $0x3F, v53;
	v35 =	vadd.f32 v63, v47;
	v63 =	vmul.f32 v50, v22  }
0x33d: {  	[tilespmem:v37+s19+$0x0] =	vst.idx.msk $0xffff, v38;
	v38 =	vld.idx.msk [tilespmem:v27+s17+$0x0], $0xffff;
	v49 =	vadd.f32 v62, v40;
	v53 =	vadd.s32 s31, v2;
	v50 =	vand.u32 $0x3F, v56  }
0x33e: {  	s22 =	simm.s32 $0x10;
	v47 =	vld.idx.msk [tilespmem:v31+s17+$0x0], $0xffff;
	v37 =	vadd.f32 v61, v60;
	v40 =	vadd.f32 v63, v52;
	v52 =	vmul.f32 v54, v22  }
.LBB2_13:
0x33f: {  	p0 =	slt.u32 s22, $0x38;
	v53 =	vand.u32 $0x3F, v53;
	v39 =	vmul.f32 v39, v22;
	v54 =	vld.idx.msk [tilespmem:v29+s17+$0x0], $0xffff  }
0x340: {  	v42 =	vor.u32 v26, v42;
	v45 =	vor.u32 v26, v45;
	v53 =	vor.u32 v26, v53;
	v55 =	vld.idx.msk [tilespmem:v30+s17+$0x0], $0xffff  }
0x341: {  	v48 =	vor.u32 v26, v48;
	v43 =	vor.u32 v26, v43;
	v46 =	vor.u32 v26, v46;
	v56 =	vld.idx.msk [tilespmem:v32+s17+$0x0], $0xffff  }
0x342: {  	v50 =	vor.u32 v26, v50;
	v33 =	vadd.f32 v51, v33;
	v36 =	vmul.f32 v36, v22;
	v57 =	vld.idx.msk [tilespmem:v32+s15+$0x0], $0xffff  }
0x343: {  	v47 =	vmul.f32 v47, v21;
	v34 =	vadd.f32 v52, v34;
	v35 =	vadd.f32 v39, v35;
	v51 =	vld.idx.msk [tilespmem:v32+s11+$0x0], $0xffff  }
0x344: {  	v38 =	vmul.f32 v38, v21;
	v36 =	vadd.f32 v36, v37;
	v41 =	vmul.f32 v41, v21;
	v39 =	vld.idx.msk [tilespmem:v32+s13+$0x0], $0xffff  }
0x345: {  	v47 =	vadd.f32 v47, v49;
	v44 =	vmul.f32 v44, v21;
	v49 =	vmul.f32 v54, v21;
	v37 =	vld.idx.msk [tilespmem:v53+s11+$0x0], $0xffff  }
0x346: {  	v38 =	vadd.f32 v38, v40;
	v33 =	vadd.f32 v41, v33;
	v40 =	vmul.f32 v55, v21;
	v52 =	vld.idx.msk [tilespmem:v53+s13+$0x0], $0xffff  }
0x347: {  	v34 =	vadd.f32 v44, v34;
	v35 =	vadd.f32 v49, v35;
	v41 =	vld.idx.msk [tilespmem:v42+s11+$0x0], $0xffff;
	[tilespmem:v31+s19+$0x0] =	vst.idx.msk $0xffff, v47  }
0x348: {  	v36 =	vadd.f32 v40, v36;
	v31 =	vmov v42;
	v44 =	vld.idx.msk [tilespmem:v53+s15+$0x0], $0xffff;
	[tilespmem:v27+s19+$0x0] =	vst.idx.msk $0xffff, v38;
	v27 =	vmov v45  }
0x349: {  	v38 =	vld.idx.msk [tilespmem:v42+s13+$0x0], $0xffff;
	[tilespmem:v25+s19+$0x0] =	vst.idx.msk $0xffff, v33;
	v25 =	vmov v48  }
0x34a: {  	v33 =	vld.idx.msk [tilespmem:v53+s17+$0x0], $0xffff;
	[tilespmem:v28+s19+$0x0] =	vst.idx.msk $0xffff, v34;
	v28 =	vmov v43  }
0x34b: {  	v39 =	vmul.f32 v39, v24;
	v34 =	vmul.f32 v51, v23;
	v40 =	vld.idx.msk [tilespmem:v45+s11+$0x0], $0xffff;
	[tilespmem:v29+s19+$0x0] =	vst.idx.msk $0xffff, v35  }
0x34c: {  	v35 =	vld.idx.msk [tilespmem:v45+s13+$0x0], $0xffff;
	v45 =	vmul.f32 v37, v23;
	v37 =	vmul.f32 v52, v24;
	[tilespmem:v30+s19+$0x0] =	vst.idx.msk $0xffff, v36  }
0x34d: {  	v34 =	vadd.f32 v39, v34;
	v36 =	vmul.f32 v57, v22;
	v39 =	vmul.f32 v41, v23;
	v41 =	vld.idx.msk [tilespmem:v48+s11+$0x0], $0xffff  }
0x34e: {  	v29 =	vmovc v46;
	v30 =	vmov v50;
	v43 =	vmul.f32 v44, v22;
	v42 =	vld.idx.msk [tilespmem:v48+s13+$0x0], $0xffff;
	v37 =	vadd.f32 v37, v45  }
0x34f: {  	v34 =	vadd.f32 v36, v34;
	v36 =	vmul.f32 v56, v21;
	v38 =	vmul.f32 v38, v24;
	v44 =	vld.idx.msk [tilespmem:v28+s11+$0x0], $0xffff  }
0x350: {  	v33 =	vmul.f32 v33, v21;
	v45 =	vld.idx.msk [tilespmem:v28+s13+$0x0], $0xffff;
	v37 =	vadd.f32 v43, v37  }
0x351: {  	v34 =	vadd.f32 v36, v34;
	v49 =	vadd.f32 v38, v39;
	v36 =	vmul.f32 v40, v23;
	v38 =	vld.idx.msk [tilespmem:v46+s11+$0x0], $0xffff  }
0x352: {  	v39 =	vadd.s32 s22, v2;
	v35 =	vmul.f32 v35, v24;
	v40 =	vld.idx.msk [tilespmem:v46+s13+$0x0], $0xffff;
	v33 =	vadd.f32 v33, v37  }
0x353: {  	v37 =	vand.u32 $0x38, v39;
	[tilespmem:v32+s19+$0x0] =	vst.idx.msk $0xffff, v34;
	v34 =	vmul.f32 v41, v23;
	v41 =	vld.idx.msk [tilespmem:v50+s11+$0x0], $0xffff  }
0x354: {  	s23 =	sadd.s32 $0x1, s22;
	v52 =	vadd.f32 v35, v36;
	v35 =	vmul.f32 v42, v24;
	v36 =	vld.idx.msk [tilespmem:v50+s13+$0x0], $0xffff;
	[tilespmem:v53+s19+$0x0] =	vst.idx.msk $0xffff, v33  }
0x355: {  	v32 =	vor.u32 v8, v37;
	v37 =	vadd.s32 s23, v2;
	s23 =	sadd.s32 $0x2, s22;
	v39 =	vmul.f32 v44, v23;
	v46 =	vld.idx.msk [tilespmem:v31+s15+$0x0], $0xffff  }
0x356: {  	s24 =	sadd.s32 $0x4, s22;
	v43 =	vadd.s32 s23, v2;
	s23 =	sadd.s32 $0x3, s22;
	v33 =	vadd.f32 v35, v34;
	v34 =	vmul.f32 v45, v24;
	v44 =	vld.idx.msk [tilespmem:v27+s15+$0x0], $0xffff  }
0x357: {  	v50 =	vadd.s32 s24, v2;
	v47 =	vadd.s32 s23, v2;
	s23 =	sadd.s32 $0x5, s22;
	v35 =	vmul.f32 v38, v23;
	v51 =	vld.idx.msk [tilespmem:v25+s15+$0x0], $0xffff  }
0x358: {  	v38 =	vadd.s32 s23, v2;
	s23 =	sadd.s32 $0x6, s22;
	v34 =	vadd.f32 v34, v39;
	v40 =	vmul.f32 v40, v24;
	v54 =	vld.idx.msk [tilespmem:v28+s15+$0x0], $0xffff  }
0x359: {  	v42 =	vand.u32 $0x3F, v37;
	v53 =	vadd.s32 s23, v2;
	v37 =	vmul.f32 v41, v23;
	v39 =	vld.idx.msk [tilespmem:v29+s15+$0x0], $0xffff  }
.Ltmp5:
0x35a: {  	v45 =	vand.u32 $0x3F, v43;
	v35 =	vadd.f32 v40, v35;
	v40 =	vmul.f32 v36, v24;
	v36 =	vld.idx.msk [tilespmem:v30+s15+$0x0], $0xffff;
	(pc) =	sbr.rel @p0 .LBB2_13-.Ltmp5, $4  }
0x35b: {  	v43 =	vand.u32 $0x3F, v50;
	v48 =	vand.u32 $0x3F, v47;
	v41 =	vmul.f32 v46, v22;
	v47 =	vld.idx.msk [tilespmem:v31+s17+$0x0], $0xffff  }
0x35c: {  	v46 =	vand.u32 $0x3F, v38;
	v44 =	vmul.f32 v44, v22;
	v37 =	vadd.f32 v40, v37;
	v38 =	vld.idx.msk [tilespmem:v27+s17+$0x0], $0xffff  }
0x35d: {  	s23 =	sadd.s32 $0x7, s22;
	v50 =	vand.u32 $0x3F, v53;
	v49 =	vadd.f32 v41, v49;
	v51 =	vmul.f32 v51, v22;
	v41 =	vld.idx.msk [tilespmem:v25+s17+$0x0], $0xffff  }
0x35e: {  	s22 =	sadd.s32 $0x8, s22;
	v53 =	vadd.s32 s23, v2;
	v40 =	vadd.f32 v44, v52;
	v52 =	vmul.f32 v54, v22;
	v44 =	vld.idx.msk [tilespmem:v28+s17+$0x0], $0xffff  }
0x35f: {  	_ =	sdelay $0x3  }
0x360: {  	v54 =	vld.idx.msk [tilespmem:v29+s17+$0x0], $0xffff  }
0x361: {  	v55 =	vld.idx.msk [tilespmem:v30+s17+$0x0], $0xffff;
	v42 =	vor.u32 v26, v42  }
0x362: {  	v56 =	vld.idx.msk [tilespmem:v32+s17+$0x0], $0xffff  }
0x363: {  	v57 =	vld.idx.msk [tilespmem:v32+s15+$0x0], $0xffff;
	v45 =	vor.u32 v26, v45  }
0x364: {  	v58 =	vld.idx.msk [tilespmem:v32+s11+$0x0], $0xffff;
	v47 =	vmul.f32 v47, v21  }
0x365: {  	v59 =	vld.idx.msk [tilespmem:v32+s13+$0x0], $0xffff;
	v48 =	vor.u32 v26, v48  }
0x366: {  	v47 =	vadd.f32 v47, v49;
	v62 =	vld.idx.msk [tilespmem:v42+s11+$0x0], $0xffff  }
0x367: {  	v53 =	vand.u32 $0x3F, v53;
	v46 =	vor.u32 v26, v46;
	v63 =	vld.idx.msk [tilespmem:v42+s13+$0x0], $0xffff  }
0x368: {  	v39 =	vmul.f32 v39, v22;
	v53 =	vor.u32 v26, v53;
	[tilespmem:v31+s19+$0x0] =	vst.idx.msk $0xffff, v47;
	v47 =	vld.idx.msk [tilespmem:v45+s11+$0x0], $0xffff  }
0x369: {  	v38 =	vmul.f32 v38, v21;
	v31 =	vor.u32 v26, v43;
	v26 =	vor.u32 v26, v50;
	v50 =	vld.idx.msk [tilespmem:v45+s13+$0x0], $0xffff  }
0x36a: {  	v35 =	vadd.f32 v39, v35;
	v39 =	vmul.f32 v41, v21;
	v41 =	vld.idx.msk [tilespmem:v48+s11+$0x0], $0xffff  }
0x36b: {  	v38 =	vadd.f32 v38, v40;
	v40 =	vld.idx.msk [tilespmem:v48+s13+$0x0], $0xffff  }
0x36c: {  	v33 =	vadd.f32 v51, v33;
	v51 =	vld.idx.msk [tilespmem:v46+s13+$0x0], $0xffff  }
0x36d: {  	v36 =	vmul.f32 v36, v22;
	v60 =	vld.idx.msk [tilespmem:v53+s11+$0x0], $0xffff  }
0x36e: {  	v34 =	vadd.f32 v52, v34;
	v44 =	vmul.f32 v44, v21;
	v61 =	vld.idx.msk [tilespmem:v53+s13+$0x0], $0xffff  }
0x36f: {  	v36 =	vadd.f32 v36, v37;
	v55 =	vmul.f32 v55, v21;
	v58 =	vmul.f32 v58, v23;
	v49 =	vld.idx.msk [tilespmem:v53+s15+$0x0], $0xffff  }
0x370: {  	v59 =	vmul.f32 v59, v24;
	v43 =	vld.idx.msk [tilespmem:v53+s17+$0x0], $0xffff;
	[tilespmem:v27+s19+$0x0] =	vst.idx.msk $0xffff, v38;
	v27 =	vadd.f32 v44, v34  }
0x371: {  	v54 =	vmul.f32 v54, v21;
	v44 =	vld.idx.msk [tilespmem:v46+s11+$0x0], $0xffff;
	v36 =	vadd.f32 v55, v36  }
0x372: {  	[tilespmem:v28+s19+$0x0] =	vst.idx.msk $0xffff, v27;
	v27 =	vadd.f32 v59, v58;
	v28 =	vmul.f32 v57, v22;
	v58 =	vld.idx.msk [tilespmem:v42+s15+$0x0], $0xffff  }
0x373: {  	v33 =	vadd.f32 v39, v33;
	v34 =	vadd.f32 v54, v35;
	v59 =	vld.idx.msk [tilespmem:v45+s15+$0x0], $0xffff  }
0x374: {  	[tilespmem:v30+s19+$0x0] =	vst.idx.msk $0xffff, v36;
	v30 =	vld.idx.msk [tilespmem:v48+s15+$0x0], $0xffff;
	v27 =	vadd.f32 v28, v27;
	v28 =	vmul.f32 v56, v21  }
0x375: {  	[tilespmem:v25+s19+$0x0] =	vst.idx.msk $0xffff, v33;
	v39 =	vld.idx.msk [tilespmem:v31+s11+$0x0], $0xffff;
	v25 =	vmul.f32 v60, v23;
	v60 =	vmul.f32 v61, v24  }
0x376: {  	[tilespmem:v29+s19+$0x0] =	vst.idx.msk $0xffff, v34;
	v35 =	vld.idx.msk [tilespmem:v31+s13+$0x0], $0xffff;
	v57 =	vmul.f32 v63, v24;
	v61 =	vmul.f32 v62, v23  }
0x377: {  	v52 =	vmul.f32 v51, v24;
	v62 =	vmul.f32 v49, v22;
	v49 =	vld.idx.msk [tilespmem:v26+s13+$0x0], $0xffff;
	v25 =	vadd.f32 v60, v25  }
0x378: {  	v37 =	vld.idx.msk [tilespmem:v26+s11+$0x0], $0xffff;
	v29 =	vmul.f32 v43, v21;
	v27 =	vadd.f32 v28, v27;
	v28 =	vadd.f32 v57, v61  }
0x379: {  	v63 =	vld.idx.msk [tilespmem:v46+s15+$0x0], $0xffff;
	v60 =	vmul.f32 v47, v23;
	v61 =	vmul.f32 v50, v24;
	v25 =	vadd.f32 v62, v25  }
0x37a: {  	v50 =	vld.idx.msk [tilespmem:v26+s15+$0x0], $0xffff;
	v56 =	vmul.f32 v58, v22;
	[tilespmem:v32+s19+$0x0] =	vst.idx.msk $0xffff, v27;
	v27 =	vmul.f32 v41, v23  }
0x37b: {  	v57 =	vld.idx.msk [tilespmem:v48+s17+$0x0], $0xffff;
	v62 =	vmul.f32 v40, v24;
	v47 =	vmul.f32 v39, v23;
	v25 =	vadd.f32 v29, v25  }
0x37c: {  	v34 =	vadd.f32 v61, v60;
	v35 =	vmul.f32 v35, v24;
	v24 =	vmul.f32 v49, v24;
	v29 =	vld.idx.msk [tilespmem:v31+s15+$0x0], $0xffff  }
0x37d: {  	[tilespmem:v53+s19+$0x0] =	vst.idx.msk $0xffff, v25;
	v25 =	vmul.f32 v44, v23;
	v53 =	vld.idx.msk [tilespmem:v42+s17+$0x0], $0xffff;
	v23 =	vmul.f32 v37, v23  }
0x37e: {  	v55 =	vld.idx.msk [tilespmem:v45+s17+$0x0], $0xffff;
	v33 =	vmul.f32 v59, v22;
	v28 =	vadd.f32 v56, v28;
	v27 =	vadd.f32 v62, v27  }
0x37f: {  	v35 =	vadd.f32 v35, v47;
	v23 =	vadd.f32 v24, v23;
	v24 =	vmul.f32 v30, v22;
	v30 =	vld.idx.msk [tilespmem:v31+s17+$0x0], $0xffff  }
0x380: {  	v58 =	vld.idx.msk [tilespmem:v46+s17+$0x0], $0xffff;
	v59 =	vmul.f32 v63, v22;
	v33 =	vadd.f32 v33, v34;
	v25 =	vadd.f32 v52, v25  }
0x381: {  	v60 =	vld.idx.msk [tilespmem:v26+s17+$0x0], $0xffff;
	v61 =	vmul.f32 v57, v21;
	v29 =	vmul.f32 v29, v22;
	v24 =	vadd.f32 v24, v27  }
0x382: {  	v22 =	vmul.f32 v50, v22;
	v25 =	vadd.f32 v59, v25;
	v27 =	vmul.f32 v53, v21  }
0x383: {  	v32 =	vmul.f32 v55, v21;
	v29 =	vadd.f32 v29, v35;
	v24 =	vadd.f32 v61, v24  }
0x384: {  	v22 =	vadd.f32 v22, v23;
	v27 =	vadd.f32 v27, v28;
	v23 =	vmul.f32 v30, v21  }
0x385: {  	v28 =	vadd.f32 v32, v33;
	v30 =	vmul.f32 v58, v21;
	[tilespmem:v48+s19+$0x0] =	vst.idx.msk $0xffff, v24  }
0x386: {  	v21 =	vmul.f32 v60, v21;
	[tilespmem:v42+s19+$0x0] =	vst.idx.msk $0xffff, v27;
	v23 =	vadd.f32 v23, v29  }
0x387: {  	s22 =	simm.s32 $0x0;
	[tilespmem:v45+s19+$0x0] =	vst.idx.msk $0xffff, v28;
	v25 =	vadd.f32 v30, v25  }
0x388: {  	v21 =	vadd.f32 v21, v22;
	v22 =	vadd.s32 s22, v2;
	[tilespmem:v31+s19+$0x0] =	vst.idx.msk $0xffff, v23  }
0x389: {  	v22 =	vand.u32 $0x38, v22;
	[tilespmem:v46+s19+$0x0] =	vst.idx.msk $0xffff, v25  }
0x38a: {  	[tilespmem:v26+s19+$0x0] =	vst.idx.msk $0xffff, v21;
	v35 =	vor.u32 v9, v22  }
0x38b: {  	s25 =	simm.s32 $0x7;
	v23 =	vld [tilespmem:$0x2F0]  }
0x38c: {  	v21 =	vadd.s32 s25, v2;
	v24 =	vld [tilespmem:$0x370]  }
0x38d: {  	v26 =	vor.u32 $0x1800, v20;
	v22 =	vld [tilespmem:$0x3F0];
	v25 =	vand.u32 $0x3F, v21  }
0x38e: {  	v21 =	vld [tilespmem:$0x470];
	v37 =	vor.u32 v26, v25  }
0x38f: {  	s26 =	simm.s32 $0x1;
	v62 =	vld.idx.msk [tilespmem:v35+s17+$0x0], $0xffff  }
0x390: {  	v27 =	vadd.s32 s26, v2;
	v30 =	vld.idx.msk [tilespmem:v35+s15+$0x0], $0xffff  }
0x391: {  	s28 =	simm.s32 $0x2;
	v25 =	vand.u32 $0x3F, v27;
	v29 =	vld.idx.msk [tilespmem:v35+s11+$0x0], $0xffff  }
0x392: {  	v31 =	vor.u32 v26, v25;
	v25 =	vadd.s32 s28, v2;
	v63 =	vld.idx.msk [tilespmem:v35+s13+$0x0], $0xffff  }
0x393: {  	s29 =	simm.s32 $0x3;
	v25 =	vand.u32 $0x3F, v25;
	v48 =	vld.idx.msk [tilespmem:v37+s11+$0x0], $0xffff  }
0x394: {  	v28 =	vadd.s32 s29, v2;
	v27 =	vor.u32 v26, v25;
	v49 =	vld.idx.msk [tilespmem:v37+s13+$0x0], $0xffff  }
0x395: {  	s30 =	simm.s32 $0x4;
	v25 =	vand.u32 $0x3F, v28;
	v51 =	vld.idx.msk [tilespmem:v37+s15+$0x0], $0xffff  }
0x396: {  	v28 =	vadd.s32 s30, v2;
	v25 =	vor.u32 v26, v25;
	v55 =	vld.idx.msk [tilespmem:v37+s17+$0x0], $0xffff  }
0x397: {  	v28 =	vand.u32 $0x3F, v28;
	v50 =	vld.idx.msk [tilespmem:v31+s11+$0x0], $0xffff  }
0x398: {  	s31 =	simm.s32 $0x5;
	v28 =	vor.u32 v26, v28;
	v52 =	vld.idx.msk [tilespmem:v31+s13+$0x0], $0xffff  }
0x399: {  	s23 =	simm.s32 $0x6;
	v53 =	vadd.s32 s31, v2;
	v45 =	vld.idx.msk [tilespmem:v27+s11+$0x0], $0xffff  }
0x39a: {  	v54 =	vadd.s32 s23, v2;
	v41 =	vand.u32 $0x3F, v53;
	s29 =	simm.s32 $0xD;
	v57 =	vld.idx.msk [tilespmem:v27+s13+$0x0], $0xffff  }
0x39b: {  	v42 =	vand.u32 $0x3F, v54;
	v53 =	vadd.s32 s29, v2;
	v56 =	vmul.f32 v29, v23;
	v46 =	vld.idx.msk [tilespmem:v25+s11+$0x0], $0xffff  }
0x39c: {  	v33 =	vmul.f32 v63, v24;
	v29 =	vor.u32 v26, v41;
	v58 =	vmul.f32 v30, v22;
	v59 =	vld.idx.msk [tilespmem:v25+s13+$0x0], $0xffff  }
0x39d: {  	v30 =	vor.u32 v26, v42;
	v32 =	vmul.f32 v62, v21;
	v34 =	vmul.f32 v48, v23;
	v39 =	vld.idx.msk [tilespmem:v28+s11+$0x0], $0xffff  }
0x39e: {  	s23 =	simm.s32 $0x8;
	s25 =	simm.s32 $0xA;
	v36 =	vmul.f32 v49, v24;
	v33 =	vadd.f32 v33, v56;
	v60 =	vmul.f32 v51, v22;
	v61 =	vld.idx.msk [tilespmem:v28+s13+$0x0], $0xffff  }
0x39f: {  	v62 =	vmul.f32 v55, v21;
	v56 =	vadd.s32 s23, v2;
	v49 =	vld.idx.msk [tilespmem:v31+s15+$0x0], $0xffff;
	v48 =	vadd.s32 s25, v2  }
0x3a0: {  	v51 =	vld.idx.msk [tilespmem:v25+s15+$0x0], $0xffff;
	v38 =	vmul.f32 v50, v23;
	v40 =	vmul.f32 v52, v24;
	v34 =	vadd.f32 v36, v34  }
0x3a1: {  	v54 =	vld.idx.msk [tilespmem:v28+s15+$0x0], $0xffff;
	v33 =	vadd.f32 v58, v33;
	v55 =	vmul.f32 v45, v23;
	v41 =	vmul.f32 v57, v24  }
0x3a2: {  	v63 =	vld.idx.msk [tilespmem:v29+s11+$0x0], $0xffff;
	v40 =	vadd.f32 v40, v38;
	v45 =	vand.u32 $0x3F, v48;
	v34 =	vadd.f32 v60, v34  }
0x3a3: {  	s24 =	simm.s32 $0x9;
	s30 =	simm.s32 $0xE;
	v57 =	vld.idx.msk [tilespmem:v29+s13+$0x0], $0xffff;
	v43 =	vadd.f32 v32, v33;
	v33 =	vand.u32 $0x38, v56;
	v58 =	vmul.f32 v46, v23  }
0x3a4: {  	v36 =	vld.idx.msk [tilespmem:v30+s11+$0x0], $0xffff;
	v59 =	vmul.f32 v59, v24;
	v60 =	vadd.s32 s24, v2;
	v56 =	vadd.s32 s30, v2  }
0x3a5: {  	s26 =	simm.s32 $0xB;
	v46 =	vld.idx.msk [tilespmem:v30+s13+$0x0], $0xffff;
	v52 =	vadd.f32 v41, v55;
	v32 =	vor.u32 v9, v33;
	v39 =	vmul.f32 v39, v23  }
0x3a6: {  	s28 =	simm.s32 $0xC;
	v50 =	vld.idx.msk [tilespmem:v27+s15+$0x0], $0xffff;
	v61 =	vmul.f32 v61, v24;
	v41 =	vadd.s32 s26, v2;
	v42 =	vand.u32 $0x3F, v60  }
0x3a7: {  	v44 =	vld.idx.msk [tilespmem:v28+s17+$0x0], $0xffff;
	v51 =	vmul.f32 v51, v22;
	v38 =	vadd.f32 v62, v34;
	v62 =	vadd.s32 s28, v2  }
0x3a8: {  	v33 =	vadd.f32 v59, v58;
	[tilespmem:v35+s19+$0x0] =	vst.idx.msk $0xffff, v43;
	v43 =	vand.u32 $0x3F, v62;
	v62 =	vmul.f32 v49, v22  }
0x3a9: {  	v34 =	vadd.f32 v61, v39;
	v39 =	vld.idx.msk [tilespmem:v29+s15+$0x0], $0xffff;
	v47 =	vmul.f32 v63, v23;
	v63 =	vmul.f32 v57, v24  }
0x3aa: {  	v48 =	vand.u32 $0x3F, v41;
	v41 =	vld.idx.msk [tilespmem:v25+s17+$0x0], $0xffff;
	v60 =	vmul.f32 v36, v23;
	v61 =	vmul.f32 v46, v24  }
0x3ab: {  	s31 =	simm.s32 $0xF;
	v36 =	vld.idx.msk [tilespmem:v30+s15+$0x0], $0xffff;
	v46 =	vand.u32 $0x3F, v53;
	v35 =	vadd.f32 v63, v47;
	v63 =	vmul.f32 v50, v22  }
0x3ac: {  	[tilespmem:v37+s19+$0x0] =	vst.idx.msk $0xffff, v38;
	v38 =	vld.idx.msk [tilespmem:v27+s17+$0x0], $0xffff;
	v49 =	vadd.f32 v62, v40;
	v53 =	vadd.s32 s31, v2;
	v50 =	vand.u32 $0x3F, v56  }
0x3ad: {  	s22 =	simm.s32 $0x10;
	v47 =	vld.idx.msk [tilespmem:v31+s17+$0x0], $0xffff;
	v37 =	vadd.f32 v61, v60;
	v40 =	vadd.f32 v63, v52;
	v52 =	vmul.f32 v54, v22  }
.LBB2_15:
0x3ae: {  	p0 =	slt.u32 s22, $0x38;
	v53 =	vand.u32 $0x3F, v53;
	v39 =	vmul.f32 v39, v22;
	v54 =	vld.idx.msk [tilespmem:v29+s17+$0x0], $0xffff  }
0x3af: {  	v42 =	vor.u32 v26, v42;
	v45 =	vor.u32 v26, v45;
	v53 =	vor.u32 v26, v53;
	v55 =	vld.idx.msk [tilespmem:v30+s17+$0x0], $0xffff  }
0x3b0: {  	v48 =	vor.u32 v26, v48;
	v43 =	vor.u32 v26, v43;
	v46 =	vor.u32 v26, v46;
	v56 =	vld.idx.msk [tilespmem:v32+s17+$0x0], $0xffff  }
0x3b1: {  	v50 =	vor.u32 v26, v50;
	v33 =	vadd.f32 v51, v33;
	v36 =	vmul.f32 v36, v22;
	v57 =	vld.idx.msk [tilespmem:v32+s15+$0x0], $0xffff  }
0x3b2: {  	v47 =	vmul.f32 v47, v21;
	v34 =	vadd.f32 v52, v34;
	v35 =	vadd.f32 v39, v35;
	v51 =	vld.idx.msk [tilespmem:v32+s11+$0x0], $0xffff  }
0x3b3: {  	v38 =	vmul.f32 v38, v21;
	v36 =	vadd.f32 v36, v37;
	v41 =	vmul.f32 v41, v21;
	v39 =	vld.idx.msk [tilespmem:v32+s13+$0x0], $0xffff  }
0x3b4: {  	v47 =	vadd.f32 v47, v49;
	v44 =	vmul.f32 v44, v21;
	v49 =	vmul.f32 v54, v21;
	v37 =	vld.idx.msk [tilespmem:v53+s11+$0x0], $0xffff  }
0x3b5: {  	v38 =	vadd.f32 v38, v40;
	v33 =	vadd.f32 v41, v33;
	v40 =	vmul.f32 v55, v21;
	v52 =	vld.idx.msk [tilespmem:v53+s13+$0x0], $0xffff  }
0x3b6: {  	v34 =	vadd.f32 v44, v34;
	v35 =	vadd.f32 v49, v35;
	v41 =	vld.idx.msk [tilespmem:v42+s11+$0x0], $0xffff;
	[tilespmem:v31+s19+$0x0] =	vst.idx.msk $0xffff, v47  }
0x3b7: {  	v36 =	vadd.f32 v40, v36;
	v31 =	vmov v42;
	v44 =	vld.idx.msk [tilespmem:v53+s15+$0x0], $0xffff;
	[tilespmem:v27+s19+$0x0] =	vst.idx.msk $0xffff, v38;
	v27 =	vmov v45  }
0x3b8: {  	v38 =	vld.idx.msk [tilespmem:v42+s13+$0x0], $0xffff;
	[tilespmem:v25+s19+$0x0] =	vst.idx.msk $0xffff, v33;
	v25 =	vmov v48  }
0x3b9: {  	v33 =	vld.idx.msk [tilespmem:v53+s17+$0x0], $0xffff;
	[tilespmem:v28+s19+$0x0] =	vst.idx.msk $0xffff, v34;
	v28 =	vmov v43  }
0x3ba: {  	v39 =	vmul.f32 v39, v24;
	v34 =	vmul.f32 v51, v23;
	v40 =	vld.idx.msk [tilespmem:v45+s11+$0x0], $0xffff;
	[tilespmem:v29+s19+$0x0] =	vst.idx.msk $0xffff, v35  }
0x3bb: {  	v35 =	vld.idx.msk [tilespmem:v45+s13+$0x0], $0xffff;
	v45 =	vmul.f32 v37, v23;
	v37 =	vmul.f32 v52, v24;
	[tilespmem:v30+s19+$0x0] =	vst.idx.msk $0xffff, v36  }
0x3bc: {  	v34 =	vadd.f32 v39, v34;
	v36 =	vmul.f32 v57, v22;
	v39 =	vmul.f32 v41, v23;
	v41 =	vld.idx.msk [tilespmem:v48+s11+$0x0], $0xffff  }
0x3bd: {  	v29 =	vmovc v46;
	v30 =	vmov v50;
	v43 =	vmul.f32 v44, v22;
	v42 =	vld.idx.msk [tilespmem:v48+s13+$0x0], $0xffff;
	v37 =	vadd.f32 v37, v45  }
0x3be: {  	v34 =	vadd.f32 v36, v34;
	v36 =	vmul.f32 v56, v21;
	v38 =	vmul.f32 v38, v24;
	v44 =	vld.idx.msk [tilespmem:v28+s11+$0x0], $0xffff  }
0x3bf: {  	v33 =	vmul.f32 v33, v21;
	v45 =	vld.idx.msk [tilespmem:v28+s13+$0x0], $0xffff;
	v37 =	vadd.f32 v43, v37  }
0x3c0: {  	v34 =	vadd.f32 v36, v34;
	v49 =	vadd.f32 v38, v39;
	v36 =	vmul.f32 v40, v23;
	v38 =	vld.idx.msk [tilespmem:v46+s11+$0x0], $0xffff  }
0x3c1: {  	v39 =	vadd.s32 s22, v2;
	v35 =	vmul.f32 v35, v24;
	v40 =	vld.idx.msk [tilespmem:v46+s13+$0x0], $0xffff;
	v33 =	vadd.f32 v33, v37  }
0x3c2: {  	v37 =	vand.u32 $0x38, v39;
	[tilespmem:v32+s19+$0x0] =	vst.idx.msk $0xffff, v34;
	v34 =	vmul.f32 v41, v23;
	v41 =	vld.idx.msk [tilespmem:v50+s11+$0x0], $0xffff  }
0x3c3: {  	s23 =	sadd.s32 $0x1, s22;
	v52 =	vadd.f32 v35, v36;
	v35 =	vmul.f32 v42, v24;
	v36 =	vld.idx.msk [tilespmem:v50+s13+$0x0], $0xffff;
	[tilespmem:v53+s19+$0x0] =	vst.idx.msk $0xffff, v33  }
0x3c4: {  	v32 =	vor.u32 v9, v37;
	v37 =	vadd.s32 s23, v2;
	s23 =	sadd.s32 $0x2, s22;
	v39 =	vmul.f32 v44, v23;
	v46 =	vld.idx.msk [tilespmem:v31+s15+$0x0], $0xffff  }
0x3c5: {  	s24 =	sadd.s32 $0x4, s22;
	v43 =	vadd.s32 s23, v2;
	s23 =	sadd.s32 $0x3, s22;
	v33 =	vadd.f32 v35, v34;
	v34 =	vmul.f32 v45, v24;
	v44 =	vld.idx.msk [tilespmem:v27+s15+$0x0], $0xffff  }
0x3c6: {  	v50 =	vadd.s32 s24, v2;
	v47 =	vadd.s32 s23, v2;
	s23 =	sadd.s32 $0x5, s22;
	v35 =	vmul.f32 v38, v23;
	v51 =	vld.idx.msk [tilespmem:v25+s15+$0x0], $0xffff  }
0x3c7: {  	v38 =	vadd.s32 s23, v2;
	s23 =	sadd.s32 $0x6, s22;
	v34 =	vadd.f32 v34, v39;
	v40 =	vmul.f32 v40, v24;
	v54 =	vld.idx.msk [tilespmem:v28+s15+$0x0], $0xffff  }
0x3c8: {  	v42 =	vand.u32 $0x3F, v37;
	v53 =	vadd.s32 s23, v2;
	v37 =	vmul.f32 v41, v23;
	v39 =	vld.idx.msk [tilespmem:v29+s15+$0x0], $0xffff  }
.Ltmp6:
0x3c9: {  	v45 =	vand.u32 $0x3F, v43;
	v35 =	vadd.f32 v40, v35;
	v40 =	vmul.f32 v36, v24;
	v36 =	vld.idx.msk [tilespmem:v30+s15+$0x0], $0xffff;
	(pc) =	sbr.rel @p0 .LBB2_15-.Ltmp6, $4  }
0x3ca: {  	v43 =	vand.u32 $0x3F, v50;
	v48 =	vand.u32 $0x3F, v47;
	v41 =	vmul.f32 v46, v22;
	v47 =	vld.idx.msk [tilespmem:v31+s17+$0x0], $0xffff  }
0x3cb: {  	v46 =	vand.u32 $0x3F, v38;
	v44 =	vmul.f32 v44, v22;
	v37 =	vadd.f32 v40, v37;
	v38 =	vld.idx.msk [tilespmem:v27+s17+$0x0], $0xffff  }
0x3cc: {  	s23 =	sadd.s32 $0x7, s22;
	v50 =	vand.u32 $0x3F, v53;
	v49 =	vadd.f32 v41, v49;
	v51 =	vmul.f32 v51, v22;
	v41 =	vld.idx.msk [tilespmem:v25+s17+$0x0], $0xffff  }
0x3cd: {  	s22 =	sadd.s32 $0x8, s22;
	v53 =	vadd.s32 s23, v2;
	v40 =	vadd.f32 v44, v52;
	v52 =	vmul.f32 v54, v22;
	v44 =	vld.idx.msk [tilespmem:v28+s17+$0x0], $0xffff  }
0x3ce: {  	_ =	sdelay $0x3  }
0x3cf: {  	v54 =	vld.idx.msk [tilespmem:v29+s17+$0x0], $0xffff  }
0x3d0: {  	v55 =	vld.idx.msk [tilespmem:v30+s17+$0x0], $0xffff;
	v42 =	vor.u32 v26, v42  }
0x3d1: {  	v56 =	vld.idx.msk [tilespmem:v32+s17+$0x0], $0xffff  }
0x3d2: {  	v57 =	vld.idx.msk [tilespmem:v32+s15+$0x0], $0xffff;
	v45 =	vor.u32 v26, v45  }
0x3d3: {  	v58 =	vld.idx.msk [tilespmem:v32+s11+$0x0], $0xffff;
	v47 =	vmul.f32 v47, v21  }
0x3d4: {  	v59 =	vld.idx.msk [tilespmem:v32+s13+$0x0], $0xffff;
	v48 =	vor.u32 v26, v48  }
0x3d5: {  	v47 =	vadd.f32 v47, v49;
	v62 =	vld.idx.msk [tilespmem:v42+s11+$0x0], $0xffff  }
0x3d6: {  	v53 =	vand.u32 $0x3F, v53;
	v46 =	vor.u32 v26, v46;
	v63 =	vld.idx.msk [tilespmem:v42+s13+$0x0], $0xffff  }
0x3d7: {  	v39 =	vmul.f32 v39, v22;
	v53 =	vor.u32 v26, v53;
	[tilespmem:v31+s19+$0x0] =	vst.idx.msk $0xffff, v47;
	v47 =	vld.idx.msk [tilespmem:v45+s11+$0x0], $0xffff  }
0x3d8: {  	v38 =	vmul.f32 v38, v21;
	v31 =	vor.u32 v26, v43;
	v26 =	vor.u32 v26, v50;
	v50 =	vld.idx.msk [tilespmem:v45+s13+$0x0], $0xffff  }
0x3d9: {  	v35 =	vadd.f32 v39, v35;
	v39 =	vmul.f32 v41, v21;
	v41 =	vld.idx.msk [tilespmem:v48+s11+$0x0], $0xffff  }
0x3da: {  	v38 =	vadd.f32 v38, v40;
	v40 =	vld.idx.msk [tilespmem:v48+s13+$0x0], $0xffff  }
0x3db: {  	v33 =	vadd.f32 v51, v33;
	v36 =	vmul.f32 v36, v22;
	v51 =	vld.idx.msk [tilespmem:v46+s13+$0x0], $0xffff  }
0x3dc: {  	v60 =	vld.idx.msk [tilespmem:v53+s11+$0x0], $0xffff  }
0x3dd: {  	v34 =	vadd.f32 v52, v34;
	v36 =	vadd.f32 v36, v37;
	v52 =	vmul.f32 v55, v21;
	v61 =	vld.idx.msk [tilespmem:v53+s13+$0x0], $0xffff  }
0x3de: {  	v44 =	vmul.f32 v44, v21;
	v33 =	vadd.f32 v39, v33;
	v49 =	vld.idx.msk [tilespmem:v53+s15+$0x0], $0xffff  }
0x3df: {  	v54 =	vmul.f32 v54, v21;
	v43 =	vld.idx.msk [tilespmem:v53+s17+$0x0], $0xffff;
	[tilespmem:v27+s19+$0x0] =	vst.idx.msk $0xffff, v38;
	v36 =	vadd.f32 v52, v36  }
0x3e0: {  	v55 =	vmul.f32 v59, v24;
	v27 =	vadd.f32 v44, v34;
	v44 =	vld.idx.msk [tilespmem:v46+s11+$0x0], $0xffff;
	[tilespmem:v25+s19+$0x0] =	vst.idx.msk $0xffff, v33  }
0x3e1: {  	v34 =	vadd.f32 v54, v35;
	v54 =	vmul.f32 v58, v23;
	[tilespmem:v30+s19+$0x0] =	vst.idx.msk $0xffff, v36;
	v30 =	vld.idx.msk [tilespmem:v48+s15+$0x0], $0xffff  }
0x3e2: {  	[tilespmem:v28+s19+$0x0] =	vst.idx.msk $0xffff, v27;
	v39 =	vld.idx.msk [tilespmem:v31+s11+$0x0], $0xffff  }
0x3e3: {  	v28 =	vmul.f32 v57, v22;
	v27 =	vadd.f32 v55, v54;
	v35 =	vld.idx.msk [tilespmem:v31+s13+$0x0], $0xffff;
	v59 =	vmul.f32 v62, v23  }
0x3e4: {  	[tilespmem:v29+s19+$0x0] =	vst.idx.msk $0xffff, v34;
	v37 =	vld.idx.msk [tilespmem:v26+s11+$0x0], $0xffff;
	v25 =	vmul.f32 v60, v23;
	v58 =	vmul.f32 v61, v24  }
0x3e5: {  	v62 =	vld.idx.msk [tilespmem:v42+s15+$0x0], $0xffff;
	v47 =	vmul.f32 v47, v23;
	v27 =	vadd.f32 v28, v27;
	v28 =	vmul.f32 v56, v21  }
0x3e6: {  	v60 =	vmul.f32 v49, v22;
	v49 =	vld.idx.msk [tilespmem:v26+s13+$0x0], $0xffff;
	v61 =	vmul.f32 v63, v24;
	v25 =	vadd.f32 v58, v25  }
0x3e7: {  	v52 =	vmul.f32 v50, v24;
	v55 =	vmul.f32 v40, v24;
	v63 =	vld.idx.msk [tilespmem:v45+s15+$0x0], $0xffff;
	v27 =	vadd.f32 v28, v27  }
0x3e8: {  	v29 =	vmul.f32 v43, v21;
	v56 =	vld.idx.msk [tilespmem:v46+s15+$0x0], $0xffff;
	v28 =	vadd.f32 v61, v59;
	v25 =	vadd.f32 v60, v25  }
0x3e9: {  	v58 =	vld.idx.msk [tilespmem:v26+s15+$0x0], $0xffff;
	v59 =	vmul.f32 v51, v24;
	[tilespmem:v32+s19+$0x0] =	vst.idx.msk $0xffff, v27;
	v27 =	vmul.f32 v41, v23  }
0x3ea: {  	v57 =	vmul.f32 v39, v23;
	v35 =	vmul.f32 v35, v24;
	v60 =	vld.idx.msk [tilespmem:v42+s17+$0x0], $0xffff;
	v25 =	vadd.f32 v29, v25  }
0x3eb: {  	v34 =	vadd.f32 v52, v47;
	v62 =	vmul.f32 v62, v22;
	v24 =	vmul.f32 v49, v24;
	v29 =	vld.idx.msk [tilespmem:v31+s15+$0x0], $0xffff  }
0x3ec: {  	v61 =	vld.idx.msk [tilespmem:v45+s17+$0x0], $0xffff;
	[tilespmem:v53+s19+$0x0] =	vst.idx.msk $0xffff, v25;
	v25 =	vmul.f32 v44, v23;
	v23 =	vmul.f32 v37, v23  }
0x3ed: {  	v33 =	vmul.f32 v63, v22;
	v63 =	vld.idx.msk [tilespmem:v48+s17+$0x0], $0xffff;
	v27 =	vadd.f32 v55, v27;
	v35 =	vadd.f32 v35, v57  }
0x3ee: {  	v28 =	vadd.f32 v62, v28;
	v23 =	vadd.f32 v24, v23;
	v24 =	vmul.f32 v30, v22;
	v30 =	vld.idx.msk [tilespmem:v31+s17+$0x0], $0xffff  }
0x3ef: {  	v40 =	vld.idx.msk [tilespmem:v46+s17+$0x0], $0xffff;
	v43 =	vmul.f32 v56, v22;
	v33 =	vadd.f32 v33, v34;
	v25 =	vadd.f32 v59, v25  }
0x3f0: {  	v44 =	vld.idx.msk [tilespmem:v26+s17+$0x0], $0xffff;
	v29 =	vmul.f32 v29, v22;
	v24 =	vadd.f32 v24, v27;
	v27 =	vmul.f32 v60, v21  }
0x3f1: {  	v32 =	vmul.f32 v61, v21;
	v22 =	vmul.f32 v58, v22;
	v25 =	vadd.f32 v43, v25  }
0x3f2: {  	v47 =	vmul.f32 v63, v21;
	v29 =	vadd.f32 v29, v35;
	v27 =	vadd.f32 v27, v28  }
0x3f3: {  	v22 =	vadd.f32 v22, v23;
	v28 =	vadd.f32 v32, v33;
	v23 =	vmul.f32 v30, v21  }
0x3f4: {  	v24 =	vadd.f32 v47, v24;
	v30 =	vmul.f32 v40, v21;
	[tilespmem:v42+s19+$0x0] =	vst.idx.msk $0xffff, v27  }
0x3f5: {  	v21 =	vmul.f32 v44, v21;
	[tilespmem:v45+s19+$0x0] =	vst.idx.msk $0xffff, v28;
	v23 =	vadd.f32 v23, v29  }
0x3f6: {  	s22 =	simm.s32 $0x0;
	[tilespmem:v48+s19+$0x0] =	vst.idx.msk $0xffff, v24;
	v25 =	vadd.f32 v30, v25  }
0x3f7: {  	v21 =	vadd.f32 v21, v22;
	v22 =	vadd.s32 s22, v2;
	[tilespmem:v31+s19+$0x0] =	vst.idx.msk $0xffff, v23  }
0x3f8: {  	v22 =	vand.u32 $0x38, v22;
	[tilespmem:v46+s19+$0x0] =	vst.idx.msk $0xffff, v25  }
0x3f9: {  	[tilespmem:v26+s19+$0x0] =	vst.idx.msk $0xffff, v21;
	v34 =	vor.u32 v10, v22  }
0x3fa: {  	s25 =	simm.s32 $0x7;
	v22 =	vld [tilespmem:$0x300]  }
0x3fb: {  	v24 =	vadd.s32 s25, v2;
	v23 =	vld [tilespmem:$0x380]  }
0x3fc: {  	v24 =	vand.u32 $0x3F, v24;
	v25 =	vor.u32 $0x1C00, v20;
	v21 =	vld [tilespmem:$0x400]  }
0x3fd: {  	v20 =	vld [tilespmem:$0x480];
	v36 =	vor.u32 v25, v24  }
0x3fe: {  	s26 =	simm.s32 $0x1;
	v31 =	vld.idx.msk [tilespmem:v34+s17+$0x0], $0xffff  }
0x3ff: {  	v26 =	vadd.s32 s26, v2;
	v29 =	vld.idx.msk [tilespmem:v34+s15+$0x0], $0xffff  }
0x400: {  	s28 =	simm.s32 $0x2;
	v24 =	vand.u32 $0x3F, v26;
	v28 =	vld.idx.msk [tilespmem:v34+s11+$0x0], $0xffff  }
0x401: {  	v30 =	vor.u32 v25, v24;
	v24 =	vadd.s32 s28, v2;
	v48 =	vld.idx.msk [tilespmem:v34+s13+$0x0], $0xffff  }
0x402: {  	s29 =	simm.s32 $0x3;
	v24 =	vand.u32 $0x3F, v24;
	v49 =	vld.idx.msk [tilespmem:v36+s11+$0x0], $0xffff  }
0x403: {  	v27 =	vadd.s32 s29, v2;
	v26 =	vor.u32 v25, v24;
	v50 =	vld.idx.msk [tilespmem:v36+s13+$0x0], $0xffff  }
0x404: {  	v24 =	vand.u32 $0x3F, v27;
	v52 =	vld.idx.msk [tilespmem:v36+s15+$0x0], $0xffff  }
0x405: {  	s30 =	simm.s32 $0x4;
	v24 =	vor.u32 v25, v24;
	v42 =	vld.idx.msk [tilespmem:v36+s17+$0x0], $0xffff  }
0x406: {  	s23 =	simm.s32 $0x6;
	v27 =	vadd.s32 s30, v2;
	v51 =	vld.idx.msk [tilespmem:v30+s11+$0x0], $0xffff  }
0x407: {  	s31 =	simm.s32 $0x5;
	v55 =	vadd.s32 s23, v2;
	v27 =	vand.u32 $0x3F, v27;
	v53 =	vld.idx.msk [tilespmem:v30+s13+$0x0], $0xffff  }
0x408: {  	v54 =	vadd.s32 s31, v2;
	s23 =	simm.s32 $0x8;
	v41 =	vand.u32 $0x3F, v55;
	s25 =	simm.s32 $0xA;
	v27 =	vor.u32 v25, v27;
	v57 =	vld.idx.msk [tilespmem:v26+s11+$0x0], $0xffff  }
0x409: {  	v55 =	vadd.s32 s23, v2;
	v40 =	vand.u32 $0x3F, v54;
	v47 =	vadd.s32 s25, v2;
	v58 =	vld.idx.msk [tilespmem:v26+s13+$0x0], $0xffff  }
0x40a: {  	v44 =	vand.u32 $0x3F, v47;
	v56 =	vmul.f32 v28, v22;
	v32 =	vmul.f32 v48, v23;
	v45 =	vld.idx.msk [tilespmem:v24+s11+$0x0], $0xffff  }
0x40b: {  	v28 =	vor.u32 v25, v40;
	v59 =	vmul.f32 v29, v21;
	v60 =	vld.idx.msk [tilespmem:v24+s13+$0x0], $0xffff;
	v31 =	vmul.f32 v31, v20  }
0x40c: {  	v29 =	vor.u32 v25, v41;
	v48 =	vld.idx.msk [tilespmem:v30+s15+$0x0], $0xffff;
	v33 =	vmul.f32 v49, v22;
	v35 =	vmul.f32 v50, v23  }
0x40d: {  	v61 =	vmul.f32 v52, v21;
	v62 =	vld.idx.msk [tilespmem:v27+s11+$0x0], $0xffff;
	v54 =	vmul.f32 v42, v20;
	v32 =	vadd.f32 v32, v56  }
0x40e: {  	s29 =	simm.s32 $0xD;
	v63 =	vld.idx.msk [tilespmem:v27+s13+$0x0], $0xffff;
	v37 =	vmul.f32 v51, v22;
	v39 =	vmul.f32 v53, v23;
	v33 =	vadd.f32 v35, v33  }
0x40f: {  	v50 =	vld.idx.msk [tilespmem:v24+s15+$0x0], $0xffff;
	v52 =	vadd.s32 s29, v2;
	v32 =	vadd.f32 v59, v32;
	v40 =	vmul.f32 v58, v23  }
0x410: {  	s24 =	simm.s32 $0x9;
	v49 =	vld.idx.msk [tilespmem:v26+s15+$0x0], $0xffff;
	v39 =	vadd.f32 v39, v37;
	v33 =	vadd.f32 v61, v33;
	v58 =	vmul.f32 v45, v22  }
0x411: {  	v46 =	vld.idx.msk [tilespmem:v28+s11+$0x0], $0xffff;
	v59 =	vmul.f32 v60, v23;
	v60 =	vadd.s32 s24, v2;
	v42 =	vadd.f32 v31, v32  }
0x412: {  	s28 =	simm.s32 $0xC;
	v56 =	vld.idx.msk [tilespmem:v28+s13+$0x0], $0xffff;
	v31 =	vmul.f32 v57, v22;
	v32 =	vand.u32 $0x38, v55;
	v38 =	vmul.f32 v62, v22  }
0x413: {  	s30 =	simm.s32 $0xE;
	v45 =	vld.idx.msk [tilespmem:v29+s13+$0x0], $0xffff;
	v61 =	vmul.f32 v63, v23;
	v62 =	vadd.s32 s28, v2;
	v41 =	vand.u32 $0x3F, v60  }
0x414: {  	v57 =	vld.idx.msk [tilespmem:v29+s11+$0x0], $0xffff;
	v55 =	vadd.s32 s30, v2;
	v50 =	vmul.f32 v50, v21;
	v37 =	vadd.f32 v54, v33  }
0x415: {  	s26 =	simm.s32 $0xB;
	v43 =	vld.idx.msk [tilespmem:v27+s17+$0x0], $0xffff;
	v51 =	vadd.f32 v40, v31;
	v31 =	vor.u32 v10, v32;
	v32 =	vadd.f32 v59, v58  }
0x416: {  	v53 =	vld.idx.msk [tilespmem:v27+s15+$0x0], $0xffff;
	v40 =	vadd.s32 s26, v2;
	[tilespmem:v34+s19+$0x0] =	vst.idx.msk $0xffff, v42;
	v42 =	vand.u32 $0x3F, v62;
	v62 =	vmul.f32 v48, v21  }
0x417: {  	v33 =	vadd.f32 v61, v38;
	v38 =	vld.idx.msk [tilespmem:v28+s15+$0x0], $0xffff;
	v46 =	vmul.f32 v46, v22;
	v63 =	vmul.f32 v56, v23  }
0x418: {  	v35 =	vld.idx.msk [tilespmem:v29+s15+$0x0], $0xffff;
	[tilespmem:v36+s19+$0x0] =	vst.idx.msk $0xffff, v37;
	v47 =	vand.u32 $0x3F, v40;
	v61 =	vmul.f32 v45, v23;
	v45 =	vand.u32 $0x3F, v52  }
0x419: {  	s31 =	simm.s32 $0xF;
	v37 =	vld.idx.msk [tilespmem:v26+s17+$0x0], $0xffff;
	v60 =	vmul.f32 v57, v22;
	v34 =	vadd.f32 v63, v46;
	v63 =	vmul.f32 v49, v21  }
0x41a: {  	v40 =	vld.idx.msk [tilespmem:v24+s17+$0x0], $0xffff;
	v48 =	vadd.f32 v62, v39;
	v52 =	vadd.s32 s31, v2;
	v49 =	vand.u32 $0x3F, v55  }
0x41b: {  	s22 =	simm.s32 $0x10;
	v46 =	vld.idx.msk [tilespmem:v30+s17+$0x0], $0xffff;
	v36 =	vadd.f32 v61, v60;
	v39 =	vadd.f32 v63, v51;
	v51 =	vmul.f32 v53, v21  }
.LBB2_17:
0x41c: {  	p0 =	slt.u32 s22, $0x38;
	v52 =	vand.u32 $0x3F, v52;
	v38 =	vmul.f32 v38, v21;
	v53 =	vld.idx.msk [tilespmem:v28+s17+$0x0], $0xffff  }
0x41d: {  	v41 =	vor.u32 v25, v41;
	v44 =	vor.u32 v25, v44;
	v52 =	vor.u32 v25, v52;
	v54 =	vld.idx.msk [tilespmem:v29+s17+$0x0], $0xffff  }
0x41e: {  	v47 =	vor.u32 v25, v47;
	v42 =	vor.u32 v25, v42;
	v45 =	vor.u32 v25, v45;
	v55 =	vld.idx.msk [tilespmem:v31+s17+$0x0], $0xffff  }
0x41f: {  	v49 =	vor.u32 v25, v49;
	v32 =	vadd.f32 v50, v32;
	v35 =	vmul.f32 v35, v21;
	v56 =	vld.idx.msk [tilespmem:v31+s15+$0x0], $0xffff  }
0x420: {  	v46 =	vmul.f32 v46, v20;
	v33 =	vadd.f32 v51, v33;
	v34 =	vadd.f32 v38, v34;
	v50 =	vld.idx.msk [tilespmem:v31+s11+$0x0], $0xffff  }
0x421: {  	v37 =	vmul.f32 v37, v20;
	v35 =	vadd.f32 v35, v36;
	v40 =	vmul.f32 v40, v20;
	v38 =	vld.idx.msk [tilespmem:v31+s13+$0x0], $0xffff  }
0x422: {  	v46 =	vadd.f32 v46, v48;
	v43 =	vmul.f32 v43, v20;
	v48 =	vmul.f32 v53, v20;
	v36 =	vld.idx.msk [tilespmem:v52+s11+$0x0], $0xffff  }
0x423: {  	v37 =	vadd.f32 v37, v39;
	v32 =	vadd.f32 v40, v32;
	v39 =	vmul.f32 v54, v20;
	v51 =	vld.idx.msk [tilespmem:v52+s13+$0x0], $0xffff  }
0x424: {  	v33 =	vadd.f32 v43, v33;
	v34 =	vadd.f32 v48, v34;
	v40 =	vld.idx.msk [tilespmem:v41+s11+$0x0], $0xffff;
	[tilespmem:v30+s19+$0x0] =	vst.idx.msk $0xffff, v46  }
0x425: {  	v35 =	vadd.f32 v39, v35;
	v30 =	vmov v41;
	v43 =	vld.idx.msk [tilespmem:v52+s15+$0x0], $0xffff;
	[tilespmem:v26+s19+$0x0] =	vst.idx.msk $0xffff, v37;
	v26 =	vmov v44  }
0x426: {  	v37 =	vld.idx.msk [tilespmem:v41+s13+$0x0], $0xffff;
	[tilespmem:v24+s19+$0x0] =	vst.idx.msk $0xffff, v32;
	v24 =	vmov v47  }
0x427: {  	v32 =	vld.idx.msk [tilespmem:v52+s17+$0x0], $0xffff;
	[tilespmem:v27+s19+$0x0] =	vst.idx.msk $0xffff, v33;
	v27 =	vmov v42  }
0x428: {  	v38 =	vmul.f32 v38, v23;
	v33 =	vmul.f32 v50, v22;
	v39 =	vld.idx.msk [tilespmem:v44+s11+$0x0], $0xffff;
	[tilespmem:v28+s19+$0x0] =	vst.idx.msk $0xffff, v34  }
0x429: {  	v34 =	vld.idx.msk [tilespmem:v44+s13+$0x0], $0xffff;
	v44 =	vmul.f32 v36, v22;
	v36 =	vmul.f32 v51, v23;
	[tilespmem:v29+s19+$0x0] =	vst.idx.msk $0xffff, v35  }
0x42a: {  	v33 =	vadd.f32 v38, v33;
	v35 =	vmul.f32 v56, v21;
	v38 =	vmul.f32 v40, v22;
	v40 =	vld.idx.msk [tilespmem:v47+s11+$0x0], $0xffff  }
0x42b: {  	v28 =	vmovc v45;
	v29 =	vmov v49;
	v42 =	vmul.f32 v43, v21;
	v41 =	vld.idx.msk [tilespmem:v47+s13+$0x0], $0xffff;
	v36 =	vadd.f32 v36, v44  }
0x42c: {  	v33 =	vadd.f32 v35, v33;
	v35 =	vmul.f32 v55, v20;
	v37 =	vmul.f32 v37, v23;
	v43 =	vld.idx.msk [tilespmem:v27+s11+$0x0], $0xffff  }
0x42d: {  	v32 =	vmul.f32 v32, v20;
	v44 =	vld.idx.msk [tilespmem:v27+s13+$0x0], $0xffff;
	v36 =	vadd.f32 v42, v36  }
0x42e: {  	v33 =	vadd.f32 v35, v33;
	v48 =	vadd.f32 v37, v38;
	v35 =	vmul.f32 v39, v22;
	v37 =	vld.idx.msk [tilespmem:v45+s11+$0x0], $0xffff  }
0x42f: {  	v38 =	vadd.s32 s22, v2;
	v34 =	vmul.f32 v34, v23;
	v39 =	vld.idx.msk [tilespmem:v45+s13+$0x0], $0xffff;
	v32 =	vadd.f32 v32, v36  }
0x430: {  	v36 =	vand.u32 $0x38, v38;
	[tilespmem:v31+s19+$0x0] =	vst.idx.msk $0xffff, v33;
	v33 =	vmul.f32 v40, v22;
	v40 =	vld.idx.msk [tilespmem:v49+s11+$0x0], $0xffff  }
0x431: {  	s23 =	sadd.s32 $0x1, s22;
	v51 =	vadd.f32 v34, v35;
	v34 =	vmul.f32 v41, v23;
	v35 =	vld.idx.msk [tilespmem:v49+s13+$0x0], $0xffff;
	[tilespmem:v52+s19+$0x0] =	vst.idx.msk $0xffff, v32  }
0x432: {  	v31 =	vor.u32 v10, v36;
	v36 =	vadd.s32 s23, v2;
	s23 =	sadd.s32 $0x2, s22;
	v38 =	vmul.f32 v43, v22;
	v45 =	vld.idx.msk [tilespmem:v30+s15+$0x0], $0xffff  }
0x433: {  	s24 =	sadd.s32 $0x4, s22;
	v42 =	vadd.s32 s23, v2;
	s23 =	sadd.s32 $0x3, s22;
	v32 =	vadd.f32 v34, v33;
	v33 =	vmul.f32 v44, v23;
	v43 =	vld.idx.msk [tilespmem:v26+s15+$0x0], $0xffff  }
0x434: {  	v49 =	vadd.s32 s24, v2;
	v46 =	vadd.s32 s23, v2;
	s23 =	sadd.s32 $0x5, s22;
	v34 =	vmul.f32 v37, v22;
	v50 =	vld.idx.msk [tilespmem:v24+s15+$0x0], $0xffff  }
0x435: {  	v37 =	vadd.s32 s23, v2;
	s23 =	sadd.s32 $0x6, s22;
	v33 =	vadd.f32 v33, v38;
	v39 =	vmul.f32 v39, v23;
	v53 =	vld.idx.msk [tilespmem:v27+s15+$0x0], $0xffff  }
0x436: {  	v41 =	vand.u32 $0x3F, v36;
	v52 =	vadd.s32 s23, v2;
	v36 =	vmul.f32 v40, v22;
	v38 =	vld.idx.msk [tilespmem:v28+s15+$0x0], $0xffff  }
.Ltmp7:
0x437: {  	v44 =	vand.u32 $0x3F, v42;
	v34 =	vadd.f32 v39, v34;
	v39 =	vmul.f32 v35, v23;
	v35 =	vld.idx.msk [tilespmem:v29+s15+$0x0], $0xffff;
	(pc) =	sbr.rel @p0 .LBB2_17-.Ltmp7, $4  }
0x438: {  	v42 =	vand.u32 $0x3F, v49;
	v47 =	vand.u32 $0x3F, v46;
	v40 =	vmul.f32 v45, v21;
	v46 =	vld.idx.msk [tilespmem:v30+s17+$0x0], $0xffff  }
0x439: {  	v45 =	vand.u32 $0x3F, v37;
	v43 =	vmul.f32 v43, v21;
	v36 =	vadd.f32 v39, v36;
	v37 =	vld.idx.msk [tilespmem:v26+s17+$0x0], $0xffff  }
0x43a: {  	s23 =	sadd.s32 $0x7, s22;
	v49 =	vand.u32 $0x3F, v52;
	v48 =	vadd.f32 v40, v48;
	v50 =	vmul.f32 v50, v21;
	v40 =	vld.idx.msk [tilespmem:v24+s17+$0x0], $0xffff  }
0x43b: {  	s22 =	sadd.s32 $0x8, s22;
	v52 =	vadd.s32 s23, v2;
	v39 =	vadd.f32 v43, v51;
	v51 =	vmul.f32 v53, v21;
	v43 =	vld.idx.msk [tilespmem:v27+s17+$0x0], $0xffff  }
0x43c: {  	_ =	sdelay $0x3  }
0x43d: {  	v53 =	vld.idx.msk [tilespmem:v28+s17+$0x0], $0xffff  }
0x43e: {  	v54 =	vld.idx.msk [tilespmem:v29+s17+$0x0], $0xffff;
	v41 =	vor.u32 v25, v41  }
0x43f: {  	v55 =	vld.idx.msk [tilespmem:v31+s17+$0x0], $0xffff  }
0x440: {  	v56 =	vld.idx.msk [tilespmem:v31+s15+$0x0], $0xffff;
	v44 =	vor.u32 v25, v44  }
0x441: {  	v57 =	vld.idx.msk [tilespmem:v31+s11+$0x0], $0xffff;
	v46 =	vmul.f32 v46, v20  }
0x442: {  	v58 =	vld.idx.msk [tilespmem:v31+s13+$0x0], $0xffff;
	v47 =	vor.u32 v25, v47  }
0x443: {  	v46 =	vadd.f32 v46, v48;
	v61 =	vld.idx.msk [tilespmem:v41+s11+$0x0], $0xffff  }
0x444: {  	v52 =	vand.u32 $0x3F, v52;
	v45 =	vor.u32 v25, v45;
	v62 =	vld.idx.msk [tilespmem:v41+s13+$0x0], $0xffff  }
0x445: {  	v52 =	vor.u32 v25, v52;
	[tilespmem:v30+s19+$0x0] =	vst.idx.msk $0xffff, v46;
	v46 =	vld.idx.msk [tilespmem:v44+s11+$0x0], $0xffff  }
0x446: {  	v37 =	vmul.f32 v37, v20;
	v30 =	vor.u32 v25, v42;
	v25 =	vor.u32 v25, v49;
	v49 =	vld.idx.msk [tilespmem:v44+s13+$0x0], $0xffff  }
0x447: {  	v63 =	vmul.f32 v40, v20;
	v40 =	vld.idx.msk [tilespmem:v47+s11+$0x0], $0xffff  }
0x448: {  	v37 =	vadd.f32 v37, v39;
	v39 =	vld.idx.msk [tilespmem:v47+s13+$0x0], $0xffff  }
0x449: {  	v38 =	vmul.f32 v38, v21;
	v32 =	vadd.f32 v50, v32;
	v50 =	vld.idx.msk [tilespmem:v45+s13+$0x0], $0xffff  }
0x44a: {  	v35 =	vmul.f32 v35, v21;
	v59 =	vld.idx.msk [tilespmem:v52+s11+$0x0], $0xffff  }
0x44b: {  	v33 =	vadd.f32 v51, v33;
	v34 =	vadd.f32 v38, v34;
	v43 =	vmul.f32 v43, v20;
	v60 =	vld.idx.msk [tilespmem:v52+s13+$0x0], $0xffff  }
0x44c: {  	v35 =	vadd.f32 v35, v36;
	v53 =	vmul.f32 v53, v20;
	v54 =	vmul.f32 v54, v20;
	v48 =	vld.idx.msk [tilespmem:v52+s15+$0x0], $0xffff  }
0x44d: {  	v32 =	vadd.f32 v63, v32;
	v57 =	vmul.f32 v57, v22;
	v63 =	vmul.f32 v58, v23;
	v42 =	vld.idx.msk [tilespmem:v52+s17+$0x0], $0xffff  }
0x44e: {  	[tilespmem:v26+s19+$0x0] =	vst.idx.msk $0xffff, v37;
	v26 =	vadd.f32 v43, v33;
	v43 =	vld.idx.msk [tilespmem:v45+s11+$0x0], $0xffff;
	v35 =	vadd.f32 v54, v35  }
0x44f: {  	v58 =	vmul.f32 v56, v21;
	v33 =	vadd.f32 v53, v34;
	[tilespmem:v24+s19+$0x0] =	vst.idx.msk $0xffff, v32;
	v32 =	vld.idx.msk [tilespmem:v44+s15+$0x0], $0xffff  }
0x450: {  	v57 =	vadd.f32 v63, v57;
	[tilespmem:v29+s19+$0x0] =	vst.idx.msk $0xffff, v35;
	v29 =	vld.idx.msk [tilespmem:v47+s15+$0x0], $0xffff;
	v63 =	vmul.f32 v62, v23  }
0x451: {  	[tilespmem:v27+s19+$0x0] =	vst.idx.msk $0xffff, v26;
	v38 =	vld.idx.msk [tilespmem:v30+s11+$0x0], $0xffff;
	v51 =	vmul.f32 v46, v22;
	v56 =	vmul.f32 v40, v22  }
0x452: {  	v26 =	vadd.f32 v58, v57;
	v34 =	vld.idx.msk [tilespmem:v30+s13+$0x0], $0xffff;
	v57 =	vmul.f32 v39, v23;
	v62 =	vmul.f32 v50, v23  }
0x453: {  	v36 =	vld.idx.msk [tilespmem:v25+s11+$0x0], $0xffff;
	v53 =	vmul.f32 v59, v22;
	v54 =	vmul.f32 v60, v23  }
0x454: {  	v50 =	vld.idx.msk [tilespmem:v44+s17+$0x0], $0xffff;
	v59 =	vmul.f32 v61, v22;
	v61 =	vmul.f32 v55, v20  }
0x455: {  	[tilespmem:v28+s19+$0x0] =	vst.idx.msk $0xffff, v33;
	v60 =	vmul.f32 v48, v21;
	v48 =	vld.idx.msk [tilespmem:v25+s13+$0x0], $0xffff;
	v42 =	vmul.f32 v42, v20  }
0x456: {  	v55 =	vld.idx.msk [tilespmem:v30+s15+$0x0], $0xffff;
	v32 =	vmul.f32 v32, v21;
	v24 =	vadd.f32 v54, v53;
	v26 =	vadd.f32 v61, v26  }
0x457: {  	v53 =	vld.idx.msk [tilespmem:v41+s15+$0x0], $0xffff;
	v27 =	vadd.f32 v63, v59;
	v54 =	vmul.f32 v49, v23;
	v61 =	vmul.f32 v43, v22  }
0x458: {  	v58 =	vld.idx.msk [tilespmem:v45+s15+$0x0], $0xffff;
	v24 =	vadd.f32 v60, v24;
	[tilespmem:v31+s19+$0x0] =	vst.idx.msk $0xffff, v26;
	v59 =	vmul.f32 v38, v22  }
0x459: {  	v63 =	vld.idx.msk [tilespmem:v41+s17+$0x0], $0xffff;
	v33 =	vadd.f32 v54, v51;
	v34 =	vmul.f32 v34, v23;
	v46 =	vmul.f32 v36, v22  }
0x45a: {  	v60 =	vld.idx.msk [tilespmem:v25+s15+$0x0], $0xffff;
	v26 =	vadd.f32 v57, v56;
	v31 =	vmul.f32 v50, v20;
	v49 =	vmul.f32 v48, v23  }
0x45b: {  	v54 =	vld.idx.msk [tilespmem:v30+s17+$0x0], $0xffff;
	v28 =	vmul.f32 v55, v21;
	v24 =	vadd.f32 v42, v24;
	v34 =	vadd.f32 v34, v59  }
0x45c: {  	v55 =	vld.idx.msk [tilespmem:v45+s17+$0x0], $0xffff;
	v32 =	vadd.f32 v32, v33;
	v51 =	vmul.f32 v53, v21;
	v22 =	vadd.f32 v49, v46  }
0x45d: {  	v53 =	vmul.f32 v29, v21;
	[tilespmem:v52+s19+$0x0] =	vst.idx.msk $0xffff, v24;
	v52 =	vld.idx.msk [tilespmem:v47+s17+$0x0], $0xffff;
	v24 =	vadd.f32 v62, v61  }
0x45e: {  	v56 =	vmul.f32 v58, v21;
	v57 =	vld.idx.msk [tilespmem:v25+s17+$0x0], $0xffff;
	v28 =	vadd.f32 v28, v34;
	v62 =	vadd.f32 v31, v32  }
0x45f: {  	v58 =	vmul.f32 v63, v20;
	v27 =	vadd.f32 v51, v27;
	v23 =	vadd.f32 v53, v26  }
0x460: {  	v59 =	vmul.f32 v60, v21;
	v61 =	vmul.f32 v54, v20;
	v24 =	vadd.f32 v56, v24  }
0x461: {  	v63 =	vmul.f32 v55, v20;
	[tilespmem:v44+s19+$0x0] =	vst.idx.msk $0xffff, v62;
	v26 =	vadd.f32 v58, v27  }
0x462: {  	v21 =	vadd.f32 v59, v22;
	v22 =	vadd.f32 v61, v28;
	v60 =	vmul.f32 v52, v20  }
0x463: {  	v24 =	vadd.f32 v63, v24;
	[tilespmem:v41+s19+$0x0] =	vst.idx.msk $0xffff, v26;
	v20 =	vmul.f32 v57, v20  }
0x464: {  	[tilespmem:v30+s19+$0x0] =	vst.idx.msk $0xffff, v22;
	v23 =	vadd.f32 v60, v23  }
0x465: {  	s22 =	sshll.u32 s21, $0xA;
	s21 =	sadd.s32 $0x1, s21;
	[tilespmem:v45+s19+$0x0] =	vst.idx.msk $0xffff, v24;
	v20 =	vadd.f32 v20, v21  }
0x466: {  	p0 =	sne.s32 s21, $0x40;
	[tilespmem:v47+s19+$0x0] =	vst.idx.msk $0xffff, v23  }
.Ltmp8:
0x467: {  	s22 =	sadd.s32 s22, s6;
	[tilespmem:v25+s19+$0x0] =	vst.idx.msk $0xffff, v20;
	(pc) =	sbr.rel @p0 .LBB2_2-.Ltmp8, $4  }
0x468: {  	[hbm4b:s22+s2] =	stream.linear.scatter [tilespmem:s19], [sflag:$0x2], $0x2000, $0x38;
	[tilespmem:$0xA490] =	vst v63  }
0x469: {  	_ =	swait.ge [sflag:s8], $0x2000  }
0x46a: {  	[sflag:s8] =	ssyncset.done $0x0  }
0x46b: {  	[sflag:s8] =	ssyncadd.s32 $0xFFFFE000  }
0x46c: {  	s20 =	sadd.s32 $0x1, s20  }
0x46d: {  	p0 =	sne.s32 s20, s7  }
.Ltmp9:
0x46e: {  	_ = 	snop;
	(pc) =	sbr.rel @p0 .LBB2_1-.Ltmp9, $1  }
0x46f: {  	_ =	sdelay $0x3  }
0x470: {  	_ =	sfence.sel $0x180000  }
0x471: {  	[bflag:$0x0] =	sbarrier.arrive $0xFFFF  }
0x472: {  	p0 =	sne.s32 s0, $0x0;
	_ =	strace $0x9000004A  }
0x473: {  	s0 =	sadd.s32 @!p0 $0x100000, s1;
	[bflag:$0x2] =	sbarrier.arrive $0xFFFF  }
0x474: {  	[sflag:s0] =	ssyncadd.tile.s32 @!p0 $0x1;
	_ =	shalt  }
.Lfunc_end2:
_tile_overlayer_lowered:
.L_overlay_start_2:
0x475: {  	(tag) =	ssettag $0x2  }
0x476: {  	s0 =	rddreg [dreg:$0x0];
	s2 =	stileid.u32  }
0x477: {  	s1 =	rddreg [dreg:$0x1];
	p0 =	sne.s32 s2, $0x0  }
0x478: {  	s3 =	rddreg [dreg:$0x2];
	[bflag:$0x3] =	sbarrier.arrive $0xFFFF;
	s2 =	simm.s32 @!p0 $0x1C02  }
0x479: {  	[timem:s3], [sflag:s2] =	dma.local @!p0 [hbm:s0], s1  }
0x47a: {  	s0 =	simm.s32 @!p0 $0x2  }
0x47b: {  	_ =	swait.ge @!p0 [sflag:s0], s1  }
0x47c: {  	s1 =	ssub.s32 @!p0 $0x0, s1;
	[sflag:s0] =	ssyncset.done @!p0 $0x0  }
0x47d: {  	[sflag:s0] =	ssyncadd.s32 @!p0 s1  }
0x47e: {  	[bflag:$0x3] =	sbarrier.arrive $0xFFFF  }
0x47f: {  	_ =	shalt  }

// kernel: sparse-core-data-format-call.1.cloned.1.call-start
scs
called_computation.1_lowered:
.L_overlay_start_0:
0x0: {  	s2 =	sld [smem:$0x3FD9]  }
0x1: {  	s3 =	sld [smem:$0x3FFE];
	_ =	sdelay $0x1  }
0x2: {  	s1 =	srdreg.scid  }
0x3: {  	s0 =	sand.u32 $0x1, s1  }
0x4: {  	s18 =	sshll.u32 s0, $0xA;
	s2 =	sadd.s32 s3, s2  }
0x5: {  	s2 =	sadd.s32 s2, s18  }
0x6: {  	[smem:$0x3FC4] =	sst s2  }
0x7: {  	_ = 	snop  }
0x8: {  	s2 =	sld [smem:$0x3FC9];
	(tm) =	ssettm $0x1  }
0x9: {  	s19 =	sld [smem:$0x3FFB];
	_ =	sdelay $0x3  }
0xa: {  	_ =	strace s19  }
0xb: {  	s3 =	sld [smem:$0x3FFC];
	_ =	sdelay $0x3  }
0xc: {  	_ =	strace s3  }
0xd: {  	s3 =	sld [smem:$0x3FFD];
	_ =	sdelay $0x3  }
0xe: {  	_ =	strace s3  }
0xf: {  	_ =	strace $0x8FFFFFFF  }
0x10: {  	s20 =	sld [smem:$0x3FDB];
	_ =	sdelay $0x1  }
0x11: {  	s4 =	simm.s32 $_scs_section_size  }
0x12: {  	s5 =	simm.s32 $_size__tile_overlayer_lowered;
	s6 =	simm.s32 $_tile_overlayer_lowered  }
0x13: {  	s23 =	simm.s32 $0x1BFF;
	s22 =	sshll.u32 s6, $0x1;
	s3 =	sadd.s32 s4, s20  }
0x14: {  	s7 =	simm.s32 $0x0;
	s21 =	sshll.u32 s5, $0x1;
	s5 =	sadd.s32 s22, s3  }
0x15: {  	[timem:s7], [sflag:s23] =	dma.local [hbm:s5], s21  }
0x16: {  	_ =	swait.ge [sflag:s23], s21  }
0x17: {  	s4 =	ssub.s32 $0x0, s21;
	[sflag:s23] =	ssyncset.done $0x0  }
0x18: {  	[sflag:s23] =	ssyncadd.s32 s4;
	_ =	sdelay $0x1  }
0x19: {  	s24 =	simm.s32 $0x1B8B  }
0x1a: {  	_ =	swait.ge [sflag:s24], $0x1  }
0x1b: {  	[sflag:s24] =	ssyncset.done $0x0  }
0x1c: {  	s26 =	simm.s32 $0x1B8E;
	s25 =	sld [smem:$0x3FFE];
	[sflag:s24] =	ssyncadd.s32 $0xFFFFFFFF  }
0x1d: {  	s27 =	simm.s32 $execute0_lowered;
	[smem:$0x3FD2] =	sst s26  }
0x1e: {  	s5 =	sshll.u32 s27, $0x1;
	_ =	strace $0x80000046;
	[dreg:$0x1] =	wrdreg $0xFFFFFFFF  }
0x1f: {  	s28 =	simm.s32 $_size_execute0_lowered;
	s3 =	sadd.s32 s3, s5;
	[dreg:$0x0] =	wrdreg $0x0  }
0x20: {  	s5 =	sshll.u32 s28, $0x1;
	[dreg:$0x2] =	wrdreg s3  }
0x21: {  	[dreg:$0x3] =	wrdreg s5  }
0x22: {  	[dreg:$0x4] =	wrdreg $0xC0  }
0x23: {  	_ =	task [dreg:s7], $0x5FFFF  }
0x24: {  	[dreg:$0x1] =	wrdreg $0xFFFFFFFF  }
0x25: {  	[dreg:$0x0] =	wrdreg $0x60  }
0x26: {  	[dreg:$0x2] =	wrdreg s2  }
0x27: {  	[dreg:$0x3] =	wrdreg s25  }
0x28: {  	[dreg:$0x4] =	wrdreg $0x9  }
0x29: {  	_ =	task.clear_ibuf [dreg:s7], $0x5FFFF;
	_ =	strace $0x90000046  }
0x2a: {  	s29 =	simm.s32 $0x9;
	_ =	strace $0x80000048  }
0x2b: {  	_ =	swait.ge [sflag:s29], $0x1  }
0x2c: {  	[sflag:s29] =	ssyncadd.s32 $0xFFFFFFFF  }
0x2d: {  	_ =	strace $0x90000048  }
0x2e: {  	_ =	sfence  }
0x2f: {  	s30 =	sld [smem:$0x0];
	_ =	sdelay $0x2  }
0x30: {  	s31 =	sshll.u32 s1, $0xD;
	s1 =	sshrl.u32 s1, $0x2  }
0x31: {  	s3 =	sand.u32 $0x4000, s31;
	s1 =	sadd.s32 s1, s30  }
0x32: {  	s0 =	sor.u32 s3, s0;
	s1 =	sshll.u32 s1, $0x11  }
0x33: {  	s0 =	sor.u32 s1, s0  }
0x34: {  	s0 =	sadd.s32 $0x8F2B, s0  }
0x35: {  	[sflag:s0] =	ssyncadd.remote.s32 $0x1  }
0x36: {  	_ =	sfence.sel $0xFFFF  }
0x37: {  	[dreg:$0x0] =	wrdreg $0xFFFFFFFF;
	(pc) =	sbr.abs _section_cstart, $3  }
0x38: {  	[dreg:$0x1] =	wrdreg $0xFFFFFFFF  }
0x39: {  	_ =	task.clear_ibuf [dreg:s7], $0x2FFFF;
	_ =	strace $0x9FFFFFFF  }
0x3a: {  	(tm) =	ssettm $0x7FFFFFFF  }
0x3b: {  	_ =	shalt  }
tec
execute0_lowered:
.L_overlay_start_1:
0x0: {  	(tag) =	ssettag $0x1  }
0x1: {  	s1 =	srdreg.scid;
	s2 =	rddreg [dreg:$0x0]  }
0x2: {  	s0 =	stileid.u32;
	s8 =	rddreg [dreg:$0x1]  }
0x3: {  	s9 =	simm.s32 $0x1;
	s10 =	simm.s32 $0x2;
	s1 =	sshll.u32 s1, $0x4  }
0x4: {  	s18 =	simm.s32 $0x0;
	s17 =	simm.s32 $0x0;
	s1 =	sor.u32 s0, s1  }
0x5: {  	s16 =	simm.s32 $0x0;
	s19 =	simm.s32 $0x0;
	s1 =	sshrl.u32 s1, $0x1  }
0x6: {  	s11 =	simm.s32 $0x0;
	s13 =	simm.s32 $0x0;
	s3 =	sand.u32 $0xE, s1  }
0x7: {  	s15 =	simm.s32 $0x0;
	s4 =	sadd.s32 $0x2C00, s8;
	s7 =	ssub.s32 $0x100, s3  }
0x8: {  	s5 =	sand.u32 $0x3, s0;
	s8 =	sadd.s32 $0x4C00, s8;
	s6 =	sand.u32 $0xE, s7  }
.Ltmp0:
0x9: {  	s14 =	smov.u32 s5;
	p0 =	sne.s32 s6, $0x0;
	(pc) =	sbr.rel .LBB1_1-.Ltmp0, $4  }
0xa: {  	s1 =	rddreg [dreg:$0x2];
	s7 =	sshrl.u32 s7, $0x4;
	s9 =	simm.s32 @!p0 $0x0  }
0xb: {  	_ =	strace $0x80000047;
	s6 =	simm.s32 $0x1;
	s7 =	sadd.s32 s9, s7  }
0xc: {  	s12 =	smov.u32 s3;
	[sflag:s6] =	ssyncpa.u1 $0x0;
	s7 =	sshll.u32 s7, $0x2  }
0xd: {  	[sflag:s10] =	ssyncpa.u1 $0x0;
	s10 =	simm.s32 $0x80;
	s9 =	sor.u32 $0x1, s7  }
.LBB1_7:
0xe: {  	s20 =	sadd.s32 $0x80, s11  }
0xf: {  	s16 =	sadd.s32 $0x10, s12;
	s21 =	smov.u32 s12;
	p1 =	sgt.s32 s20, $0x1FF  }
0x10: {  	s21 =	smov.u32 @p1 s16  }
0x11: {  	s22 =	smov.u32 s13;
	s16 =	sadd.s32 $0x40, s13;
	p2 =	sgt.s32 s21, $0xFF  }
0x12: {  	s22 =	smov.u32 @p2 s16  }
0x13: {  	s23 =	smov.u32 s14;
	s16 =	sadd.s32 $0x4, s14;
	p3 =	sgt.s32 s22, $0x3F  }
0x14: {  	s23 =	smov.u32 @p3 s16  }
0x15: {  	p0 =	slt.u32 s15, $0x2;
	s20 =	simm.s32 @p1 $0x0;
	p1 =	sgt.s32 s23, $0x3  }
0x16: {  	s24 =	simm.s32 @!p0 $0x2;
	s23 =	smov.u32 @p1 s5;
	p1 =	sne.s32 s15, s9  }
.Ltmp1:
0x17: {  	s18 =	smov.u32 s11;
	_ =	swait.ge @!p0 [sflag:s24], $0x4000;
	(pc) =	sbr.rel @!p1 .LBB1_8-.Ltmp1, $4  }
0x18: {  	s17 =	smov.u32 s12;
	s19 =	smov.u32 s14;
	[sflag:s24] =	ssyncset.done @!p0 $0x0  }
0x19: {  	s11 =	smov.u32 s20;
	s21 =	smov.u32 @p2 s3;
	[sflag:s24] =	ssyncadd.s32 @!p0 $0xFFFFC000  }
0x1a: {  	s12 =	smov.u32 s21;
	s22 =	simm.s32 @p3 $0x0;
	s16 =	smov.u32 s13  }
0x1b: {  	s13 =	smov.u32 s22;
	s15 =	sadd.s32 $0x1, s15;
	s14 =	smov.u32 s23  }
.LBB1_1:
0x1c: {  	p0 =	sge.u32 s15, s7;
	s31 =	sadd.s32 $0xFFFFFFFF, s15  }
0x1d: {  	s20 =	sxor.u32 @!p0 $0xFFFFFFFF, s15;
	s21 =	sand.u32 @!p0 $0x78, s11;
	s22 =	sshll.u32 @!p0 s12, $0x9  }
0x1e: {  	s23 =	sshll.u32 @!p0 s11, $0x3;
	s24 =	sshll.u32 @!p0 s12, $0x7;
	s20 =	sshll.u32 @!p0 s20, $0xE  }
0x1f: {  	s22 =	sand.u32 @!p0 $0x1F000, s22;
	s23 =	sand.u32 @!p0 $0x1FC00, s23;
	s20 =	sand.u32 @!p0 $0x4000, s20  }
0x20: {  	s22 =	sadd.s32 @!p0 s22, s23;
	s23 =	sand.u32 @!p0 $0x200, s24;
	s24 =	sand.u32 @!p0 $0x180, s24  }
0x21: {  	s22 =	sor.u32 @!p0 s23, s22;
	s21 =	sor.u32 @!p0 s21, s24;
	s23 =	sshll.u32 @!p0 s14, $0x14  }
0x22: {  	s24 =	sshll.u32 @!p0 s13, $0xE;
	s22 =	sshrl.u32 @!p0 s22, $0x3;
	s23 =	sadd.s32 @!p0 s2, s23  }
0x23: {  	s21 =	sshrl.u32 @!p0 s21, $0x3;
	s23 =	sadd.s32 @!p0 s24, s23;
	s24 =	sand.u32 @!p0 $0x7, s11  }
0x24: {  	s22 =	sand.u32 @!p0 $0x3FC0, s22;
	s21 =	sadd.s32 @!p0 s21, s23;
	s23 =	sshll.u32 @!p0 s24, $0x12  }
0x25: {  	s21 =	sadd.s32 @!p0 s22, s21;
	s22 =	sor.u32 @!p0 $0x100, s23;
	s23 =	simm.s32 @!p0 $0x20000  }
0x26: {  	[tilespmem:s20], [sflag:$0x1] =	stream.strided.gather @!p0 [hbm4b:s21+s22], $0x4000, s23, s22, $0x38;
	[tilespmem:$0x10200] =	vst v63  }
0x27: {  	p0 =	sge.u32 s31, s7  }
.Ltmp2:
0x28: {  	_ = 	snop;
	(pc) =	sbr.rel @p0 .LBB1_7-.Ltmp2, $1  }
0x29: {  	_ =	sdelay $0x3  }
0x2a: {  	s21 =	sand.u32 $0x1, s15  }
0x2b: {  	s20 =	smul.u32 $0x10400, s21  }
0x2c: {  	_ =	swait.ge [sflag:s6], $0x4000  }
0x2d: {  	s23 =	simm.s32 $0x0;
	[sflag:s6] =	ssyncset.done $0x0;
	s20 =	sshrl.u32 s20, $0x2  }
0x2e: {  	s22 =	sshll.u32 s21, $0xE;
	[sflag:s6] =	ssyncadd.s32 $0xFFFFC000;
	s21 =	sor.u32 $0x8000, s20  }
.LBB1_3:
0x2f: {  	s24 =	sshll.u32 s23, $0x8  }
0x30: {  	s24 =	sand.u32 $0x3FFFFF00, s24  }
0x31: {  	s24 =	sadd.s32 s24, s22  }
0x32: {  	v0 =	vmov s24;
	_ =	sdelay $0x1  }
0x33: {  	p0 =	por $0x1, $0x1;
	s24 =	simm.s32 $0x0  }
.LBB1_4:
0x34: {  	s25 =	sshll.u32 s24, $0x7  }
0x35: {  	s25 =	sand.u32 $0x3FFFFF80, s25  }
0x36: {  	s31 =	smul.u32 $0x8200, s24;
	v1 =	vld.idx.msk [tilespmem:v0+s25+$0x0 ss:$0x1], $0xffff  }
0x37: {  	v2 =	vld.idx.msk [tilespmem:v0+s25+$0x10 ss:$0x1], $0xffff  }
0x38: {  	s24 =	sshra.s32 s31, $0x2;
	v3 =	vld.idx.msk [tilespmem:v0+s25+$0x20 ss:$0x1], $0xffff  }
0x39: {  	v4 =	vld.idx.msk [tilespmem:v0+s25+$0x30 ss:$0x1], $0xffff;
	s24 =	sadd.s32 s24, s21  }
0x3a: {  	v5 =	vld.idx.msk [tilespmem:v0+s25+$0x40 ss:$0x1], $0xffff;
	s24 =	sadd.s32 s23, s24  }
0x3b: {  	[tilespmem:s24+$0x0 ss:$0x41] =	vst.msk $0xffff, v1;
	v1 =	vld.idx.msk [tilespmem:v0+s25+$0x50 ss:$0x1], $0xffff  }
0x3c: {  	[tilespmem:s24+$0x410 ss:$0x41] =	vst.msk $0xffff, v2;
	v2 =	vld.idx.msk [tilespmem:v0+s25+$0x60 ss:$0x1], $0xffff  }
0x3d: {  	p1 =	por p0, p0;
	[tilespmem:s24+$0x820 ss:$0x41] =	vst.msk $0xffff, v3;
	v3 =	vld.idx.msk [tilespmem:v0+s25+$0x70 ss:$0x1], $0xffff  }
.Ltmp3:
0x3e: {  	[tilespmem:s24+$0xC30 ss:$0x41] =	vst.msk $0xffff, v4;
	(pc) =	sbr.rel @p1 .LBB1_4-.Ltmp3, $4  }
0x3f: {  	[tilespmem:s24+$0x1040 ss:$0x41] =	vst.msk $0xffff, v5  }
0x40: {  	[tilespmem:s24+$0x1450 ss:$0x41] =	vst.msk $0xffff, v1  }
0x41: {  	[tilespmem:s24+$0x1860 ss:$0x41] =	vst.msk $0xffff, v2  }
0x42: {  	p0 =	por $0x0, $0x0;
	[tilespmem:s24+$0x1C70 ss:$0x41] =	vst.msk $0xffff, v3;
	s24 =	simm.s32 $0x1  }
0x43: {  	s23 =	sadd.s32 $0x1, s23  }
0x44: {  	p0 =	sne.s32 s23, $0x40  }
.Ltmp4:
0x45: {  	_ = 	snop;
	(pc) =	sbr.rel @p0 .LBB1_3-.Ltmp4, $1  }
0x46: {  	_ =	sdelay $0x3  }
0x47: {  	s18 =	sshll.u32 s18, $0x7;
	s22 =	sshll.u32 s16, $0x3;
	s19 =	sshll.u32 s19, $0x15  }
0x48: {  	s17 =	sshll.u32 s17, $0xD;
	s28 =	sshrl.u32 s16, $0x3;
	s30 =	sand.u32 $0x7, s16  }
0x49: {  	s23 =	sand.u32 $0xFC00, s18;
	s22 =	sand.u32 $0xFC00, s22;
	s18 =	sand.u32 $0x380, s18  }
0x4a: {  	s29 =	sadd.s32 s19, s17;
	s16 =	sshll.u32 s30, $0x12;
	s22 =	sadd.s32 s22, s23  }
0x4b: {  	s19 =	sadd.s32 s19, s8;
	s23 =	sadd.s32 s4, s29;
	s18 =	sor.u32 s18, s22  }
0x4c: {  	s17 =	sadd.s32 s17, s19;
	s22 =	sand.u32 $0xF, s28;
	s18 =	sshrl.u32 s18, $0x3  }
.Ltmp5:
0x4d: {  	s23 =	sadd.s32 s22, s23;
	s18 =	sand.u32 $0x1FF0, s18;
	(pc) =	sbr.rel .LBB1_7-.Ltmp5, $4  }
0x4e: {  	s16 =	sor.u32 $0x40, s16;
	s17 =	sadd.s32 s22, s17;
	s23 =	sadd.s32 s18, s23  }
0x4f: {  	[hbm4b:s23+s16] =	stream.strided.scatter [tilespmem:s21], [sflag:$0x2], $0x2000, s10, s16, $0x18;
	[tilespmem:$0x10200] =	vst v63  }
0x50: {  	s31 =	sadd.s32 $0xA080, s20;
	s17 =	sadd.s32 s18, s17  }
0x51: {  	[hbm4b:s17+s16] =	stream.strided.scatter [tilespmem:s31], [sflag:$0x2], $0x2000, s10, s16, $0x18;
	[tilespmem:$0x10200] =	vst v63  }
.LBB1_8:
0x52: {  	_ =	sfence.sel $0x180000  }
0x53: {  	s2 =	simm.s32 $0x1;
	[bflag:$0x0] =	sbarrier.arrive $0xFFFF  }
0x54: {  	s31 =	simm.s32 $0x2;
	[sflag:s2] =	ssyncpa.u1 $0x1  }
0x55: {  	[sflag:s31] =	ssyncpa.u1 $0x1  }
0x56: {  	p0 =	sne.s32 s0, $0x0;
	_ =	strace $0x90000047  }
0x57: {  	s0 =	sadd.s32 @!p0 $0x100000, s1;
	[bflag:$0x2] =	sbarrier.arrive $0xFFFF  }
0x58: {  	[sflag:s0] =	ssyncadd.tile.s32 @!p0 $0x1;
	_ =	shalt  }
.Lfunc_end1:
_tile_overlayer_lowered:
.L_overlay_start_2:
0x59: {  	(tag) =	ssettag $0x2  }
0x5a: {  	s0 =	rddreg [dreg:$0x0];
	s2 =	stileid.u32  }
0x5b: {  	s1 =	rddreg [dreg:$0x1];
	p0 =	sne.s32 s2, $0x0  }
0x5c: {  	s3 =	rddreg [dreg:$0x2];
	[bflag:$0x3] =	sbarrier.arrive $0xFFFF;
	s2 =	simm.s32 @!p0 $0x1C01  }
0x5d: {  	[timem:s3], [sflag:s2] =	dma.local @!p0 [hbm:s0], s1  }
0x5e: {  	s0 =	simm.s32 @!p0 $0x1  }
0x5f: {  	_ =	swait.ge @!p0 [sflag:s0], s1  }
0x60: {  	s1 =	ssub.s32 @!p0 $0x0, s1;
	[sflag:s0] =	ssyncset.done @!p0 $0x0  }
0x61: {  	[sflag:s0] =	ssyncadd.s32 @!p0 s1  }
0x62: {  	[bflag:$0x3] =	sbarrier.arrive $0xFFFF  }
0x63: {  	_ =	shalt  }

// kernel: sparse-core-data-format-call.cloned.1.call-start
scs
called_computation_lowered:
.L_overlay_start_0:
0x0: {  	s2 =	sld [smem:$0x3FD9]  }
0x1: {  	s3 =	sld [smem:$0x3FFE];
	_ =	sdelay $0x1  }
0x2: {  	s1 =	srdreg.scid  }
0x3: {  	s0 =	sand.u32 $0x1, s1  }
0x4: {  	s18 =	sshll.u32 s0, $0xA;
	s2 =	sadd.s32 s3, s2  }
0x5: {  	s2 =	sadd.s32 s2, s18  }
0x6: {  	[smem:$0x3FC4] =	sst s2  }
0x7: {  	_ = 	snop  }
0x8: {  	s2 =	sld [smem:$0x3FD0];
	(tm) =	ssettm $0x1  }
0x9: {  	s19 =	sld [smem:$0x3FFB];
	_ =	sdelay $0x3  }
0xa: {  	_ =	strace s19  }
0xb: {  	s3 =	sld [smem:$0x3FFC];
	_ =	sdelay $0x3  }
0xc: {  	_ =	strace s3  }
0xd: {  	s3 =	sld [smem:$0x3FFD];
	_ =	sdelay $0x3  }
0xe: {  	_ =	strace s3  }
0xf: {  	_ =	strace $0x8FFFFFFF  }
0x10: {  	s20 =	sld [smem:$0x3FDB];
	_ =	sdelay $0x1  }
0x11: {  	s4 =	simm.s32 $_scs_section_size  }
0x12: {  	s5 =	simm.s32 $_size__tile_overlayer_lowered;
	s6 =	simm.s32 $_tile_overlayer_lowered  }
0x13: {  	s23 =	simm.s32 $0x1BFF;
	s22 =	sshll.u32 s6, $0x1;
	s3 =	sadd.s32 s4, s20  }
0x14: {  	s7 =	simm.s32 $0x0;
	s21 =	sshll.u32 s5, $0x1;
	s5 =	sadd.s32 s22, s3  }
0x15: {  	[timem:s7], [sflag:s23] =	dma.local [hbm:s5], s21  }
0x16: {  	_ =	swait.ge [sflag:s23], s21  }
0x17: {  	s4 =	ssub.s32 $0x0, s21;
	[sflag:s23] =	ssyncset.done $0x0  }
0x18: {  	[sflag:s23] =	ssyncadd.s32 s4;
	_ =	sdelay $0x1  }
0x19: {  	s24 =	simm.s32 $0x1B8B  }
0x1a: {  	_ =	swait.ge [sflag:s24], $0x1  }
0x1b: {  	[sflag:s24] =	ssyncset.done $0x0  }
0x1c: {  	s26 =	simm.s32 $0x1B8E;
	s25 =	sld [smem:$0x3FFE];
	[sflag:s24] =	ssyncadd.s32 $0xFFFFFFFF  }
0x1d: {  	s27 =	simm.s32 $execute0_lowered;
	[smem:$0x3FD2] =	sst s26  }
0x1e: {  	s5 =	sshll.u32 s27, $0x1;
	_ =	strace $0x8000004C;
	[dreg:$0x1] =	wrdreg $0xFFFFFFFF  }
0x1f: {  	s28 =	simm.s32 $_size_execute0_lowered;
	s3 =	sadd.s32 s3, s5;
	[dreg:$0x0] =	wrdreg $0x0  }
0x20: {  	s5 =	sshll.u32 s28, $0x1;
	[dreg:$0x2] =	wrdreg s3  }
0x21: {  	[dreg:$0x3] =	wrdreg s5  }
0x22: {  	[dreg:$0x4] =	wrdreg $0xC0  }
0x23: {  	_ =	task [dreg:s7], $0x5FFFF  }
0x24: {  	[dreg:$0x1] =	wrdreg $0xFFFFFFFF  }
0x25: {  	[dreg:$0x0] =	wrdreg $0x60  }
0x26: {  	[dreg:$0x2] =	wrdreg s25  }
0x27: {  	[dreg:$0x3] =	wrdreg s2  }
0x28: {  	[dreg:$0x4] =	wrdreg $0x9  }
0x29: {  	_ =	task.clear_ibuf [dreg:s7], $0x5FFFF;
	_ =	strace $0x9000004C  }
0x2a: {  	s29 =	simm.s32 $0x9;
	_ =	strace $0x8000004E  }
0x2b: {  	_ =	swait.ge [sflag:s29], $0x1  }
0x2c: {  	[sflag:s29] =	ssyncadd.s32 $0xFFFFFFFF  }
0x2d: {  	_ =	strace $0x9000004E  }
0x2e: {  	_ =	sfence  }
0x2f: {  	s30 =	sld [smem:$0x0];
	_ =	sdelay $0x2  }
0x30: {  	s31 =	sshll.u32 s1, $0xD;
	s1 =	sshrl.u32 s1, $0x2  }
0x31: {  	s3 =	sand.u32 $0x4000, s31;
	s1 =	sadd.s32 s1, s30  }
0x32: {  	s0 =	sor.u32 s3, s0;
	s1 =	sshll.u32 s1, $0x11  }
0x33: {  	s0 =	sor.u32 s1, s0  }
0x34: {  	s0 =	sadd.s32 $0x8F2B, s0  }
0x35: {  	[sflag:s0] =	ssyncadd.remote.s32 $0x1  }
0x36: {  	_ =	sfence.sel $0xFFFF  }
0x37: {  	[dreg:$0x0] =	wrdreg $0xFFFFFFFF;
	(pc) =	sbr.abs _section_cstart, $3  }
0x38: {  	[dreg:$0x1] =	wrdreg $0xFFFFFFFF  }
0x39: {  	_ =	task.clear_ibuf [dreg:s7], $0x2FFFF;
	_ =	strace $0x9FFFFFFF  }
0x3a: {  	(tm) =	ssettm $0x7FFFFFFF  }
0x3b: {  	_ =	shalt  }
tec
execute0_lowered:
.L_overlay_start_1:
0x0: {  	(tag) =	ssettag $0x1  }
0x1: {  	s1 =	srdreg.scid  }
0x2: {  	s0 =	stileid.u32;
	s8 =	rddreg [dreg:$0x0]  }
0x3: {  	s2 =	rddreg [dreg:$0x1];
	s7 =	simm.s32 $0x1;
	s1 =	sshll.u32 s1, $0x4  }
0x4: {  	s9 =	simm.s32 $0x2;
	s15 =	simm.s32 $0x0;
	s1 =	sor.u32 s0, s1  }
0x5: {  	s17 =	simm.s32 $0x0;
	s16 =	simm.s32 $0x0;
	s1 =	sshrl.u32 s1, $0x1  }
0x6: {  	s11 =	simm.s32 $0x0;
	s14 =	simm.s32 $0x0;
	s3 =	sand.u32 $0xE, s1  }
0x7: {  	s4 =	sadd.s32 $0x2C00, s8;
	s8 =	sadd.s32 $0x3C00, s8;
	s6 =	ssub.s32 $0x100, s3  }
0x8: {  	s1 =	rddreg [dreg:$0x2];
	_ =	strace $0x8000004D;
	s5 =	sand.u32 $0xE, s6  }
.Ltmp0:
0x9: {  	s12 =	smov.u32 s3;
	p0 =	sne.s32 s5, $0x0;
	(pc) =	sbr.rel .LBB1_1-.Ltmp0, $4  }
0xa: {  	s6 =	sshrl.u32 s6, $0x4;
	s5 =	simm.s32 $0x1;
	s7 =	simm.s32 @!p0 $0x0  }
0xb: {  	[sflag:s5] =	ssyncpa.u1 $0x0;
	p0 =	por $0x0, $0x0;
	s10 =	sadd.s32 s7, s6  }
0xc: {  	s6 =	sand.u32 $0x3, s0;
	[sflag:s9] =	ssyncpa.u1 $0x0;
	s7 =	sshll.u32 s10, $0x1  }
0xd: {  	s9 =	sshllo.u32 s10, $0x1;
	s10 =	simm.s32 $0x10000;
	s13 =	smov.u32 s6  }
.LBB1_7:
0xe: {  	s18 =	sadd.s32 $0x80, s11  }
0xf: {  	s15 =	sadd.s32 $0x10, s12;
	s19 =	smov.u32 s12;
	p2 =	sgt.s32 s18, $0xFF  }
0x10: {  	s19 =	smov.u32 @p2 s15  }
0x11: {  	s21 =	smov.u32 s13;
	s15 =	sadd.s32 $0x4, s13;
	p3 =	sgt.s32 s19, $0xFF  }
0x12: {  	s21 =	smov.u32 @p3 s15  }
0x13: {  	s18 =	simm.s32 @p2 $0x0;
	p2 =	sgt.s32 s21, $0x3  }
0x14: {  	p1 =	slt.u32 s14, $0x2;
	s21 =	smov.u32 @p2 s6;
	p2 =	sne.s32 s14, s9  }
.Ltmp1:
0x15: {  	s20 =	simm.s32 @!p1 $0x2;
	(pc) =	sbr.rel @!p2 .LBB1_8-.Ltmp1, $4  }
0x16: {  	s17 =	smov.u32 s12;
	s16 =	smov.u32 s13;
	_ =	swait.ge @!p1 [sflag:s20], $0x4000  }
0x17: {  	p0 =	por !p0, !p0;
	[sflag:s20] =	ssyncset.done @!p1 $0x0;
	s19 =	smov.u32 @p3 s3  }
0x18: {  	s15 =	smov.u32 s11;
	[sflag:s20] =	ssyncadd.s32 @!p1 $0xFFFFC000;
	s11 =	smov.u32 s18  }
0x19: {  	s12 =	smov.u32 s19;
	s14 =	sadd.s32 $0x1, s14;
	s13 =	smov.u32 s21  }
.LBB1_1:
0x1a: {  	p1 =	sge.u32 s14, s7  }
0x1b: {  	s18 =	sxor.u32 @!p1 $0xFFFFFFFF, s14;
	s19 =	sshll.u32 @!p1 s13, $0x14  }
0x1c: {  	s20 =	sshll.u32 @!p1 s12, $0xC;
	s22 =	sshll.u32 @!p1 s11, $0x4;
	s23 =	simm.s32 @!p1 $0x40  }
0x1d: {  	s24 =	simm.s32 @!p1 $0x80;
	s18 =	sshll.u32 @!p1 s18, $0xE;
	s21 =	sadd.s32 @!p1 s19, s20  }
0x1e: {  	s22 =	sand.u32 @!p1 $0xFF0, s22;
	s19 =	sadd.s32 @!p1 s19, s8;
	s21 =	sadd.s32 @!p1 s4, s21  }
0x1f: {  	s18 =	sand.u32 @!p1 $0x4000, s18;
	s19 =	sadd.s32 @!p1 s20, s19;
	s21 =	sadd.s32 @!p1 s22, s21  }
0x20: {  	[tilespmem:s18], [sflag:$0x1] =	stream.strided.gather @!p1 [hbm4b:s21+s23], $0x2000, s24, s23, $0x38;
	[tilespmem:$0x10100] =	vst v63  }
0x21: {  	s31 =	sadd.s32 $0xFFFFFFFF, s14;
	s19 =	sadd.s32 @!p1 s22, s19;
	s18 =	sor.u32 @!p1 $0x2000, s18  }
0x22: {  	[tilespmem:s18], [sflag:$0x1] =	stream.strided.gather @!p1 [hbm4b:s19+s23], $0x2000, s24, s23, $0x38;
	[tilespmem:$0x10100] =	vst v63  }
0x23: {  	p1 =	sge.u32 s31, s7  }
.Ltmp2:
0x24: {  	_ = 	snop;
	(pc) =	sbr.rel @p1 .LBB1_7-.Ltmp2, $1  }
0x25: {  	_ =	sdelay $0x3  }
0x26: {  	s18 =	simm.s32 $0x1;
	s20 =	sand.u32 $0x1, s14  }
0x27: {  	_ =	swait.ge [sflag:s5], $0x4000;
	s18 =	simm.s32 @!p0 $0x0;
	s20 =	smul.u32 $0x10200, s20  }
0x28: {  	p2 =	por $0x1, $0x1;
	[sflag:s5] =	ssyncset.done $0x0;
	s19 =	smul.u32 $0x10200, s18  }
0x29: {  	s21 =	sshll.u32 s18, $0x10;
	[sflag:s5] =	ssyncadd.s32 $0xFFFFC000;
	s30 =	sshrl.u32 s20, $0x2  }
0x2a: {  	s31 =	sshrl.u32 s21, $0x2;
	s21 =	simm.s32 $0x0;
	s19 =	sshrl.u32 s19, $0x2  }
0x2b: {  	s18 =	sor.u32 $0x8000, s30;
	s20 =	sadd.s32 $0x20, s31;
	s19 =	sor.u32 $0x8000, s19  }
.LBB1_3:
0x2c: {  	s22 =	sshll.u32 s21, $0xD  }
0x2d: {  	s22 =	sand.u32 $0x3FFFE000, s22  }
0x2e: {  	s24 =	sadd.s32 s22, s20  }
0x2f: {  	s31 =	smul.u32 $0x204, s21;
	v3 =	vld [tilespmem:s24+$0x10]  }
0x30: {  	v1 =	vld [tilespmem:s24+$0xFFFFFFF0]  }
0x31: {  	s21 =	sshra.s32 s31, $0x2;
	v0 =	vld [tilespmem:s24+$0x0]  }
0x32: {  	s21 =	sadd.s32 s21, s19;
	v2 =	vld [tilespmem:s24+$0xFFFFFFE0]  }
0x33: {  	s22 =	sadd.s32 $0x0, s21  }
0x34: {  	p1 =	por p2, p2;
	s23 =	simm.s32 $0x4;
	s24 =	sadd.s32 $0x40, s24;
	[tilespmem:s22+$0x3060 ss:$0x102] =	vst.msk $0xffff, v3  }
.LBB1_4:
0x35: {  	v3 =	vld [tilespmem:s24+$0x10];
	p2 =	sne.s32 s23, $0x1FC;
	[tilespmem:s22+$0x1020 ss:$0x102] =	vst.msk $0xffff, v1;
	s25 =	smov.u32 s23;
	s23 =	sadd.s32 $0x4, s23  }
.Ltmp3:
0x36: {  	v1 =	vld [tilespmem:s24+$0xFFFFFFF0];
	[tilespmem:s22+$0x2040 ss:$0x102] =	vst.msk $0xffff, v0;
	(pc) =	sbr.rel @p2 .LBB1_4-.Ltmp3, $4  }
0x37: {  	v0 =	vld [tilespmem:s24+$0x0];
	[tilespmem:s22+$0x0 ss:$0x102] =	vst.msk $0xffff, v2  }
0x38: {  	s22 =	sshra.s32 s25, $0x2;
	v2 =	vld [tilespmem:s24+$0xFFFFFFE0]  }
0x39: {  	s22 =	sadd.s32 s22, s21  }
0x3a: {  	s24 =	sadd.s32 $0x40, s24;
	[tilespmem:s22+$0x3060 ss:$0x102] =	vst.msk $0xffff, v3  }
.Ltmp4:
0x3b: {  	(pc) =	sbr.rel @p1 .LBB1_3-.Ltmp4, $4  }
0x3c: {  	_ = 	snop  }
0x3d: {  	[tilespmem:s22+$0x1020 ss:$0x102] =	vst.msk $0xffff, v1  }
0x3e: {  	[tilespmem:s22+$0x2040 ss:$0x102] =	vst.msk $0xffff, v0  }
0x3f: {  	s21 =	simm.s32 $0x1;
	p2 =	por $0x0, $0x0;
	[tilespmem:s22+$0x0 ss:$0x102] =	vst.msk $0xffff, v2  }
0x40: {  	s19 =	sshll.u32 s17, $0x8;
	s20 =	sshll.u32 s15, $0x3  }
0x41: {  	s29 =	sshll.u32 s17, $0x7;
	s21 =	sand.u32 $0x78, s15;
	s16 =	sshll.u32 s16, $0x13  }
0x42: {  	s31 =	sand.u32 $0x7, s15;
	s19 =	sand.u32 $0xF800, s19;
	s20 =	sand.u32 $0xFC00, s20  }
0x43: {  	s30 =	sand.u32 $0x300, s29;
	s17 =	sand.u32 $0x80, s29;
	s19 =	sadd.s32 s19, s20  }
.Ltmp5:
0x44: {  	s17 =	sor.u32 s21, s17;
	s19 =	sor.u32 s30, s19;
	(pc) =	sbr.rel .LBB1_7-.Ltmp5, $4  }
0x45: {  	s16 =	sadd.s32 s2, s16;
	s17 =	sshrl.u32 s17, $0x3;
	s19 =	sshrl.u32 s19, $0x3  }
0x46: {  	s15 =	sshll.u32 s31, $0x12;
	s16 =	sadd.s32 s17, s16;
	s19 =	sand.u32 $0x1FE0, s19  }
0x47: {  	s15 =	sor.u32 $0x100, s15;
	s16 =	sadd.s32 s19, s16  }
0x48: {  	[hbm4b:s16+s15] =	stream.strided.scatter [tilespmem:s18], [sflag:$0x2], $0x4000, s10, s15, $0x20;
	[tilespmem:$0x10100] =	vst v63  }
.LBB1_8:
0x49: {  	_ =	sfence.sel $0x180000  }
0x4a: {  	s2 =	simm.s32 $0x1;
	[bflag:$0x0] =	sbarrier.arrive $0xFFFF  }
0x4b: {  	s31 =	simm.s32 $0x2;
	[sflag:s2] =	ssyncpa.u1 $0x1  }
0x4c: {  	[sflag:s31] =	ssyncpa.u1 $0x1  }
0x4d: {  	p0 =	sne.s32 s0, $0x0;
	_ =	strace $0x9000004D  }
0x4e: {  	s0 =	sadd.s32 @!p0 $0x100000, s1;
	[bflag:$0x2] =	sbarrier.arrive $0xFFFF  }
0x4f: {  	[sflag:s0] =	ssyncadd.tile.s32 @!p0 $0x1;
	_ =	shalt  }
.Lfunc_end1:
_tile_overlayer_lowered:
.L_overlay_start_2:
0x50: {  	(tag) =	ssettag $0x2  }
0x51: {  	s0 =	rddreg [dreg:$0x0];
	s2 =	stileid.u32  }
0x52: {  	s1 =	rddreg [dreg:$0x1];
	p0 =	sne.s32 s2, $0x0  }
0x53: {  	s3 =	rddreg [dreg:$0x2];
	[bflag:$0x3] =	sbarrier.arrive $0xFFFF;
	s2 =	simm.s32 @!p0 $0x1C01  }
0x54: {  	[timem:s3], [sflag:s2] =	dma.local @!p0 [hbm:s0], s1  }
0x55: {  	s0 =	simm.s32 @!p0 $0x1  }
0x56: {  	_ =	swait.ge @!p0 [sflag:s0], s1  }
0x57: {  	s1 =	ssub.s32 @!p0 $0x0, s1;
	[sflag:s0] =	ssyncset.done @!p0 $0x0  }
0x58: {  	[sflag:s0] =	ssyncadd.s32 @!p0 s1  }
0x59: {  	[bflag:$0x3] =	sbarrier.arrive $0xFFFF  }
0x5a: {  	_ =	shalt  }

</sc_bundles>
